<compile_context>
chip_gen: v7x
topology: tpu7x:2x2x1
jax: 0.10.2.dev20260603
libtpu: 0.0.44.dev20260713+nightly
codegen_flags: <defaults>
</compile_context>

<pallas_src>
import functools

import jax
import jax.numpy as jnp
from jax import lax
from jax.experimental import pallas as pl
from jax.experimental.pallas import tpu as pltpu
from jax.experimental.pallas import tpu_sc as plsc

N_USER = 5000
N_ITEM = 5000
N = N_USER + N_ITEM
HID = 128
NB = 3
E = 320000

NC = 2
NT = 16
NW = NC * NT
LANES = 16
DPT = HID // NW
ES = 2048
NSLAB = 158
E_PAD = NSLAB * ES
NGRP = ES // LANES


def _sc_spmm(emb_t, col, row, val):
    mesh = plsc.VectorSubcoreMesh(core_axis_name="c", subcore_axis_name="s",
                                  num_cores=NC, num_subcores=NT)

    @functools.partial(
        pl.kernel,
        out_type=jax.ShapeDtypeStruct((NB, NW, N * DPT), jnp.float32),
        mesh=mesh,
        scratch_types=[
            pltpu.VMEM((N * DPT,), jnp.float32),
            pltpu.VMEM((N * DPT,), jnp.float32),
            pltpu.VMEM((ES,), jnp.int32),
            pltpu.VMEM((ES,), jnp.int32),
            pltpu.VMEM((ES,), jnp.float32),
            pltpu.VMEM((ES,), jnp.int32),
            pltpu.VMEM((ES,), jnp.int32),
            pltpu.VMEM((ES,), jnp.float32),
            pltpu.SemaphoreType.DMA,
            pltpu.SemaphoreType.DMA,
            pltpu.SemaphoreType.DMA,
            pltpu.SemaphoreType.DMA,
            pltpu.SemaphoreType.DMA,
            pltpu.SemaphoreType.DMA,
        ],
        compiler_params=pltpu.CompilerParams(needs_layout_passes=False),
    )
    def spmm_kernel(emb_hbm, col_hbm, row_hbm, val_hbm, out_hbm,
                    tbl, acc, ecol0, erow0, eval0, ecol1, erow1, eval1,
                    sa0, sb0, sc0, sa1, sb1, sc1):
        c = lax.axis_index("c")
        s = lax.axis_index("s")
        t = c * NT + s
        bufs = ((ecol0, erow0, eval0, sa0, sb0, sc0),
                (ecol1, erow1, eval1, sa1, sb1, sc1))

        def start_slab(b, sl, which):
            ecol, erow, eval_, sa, sb, sc_ = bufs[which]
            return (pltpu.async_copy(col_hbm.at[b, sl, 0], ecol, sa),
                    pltpu.async_copy(row_hbm.at[b, sl, 0], erow, sb),
                    pltpu.async_copy(val_hbm.at[b, sl, 0], eval_, sc_))

        def process_slab(from_buf, to_buf, which):
            ecol, erow, eval_, _, _, _ = bufs[which]

            @plsc.parallel_loop(0, NGRP, 1, unroll=8)
            def group_body(g):
                base = g * LANES
                colv = ecol[pl.ds(base, LANES)]
                rowv = erow[pl.ds(base, LANES)]
                valv = eval_[pl.ds(base, LANES)]
                gvs = [plsc.load_gather(from_buf.at[pl.ds(d * N, N)], [colv])
                       for d in range(DPT)]
                for d in range(DPT):
                    plsc.addupdate_scatter(to_buf.at[pl.ds(d * N, N)], [rowv],
                                           gvs[d] * valv)

        def hop(b, from_buf, to_buf):
            for cp in start_slab(b, 0, 0):
                cp.wait()
            last = NSLAB - 1

            def pair_body(p, carry):
                sl = p * 2
                nxt1 = start_slab(b, lax.min(sl + 1, last), 1)
                process_slab(from_buf, to_buf, 0)
                for cp in nxt1:
                    cp.wait()
                nxt0 = start_slab(b, lax.min(sl + 2, last), 0)
                process_slab(from_buf, to_buf, 1)
                for cp in nxt0:
                    cp.wait()
                return carry

            lax.fori_loop(0, NSLAB // 2, pair_body, 0)

        for b in range(NB):
            pltpu.sync_copy(emb_hbm.at[t], tbl)
            pltpu.sync_copy(emb_hbm.at[t], acc)
            hop(b, tbl, acc)
            pltpu.sync_copy(emb_hbm.at[t], tbl)
            hop(b, acc, tbl)
            pltpu.sync_copy(tbl, out_hbm.at[b, t])

    return spmm_kernel(emb_t, col, row, val)


def _tc_dense(tem, uHyper, iHyper, u_w, i_w):

    def body(tem_ref, uh_ref, ih_ref, uw_ref, iw_ref,
             ue_ref, ie_ref, uE_ref, iE_ref, su_ref, si_ref):
        b = pl.program_id(0)
        uw = uw_ref[...]
        iw = iw_ref[...]
        uh = uh_ref[...]
        ih = ih_ref[...]
        hu = lax.dot_general(uh, uh, (((0,), (0,)), ((), ())),
                             preferred_element_type=jnp.float32)
        hi = lax.dot_general(ih, ih, (((0,), (0,)), ((), ())),
                             preferred_element_type=jnp.float32)
        tu = tem_ref[0, :N_USER, :]
        ti = tem_ref[0, N_USER:, :]
        gu = lax.dot_general(tu, tu, (((0,), (0,)), ((), ())),
                             preferred_element_type=jnp.float32)
        gi = lax.dot_general(ti, ti, (((0,), (0,)), ((), ())),
                             preferred_element_type=jnp.float32)
        ub = jnp.dot(jnp.dot(tu, hu, preferred_element_type=jnp.float32), gu,
                     preferred_element_type=jnp.float32)
        ib = jnp.dot(jnp.dot(ti, hi, preferred_element_type=jnp.float32), gi,
                     preferred_element_type=jnp.float32)
        uE_ref[0] = jnp.maximum(
            jnp.dot(ub, uw, preferred_element_type=jnp.float32), 0.0)
        iE_ref[0] = jnp.maximum(
            jnp.dot(ib, iw, preferred_element_type=jnp.float32), 0.0)

        @pl.when(b == 0)
        def _():
            su_ref[...] = ub
            si_ref[...] = ib

        @pl.when(b > 0)
        def _():
            su_ref[...] += ub
            si_ref[...] += ib

        @pl.when(b == NB - 1)
        def _():
            ue_ref[...] = jnp.maximum(
                jnp.dot(su_ref[...] / NB, uw,
                        preferred_element_type=jnp.float32), 0.0)
            ie_ref[...] = jnp.maximum(
                jnp.dot(si_ref[...] / NB, iw,
                        preferred_element_type=jnp.float32), 0.0)

    full128 = pl.BlockSpec((HID, HID), lambda b: (0, 0))
    return pl.pallas_call(
        body,
        grid=(NB,),
        in_specs=[
            pl.BlockSpec((1, N, HID), lambda b: (b, 0, 0)),
            full128, full128, full128, full128,
        ],
        out_specs=[
            pl.BlockSpec((N_USER, HID), lambda b: (0, 0)),
            pl.BlockSpec((N_ITEM, HID), lambda b: (0, 0)),
            pl.BlockSpec((1, N_USER, HID), lambda b: (b, 0, 0)),
            pl.BlockSpec((1, N_ITEM, HID), lambda b: (b, 0, 0)),
        ],
        out_shape=[
            jax.ShapeDtypeStruct((N_USER, HID), jnp.float32),
            jax.ShapeDtypeStruct((N_ITEM, HID), jnp.float32),
            jax.ShapeDtypeStruct((NB, N_USER, HID), jnp.float32),
            jax.ShapeDtypeStruct((NB, N_ITEM, HID), jnp.float32),
        ],
        scratch_shapes=[
            pltpu.VMEM((N_USER, HID), jnp.float32),
            pltpu.VMEM((N_ITEM, HID), jnp.float32),
        ],
        compiler_params=pltpu.CompilerParams(
            dimension_semantics=("arbitrary",),
        ),
    )(tem, uHyper, iHyper, u_w, i_w)


def kernel(user_embedding, item_embedding, uEmbeds, iEmbeds, uHyper, iHyper,
           u_w, i_w, edge_val, edge_row, edge_col):
    embeds0 = jnp.concatenate([uEmbeds, iEmbeds], axis=0)
    emb_t = embeds0.reshape(N, NW, DPT).transpose(1, 2, 0).reshape(NW, DPT * N)
    pad = E_PAD - E
    eshape = (NB, NSLAB, 1, ES)
    col = jnp.pad(edge_col, ((0, 0), (0, pad))).reshape(eshape)
    row = jnp.pad(edge_row, ((0, 0), (0, pad))).reshape(eshape)
    val = jnp.pad(edge_val, ((0, 0), (0, pad))).reshape(eshape)
    tem_t = _sc_spmm(emb_t, col, row, val)
    tem = (tem_t.reshape(NB, NW, DPT, N).transpose(0, 3, 1, 2)
           .reshape(NB, N, HID))
    ue, ie, uE, iE = _tc_dense(tem, uHyper, iHyper, u_w, i_w)
    return (ue, ie, uE, iE)

# --- scband reference (transcript-rebuilt; emitter-appended) ---
"""Pipeline reference for scband-hgcnlayer-45492293599316 (READ-ONLY COPY).

The authoritative reference and input builder live on the scoring server;
editing this copy changes nothing except your own understanding.
"""

import jax, jax.numpy as jnp
import numpy as np

USER_NUM = 5000
ITEM_NUM = 5000
N = USER_NUM + ITEM_NUM
HID = 128
HYPER_NUM = 128
E = 320000
NB = 3
GCN_HOPS = 2


def _xavier(k, shape):
    lim = np.sqrt(6.0 / (shape[0] + shape[1]))
    return jax.random.uniform(k, shape, jnp.float32, -lim, lim)


def setup_inputs(seed: int = 0) -> dict:
    key = jax.random.key(seed)
    ks = jax.random.split(key, 12)
    user_embedding = jax.random.normal(ks[0], (USER_NUM, HID), jnp.float32)
    item_embedding = jax.random.normal(ks[1], (ITEM_NUM, HID), jnp.float32)
    uEmbeds = _xavier(ks[2], (USER_NUM, HID))
    iEmbeds = _xavier(ks[3], (ITEM_NUM, HID))
    uHyper = _xavier(ks[4], (HYPER_NUM, HID))
    iHyper = _xavier(ks[5], (HYPER_NUM, HID))
    u_w = _xavier(ks[6], (HID, HID))
    i_w = _xavier(ks[7], (HID, HID))
    # sparse behavior adjacencies in COO form: out[row] += val * embeds[col]
    edge_row = jax.random.randint(ks[8], (NB, E), 0, N, dtype=jnp.int32)
    edge_col = jax.random.randint(ks[9], (NB, E), 0, N, dtype=jnp.int32)
    edge_val = jax.random.uniform(ks[10], (NB, E), jnp.float32, 0.0, 1.0) / 32.0
    return {
        "user_embedding": user_embedding,
        "item_embedding": item_embedding,
        "uEmbeds": uEmbeds,
        "iEmbeds": iEmbeds,
        "uHyper": uHyper,
        "iHyper": iHyper,
        "u_w": u_w,
        "i_w": i_w,
        "edge_val": edge_val,
        "edge_row": edge_row,
        "edge_col": edge_col,
    }


def _spmm(row, col, val, embeds):
    # torch.spmm(adj, embeds): out[i] = sum_j adj[i, j] * embeds[j]
    gathered = jnp.take(embeds, col, axis=0) * val[:, None]
    return jax.ops.segment_sum(gathered, row, num_segments=N)


def _hgnn(embeds, hyper):
    return embeds @ (hyper.T @ hyper) @ (embeds.T @ embeds)


def reference(user_embedding, item_embedding, uEmbeds, iEmbeds, uHyper, iHyper, u_w, i_w, edge_val, edge_row, edge_col):
    embeds0 = jnp.concatenate([uEmbeds, iEmbeds], axis=0)
    u_list = []
    i_list = []
    for b in range(NB):
        embeds_list = [embeds0]
        for _ in range(GCN_HOPS):
            embeds_list.append(_spmm(edge_row[b], edge_col[b], edge_val[b], embeds_list[-1]))
        tem = embeds_list[0]
        for t in embeds_list[1:]:
            tem = tem + t
        tu = jax.lax.stop_gradient(tem[:USER_NUM])
        ti = jax.lax.stop_gradient(tem[USER_NUM:])
        u_list.append(_hgnn(tu, uHyper))
        i_list.append(_hgnn(ti, iHyper))
    user_embeddings = jnp.stack(u_list, axis=0)
    item_embeddings = jnp.stack(i_list, axis=0)
    ue = jax.nn.relu(jnp.mean(user_embeddings, axis=0) @ u_w)
    ie = jax.nn.relu(jnp.mean(item_embeddings, axis=0) @ i_w)
    user_embeddings = jax.nn.relu(user_embeddings @ u_w)
    item_embeddings = jax.nn.relu(item_embeddings @ i_w)
    return (ue, ie, user_embeddings, item_embeddings)

if __name__ == "__main__":
    import jax
    _d = setup_inputs()
    print(jax.jit(kernel)(*tuple(_d.values())))

</pallas_src>

<mosaic_0001>
#map = affine_map<(d0, d1) -> (0, 0)>
#map1 = affine_map<(d0, d1) -> (0, 0, 0, 0)>
#map2 = affine_map<(d0, d1) -> (0, 0, 0)>
module attributes {stable_mosaic.version = 14 : i64} {
  func.func @spmm_kernel(%arg0: i32, %arg1: i32, %arg2: memref<32x40000xf32, #tpu.memory_space<hbm>>, %arg3: memref<3x158x1x2048xi32, #tpu.memory_space<hbm>>, %arg4: memref<3x158x1x2048xi32, #tpu.memory_space<hbm>>, %arg5: memref<3x158x1x2048xf32, #tpu.memory_space<hbm>>, %arg6: memref<3x32x40000xf32, #tpu.memory_space<hbm>>, %arg7: memref<40000xf32, #tpu.memory_space<vmem>>, %arg8: memref<40000xf32, #tpu.memory_space<vmem>>, %arg9: memref<2048xi32, #tpu.memory_space<vmem>>, %arg10: memref<2048xi32, #tpu.memory_space<vmem>>, %arg11: memref<2048xf32, #tpu.memory_space<vmem>>, %arg12: memref<2048xi32, #tpu.memory_space<vmem>>, %arg13: memref<2048xi32, #tpu.memory_space<vmem>>, %arg14: memref<2048xf32, #tpu.memory_space<vmem>>, %arg15: memref<!tpu.dma_semaphore, #tpu.memory_space<semaphore_mem>>, %arg16: memref<!tpu.dma_semaphore, #tpu.memory_space<semaphore_mem>>, %arg17: memref<!tpu.dma_semaphore, #tpu.memory_space<semaphore_mem>>, %arg18: memref<!tpu.dma_semaphore, #tpu.memory_space<semaphore_mem>>, %arg19: memref<!tpu.dma_semaphore, #tpu.memory_space<semaphore_mem>>, %arg20: memref<!tpu.dma_semaphore, #tpu.memory_space<semaphore_mem>>) attributes {dimension_semantics = [#tpu.dimension_semantics<core_parallel>, #tpu.dimension_semantics<subcore_parallel>], iteration_bounds = array<i64: 2, 16>, scalar_prefetch = 0 : i64, scratch_operands = 14 : i64, tpu.core_type = #tpu.core_type<sc_vector_subcore>, window_params = [{transform_indices = #map}, {transform_indices = #map1}, {transform_indices = #map1}, {transform_indices = #map1}, {transform_indices = #map2}]} {
    %mul3A = arith.constant 16 : i32
    %mul3A_0 = arith.muli %arg0, %mul3A : i32
    %add3A = arith.addi %mul3A_0, %arg1 : i32
    "tpu.region"() ({
      %run_scoped3A_360 = tpu.sem_alloc : memref<!tpu.dma_semaphore, #tpu.memory_space<semaphore_mem>>
      %dma_start3A_361 = arith.constant 0 : i32
      %dma_start3A_362 = tpu.memref_slice %arg2[%add3A, %dma_start3A_361] : memref<32x40000xf32, #tpu.memory_space<hbm>> -> memref<1x40000xf32, #tpu.memory_space<hbm>>
      %dma_start3A_363 = tpu.memref_squeeze %dma_start3A_362 : memref<1x40000xf32, #tpu.memory_space<hbm>> -> memref<40000xf32, #tpu.memory_space<hbm>>
      %dma_start3A_364 = arith.constant 0 : i32
      %dma_start3A_365 = tpu.memref_slice %arg2[%add3A, %dma_start3A_364] : memref<32x40000xf32, #tpu.memory_space<hbm>> -> memref<1x40000xf32, #tpu.memory_space<hbm>>
      %dma_start3A_366 = tpu.memref_squeeze %dma_start3A_365 : memref<1x40000xf32, #tpu.memory_space<hbm>> -> memref<40000xf32, #tpu.memory_space<hbm>>
      tpu.enqueue_dma source(%dma_start3A_366 : memref<40000xf32, #tpu.memory_space<hbm>>) target(%arg7 : memref<40000xf32, #tpu.memory_space<vmem>>) target_semaphore(%run_scoped3A_360 : memref<!tpu.dma_semaphore, #tpu.memory_space<semaphore_mem>>)
      %dma_wait3A_367 = arith.constant 0 : i32
      %dma_wait3A_368 = tpu.memref_slice %arg2[%add3A, %dma_wait3A_367] : memref<32x40000xf32, #tpu.memory_space<hbm>> -> memref<1x40000xf32, #tpu.memory_space<hbm>>
      %dma_wait3A_369 = tpu.memref_squeeze %dma_wait3A_368 : memref<1x40000xf32, #tpu.memory_space<hbm>> -> memref<40000xf32, #tpu.memory_space<hbm>>
      %dma_wait3A_370 = arith.constant 0 : i32
      %dma_wait3A_371 = tpu.memref_slice %arg2[%add3A, %dma_wait3A_370] : memref<32x40000xf32, #tpu.memory_space<hbm>> -> memref<1x40000xf32, #tpu.memory_space<hbm>>
      %dma_wait3A_372 = tpu.memref_squeeze %dma_wait3A_371 : memref<1x40000xf32, #tpu.memory_space<hbm>> -> memref<40000xf32, #tpu.memory_space<hbm>>
      tpu.wait_dma2 semaphore(%run_scoped3A_360 : memref<!tpu.dma_semaphore, #tpu.memory_space<semaphore_mem>>) src(%dma_wait3A_372 : memref<40000xf32, #tpu.memory_space<hbm>>) dst(%arg7 : memref<40000xf32, #tpu.memory_space<vmem>>)
      tpu.yield
    }) : () -> ()
    "tpu.region"() ({
      %run_scoped3A_360 = tpu.sem_alloc : memref<!tpu.dma_semaphore, #tpu.memory_space<semaphore_mem>>
      %dma_start3A_361 = arith.constant 0 : i32
      %dma_start3A_362 = tpu.memref_slice %arg2[%add3A, %dma_start3A_361] : memref<32x40000xf32, #tpu.memory_space<hbm>> -> memref<1x40000xf32, #tpu.memory_space<hbm>>
      %dma_start3A_363 = tpu.memref_squeeze %dma_start3A_362 : memref<1x40000xf32, #tpu.memory_space<hbm>> -> memref<40000xf32, #tpu.memory_space<hbm>>
      %dma_start3A_364 = arith.constant 0 : i32
      %dma_start3A_365 = tpu.memref_slice %arg2[%add3A, %dma_start3A_364] : memref<32x40000xf32, #tpu.memory_space<hbm>> -> memref<1x40000xf32, #tpu.memory_space<hbm>>
      %dma_start3A_366 = tpu.memref_squeeze %dma_start3A_365 : memref<1x40000xf32, #tpu.memory_space<hbm>> -> memref<40000xf32, #tpu.memory_space<hbm>>
      tpu.enqueue_dma source(%dma_start3A_366 : memref<40000xf32, #tpu.memory_space<hbm>>) target(%arg8 : memref<40000xf32, #tpu.memory_space<vmem>>) target_semaphore(%run_scoped3A_360 : memref<!tpu.dma_semaphore, #tpu.memory_space<semaphore_mem>>)
      %dma_wait3A_367 = arith.constant 0 : i32
      %dma_wait3A_368 = tpu.memref_slice %arg2[%add3A, %dma_wait3A_367] : memref<32x40000xf32, #tpu.memory_space<hbm>> -> memref<1x40000xf32, #tpu.memory_space<hbm>>
      %dma_wait3A_369 = tpu.memref_squeeze %dma_wait3A_368 : memref<1x40000xf32, #tpu.memory_space<hbm>> -> memref<40000xf32, #tpu.memory_space<hbm>>
      %dma_wait3A_370 = arith.constant 0 : i32
      %dma_wait3A_371 = tpu.memref_slice %arg2[%add3A, %dma_wait3A_370] : memref<32x40000xf32, #tpu.memory_space<hbm>> -> memref<1x40000xf32, #tpu.memory_space<hbm>>
      %dma_wait3A_372 = tpu.memref_squeeze %dma_wait3A_371 : memref<1x40000xf32, #tpu.memory_space<hbm>> -> memref<40000xf32, #tpu.memory_space<hbm>>
      tpu.wait_dma2 semaphore(%run_scoped3A_360 : memref<!tpu.dma_semaphore, #tpu.memory_space<semaphore_mem>>) src(%dma_wait3A_372 : memref<40000xf32, #tpu.memory_space<hbm>>) dst(%arg8 : memref<40000xf32, #tpu.memory_space<vmem>>)
      tpu.yield
    }) : () -> ()
    %dma_start3A = arith.constant 0 : i32
    %dma_start3A_1 = arith.constant 0 : i32
    %dma_start3A_2 = arith.constant 0 : i32
    %dma_start3A_3 = arith.constant 0 : i32
    %dma_start3A_4 = tpu.memref_slice %arg3[%dma_start3A, %dma_start3A_1, %dma_start3A_2, %dma_start3A_3] : memref<3x158x1x2048xi32, #tpu.memory_space<hbm>> -> memref<1x1x1x2048xi32, #tpu.memory_space<hbm>>
    %dma_start3A_5 = tpu.memref_squeeze %dma_start3A_4 : memref<1x1x1x2048xi32, #tpu.memory_space<hbm>> -> memref<2048xi32, #tpu.memory_space<hbm>>
    %dma_start3A_6 = arith.constant 0 : i32
    %dma_start3A_7 = tpu.memref_slice %arg3[%dma_start3A, %dma_start3A_1, %dma_start3A_2, %dma_start3A_6] : memref<3x158x1x2048xi32, #tpu.memory_space<hbm>> -> memref<1x1x1x2048xi32, #tpu.memory_space<hbm>>
    %dma_start3A_8 = tpu.memref_squeeze %dma_start3A_7 : memref<1x1x1x2048xi32, #tpu.memory_space<hbm>> -> memref<2048xi32, #tpu.memory_space<hbm>>
    tpu.enqueue_dma source(%dma_start3A_8 : memref<2048xi32, #tpu.memory_space<hbm>>) target(%arg9 : memref<2048xi32, #tpu.memory_space<vmem>>) target_semaphore(%arg15 : memref<!tpu.dma_semaphore, #tpu.memory_space<semaphore_mem>>)
    %dma_start3A_9 = arith.constant 0 : i32
    %dma_start3A_10 = arith.constant 0 : i32
    %dma_start3A_11 = arith.constant 0 : i32
    %dma_start3A_12 = arith.constant 0 : i32
    %dma_start3A_13 = tpu.memref_slice %arg4[%dma_start3A_9, %dma_start3A_10, %dma_start3A_11, %dma_start3A_12] : memref<3x158x1x2048xi32, #tpu.memory_space<hbm>> -> memref<1x1x1x2048xi32, #tpu.memory_space<hbm>>
    %dma_start3A_14 = tpu.memref_squeeze %dma_start3A_13 : memref<1x1x1x2048xi32, #tpu.memory_space<hbm>> -> memref<2048xi32, #tpu.memory_space<hbm>>
    %dma_start3A_15 = arith.constant 0 : i32
    %dma_start3A_16 = tpu.memref_slice %arg4[%dma_start3A_9, %dma_start3A_10, %dma_start3A_11, %dma_start3A_15] : memref<3x158x1x2048xi32, #tpu.memory_space<hbm>> -> memref<1x1x1x2048xi32, #tpu.memory_space<hbm>>
    %dma_start3A_17 = tpu.memref_squeeze %dma_start3A_16 : memref<1x1x1x2048xi32, #tpu.memory_space<hbm>> -> memref<2048xi32, #tpu.memory_space<hbm>>
    tpu.enqueue_dma source(%dma_start3A_17 : memref<2048xi32, #tpu.memory_space<hbm>>) target(%arg10 : memref<2048xi32, #tpu.memory_space<vmem>>) target_semaphore(%arg16 : memref<!tpu.dma_semaphore, #tpu.memory_space<semaphore_mem>>)
    %dma_start3A_18 = arith.constant 0 : i32
    %dma_start3A_19 = arith.constant 0 : i32
    %dma_start3A_20 = arith.constant 0 : i32
    %dma_start3A_21 = arith.constant 0 : i32
    %dma_start3A_22 = tpu.memref_slice %arg5[%dma_start3A_18, %dma_start3A_19, %dma_start3A_20, %dma_start3A_21] : memref<3x158x1x2048xf32, #tpu.memory_space<hbm>> -> memref<1x1x1x2048xf32, #tpu.memory_space<hbm>>
    %dma_start3A_23 = tpu.memref_squeeze %dma_start3A_22 : memref<1x1x1x2048xf32, #tpu.memory_space<hbm>> -> memref<2048xf32, #tpu.memory_space<hbm>>
    %dma_start3A_24 = arith.constant 0 : i32
    %dma_start3A_25 = tpu.memref_slice %arg5[%dma_start3A_18, %dma_start3A_19, %dma_start3A_20, %dma_start3A_24] : memref<3x158x1x2048xf32, #tpu.memory_space<hbm>> -> memref<1x1x1x2048xf32, #tpu.memory_space<hbm>>
    %dma_start3A_26 = tpu.memref_squeeze %dma_start3A_25 : memref<1x1x1x2048xf32, #tpu.memory_space<hbm>> -> memref<2048xf32, #tpu.memory_space<hbm>>
    tpu.enqueue_dma source(%dma_start3A_26 : memref<2048xf32, #tpu.memory_space<hbm>>) target(%arg11 : memref<2048xf32, #tpu.memory_space<vmem>>) target_semaphore(%arg17 : memref<!tpu.dma_semaphore, #tpu.memory_space<semaphore_mem>>)
    %dma_wait3A = arith.constant 0 : i32
    %dma_wait3A_27 = arith.constant 0 : i32
    %dma_wait3A_28 = arith.constant 0 : i32
    %dma_wait3A_29 = arith.constant 0 : i32
    %dma_wait3A_30 = tpu.memref_slice %arg3[%dma_wait3A, %dma_wait3A_27, %dma_wait3A_28, %dma_wait3A_29] : memref<3x158x1x2048xi32, #tpu.memory_space<hbm>> -> memref<1x1x1x2048xi32, #tpu.memory_space<hbm>>
    %dma_wait3A_31 = tpu.memref_squeeze %dma_wait3A_30 : memref<1x1x1x2048xi32, #tpu.memory_space<hbm>> -> memref<2048xi32, #tpu.memory_space<hbm>>
    %dma_wait3A_32 = arith.constant 0 : i32
    %dma_wait3A_33 = tpu.memref_slice %arg3[%dma_wait3A, %dma_wait3A_27, %dma_wait3A_28, %dma_wait3A_32] : memref<3x158x1x2048xi32, #tpu.memory_space<hbm>> -> memref<1x1x1x2048xi32, #tpu.memory_space<hbm>>
    %dma_wait3A_34 = tpu.memref_squeeze %dma_wait3A_33 : memref<1x1x1x2048xi32, #tpu.memory_space<hbm>> -> memref<2048xi32, #tpu.memory_space<hbm>>
    tpu.wait_dma2 semaphore(%arg15 : memref<!tpu.dma_semaphore, #tpu.memory_space<semaphore_mem>>) src(%dma_wait3A_34 : memref<2048xi32, #tpu.memory_space<hbm>>) dst(%arg9 : memref<2048xi32, #tpu.memory_space<vmem>>)
    %dma_wait3A_35 = arith.constant 0 : i32
    %dma_wait3A_36 = arith.constant 0 : i32
    %dma_wait3A_37 = arith.constant 0 : i32
    %dma_wait3A_38 = arith.constant 0 : i32
    %dma_wait3A_39 = tpu.memref_slice %arg4[%dma_wait3A_35, %dma_wait3A_36, %dma_wait3A_37, %dma_wait3A_38] : memref<3x158x1x2048xi32, #tpu.memory_space<hbm>> -> memref<1x1x1x2048xi32, #tpu.memory_space<hbm>>
    %dma_wait3A_40 = tpu.memref_squeeze %dma_wait3A_39 : memref<1x1x1x2048xi32, #tpu.memory_space<hbm>> -> memref<2048xi32, #tpu.memory_space<hbm>>
    %dma_wait3A_41 = arith.constant 0 : i32
    %dma_wait3A_42 = tpu.memref_slice %arg4[%dma_wait3A_35, %dma_wait3A_36, %dma_wait3A_37, %dma_wait3A_41] : memref<3x158x1x2048xi32, #tpu.memory_space<hbm>> -> memref<1x1x1x2048xi32, #tpu.memory_space<hbm>>
    %dma_wait3A_43 = tpu.memref_squeeze %dma_wait3A_42 : memref<1x1x1x2048xi32, #tpu.memory_space<hbm>> -> memref<2048xi32, #tpu.memory_space<hbm>>
    tpu.wait_dma2 semaphore(%arg16 : memref<!tpu.dma_semaphore, #tpu.memory_space<semaphore_mem>>) src(%dma_wait3A_43 : memref<2048xi32, #tpu.memory_space<hbm>>) dst(%arg10 : memref<2048xi32, #tpu.memory_space<vmem>>)
    %dma_wait3A_44 = arith.constant 0 : i32
    %dma_wait3A_45 = arith.constant 0 : i32
    %dma_wait3A_46 = arith.constant 0 : i32
    %dma_wait3A_47 = arith.constant 0 : i32
    %dma_wait3A_48 = tpu.memref_slice %arg5[%dma_wait3A_44, %dma_wait3A_45, %dma_wait3A_46, %dma_wait3A_47] : memref<3x158x1x2048xf32, #tpu.memory_space<hbm>> -> memref<1x1x1x2048xf32, #tpu.memory_space<hbm>>
    %dma_wait3A_49 = tpu.memref_squeeze %dma_wait3A_48 : memref<1x1x1x2048xf32, #tpu.memory_space<hbm>> -> memref<2048xf32, #tpu.memory_space<hbm>>
    %dma_wait3A_50 = arith.constant 0 : i32
    %dma_wait3A_51 = tpu.memref_slice %arg5[%dma_wait3A_44, %dma_wait3A_45, %dma_wait3A_46, %dma_wait3A_50] : memref<3x158x1x2048xf32, #tpu.memory_space<hbm>> -> memref<1x1x1x2048xf32, #tpu.memory_space<hbm>>
    %dma_wait3A_52 = tpu.memref_squeeze %dma_wait3A_51 : memref<1x1x1x2048xf32, #tpu.memory_space<hbm>> -> memref<2048xf32, #tpu.memory_space<hbm>>
    tpu.wait_dma2 semaphore(%arg17 : memref<!tpu.dma_semaphore, #tpu.memory_space<semaphore_mem>>) src(%dma_wait3A_52 : memref<2048xf32, #tpu.memory_space<hbm>>) dst(%arg11 : memref<2048xf32, #tpu.memory_space<vmem>>)
    %scan3A = arith.constant 0 : i32
    %scan3A_53 = arith.constant 0 : i32
    %scan3A_54 = arith.constant 79 : i32
    %scan3A_55 = arith.addi %scan3A_53, %scan3A_54 : i32
    %scan3A_56 = arith.constant 1 : i32
    scf.for %scan3A_360 = %scan3A_53 to %scan3A_55 step %scan3A_56  : i32 {
      %mul3A_361 = arith.constant 2 : i32
      %mul3A_362 = arith.muli %scan3A_360, %mul3A_361 : i32
      %add3A_363 = arith.constant 1 : i32
      %add3A_364 = arith.addi %mul3A_362, %add3A_363 : i32
      %min3A = arith.constant 157 : i32
      %min3A_365 = arith.minsi %add3A_364, %min3A : i32
      %dma_start3A_366 = arith.constant 0 : i32
      %dma_start3A_367 = arith.constant 0 : i32
      %dma_start3A_368 = arith.constant 0 : i32
      %dma_start3A_369 = tpu.memref_slice %arg3[%dma_start3A_366, %min3A_365, %dma_start3A_367, %dma_start3A_368] : memref<3x158x1x2048xi32, #tpu.memory_space<hbm>> -> memref<1x1x1x2048xi32, #tpu.memory_space<hbm>>
      %dma_start3A_370 = tpu.memref_squeeze %dma_start3A_369 : memref<1x1x1x2048xi32, #tpu.memory_space<hbm>> -> memref<2048xi32, #tpu.memory_space<hbm>>
      %dma_start3A_371 = arith.constant 0 : i32
      %dma_start3A_372 = tpu.memref_slice %arg3[%dma_start3A_366, %min3A_365, %dma_start3A_367, %dma_start3A_371] : memref<3x158x1x2048xi32, #tpu.memory_space<hbm>> -> memref<1x1x1x2048xi32, #tpu.memory_space<hbm>>
      %dma_start3A_373 = tpu.memref_squeeze %dma_start3A_372 : memref<1x1x1x2048xi32, #tpu.memory_space<hbm>> -> memref<2048xi32, #tpu.memory_space<hbm>>
      tpu.enqueue_dma source(%dma_start3A_373 : memref<2048xi32, #tpu.memory_space<hbm>>) target(%arg12 : memref<2048xi32, #tpu.memory_space<vmem>>) target_semaphore(%arg18 : memref<!tpu.dma_semaphore, #tpu.memory_space<semaphore_mem>>)
      %dma_start3A_374 = arith.constant 0 : i32
      %dma_start3A_375 = arith.constant 0 : i32
      %dma_start3A_376 = arith.constant 0 : i32
      %dma_start3A_377 = tpu.memref_slice %arg4[%dma_start3A_374, %min3A_365, %dma_start3A_375, %dma_start3A_376] : memref<3x158x1x2048xi32, #tpu.memory_space<hbm>> -> memref<1x1x1x2048xi32, #tpu.memory_space<hbm>>
      %dma_start3A_378 = tpu.memref_squeeze %dma_start3A_377 : memref<1x1x1x2048xi32, #tpu.memory_space<hbm>> -> memref<2048xi32, #tpu.memory_space<hbm>>
      %dma_start3A_379 = arith.constant 0 : i32
      %dma_start3A_380 = tpu.memref_slice %arg4[%dma_start3A_374, %min3A_365, %dma_start3A_375, %dma_start3A_379] : memref<3x158x1x2048xi32, #tpu.memory_space<hbm>> -> memref<1x1x1x2048xi32, #tpu.memory_space<hbm>>
      %dma_start3A_381 = tpu.memref_squeeze %dma_start3A_380 : memref<1x1x1x2048xi32, #tpu.memory_space<hbm>> -> memref<2048xi32, #tpu.memory_space<hbm>>
      tpu.enqueue_dma source(%dma_start3A_381 : memref<2048xi32, #tpu.memory_space<hbm>>) target(%arg13 : memref<2048xi32, #tpu.memory_space<vmem>>) target_semaphore(%arg19 : memref<!tpu.dma_semaphore, #tpu.memory_space<semaphore_mem>>)
      %dma_start3A_382 = arith.constant 0 : i32
      %dma_start3A_383 = arith.constant 0 : i32
      %dma_start3A_384 = arith.constant 0 : i32
      %dma_start3A_385 = tpu.memref_slice %arg5[%dma_start3A_382, %min3A_365, %dma_start3A_383, %dma_start3A_384] : memref<3x158x1x2048xf32, #tpu.memory_space<hbm>> -> memref<1x1x1x2048xf32, #tpu.memory_space<hbm>>
      %dma_start3A_386 = tpu.memref_squeeze %dma_start3A_385 : memref<1x1x1x2048xf32, #tpu.memory_space<hbm>> -> memref<2048xf32, #tpu.memory_space<hbm>>
      %dma_start3A_387 = arith.constant 0 : i32
      %dma_start3A_388 = tpu.memref_slice %arg5[%dma_start3A_382, %min3A_365, %dma_start3A_383, %dma_start3A_387] : memref<3x158x1x2048xf32, #tpu.memory_space<hbm>> -> memref<1x1x1x2048xf32, #tpu.memory_space<hbm>>
      %dma_start3A_389 = tpu.memref_squeeze %dma_start3A_388 : memref<1x1x1x2048xf32, #tpu.memory_space<hbm>> -> memref<2048xf32, #tpu.memory_space<hbm>>
      tpu.enqueue_dma source(%dma_start3A_389 : memref<2048xf32, #tpu.memory_space<hbm>>) target(%arg14 : memref<2048xf32, #tpu.memory_space<vmem>>) target_semaphore(%arg20 : memref<!tpu.dma_semaphore, #tpu.memory_space<semaphore_mem>>)
      %parallel_loop3A = arith.constant 0 : i32
      %parallel_loop3A_390 = arith.constant 128 : i32
      %parallel_loop3A_391 = arith.constant 1 : i32
      scf.for %parallel_loop3A_471 = %parallel_loop3A to %parallel_loop3A_390 step %parallel_loop3A_391  : i32 {
        %parallel_loop3A_472 = arith.constant 16 : i32
        %parallel_loop3A_473 = arith.muli %parallel_loop3A_471, %parallel_loop3A_472 : i32
        %parallel_loop3A_474 = arith.index_cast %parallel_loop3A_473 : i32 to index
        %parallel_loop3A_475 = tpu.vector_load %arg9[%parallel_loop3A_474] {strides = array<i32>} : memref<2048xi32, #tpu.memory_space<vmem>>, vector<16xi32>,
        %parallel_loop3A_476 = arith.index_cast %parallel_loop3A_473 : i32 to index
        %parallel_loop3A_477 = tpu.vector_load %arg10[%parallel_loop3A_476] {strides = array<i32>} : memref<2048xi32, #tpu.memory_space<vmem>>, vector<16xi32>,
        %parallel_loop3A_478 = arith.index_cast %parallel_loop3A_473 : i32 to index
        %parallel_loop3A_479 = tpu.vector_load %arg11[%parallel_loop3A_478] {strides = array<i32>} : memref<2048xf32, #tpu.memory_space<vmem>>, vector<16xf32>,
        %parallel_loop3A_480 = arith.constant 0 : i32
        %parallel_loop3A_481 = tpu.memref_slice %arg7[%parallel_loop3A_480] : memref<40000xf32, #tpu.memory_space<vmem>> -> memref<10000xf32, #tpu.memory_space<vmem>>
        %parallel_loop3A_482 = tpu.vector_load_idx %parallel_loop3A_481[%parallel_loop3A_475] : memref<10000xf32, #tpu.memory_space<vmem>>[vector<16xi32>], vector<16xf32>,
        %parallel_loop3A_483 = arith.constant 10000 : i32
        %parallel_loop3A_484 = tpu.memref_slice %arg7[%parallel_loop3A_483] : memref<40000xf32, #tpu.memory_space<vmem>> -> memref<10000xf32, #tpu.memory_space<vmem>>
        %parallel_loop3A_485 = tpu.vector_load_idx %parallel_loop3A_484[%parallel_loop3A_475] : memref<10000xf32, #tpu.memory_space<vmem>>[vector<16xi32>], vector<16xf32>,
        %parallel_loop3A_486 = arith.constant 20000 : i32
        %parallel_loop3A_487 = tpu.memref_slice %arg7[%parallel_loop3A_486] : memref<40000xf32, #tpu.memory_space<vmem>> -> memref<10000xf32, #tpu.memory_space<vmem>>
        %parallel_loop3A_488 = tpu.vector_load_idx %parallel_loop3A_487[%parallel_loop3A_475] : memref<10000xf32, #tpu.memory_space<vmem>>[vector<16xi32>], vector<16xf32>,
        %parallel_loop3A_489 = arith.constant 30000 : i32
        %parallel_loop3A_490 = tpu.memref_slice %arg7[%parallel_loop3A_489] : memref<40000xf32, #tpu.memory_space<vmem>> -> memref<10000xf32, #tpu.memory_space<vmem>>
        %parallel_loop3A_491 = tpu.vector_load_idx %parallel_loop3A_490[%parallel_loop3A_475] : memref<10000xf32, #tpu.memory_space<vmem>>[vector<16xi32>], vector<16xf32>,
        %parallel_loop3A_492 = arith.mulf %parallel_loop3A_482, %parallel_loop3A_479 : vector<16xf32>
        %parallel_loop3A_493 = arith.constant 0 : i32
        %parallel_loop3A_494 = tpu.memref_slice %arg8[%parallel_loop3A_493] : memref<40000xf32, #tpu.memory_space<vmem>> -> memref<10000xf32, #tpu.memory_space<vmem>>
        tpu.vector_store_idx %parallel_loop3A_494[%parallel_loop3A_477], %parallel_loop3A_492 {add = true} : memref<10000xf32, #tpu.memory_space<vmem>>[vector<16xi32>], vector<16xf32>,
        %parallel_loop3A_495 = arith.mulf %parallel_loop3A_485, %parallel_loop3A_479 : vector<16xf32>
        %parallel_loop3A_496 = arith.constant 10000 : i32
        %parallel_loop3A_497 = tpu.memref_slice %arg8[%parallel_loop3A_496] : memref<40000xf32, #tpu.memory_space<vmem>> -> memref<10000xf32, #tpu.memory_space<vmem>>
        tpu.vector_store_idx %parallel_loop3A_497[%parallel_loop3A_477], %parallel_loop3A_495 {add = true} : memref<10000xf32, #tpu.memory_space<vmem>>[vector<16xi32>], vector<16xf32>,
        %parallel_loop3A_498 = arith.mulf %parallel_loop3A_488, %parallel_loop3A_479 : vector<16xf32>
        %parallel_loop3A_499 = arith.constant 20000 : i32
        %parallel_loop3A_500 = tpu.memref_slice %arg8[%parallel_loop3A_499] : memref<40000xf32, #tpu.memory_space<vmem>> -> memref<10000xf32, #tpu.memory_space<vmem>>
        tpu.vector_store_idx %parallel_loop3A_500[%parallel_loop3A_477], %parallel_loop3A_498 {add = true} : memref<10000xf32, #tpu.memory_space<vmem>>[vector<16xi32>], vector<16xf32>,
        %parallel_loop3A_501 = arith.mulf %parallel_loop3A_491, %parallel_loop3A_479 : vector<16xf32>
        %parallel_loop3A_502 = arith.constant 30000 : i32
        %parallel_loop3A_503 = tpu.memref_slice %arg8[%parallel_loop3A_502] : memref<40000xf32, #tpu.memory_space<vmem>> -> memref<10000xf32, #tpu.memory_space<vmem>>
        tpu.vector_store_idx %parallel_loop3A_503[%parallel_loop3A_477], %parallel_loop3A_501 {add = true} : memref<10000xf32, #tpu.memory_space<vmem>>[vector<16xi32>], vector<16xf32>,
      } {sc.loop_unroll_factor = 8 : i64, sc.parallel_access}
      %dma_wait3A_392 = arith.constant 0 : i32
      %dma_wait3A_393 = arith.constant 0 : i32
      %dma_wait3A_394 = arith.constant 0 : i32
      %dma_wait3A_395 = tpu.memref_slice %arg3[%dma_wait3A_392, %min3A_365, %dma_wait3A_393, %dma_wait3A_394] : memref<3x158x1x2048xi32, #tpu.memory_space<hbm>> -> memref<1x1x1x2048xi32, #tpu.memory_space<hbm>>
      %dma_wait3A_396 = tpu.memref_squeeze %dma_wait3A_395 : memref<1x1x1x2048xi32, #tpu.memory_space<hbm>> -> memref<2048xi32, #tpu.memory_space<hbm>>
      %dma_wait3A_397 = arith.constant 0 : i32
      %dma_wait3A_398 = tpu.memref_slice %arg3[%dma_wait3A_392, %min3A_365, %dma_wait3A_393, %dma_wait3A_397] : memref<3x158x1x2048xi32, #tpu.memory_space<hbm>> -> memref<1x1x1x2048xi32, #tpu.memory_space<hbm>>
      %dma_wait3A_399 = tpu.memref_squeeze %dma_wait3A_398 : memref<1x1x1x2048xi32, #tpu.memory_space<hbm>> -> memref<2048xi32, #tpu.memory_space<hbm>>
      tpu.wait_dma2 semaphore(%arg18 : memref<!tpu.dma_semaphore, #tpu.memory_space<semaphore_mem>>) src(%dma_wait3A_399 : memref<2048xi32, #tpu.memory_space<hbm>>) dst(%arg12 : memref<2048xi32, #tpu.memory_space<vmem>>)
      %dma_wait3A_400 = arith.constant 0 : i32
      %dma_wait3A_401 = arith.constant 0 : i32
      %dma_wait3A_402 = arith.constant 0 : i32
      %dma_wait3A_403 = tpu.memref_slice %arg4[%dma_wait3A_400, %min3A_365, %dma_wait3A_401, %dma_wait3A_402] : memref<3x158x1x2048xi32, #tpu.memory_space<hbm>> -> memref<1x1x1x2048xi32, #tpu.memory_space<hbm>>
      %dma_wait3A_404 = tpu.memref_squeeze %dma_wait3A_403 : memref<1x1x1x2048xi32, #tpu.memory_space<hbm>> -> memref<2048xi32, #tpu.memory_space<hbm>>
      %dma_wait3A_405 = arith.constant 0 : i32
      %dma_wait3A_406 = tpu.memref_slice %arg4[%dma_wait3A_400, %min3A_365, %dma_wait3A_401, %dma_wait3A_405] : memref<3x158x1x2048xi32, #tpu.memory_space<hbm>> -> memref<1x1x1x2048xi32, #tpu.memory_space<hbm>>
      %dma_wait3A_407 = tpu.memref_squeeze %dma_wait3A_406 : memref<1x1x1x2048xi32, #tpu.memory_space<hbm>> -> memref<2048xi32, #tpu.memory_space<hbm>>
      tpu.wait_dma2 semaphore(%arg19 : memref<!tpu.dma_semaphore, #tpu.memory_space<semaphore_mem>>) src(%dma_wait3A_407 : memref<2048xi32, #tpu.memory_space<hbm>>) dst(%arg13 : memref<2048xi32, #tpu.memory_space<vmem>>)
      %dma_wait3A_408 = arith.constant 0 : i32
      %dma_wait3A_409 = arith.constant 0 : i32
      %dma_wait3A_410 = arith.constant 0 : i32
      %dma_wait3A_411 = tpu.memref_slice %arg5[%dma_wait3A_408, %min3A_365, %dma_wait3A_409, %dma_wait3A_410] : memref<3x158x1x2048xf32, #tpu.memory_space<hbm>> -> memref<1x1x1x2048xf32, #tpu.memory_space<hbm>>
      %dma_wait3A_412 = tpu.memref_squeeze %dma_wait3A_411 : memref<1x1x1x2048xf32, #tpu.memory_space<hbm>> -> memref<2048xf32, #tpu.memory_space<hbm>>
      %dma_wait3A_413 = arith.constant 0 : i32
      %dma_wait3A_414 = tpu.memref_slice %arg5[%dma_wait3A_408, %min3A_365, %dma_wait3A_409, %dma_wait3A_413] : memref<3x158x1x2048xf32, #tpu.memory_space<hbm>> -> memref<1x1x1x2048xf32, #tpu.memory_space<hbm>>
      %dma_wait3A_415 = tpu.memref_squeeze %dma_wait3A_414 : memref<1x1x1x2048xf32, #tpu.memory_space<hbm>> -> memref<2048xf32, #tpu.memory_space<hbm>>
      tpu.wait_dma2 semaphore(%arg20 : memref<!tpu.dma_semaphore, #tpu.memory_space<semaphore_mem>>) src(%dma_wait3A_415 : memref<2048xf32, #tpu.memory_space<hbm>>) dst(%arg14 : memref<2048xf32, #tpu.memory_space<vmem>>)
      %add3A_416 = arith.constant 2 : i32
      %add3A_417 = arith.addi %mul3A_362, %add3A_416 : i32
      %min3A_418 = arith.constant 157 : i32
      %min3A_419 = arith.minsi %add3A_417, %min3A_418 : i32
      %dma_start3A_420 = arith.constant 0 : i32
      %dma_start3A_421 = arith.constant 0 : i32
      %dma_start3A_422 = arith.constant 0 : i32
      %dma_start3A_423 = tpu.memref_slice %arg3[%dma_start3A_420, %min3A_419, %dma_start3A_421, %dma_start3A_422] : memref<3x158x1x2048xi32, #tpu.memory_space<hbm>> -> memref<1x1x1x2048xi32, #tpu.memory_space<hbm>>
      %dma_start3A_424 = tpu.memref_squeeze %dma_start3A_423 : memref<1x1x1x2048xi32, #tpu.memory_space<hbm>> -> memref<2048xi32, #tpu.memory_space<hbm>>
      %dma_start3A_425 = arith.constant 0 : i32
      %dma_start3A_426 = tpu.memref_slice %arg3[%dma_start3A_420, %min3A_419, %dma_start3A_421, %dma_start3A_425] : memref<3x158x1x2048xi32, #tpu.memory_space<hbm>> -> memref<1x1x1x2048xi32, #tpu.memory_space<hbm>>
      %dma_start3A_427 = tpu.memref_squeeze %dma_start3A_426 : memref<1x1x1x2048xi32, #tpu.memory_space<hbm>> -> memref<2048xi32, #tpu.memory_space<hbm>>
      tpu.enqueue_dma source(%dma_start3A_427 : memref<2048xi32, #tpu.memory_space<hbm>>) target(%arg9 : memref<2048xi32, #tpu.memory_space<vmem>>) target_semaphore(%arg15 : memref<!tpu.dma_semaphore, #tpu.memory_space<semaphore_mem>>)
      %dma_start3A_428 = arith.constant 0 : i32
      %dma_start3A_429 = arith.constant 0 : i32
      %dma_start3A_430 = arith.constant 0 : i32
      %dma_start3A_431 = tpu.memref_slice %arg4[%dma_start3A_428, %min3A_419, %dma_start3A_429, %dma_start3A_430] : memref<3x158x1x2048xi32, #tpu.memory_space<hbm>> -> memref<1x1x1x2048xi32, #tpu.memory_space<hbm>>
      %dma_start3A_432 = tpu.memref_squeeze %dma_start3A_431 : memref<1x1x1x2048xi32, #tpu.memory_space<hbm>> -> memref<2048xi32, #tpu.memory_space<hbm>>
      %dma_start3A_433 = arith.constant 0 : i32
      %dma_start3A_434 = tpu.memref_slice %arg4[%dma_start3A_428, %min3A_419, %dma_start3A_429, %dma_start3A_433] : memref<3x158x1x2048xi32, #tpu.memory_space<hbm>> -> memref<1x1x1x2048xi32, #tpu.memory_space<hbm>>
      %dma_start3A_435 = tpu.memref_squeeze %dma_start3A_434 : memref<1x1x1x2048xi32, #tpu.memory_space<hbm>> -> memref<2048xi32, #tpu.memory_space<hbm>>
      tpu.enqueue_dma source(%dma_start3A_435 : memref<2048xi32, #tpu.memory_space<hbm>>) target(%arg10 : memref<2048xi32, #tpu.memory_space<vmem>>) target_semaphore(%arg16 : memref<!tpu.dma_semaphore, #tpu.memory_space<semaphore_mem>>)
      %dma_start3A_436 = arith.constant 0 : i32
      %dma_start3A_437 = arith.constant 0 : i32
      %dma_start3A_438 = arith.constant 0 : i32
      %dma_start3A_439 = tpu.memref_slice %arg5[%dma_start3A_436, %min3A_419, %dma_start3A_437, %dma_start3A_438] : memref<3x158x1x2048xf32, #tpu.memory_space<hbm>> -> memref<1x1x1x2048xf32, #tpu.memory_space<hbm>>
      %dma_start3A_440 = tpu.memref_squeeze %dma_start3A_439 : memref<1x1x1x2048xf32, #tpu.memory_space<hbm>> -> memref<2048xf32, #tpu.memory_space<hbm>>
      %dma_start3A_441 = arith.constant 0 : i32
      %dma_start3A_442 = tpu.memref_slice %arg5[%dma_start3A_436, %min3A_419, %dma_start3A_437, %dma_start3A_441] : memref<3x158x1x2048xf32, #tpu.memory_space<hbm>> -> memref<1x1x1x2048xf32, #tpu.memory_space<hbm>>
      %dma_start3A_443 = tpu.memref_squeeze %dma_start3A_442 : memref<1x1x1x2048xf32, #tpu.memory_space<hbm>> -> memref<2048xf32, #tpu.memory_space<hbm>>
      tpu.enqueue_dma source(%dma_start3A_443 : memref<2048xf32, #tpu.memory_space<hbm>>) target(%arg11 : memref<2048xf32, #tpu.memory_space<vmem>>) target_semaphore(%arg17 : memref<!tpu.dma_semaphore, #tpu.memory_space<semaphore_mem>>)
      %parallel_loop3A_444 = arith.constant 0 : i32
      %parallel_loop3A_445 = arith.constant 128 : i32
      %parallel_loop3A_446 = arith.constant 1 : i32
      scf.for %parallel_loop3A_471 = %parallel_loop3A_444 to %parallel_loop3A_445 step %parallel_loop3A_446  : i32 {
        %parallel_loop3A_472 = arith.constant 16 : i32
        %parallel_loop3A_473 = arith.muli %parallel_loop3A_471, %parallel_loop3A_472 : i32
        %parallel_loop3A_474 = arith.index_cast %parallel_loop3A_473 : i32 to index
        %parallel_loop3A_475 = tpu.vector_load %arg12[%parallel_loop3A_474] {strides = array<i32>} : memref<2048xi32, #tpu.memory_space<vmem>>, vector<16xi32>,
        %parallel_loop3A_476 = arith.index_cast %parallel_loop3A_473 : i32 to index
        %parallel_loop3A_477 = tpu.vector_load %arg13[%parallel_loop3A_476] {strides = array<i32>} : memref<2048xi32, #tpu.memory_space<vmem>>, vector<16xi32>,
        %parallel_loop3A_478 = arith.index_cast %parallel_loop3A_473 : i32 to index
        %parallel_loop3A_479 = tpu.vector_load %arg14[%parallel_loop3A_478] {strides = array<i32>} : memref<2048xf32, #tpu.memory_space<vmem>>, vector<16xf32>,
        %parallel_loop3A_480 = arith.constant 0 : i32
        %parallel_loop3A_481 = tpu.memref_slice %arg7[%parallel_loop3A_480] : memref<40000xf32, #tpu.memory_space<vmem>> -> memref<10000xf32, #tpu.memory_space<vmem>>
        %parallel_loop3A_482 = tpu.vector_load_idx %parallel_loop3A_481[%parallel_loop3A_475] : memref<10000xf32, #tpu.memory_space<vmem>>[vector<16xi32>], vector<16xf32>,
        %parallel_loop3A_483 = arith.constant 10000 : i32
        %parallel_loop3A_484 = tpu.memref_slice %arg7[%parallel_loop3A_483] : memref<40000xf32, #tpu.memory_space<vmem>> -> memref<10000xf32, #tpu.memory_space<vmem>>
        %parallel_loop3A_485 = tpu.vector_load_idx %parallel_loop3A_484[%parallel_loop3A_475] : memref<10000xf32, #tpu.memory_space<vmem>>[vector<16xi32>], vector<16xf32>,
        %parallel_loop3A_486 = arith.constant 20000 : i32
        %parallel_loop3A_487 = tpu.memref_slice %arg7[%parallel_loop3A_486] : memref<40000xf32, #tpu.memory_space<vmem>> -> memref<10000xf32, #tpu.memory_space<vmem>>
        %parallel_loop3A_488 = tpu.vector_load_idx %parallel_loop3A_487[%parallel_loop3A_475] : memref<10000xf32, #tpu.memory_space<vmem>>[vector<16xi32>], vector<16xf32>,
        %parallel_loop3A_489 = arith.constant 30000 : i32
        %parallel_loop3A_490 = tpu.memref_slice %arg7[%parallel_loop3A_489] : memref<40000xf32, #tpu.memory_space<vmem>> -> memref<10000xf32, #tpu.memory_space<vmem>>
        %parallel_loop3A_491 = tpu.vector_load_idx %parallel_loop3A_490[%parallel_loop3A_475] : memref<10000xf32, #tpu.memory_space<vmem>>[vector<16xi32>], vector<16xf32>,
        %parallel_loop3A_492 = arith.mulf %parallel_loop3A_482, %parallel_loop3A_479 : vector<16xf32>
        %parallel_loop3A_493 = arith.constant 0 : i32
        %parallel_loop3A_494 = tpu.memref_slice %arg8[%parallel_loop3A_493] : memref<40000xf32, #tpu.memory_space<vmem>> -> memref<10000xf32, #tpu.memory_space<vmem>>
        tpu.vector_store_idx %parallel_loop3A_494[%parallel_loop3A_477], %parallel_loop3A_492 {add = true} : memref<10000xf32, #tpu.memory_space<vmem>>[vector<16xi32>], vector<16xf32>,
        %parallel_loop3A_495 = arith.mulf %parallel_loop3A_485, %parallel_loop3A_479 : vector<16xf32>
        %parallel_loop3A_496 = arith.constant 10000 : i32
        %parallel_loop3A_497 = tpu.memref_slice %arg8[%parallel_loop3A_496] : memref<40000xf32, #tpu.memory_space<vmem>> -> memref<10000xf32, #tpu.memory_space<vmem>>
        tpu.vector_store_idx %parallel_loop3A_497[%parallel_loop3A_477], %parallel_loop3A_495 {add = true} : memref<10000xf32, #tpu.memory_space<vmem>>[vector<16xi32>], vector<16xf32>,
        %parallel_loop3A_498 = arith.mulf %parallel_loop3A_488, %parallel_loop3A_479 : vector<16xf32>
        %parallel_loop3A_499 = arith.constant 20000 : i32
        %parallel_loop3A_500 = tpu.memref_slice %arg8[%parallel_loop3A_499] : memref<40000xf32, #tpu.memory_space<vmem>> -> memref<10000xf32, #tpu.memory_space<vmem>>
        tpu.vector_store_idx %parallel_loop3A_500[%parallel_loop3A_477], %parallel_loop3A_498 {add = true} : memref<10000xf32, #tpu.memory_space<vmem>>[vector<16xi32>], vector<16xf32>,
        %parallel_loop3A_501 = arith.mulf %parallel_loop3A_491, %parallel_loop3A_479 : vector<16xf32>
        %parallel_loop3A_502 = arith.constant 30000 : i32
        %parallel_loop3A_503 = tpu.memref_slice %arg8[%parallel_loop3A_502] : memref<40000xf32, #tpu.memory_space<vmem>> -> memref<10000xf32, #tpu.memory_space<vmem>>
        tpu.vector_store_idx %parallel_loop3A_503[%parallel_loop3A_477], %parallel_loop3A_501 {add = true} : memref<10000xf32, #tpu.memory_space<vmem>>[vector<16xi32>], vector<16xf32>,
      } {sc.loop_unroll_factor = 8 : i64, sc.parallel_access}
      %dma_wait3A_447 = arith.constant 0 : i32
      %dma_wait3A_448 = arith.constant 0 : i32
      %dma_wait3A_449 = arith.constant 0 : i32
      %dma_wait3A_450 = tpu.memref_slice %arg3[%dma_wait3A_447, %min3A_419, %dma_wait3A_448, %dma_wait3A_449] : memref<3x158x1x2048xi32, #tpu.memory_space<hbm>> -> memref<1x1x1x2048xi32, #tpu.memory_space<hbm>>
      %dma_wait3A_451 = tpu.memref_squeeze %dma_wait3A_450 : memref<1x1x1x2048xi32, #tpu.memory_space<hbm>> -> memref<2048xi32, #tpu.memory_space<hbm>>
      %dma_wait3A_452 = arith.constant 0 : i32
      %dma_wait3A_453 = tpu.memref_slice %arg3[%dma_wait3A_447, %min3A_419, %dma_wait3A_448, %dma_wait3A_452] : memref<3x158x1x2048xi32, #tpu.memory_space<hbm>> -> memref<1x1x1x2048xi32, #tpu.memory_space<hbm>>
      %dma_wait3A_454 = tpu.memref_squeeze %dma_wait3A_453 : memref<1x1x1x2048xi32, #tpu.memory_space<hbm>> -> memref<2048xi32, #tpu.memory_space<hbm>>
      tpu.wait_dma2 semaphore(%arg15 : memref<!tpu.dma_semaphore, #tpu.memory_space<semaphore_mem>>) src(%dma_wait3A_454 : memref<2048xi32, #tpu.memory_space<hbm>>) dst(%arg9 : memref<2048xi32, #tpu.memory_space<vmem>>)
      %dma_wait3A_455 = arith.constant 0 : i32
      %dma_wait3A_456 = arith.constant 0 : i32
      %dma_wait3A_457 = arith.constant 0 : i32
      %dma_wait3A_458 = tpu.memref_slice %arg4[%dma_wait3A_455, %min3A_419, %dma_wait3A_456, %dma_wait3A_457] : memref<3x158x1x2048xi32, #tpu.memory_space<hbm>> -> memref<1x1x1x2048xi32, #tpu.memory_space<hbm>>
      %dma_wait3A_459 = tpu.memref_squeeze %dma_wait3A_458 : memref<1x1x1x2048xi32, #tpu.memory_space<hbm>> -> memref<2048xi32, #tpu.memory_space<hbm>>
      %dma_wait3A_460 = arith.constant 0 : i32
      %dma_wait3A_461 = tpu.memref_slice %arg4[%dma_wait3A_455, %min3A_419, %dma_wait3A_456, %dma_wait3A_460] : memref<3x158x1x2048xi32, #tpu.memory_space<hbm>> -> memref<1x1x1x2048xi32, #tpu.memory_space<hbm>>
      %dma_wait3A_462 = tpu.memref_squeeze %dma_wait3A_461 : memref<1x1x1x2048xi32, #tpu.memory_space<hbm>> -> memref<2048xi32, #tpu.memory_space<hbm>>
      tpu.wait_dma2 semaphore(%arg16 : memref<!tpu.dma_semaphore, #tpu.memory_space<semaphore_mem>>) src(%dma_wait3A_462 : memref<2048xi32, #tpu.memory_space<hbm>>) dst(%arg10 : memref<2048xi32, #tpu.memory_space<vmem>>)
      %dma_wait3A_463 = arith.constant 0 : i32
      %dma_wait3A_464 = arith.constant 0 : i32
      %dma_wait3A_465 = arith.constant 0 : i32
      %dma_wait3A_466 = tpu.memref_slice %arg5[%dma_wait3A_463, %min3A_419, %dma_wait3A_464, %dma_wait3A_465] : memref<3x158x1x2048xf32, #tpu.memory_space<hbm>> -> memref<1x1x1x2048xf32, #tpu.memory_space<hbm>>
      %dma_wait3A_467 = tpu.memref_squeeze %dma_wait3A_466 : memref<1x1x1x2048xf32, #tpu.memory_space<hbm>> -> memref<2048xf32, #tpu.memory_space<hbm>>
      %dma_wait3A_468 = arith.constant 0 : i32
      %dma_wait3A_469 = tpu.memref_slice %arg5[%dma_wait3A_463, %min3A_419, %dma_wait3A_464, %dma_wait3A_468] : memref<3x158x1x2048xf32, #tpu.memory_space<hbm>> -> memref<1x1x1x2048xf32, #tpu.memory_space<hbm>>
      %dma_wait3A_470 = tpu.memref_squeeze %dma_wait3A_469 : memref<1x1x1x2048xf32, #tpu.memory_space<hbm>> -> memref<2048xf32, #tpu.memory_space<hbm>>
      tpu.wait_dma2 semaphore(%arg17 : memref<!tpu.dma_semaphore, #tpu.memory_space<semaphore_mem>>) src(%dma_wait3A_470 : memref<2048xf32, #tpu.memory_space<hbm>>) dst(%arg11 : memref<2048xf32, #tpu.memory_space<vmem>>)
    }
    %scan3A_57 = arith.constant 79 : i32
    "tpu.region"() ({
      %run_scoped3A_360 = tpu.sem_alloc : memref<!tpu.dma_semaphore, #tpu.memory_space<semaphore_mem>>
      %dma_start3A_361 = arith.constant 0 : i32
      %dma_start3A_362 = tpu.memref_slice %arg2[%add3A, %dma_start3A_361] : memref<32x40000xf32, #tpu.memory_space<hbm>> -> memref<1x40000xf32, #tpu.memory_space<hbm>>
      %dma_start3A_363 = tpu.memref_squeeze %dma_start3A_362 : memref<1x40000xf32, #tpu.memory_space<hbm>> -> memref<40000xf32, #tpu.memory_space<hbm>>
      %dma_start3A_364 = arith.constant 0 : i32
      %dma_start3A_365 = tpu.memref_slice %arg2[%add3A, %dma_start3A_364] : memref<32x40000xf32, #tpu.memory_space<hbm>> -> memref<1x40000xf32, #tpu.memory_space<hbm>>
      %dma_start3A_366 = tpu.memref_squeeze %dma_start3A_365 : memref<1x40000xf32, #tpu.memory_space<hbm>> -> memref<40000xf32, #tpu.memory_space<hbm>>
      tpu.enqueue_dma source(%dma_start3A_366 : memref<40000xf32, #tpu.memory_space<hbm>>) target(%arg7 : memref<40000xf32, #tpu.memory_space<vmem>>) target_semaphore(%run_scoped3A_360 : memref<!tpu.dma_semaphore, #tpu.memory_space<semaphore_mem>>)
      %dma_wait3A_367 = arith.constant 0 : i32
      %dma_wait3A_368 = tpu.memref_slice %arg2[%add3A, %dma_wait3A_367] : memref<32x40000xf32, #tpu.memory_space<hbm>> -> memref<1x40000xf32, #tpu.memory_space<hbm>>
      %dma_wait3A_369 = tpu.memref_squeeze %dma_wait3A_368 : memref<1x40000xf32, #tpu.memory_space<hbm>> -> memref<40000xf32, #tpu.memory_space<hbm>>
      %dma_wait3A_370 = arith.constant 0 : i32
      %dma_wait3A_371 = tpu.memref_slice %arg2[%add3A, %dma_wait3A_370] : memref<32x40000xf32, #tpu.memory_space<hbm>> -> memref<1x40000xf32, #tpu.memory_space<hbm>>
      %dma_wait3A_372 = tpu.memref_squeeze %dma_wait3A_371 : memref<1x40000xf32, #tpu.memory_space<hbm>> -> memref<40000xf32, #tpu.memory_space<hbm>>
      tpu.wait_dma2 semaphore(%run_scoped3A_360 : memref<!tpu.dma_semaphore, #tpu.memory_space<semaphore_mem>>) src(%dma_wait3A_372 : memref<40000xf32, #tpu.memory_space<hbm>>) dst(%arg7 : memref<40000xf32, #tpu.memory_space<vmem>>)
      tpu.yield
    }) : () -> ()
    %dma_start3A_58 = arith.constant 0 : i32
    %dma_start3A_59 = arith.constant 0 : i32
    %dma_start3A_60 = arith.constant 0 : i32
    %dma_start3A_61 = arith.constant 0 : i32
    %dma_start3A_62 = tpu.memref_slice %arg3[%dma_start3A_58, %dma_start3A_59, %dma_start3A_60, %dma_start3A_61] : memref<3x158x1x2048xi32, #tpu.memory_space<hbm>> -> memref<1x1x1x2048xi32, #tpu.memory_space<hbm>>
    %dma_start3A_63 = tpu.memref_squeeze %dma_start3A_62 : memref<1x1x1x2048xi32, #tpu.memory_space<hbm>> -> memref<2048xi32, #tpu.memory_space<hbm>>
    %dma_start3A_64 = arith.constant 0 : i32
    %dma_start3A_65 = tpu.memref_slice %arg3[%dma_start3A_58, %dma_start3A_59, %dma_start3A_60, %dma_start3A_64] : memref<3x158x1x2048xi32, #tpu.memory_space<hbm>> -> memref<1x1x1x2048xi32, #tpu.memory_space<hbm>>
    %dma_start3A_66 = tpu.memref_squeeze %dma_start3A_65 : memref<1x1x1x2048xi32, #tpu.memory_space<hbm>> -> memref<2048xi32, #tpu.memory_space<hbm>>
    tpu.enqueue_dma source(%dma_start3A_66 : memref<2048xi32, #tpu.memory_space<hbm>>) target(%arg9 : memref<2048xi32, #tpu.memory_space<vmem>>) target_semaphore(%arg15 : memref<!tpu.dma_semaphore, #tpu.memory_space<semaphore_mem>>)
    %dma_start3A_67 = arith.constant 0 : i32
    %dma_start3A_68 = arith.constant 0 : i32
    %dma_start3A_69 = arith.constant 0 : i32
    %dma_start3A_70 = arith.constant 0 : i32
    %dma_start3A_71 = tpu.memref_slice %arg4[%dma_start3A_67, %dma_start3A_68, %dma_start3A_69, %dma_start3A_70] : memref<3x158x1x2048xi32, #tpu.memory_space<hbm>> -> memref<1x1x1x2048xi32, #tpu.memory_space<hbm>>
    %dma_start3A_72 = tpu.memref_squeeze %dma_start3A_71 : memref<1x1x1x2048xi32, #tpu.memory_space<hbm>> -> memref<2048xi32, #tpu.memory_space<hbm>>
    %dma_start3A_73 = arith.constant 0 : i32
    %dma_start3A_74 = tpu.memref_slice %arg4[%dma_start3A_67, %dma_start3A_68, %dma_start3A_69, %dma_start3A_73] : memref<3x158x1x2048xi32, #tpu.memory_space<hbm>> -> memref<1x1x1x2048xi32, #tpu.memory_space<hbm>>
    %dma_start3A_75 = tpu.memref_squeeze %dma_start3A_74 : memref<1x1x1x2048xi32, #tpu.memory_space<hbm>> -> memref<2048xi32, #tpu.memory_space<hbm>>
    tpu.enqueue_dma source(%dma_start3A_75 : memref<2048xi32, #tpu.memory_space<hbm>>) target(%arg10 : memref<2048xi32, #tpu.memory_space<vmem>>) target_semaphore(%arg16 : memref<!tpu.dma_semaphore, #tpu.memory_space<semaphore_mem>>)
    %dma_start3A_76 = arith.constant 0 : i32
    %dma_start3A_77 = arith.constant 0 : i32
    %dma_start3A_78 = arith.constant 0 : i32
    %dma_start3A_79 = arith.constant 0 : i32
    %dma_start3A_80 = tpu.memref_slice %arg5[%dma_start3A_76, %dma_start3A_77, %dma_start3A_78, %dma_start3A_79] : memref<3x158x1x2048xf32, #tpu.memory_space<hbm>> -> memref<1x1x1x2048xf32, #tpu.memory_space<hbm>>
    %dma_start3A_81 = tpu.memref_squeeze %dma_start3A_80 : memref<1x1x1x2048xf32, #tpu.memory_space<hbm>> -> memref<2048xf32, #tpu.memory_space<hbm>>
    %dma_start3A_82 = arith.constant 0 : i32
    %dma_start3A_83 = tpu.memref_slice %arg5[%dma_start3A_76, %dma_start3A_77, %dma_start3A_78, %dma_start3A_82] : memref<3x158x1x2048xf32, #tpu.memory_space<hbm>> -> memref<1x1x1x2048xf32, #tpu.memory_space<hbm>>
    %dma_start3A_84 = tpu.memref_squeeze %dma_start3A_83 : memref<1x1x1x2048xf32, #tpu.memory_space<hbm>> -> memref<2048xf32, #tpu.memory_space<hbm>>
    tpu.enqueue_dma source(%dma_start3A_84 : memref<2048xf32, #tpu.memory_space<hbm>>) target(%arg11 : memref<2048xf32, #tpu.memory_space<vmem>>) target_semaphore(%arg17 : memref<!tpu.dma_semaphore, #tpu.memory_space<semaphore_mem>>)
    %dma_wait3A_85 = arith.constant 0 : i32
    %dma_wait3A_86 = arith.constant 0 : i32
    %dma_wait3A_87 = arith.constant 0 : i32
    %dma_wait3A_88 = arith.constant 0 : i32
    %dma_wait3A_89 = tpu.memref_slice %arg3[%dma_wait3A_85, %dma_wait3A_86, %dma_wait3A_87, %dma_wait3A_88] : memref<3x158x1x2048xi32, #tpu.memory_space<hbm>> -> memref<1x1x1x2048xi32, #tpu.memory_space<hbm>>
    %dma_wait3A_90 = tpu.memref_squeeze %dma_wait3A_89 : memref<1x1x1x2048xi32, #tpu.memory_space<hbm>> -> memref<2048xi32, #tpu.memory_space<hbm>>
    %dma_wait3A_91 = arith.constant 0 : i32
    %dma_wait3A_92 = tpu.memref_slice %arg3[%dma_wait3A_85, %dma_wait3A_86, %dma_wait3A_87, %dma_wait3A_91] : memref<3x158x1x2048xi32, #tpu.memory_space<hbm>> -> memref<1x1x1x2048xi32, #tpu.memory_space<hbm>>
    %dma_wait3A_93 = tpu.memref_squeeze %dma_wait3A_92 : memref<1x1x1x2048xi32, #tpu.memory_space<hbm>> -> memref<2048xi32, #tpu.memory_space<hbm>>
    tpu.wait_dma2 semaphore(%arg15 : memref<!tpu.dma_semaphore, #tpu.memory_space<semaphore_mem>>) src(%dma_wait3A_93 : memref<2048xi32, #tpu.memory_space<hbm>>) dst(%arg9 : memref<2048xi32, #tpu.memory_space<vmem>>)
    %dma_wait3A_94 = arith.constant 0 : i32
    %dma_wait3A_95 = arith.constant 0 : i32
    %dma_wait3A_96 = arith.constant 0 : i32
    %dma_wait3A_97 = arith.constant 0 : i32
    %dma_wait3A_98 = tpu.memref_slice %arg4[%dma_wait3A_94, %dma_wait3A_95, %dma_wait3A_96, %dma_wait3A_97] : memref<3x158x1x2048xi32, #tpu.memory_space<hbm>> -> memref<1x1x1x2048xi32, #tpu.memory_space<hbm>>
    %dma_wait3A_99 = tpu.memref_squeeze %dma_wait3A_98 : memref<1x1x1x2048xi32, #tpu.memory_space<hbm>> -> memref<2048xi32, #tpu.memory_space<hbm>>
    %dma_wait3A_100 = arith.constant 0 : i32
    %dma_wait3A_101 = tpu.memref_slice %arg4[%dma_wait3A_94, %dma_wait3A_95, %dma_wait3A_96, %dma_wait3A_100] : memref<3x158x1x2048xi32, #tpu.memory_space<hbm>> -> memref<1x1x1x2048xi32, #tpu.memory_space<hbm>>
    %dma_wait3A_102 = tpu.memref_squeeze %dma_wait3A_101 : memref<1x1x1x2048xi32, #tpu.memory_space<hbm>> -> memref<2048xi32, #tpu.memory_space<hbm>>
    tpu.wait_dma2 semaphore(%arg16 : memref<!tpu.dma_semaphore, #tpu.memory_space<semaphore_mem>>) src(%dma_wait3A_102 : memref<2048xi32, #tpu.memory_space<hbm>>) dst(%arg10 : memref<2048xi32, #tpu.memory_space<vmem>>)
    %dma_wait3A_103 = arith.constant 0 : i32
    %dma_wait3A_104 = arith.constant 0 : i32
    %dma_wait3A_105 = arith.constant 0 : i32
    %dma_wait3A_106 = arith.constant 0 : i32
    %dma_wait3A_107 = tpu.memref_slice %arg5[%dma_wait3A_103, %dma_wait3A_104, %dma_wait3A_105, %dma_wait3A_106] : memref<3x158x1x2048xf32, #tpu.memory_space<hbm>> -> memref<1x1x1x2048xf32, #tpu.memory_space<hbm>>
    %dma_wait3A_108 = tpu.memref_squeeze %dma_wait3A_107 : memref<1x1x1x2048xf32, #tpu.memory_space<hbm>> -> memref<2048xf32, #tpu.memory_space<hbm>>
    %dma_wait3A_109 = arith.constant 0 : i32
    %dma_wait3A_110 = tpu.memref_slice %arg5[%dma_wait3A_103, %dma_wait3A_104, %dma_wait3A_105, %dma_wait3A_109] : memref<3x158x1x2048xf32, #tpu.memory_space<hbm>> -> memref<1x1x1x2048xf32, #tpu.memory_space<hbm>>
    %dma_wait3A_111 = tpu.memref_squeeze %dma_wait3A_110 : memref<1x1x1x2048xf32, #tpu.memory_space<hbm>> -> memref<2048xf32, #tpu.memory_space<hbm>>
    tpu.wait_dma2 semaphore(%arg17 : memref<!tpu.dma_semaphore, #tpu.memory_space<semaphore_mem>>) src(%dma_wait3A_111 : memref<2048xf32, #tpu.memory_space<hbm>>) dst(%arg11 : memref<2048xf32, #tpu.memory_space<vmem>>)
    %scan3A_112 = arith.constant 0 : i32
    %scan3A_113 = arith.constant 0 : i32
    %scan3A_114 = arith.constant 79 : i32
    %scan3A_115 = arith.addi %scan3A_113, %scan3A_114 : i32
    %scan3A_116 = arith.constant 1 : i32
    scf.for %scan3A_360 = %scan3A_113 to %scan3A_115 step %scan3A_116  : i32 {
      %mul3A_361 = arith.constant 2 : i32
      %mul3A_362 = arith.muli %scan3A_360, %mul3A_361 : i32
      %add3A_363 = arith.constant 1 : i32
      %add3A_364 = arith.addi %mul3A_362, %add3A_363 : i32
      %min3A = arith.constant 157 : i32
      %min3A_365 = arith.minsi %add3A_364, %min3A : i32
      %dma_start3A_366 = arith.constant 0 : i32
      %dma_start3A_367 = arith.constant 0 : i32
      %dma_start3A_368 = arith.constant 0 : i32
      %dma_start3A_369 = tpu.memref_slice %arg3[%dma_start3A_366, %min3A_365, %dma_start3A_367, %dma_start3A_368] : memref<3x158x1x2048xi32, #tpu.memory_space<hbm>> -> memref<1x1x1x2048xi32, #tpu.memory_space<hbm>>
      %dma_start3A_370 = tpu.memref_squeeze %dma_start3A_369 : memref<1x1x1x2048xi32, #tpu.memory_space<hbm>> -> memref<2048xi32, #tpu.memory_space<hbm>>
      %dma_start3A_371 = arith.constant 0 : i32
      %dma_start3A_372 = tpu.memref_slice %arg3[%dma_start3A_366, %min3A_365, %dma_start3A_367, %dma_start3A_371] : memref<3x158x1x2048xi32, #tpu.memory_space<hbm>> -> memref<1x1x1x2048xi32, #tpu.memory_space<hbm>>
      %dma_start3A_373 = tpu.memref_squeeze %dma_start3A_372 : memref<1x1x1x2048xi32, #tpu.memory_space<hbm>> -> memref<2048xi32, #tpu.memory_space<hbm>>
      tpu.enqueue_dma source(%dma_start3A_373 : memref<2048xi32, #tpu.memory_space<hbm>>) target(%arg12 : memref<2048xi32, #tpu.memory_space<vmem>>) target_semaphore(%arg18 : memref<!tpu.dma_semaphore, #tpu.memory_space<semaphore_mem>>)
      %dma_start3A_374 = arith.constant 0 : i32
      %dma_start3A_375 = arith.constant 0 : i32
      %dma_start3A_376 = arith.constant 0 : i32
      %dma_start3A_377 = tpu.memref_slice %arg4[%dma_start3A_374, %min3A_365, %dma_start3A_375, %dma_start3A_376] : memref<3x158x1x2048xi32, #tpu.memory_space<hbm>> -> memref<1x1x1x2048xi32, #tpu.memory_space<hbm>>
      %dma_start3A_378 = tpu.memref_squeeze %dma_start3A_377 : memref<1x1x1x2048xi32, #tpu.memory_space<hbm>> -> memref<2048xi32, #tpu.memory_space<hbm>>
      %dma_start3A_379 = arith.constant 0 : i32
      %dma_start3A_380 = tpu.memref_slice %arg4[%dma_start3A_374, %min3A_365, %dma_start3A_375, %dma_start3A_379] : memref<3x158x1x2048xi32, #tpu.memory_space<hbm>> -> memref<1x1x1x2048xi32, #tpu.memory_space<hbm>>
      %dma_start3A_381 = tpu.memref_squeeze %dma_start3A_380 : memref<1x1x1x2048xi32, #tpu.memory_space<hbm>> -> memref<2048xi32, #tpu.memory_space<hbm>>
      tpu.enqueue_dma source(%dma_start3A_381 : memref<2048xi32, #tpu.memory_space<hbm>>) target(%arg13 : memref<2048xi32, #tpu.memory_space<vmem>>) target_semaphore(%arg19 : memref<!tpu.dma_semaphore, #tpu.memory_space<semaphore_mem>>)
      %dma_start3A_382 = arith.constant 0 : i32
      %dma_start3A_383 = arith.constant 0 : i32
      %dma_start3A_384 = arith.constant 0 : i32
      %dma_start3A_385 = tpu.memref_slice %arg5[%dma_start3A_382, %min3A_365, %dma_start3A_383, %dma_start3A_384] : memref<3x158x1x2048xf32, #tpu.memory_space<hbm>> -> memref<1x1x1x2048xf32, #tpu.memory_space<hbm>>
      %dma_start3A_386 = tpu.memref_squeeze %dma_start3A_385 : memref<1x1x1x2048xf32, #tpu.memory_space<hbm>> -> memref<2048xf32, #tpu.memory_space<hbm>>
      %dma_start3A_387 = arith.constant 0 : i32
      %dma_start3A_388 = tpu.memref_slice %arg5[%dma_start3A_382, %min3A_365, %dma_start3A_383, %dma_start3A_387] : memref<3x158x1x2048xf32, #tpu.memory_space<hbm>> -> memref<1x1x1x2048xf32, #tpu.memory_space<hbm>>
      %dma_start3A_389 = tpu.memref_squeeze %dma_start3A_388 : memref<1x1x1x2048xf32, #tpu.memory_space<hbm>> -> memref<2048xf32, #tpu.memory_space<hbm>>
      tpu.enqueue_dma source(%dma_start3A_389 : memref<2048xf32, #tpu.memory_space<hbm>>) target(%arg14 : memref<2048xf32, #tpu.memory_space<vmem>>) target_semaphore(%arg20 : memref<!tpu.dma_semaphore, #tpu.memory_space<semaphore_mem>>)
      %parallel_loop3A = arith.constant 0 : i32
      %parallel_loop3A_390 = arith.constant 128 : i32
      %parallel_loop3A_391 = arith.constant 1 : i32
      scf.for %parallel_loop3A_471 = %parallel_loop3A to %parallel_loop3A_390 step %parallel_loop3A_391  : i32 {
        %parallel_loop3A_472 = arith.constant 16 : i32
        %parallel_loop3A_473 = arith.muli %parallel_loop3A_471, %parallel_loop3A_472 : i32
        %parallel_loop3A_474 = arith.index_cast %parallel_loop3A_473 : i32 to index
        %parallel_loop3A_475 = tpu.vector_load %arg9[%parallel_loop3A_474] {strides = array<i32>} : memref<2048xi32, #tpu.memory_space<vmem>>, vector<16xi32>,
        %parallel_loop3A_476 = arith.index_cast %parallel_loop3A_473 : i32 to index
        %parallel_loop3A_477 = tpu.vector_load %arg10[%parallel_loop3A_476] {strides = array<i32>} : memref<2048xi32, #tpu.memory_space<vmem>>, vector<16xi32>,
        %parallel_loop3A_478 = arith.index_cast %parallel_loop3A_473 : i32 to index
        %parallel_loop3A_479 = tpu.vector_load %arg11[%parallel_loop3A_478] {strides = array<i32>} : memref<2048xf32, #tpu.memory_space<vmem>>, vector<16xf32>,
        %parallel_loop3A_480 = arith.constant 0 : i32
        %parallel_loop3A_481 = tpu.memref_slice %arg8[%parallel_loop3A_480] : memref<40000xf32, #tpu.memory_space<vmem>> -> memref<10000xf32, #tpu.memory_space<vmem>>
        %parallel_loop3A_482 = tpu.vector_load_idx %parallel_loop3A_481[%parallel_loop3A_475] : memref<10000xf32, #tpu.memory_space<vmem>>[vector<16xi32>], vector<16xf32>,
        %parallel_loop3A_483 = arith.constant 10000 : i32
        %parallel_loop3A_484 = tpu.memref_slice %arg8[%parallel_loop3A_483] : memref<40000xf32, #tpu.memory_space<vmem>> -> memref<10000xf32, #tpu.memory_space<vmem>>
        %parallel_loop3A_485 = tpu.vector_load_idx %parallel_loop3A_484[%parallel_loop3A_475] : memref<10000xf32, #tpu.memory_space<vmem>>[vector<16xi32>], vector<16xf32>,
        %parallel_loop3A_486 = arith.constant 20000 : i32
        %parallel_loop3A_487 = tpu.memref_slice %arg8[%parallel_loop3A_486] : memref<40000xf32, #tpu.memory_space<vmem>> -> memref<10000xf32, #tpu.memory_space<vmem>>
        %parallel_loop3A_488 = tpu.vector_load_idx %parallel_loop3A_487[%parallel_loop3A_475] : memref<10000xf32, #tpu.memory_space<vmem>>[vector<16xi32>], vector<16xf32>,
        %parallel_loop3A_489 = arith.constant 30000 : i32
        %parallel_loop3A_490 = tpu.memref_slice %arg8[%parallel_loop3A_489] : memref<40000xf32, #tpu.memory_space<vmem>> -> memref<10000xf32, #tpu.memory_space<vmem>>
        %parallel_loop3A_491 = tpu.vector_load_idx %parallel_loop3A_490[%parallel_loop3A_475] : memref<10000xf32, #tpu.memory_space<vmem>>[vector<16xi32>], vector<16xf32>,
        %parallel_loop3A_492 = arith.mulf %parallel_loop3A_482, %parallel_loop3A_479 : vector<16xf32>
        %parallel_loop3A_493 = arith.constant 0 : i32
        %parallel_loop3A_494 = tpu.memref_slice %arg7[%parallel_loop3A_493] : memref<40000xf32, #tpu.memory_space<vmem>> -> memref<10000xf32, #tpu.memory_space<vmem>>
        tpu.vector_store_idx %parallel_loop3A_494[%parallel_loop3A_477], %parallel_loop3A_492 {add = true} : memref<10000xf32, #tpu.memory_space<vmem>>[vector<16xi32>], vector<16xf32>,
        %parallel_loop3A_495 = arith.mulf %parallel_loop3A_485, %parallel_loop3A_479 : vector<16xf32>
        %parallel_loop3A_496 = arith.constant 10000 : i32
        %parallel_loop3A_497 = tpu.memref_slice %arg7[%parallel_loop3A_496] : memref<40000xf32, #tpu.memory_space<vmem>> -> memref<10000xf32, #tpu.memory_space<vmem>>
        tpu.vector_store_idx %parallel_loop3A_497[%parallel_loop3A_477], %parallel_loop3A_495 {add = true} : memref<10000xf32, #tpu.memory_space<vmem>>[vector<16xi32>], vector<16xf32>,
        %parallel_loop3A_498 = arith.mulf %parallel_loop3A_488, %parallel_loop3A_479 : vector<16xf32>
        %parallel_loop3A_499 = arith.constant 20000 : i32
        %parallel_loop3A_500 = tpu.memref_slice %arg7[%parallel_loop3A_499] : memref<40000xf32, #tpu.memory_space<vmem>> -> memref<10000xf32, #tpu.memory_space<vmem>>
        tpu.vector_store_idx %parallel_loop3A_500[%parallel_loop3A_477], %parallel_loop3A_498 {add = true} : memref<10000xf32, #tpu.memory_space<vmem>>[vector<16xi32>], vector<16xf32>,
        %parallel_loop3A_501 = arith.mulf %parallel_loop3A_491, %parallel_loop3A_479 : vector<16xf32>
        %parallel_loop3A_502 = arith.constant 30000 : i32
        %parallel_loop3A_503 = tpu.memref_slice %arg7[%parallel_loop3A_502] : memref<40000xf32, #tpu.memory_space<vmem>> -> memref<10000xf32, #tpu.memory_space<vmem>>
        tpu.vector_store_idx %parallel_loop3A_503[%parallel_loop3A_477], %parallel_loop3A_501 {add = true} : memref<10000xf32, #tpu.memory_space<vmem>>[vector<16xi32>], vector<16xf32>,
      } {sc.loop_unroll_factor = 8 : i64, sc.parallel_access}
      %dma_wait3A_392 = arith.constant 0 : i32
      %dma_wait3A_393 = arith.constant 0 : i32
      %dma_wait3A_394 = arith.constant 0 : i32
      %dma_wait3A_395 = tpu.memref_slice %arg3[%dma_wait3A_392, %min3A_365, %dma_wait3A_393, %dma_wait3A_394] : memref<3x158x1x2048xi32, #tpu.memory_space<hbm>> -> memref<1x1x1x2048xi32, #tpu.memory_space<hbm>>
      %dma_wait3A_396 = tpu.memref_squeeze %dma_wait3A_395 : memref<1x1x1x2048xi32, #tpu.memory_space<hbm>> -> memref<2048xi32, #tpu.memory_space<hbm>>
      %dma_wait3A_397 = arith.constant 0 : i32
      %dma_wait3A_398 = tpu.memref_slice %arg3[%dma_wait3A_392, %min3A_365, %dma_wait3A_393, %dma_wait3A_397] : memref<3x158x1x2048xi32, #tpu.memory_space<hbm>> -> memref<1x1x1x2048xi32, #tpu.memory_space<hbm>>
      %dma_wait3A_399 = tpu.memref_squeeze %dma_wait3A_398 : memref<1x1x1x2048xi32, #tpu.memory_space<hbm>> -> memref<2048xi32, #tpu.memory_space<hbm>>
      tpu.wait_dma2 semaphore(%arg18 : memref<!tpu.dma_semaphore, #tpu.memory_space<semaphore_mem>>) src(%dma_wait3A_399 : memref<2048xi32, #tpu.memory_space<hbm>>) dst(%arg12 : memref<2048xi32, #tpu.memory_space<vmem>>)
      %dma_wait3A_400 = arith.constant 0 : i32
      %dma_wait3A_401 = arith.constant 0 : i32
      %dma_wait3A_402 = arith.constant 0 : i32
      %dma_wait3A_403 = tpu.memref_slice %arg4[%dma_wait3A_400, %min3A_365, %dma_wait3A_401, %dma_wait3A_402] : memref<3x158x1x2048xi32, #tpu.memory_space<hbm>> -> memref<1x1x1x2048xi32, #tpu.memory_space<hbm>>
      %dma_wait3A_404 = tpu.memref_squeeze %dma_wait3A_403 : memref<1x1x1x2048xi32, #tpu.memory_space<hbm>> -> memref<2048xi32, #tpu.memory_space<hbm>>
      %dma_wait3A_405 = arith.constant 0 : i32
      %dma_wait3A_406 = tpu.memref_slice %arg4[%dma_wait3A_400, %min3A_365, %dma_wait3A_401, %dma_wait3A_405] : memref<3x158x1x2048xi32, #tpu.memory_space<hbm>> -> memref<1x1x1x2048xi32, #tpu.memory_space<hbm>>
      %dma_wait3A_407 = tpu.memref_squeeze %dma_wait3A_406 : memref<1x1x1x2048xi32, #tpu.memory_space<hbm>> -> memref<2048xi32, #tpu.memory_space<hbm>>
      tpu.wait_dma2 semaphore(%arg19 : memref<!tpu.dma_semaphore, #tpu.memory_space<semaphore_mem>>) src(%dma_wait3A_407 : memref<2048xi32, #tpu.memory_space<hbm>>) dst(%arg13 : memref<2048xi32, #tpu.memory_space<vmem>>)
      %dma_wait3A_408 = arith.constant 0 : i32
      %dma_wait3A_409 = arith.constant 0 : i32
      %dma_wait3A_410 = arith.constant 0 : i32
      %dma_wait3A_411 = tpu.memref_slice %arg5[%dma_wait3A_408, %min3A_365, %dma_wait3A_409, %dma_wait3A_410] : memref<3x158x1x2048xf32, #tpu.memory_space<hbm>> -> memref<1x1x1x2048xf32, #tpu.memory_space<hbm>>
      %dma_wait3A_412 = tpu.memref_squeeze %dma_wait3A_411 : memref<1x1x1x2048xf32, #tpu.memory_space<hbm>> -> memref<2048xf32, #tpu.memory_space<hbm>>
      %dma_wait3A_413 = arith.constant 0 : i32
      %dma_wait3A_414 = tpu.memref_slice %arg5[%dma_wait3A_408, %min3A_365, %dma_wait3A_409, %dma_wait3A_413] : memref<3x158x1x2048xf32, #tpu.memory_space<hbm>> -> memref<1x1x1x2048xf32, #tpu.memory_space<hbm>>
      %dma_wait3A_415 = tpu.memref_squeeze %dma_wait3A_414 : memref<1x1x1x2048xf32, #tpu.memory_space<hbm>> -> memref<2048xf32, #tpu.memory_space<hbm>>
      tpu.wait_dma2 semaphore(%arg20 : memref<!tpu.dma_semaphore, #tpu.memory_space<semaphore_mem>>) src(%dma_wait3A_415 : memref<2048xf32, #tpu.memory_space<hbm>>) dst(%arg14 : memref<2048xf32, #tpu.memory_space<vmem>>)
      %add3A_416 = arith.constant 2 : i32
      %add3A_417 = arith.addi %mul3A_362, %add3A_416 : i32
      %min3A_418 = arith.constant 157 : i32
      %min3A_419 = arith.minsi %add3A_417, %min3A_418 : i32
      %dma_start3A_420 = arith.constant 0 : i32
      %dma_start3A_421 = arith.constant 0 : i32
      %dma_start3A_422 = arith.constant 0 : i32
      %dma_start3A_423 = tpu.memref_slice %arg3[%dma_start3A_420, %min3A_419, %dma_start3A_421, %dma_start3A_422] : memref<3x158x1x2048xi32, #tpu.memory_space<hbm>> -> memref<1x1x1x2048xi32, #tpu.memory_space<hbm>>
      %dma_start3A_424 = tpu.memref_squeeze %dma_start3A_423 : memref<1x1x1x2048xi32, #tpu.memory_space<hbm>> -> memref<2048xi32, #tpu.memory_space<hbm>>
      %dma_start3A_425 = arith.constant 0 : i32
      %dma_start3A_426 = tpu.memref_slice %arg3[%dma_start3A_420, %min3A_419, %dma_start3A_421, %dma_start3A_425] : memref<3x158x1x2048xi32, #tpu.memory_space<hbm>> -> memref<1x1x1x2048xi32, #tpu.memory_space<hbm>>
      %dma_start3A_427 = tpu.memref_squeeze %dma_start3A_426 : memref<1x1x1x2048xi32, #tpu.memory_space<hbm>> -> memref<2048xi32, #tpu.memory_space<hbm>>
      tpu.enqueue_dma source(%dma_start3A_427 : memref<2048xi32, #tpu.memory_space<hbm>>) target(%arg9 : memref<2048xi32, #tpu.memory_space<vmem>>) target_semaphore(%arg15 : memref<!tpu.dma_semaphore, #tpu.memory_space<semaphore_mem>>)
      %dma_start3A_428 = arith.constant 0 : i32
      %dma_start3A_429 = arith.constant 0 : i32
      %dma_start3A_430 = arith.constant 0 : i32
      %dma_start3A_431 = tpu.memref_slice %arg4[%dma_start3A_428, %min3A_419, %dma_start3A_429, %dma_start3A_430] : memref<3x158x1x2048xi32, #tpu.memory_space<hbm>> -> memref<1x1x1x2048xi32, #tpu.memory_space<hbm>>
      %dma_start3A_432 = tpu.memref_squeeze %dma_start3A_431 : memref<1x1x1x2048xi32, #tpu.memory_space<hbm>> -> memref<2048xi32, #tpu.memory_space<hbm>>
      %dma_start3A_433 = arith.constant 0 : i32
      %dma_start3A_434 = tpu.memref_slice %arg4[%dma_start3A_428, %min3A_419, %dma_start3A_429, %dma_start3A_433] : memref<3x158x1x2048xi32, #tpu.memory_space<hbm>> -> memref<1x1x1x2048xi32, #tpu.memory_space<hbm>>
      %dma_start3A_435 = tpu.memref_squeeze %dma_start3A_434 : memref<1x1x1x2048xi32, #tpu.memory_space<hbm>> -> memref<2048xi32, #tpu.memory_space<hbm>>
      tpu.enqueue_dma source(%dma_start3A_435 : memref<2048xi32, #tpu.memory_space<hbm>>) target(%arg10 : memref<2048xi32, #tpu.memory_space<vmem>>) target_semaphore(%arg16 : memref<!tpu.dma_semaphore, #tpu.memory_space<semaphore_mem>>)
      %dma_start3A_436 = arith.constant 0 : i32
      %dma_start3A_437 = arith.constant 0 : i32
      %dma_start3A_438 = arith.constant 0 : i32
      %dma_start3A_439 = tpu.memref_slice %arg5[%dma_start3A_436, %min3A_419, %dma_start3A_437, %dma_start3A_438] : memref<3x158x1x2048xf32, #tpu.memory_space<hbm>> -> memref<1x1x1x2048xf32, #tpu.memory_space<hbm>>
      %dma_start3A_440 = tpu.memref_squeeze %dma_start3A_439 : memref<1x1x1x2048xf32, #tpu.memory_space<hbm>> -> memref<2048xf32, #tpu.memory_space<hbm>>
      %dma_start3A_441 = arith.constant 0 : i32
      %dma_start3A_442 = tpu.memref_slice %arg5[%dma_start3A_436, %min3A_419, %dma_start3A_437, %dma_start3A_441] : memref<3x158x1x2048xf32, #tpu.memory_space<hbm>> -> memref<1x1x1x2048xf32, #tpu.memory_space<hbm>>
      %dma_start3A_443 = tpu.memref_squeeze %dma_start3A_442 : memref<1x1x1x2048xf32, #tpu.memory_space<hbm>> -> memref<2048xf32, #tpu.memory_space<hbm>>
      tpu.enqueue_dma source(%dma_start3A_443 : memref<2048xf32, #tpu.memory_space<hbm>>) target(%arg11 : memref<2048xf32, #tpu.memory_space<vmem>>) target_semaphore(%arg17 : memref<!tpu.dma_semaphore, #tpu.memory_space<semaphore_mem>>)
      %parallel_loop3A_444 = arith.constant 0 : i32
      %parallel_loop3A_445 = arith.constant 128 : i32
      %parallel_loop3A_446 = arith.constant 1 : i32
      scf.for %parallel_loop3A_471 = %parallel_loop3A_444 to %parallel_loop3A_445 step %parallel_loop3A_446  : i32 {
        %parallel_loop3A_472 = arith.constant 16 : i32
        %parallel_loop3A_473 = arith.muli %parallel_loop3A_471, %parallel_loop3A_472 : i32
        %parallel_loop3A_474 = arith.index_cast %parallel_loop3A_473 : i32 to index
        %parallel_loop3A_475 = tpu.vector_load %arg12[%parallel_loop3A_474] {strides = array<i32>} : memref<2048xi32, #tpu.memory_space<vmem>>, vector<16xi32>,
        %parallel_loop3A_476 = arith.index_cast %parallel_loop3A_473 : i32 to index
        %parallel_loop3A_477 = tpu.vector_load %arg13[%parallel_loop3A_476] {strides = array<i32>} : memref<2048xi32, #tpu.memory_space<vmem>>, vector<16xi32>,
        %parallel_loop3A_478 = arith.index_cast %parallel_loop3A_473 : i32 to index
        %parallel_loop3A_479 = tpu.vector_load %arg14[%parallel_loop3A_478] {strides = array<i32>} : memref<2048xf32, #tpu.memory_space<vmem>>, vector<16xf32>,
        %parallel_loop3A_480 = arith.constant 0 : i32
        %parallel_loop3A_481 = tpu.memref_slice %arg8[%parallel_loop3A_480] : memref<40000xf32, #tpu.memory_space<vmem>> -> memref<10000xf32, #tpu.memory_space<vmem>>
        %parallel_loop3A_482 = tpu.vector_load_idx %parallel_loop3A_481[%parallel_loop3A_475] : memref<10000xf32, #tpu.memory_space<vmem>>[vector<16xi32>], vector<16xf32>,
        %parallel_loop3A_483 = arith.constant 10000 : i32
        %parallel_loop3A_484 = tpu.memref_slice %arg8[%parallel_loop3A_483] : memref<40000xf32, #tpu.memory_space<vmem>> -> memref<10000xf32, #tpu.memory_space<vmem>>
        %parallel_loop3A_485 = tpu.vector_load_idx %parallel_loop3A_484[%parallel_loop3A_475] : memref<10000xf32, #tpu.memory_space<vmem>>[vector<16xi32>], vector<16xf32>,
        %parallel_loop3A_486 = arith.constant 20000 : i32
        %parallel_loop3A_487 = tpu.memref_slice %arg8[%parallel_loop3A_486] : memref<40000xf32, #tpu.memory_space<vmem>> -> memref<10000xf32, #tpu.memory_space<vmem>>
        %parallel_loop3A_488 = tpu.vector_load_idx %parallel_loop3A_487[%parallel_loop3A_475] : memref<10000xf32, #tpu.memory_space<vmem>>[vector<16xi32>], vector<16xf32>,
        %parallel_loop3A_489 = arith.constant 30000 : i32
        %parallel_loop3A_490 = tpu.memref_slice %arg8[%parallel_loop3A_489] : memref<40000xf32, #tpu.memory_space<vmem>> -> memref<10000xf32, #tpu.memory_space<vmem>>
        %parallel_loop3A_491 = tpu.vector_load_idx %parallel_loop3A_490[%parallel_loop3A_475] : memref<10000xf32, #tpu.memory_space<vmem>>[vector<16xi32>], vector<16xf32>,
        %parallel_loop3A_492 = arith.mulf %parallel_loop3A_482, %parallel_loop3A_479 : vector<16xf32>
        %parallel_loop3A_493 = arith.constant 0 : i32
        %parallel_loop3A_494 = tpu.memref_slice %arg7[%parallel_loop3A_493] : memref<40000xf32, #tpu.memory_space<vmem>> -> memref<10000xf32, #tpu.memory_space<vmem>>
        tpu.vector_store_idx %parallel_loop3A_494[%parallel_loop3A_477], %parallel_loop3A_492 {add = true} : memref<10000xf32, #tpu.memory_space<vmem>>[vector<16xi32>], vector<16xf32>,
        %parallel_loop3A_495 = arith.mulf %parallel_loop3A_485, %parallel_loop3A_479 : vector<16xf32>
        %parallel_loop3A_496 = arith.constant 10000 : i32
        %parallel_loop3A_497 = tpu.memref_slice %arg7[%parallel_loop3A_496] : memref<40000xf32, #tpu.memory_space<vmem>> -> memref<10000xf32, #tpu.memory_space<vmem>>
        tpu.vector_store_idx %parallel_loop3A_497[%parallel_loop3A_477], %parallel_loop3A_495 {add = true} : memref<10000xf32, #tpu.memory_space<vmem>>[vector<16xi32>], vector<16xf32>,
        %parallel_loop3A_498 = arith.mulf %parallel_loop3A_488, %parallel_loop3A_479 : vector<16xf32>
        %parallel_loop3A_499 = arith.constant 20000 : i32
        %parallel_loop3A_500 = tpu.memref_slice %arg7[%parallel_loop3A_499] : memref<40000xf32, #tpu.memory_space<vmem>> -> memref<10000xf32, #tpu.memory_space<vmem>>
        tpu.vector_store_idx %parallel_loop3A_500[%parallel_loop3A_477], %parallel_loop3A_498 {add = true} : memref<10000xf32, #tpu.memory_space<vmem>>[vector<16xi32>], vector<16xf32>,
        %parallel_loop3A_501 = arith.mulf %parallel_loop3A_491, %parallel_loop3A_479 : vector<16xf32>
        %parallel_loop3A_502 = arith.constant 30000 : i32
        %parallel_loop3A_503 = tpu.memref_slice %arg7[%parallel_loop3A_502] : memref<40000xf32, #tpu.memory_space<vmem>> -> memref<10000xf32, #tpu.memory_space<vmem>>
        tpu.vector_store_idx %parallel_loop3A_503[%parallel_loop3A_477], %parallel_loop3A_501 {add = true} : memref<10000xf32, #tpu.memory_space<vmem>>[vector<16xi32>], vector<16xf32>,
      } {sc.loop_unroll_factor = 8 : i64, sc.parallel_access}
      %dma_wait3A_447 = arith.constant 0 : i32
      %dma_wait3A_448 = arith.constant 0 : i32
      %dma_wait3A_449 = arith.constant 0 : i32
      %dma_wait3A_450 = tpu.memref_slice %arg3[%dma_wait3A_447, %min3A_419, %dma_wait3A_448, %dma_wait3A_449] : memref<3x158x1x2048xi32, #tpu.memory_space<hbm>> -> memref<1x1x1x2048xi32, #tpu.memory_space<hbm>>
      %dma_wait3A_451 = tpu.memref_squeeze %dma_wait3A_450 : memref<1x1x1x2048xi32, #tpu.memory_space<hbm>> -> memref<2048xi32, #tpu.memory_space<hbm>>
      %dma_wait3A_452 = arith.constant 0 : i32
      %dma_wait3A_453 = tpu.memref_slice %arg3[%dma_wait3A_447, %min3A_419, %dma_wait3A_448, %dma_wait3A_452] : memref<3x158x1x2048xi32, #tpu.memory_space<hbm>> -> memref<1x1x1x2048xi32, #tpu.memory_space<hbm>>
      %dma_wait3A_454 = tpu.memref_squeeze %dma_wait3A_453 : memref<1x1x1x2048xi32, #tpu.memory_space<hbm>> -> memref<2048xi32, #tpu.memory_space<hbm>>
      tpu.wait_dma2 semaphore(%arg15 : memref<!tpu.dma_semaphore, #tpu.memory_space<semaphore_mem>>) src(%dma_wait3A_454 : memref<2048xi32, #tpu.memory_space<hbm>>) dst(%arg9 : memref<2048xi32, #tpu.memory_space<vmem>>)
      %dma_wait3A_455 = arith.constant 0 : i32
      %dma_wait3A_456 = arith.constant 0 : i32
      %dma_wait3A_457 = arith.constant 0 : i32
      %dma_wait3A_458 = tpu.memref_slice %arg4[%dma_wait3A_455, %min3A_419, %dma_wait3A_456, %dma_wait3A_457] : memref<3x158x1x2048xi32, #tpu.memory_space<hbm>> -> memref<1x1x1x2048xi32, #tpu.memory_space<hbm>>
      %dma_wait3A_459 = tpu.memref_squeeze %dma_wait3A_458 : memref<1x1x1x2048xi32, #tpu.memory_space<hbm>> -> memref<2048xi32, #tpu.memory_space<hbm>>
      %dma_wait3A_460 = arith.constant 0 : i32
      %dma_wait3A_461 = tpu.memref_slice %arg4[%dma_wait3A_455, %min3A_419, %dma_wait3A_456, %dma_wait3A_460] : memref<3x158x1x2048xi32, #tpu.memory_space<hbm>> -> memref<1x1x1x2048xi32, #tpu.memory_space<hbm>>
      %dma_wait3A_462 = tpu.memref_squeeze %dma_wait3A_461 : memref<1x1x1x2048xi32, #tpu.memory_space<hbm>> -> memref<2048xi32, #tpu.memory_space<hbm>>
      tpu.wait_dma2 semaphore(%arg16 : memref<!tpu.dma_semaphore, #tpu.memory_space<semaphore_mem>>) src(%dma_wait3A_462 : memref<2048xi32, #tpu.memory_space<hbm>>) dst(%arg10 : memref<2048xi32, #tpu.memory_space<vmem>>)
      %dma_wait3A_463 = arith.constant 0 : i32
      %dma_wait3A_464 = arith.constant 0 : i32
      %dma_wait3A_465 = arith.constant 0 : i32
      %dma_wait3A_466 = tpu.memref_slice %arg5[%dma_wait3A_463, %min3A_419, %dma_wait3A_464, %dma_wait3A_465] : memref<3x158x1x2048xf32, #tpu.memory_space<hbm>> -> memref<1x1x1x2048xf32, #tpu.memory_space<hbm>>
      %dma_wait3A_467 = tpu.memref_squeeze %dma_wait3A_466 : memref<1x1x1x2048xf32, #tpu.memory_space<hbm>> -> memref<2048xf32, #tpu.memory_space<hbm>>
      %dma_wait3A_468 = arith.constant 0 : i32
      %dma_wait3A_469 = tpu.memref_slice %arg5[%dma_wait3A_463, %min3A_419, %dma_wait3A_464, %dma_wait3A_468] : memref<3x158x1x2048xf32, #tpu.memory_space<hbm>> -> memref<1x1x1x2048xf32, #tpu.memory_space<hbm>>
      %dma_wait3A_470 = tpu.memref_squeeze %dma_wait3A_469 : memref<1x1x1x2048xf32, #tpu.memory_space<hbm>> -> memref<2048xf32, #tpu.memory_space<hbm>>
      tpu.wait_dma2 semaphore(%arg17 : memref<!tpu.dma_semaphore, #tpu.memory_space<semaphore_mem>>) src(%dma_wait3A_470 : memref<2048xf32, #tpu.memory_space<hbm>>) dst(%arg11 : memref<2048xf32, #tpu.memory_space<vmem>>)
    }
    %scan3A_117 = arith.constant 79 : i32
    %run_scoped3A = arith.constant 0 : i32
    "tpu.region"() ({
      %run_scoped3A_360 = tpu.sem_alloc : memref<!tpu.dma_semaphore, #tpu.memory_space<semaphore_mem>>
      %dma_start3A_361 = arith.constant 0 : i32
      %dma_start3A_362 = tpu.memref_slice %arg6[%run_scoped3A, %add3A, %dma_start3A_361] : memref<3x32x40000xf32, #tpu.memory_space<hbm>> -> memref<1x1x40000xf32, #tpu.memory_space<hbm>>
      %dma_start3A_363 = tpu.memref_squeeze %dma_start3A_362 : memref<1x1x40000xf32, #tpu.memory_space<hbm>> -> memref<40000xf32, #tpu.memory_space<hbm>>
      %dma_start3A_364 = arith.constant 0 : i32
      %dma_start3A_365 = tpu.memref_slice %arg6[%run_scoped3A, %add3A, %dma_start3A_364] : memref<3x32x40000xf32, #tpu.memory_space<hbm>> -> memref<1x1x40000xf32, #tpu.memory_space<hbm>>
      %dma_start3A_366 = tpu.memref_squeeze %dma_start3A_365 : memref<1x1x40000xf32, #tpu.memory_space<hbm>> -> memref<40000xf32, #tpu.memory_space<hbm>>
      tpu.enqueue_dma source(%arg7 : memref<40000xf32, #tpu.memory_space<vmem>>) target(%dma_start3A_366 : memref<40000xf32, #tpu.memory_space<hbm>>) target_semaphore(%run_scoped3A_360 : memref<!tpu.dma_semaphore, #tpu.memory_space<semaphore_mem>>)
      %dma_wait3A_367 = arith.constant 0 : i32
      %dma_wait3A_368 = tpu.memref_slice %arg6[%run_scoped3A, %add3A, %dma_wait3A_367] : memref<3x32x40000xf32, #tpu.memory_space<hbm>> -> memref<1x1x40000xf32, #tpu.memory_space<hbm>>
      %dma_wait3A_369 = tpu.memref_squeeze %dma_wait3A_368 : memref<1x1x40000xf32, #tpu.memory_space<hbm>> -> memref<40000xf32, #tpu.memory_space<hbm>>
      %dma_wait3A_370 = arith.constant 0 : i32
      %dma_wait3A_371 = tpu.memref_slice %arg6[%run_scoped3A, %add3A, %dma_wait3A_370] : memref<3x32x40000xf32, #tpu.memory_space<hbm>> -> memref<1x1x40000xf32, #tpu.memory_space<hbm>>
      %dma_wait3A_372 = tpu.memref_squeeze %dma_wait3A_371 : memref<1x1x40000xf32, #tpu.memory_space<hbm>> -> memref<40000xf32, #tpu.memory_space<hbm>>
      tpu.wait_dma2 semaphore(%run_scoped3A_360 : memref<!tpu.dma_semaphore, #tpu.memory_space<semaphore_mem>>) src(%arg7 : memref<40000xf32, #tpu.memory_space<vmem>>) dst(%dma_wait3A_372 : memref<40000xf32, #tpu.memory_space<hbm>>)
      tpu.yield
    }) : () -> ()
    "tpu.region"() ({
      %run_scoped3A_360 = tpu.sem_alloc : memref<!tpu.dma_semaphore, #tpu.memory_space<semaphore_mem>>
      %dma_start3A_361 = arith.constant 0 : i32
      %dma_start3A_362 = tpu.memref_slice %arg2[%add3A, %dma_start3A_361] : memref<32x40000xf32, #tpu.memory_space<hbm>> -> memref<1x40000xf32, #tpu.memory_space<hbm>>
      %dma_start3A_363 = tpu.memref_squeeze %dma_start3A_362 : memref<1x40000xf32, #tpu.memory_space<hbm>> -> memref<40000xf32, #tpu.memory_space<hbm>>
      %dma_start3A_364 = arith.constant 0 : i32
      %dma_start3A_365 = tpu.memref_slice %arg2[%add3A, %dma_start3A_364] : memref<32x40000xf32, #tpu.memory_space<hbm>> -> memref<1x40000xf32, #tpu.memory_space<hbm>>
      %dma_start3A_366 = tpu.memref_squeeze %dma_start3A_365 : memref<1x40000xf32, #tpu.memory_space<hbm>> -> memref<40000xf32, #tpu.memory_space<hbm>>
      tpu.enqueue_dma source(%dma_start3A_366 : memref<40000xf32, #tpu.memory_space<hbm>>) target(%arg7 : memref<40000xf32, #tpu.memory_space<vmem>>) target_semaphore(%run_scoped3A_360 : memref<!tpu.dma_semaphore, #tpu.memory_space<semaphore_mem>>)
      %dma_wait3A_367 = arith.constant 0 : i32
      %dma_wait3A_368 = tpu.memref_slice %arg2[%add3A, %dma_wait3A_367] : memref<32x40000xf32, #tpu.memory_space<hbm>> -> memref<1x40000xf32, #tpu.memory_space<hbm>>
      %dma_wait3A_369 = tpu.memref_squeeze %dma_wait3A_368 : memref<1x40000xf32, #tpu.memory_space<hbm>> -> memref<40000xf32, #tpu.memory_space<hbm>>
      %dma_wait3A_370 = arith.constant 0 : i32
      %dma_wait3A_371 = tpu.memref_slice %arg2[%add3A, %dma_wait3A_370] : memref<32x40000xf32, #tpu.memory_space<hbm>> -> memref<1x40000xf32, #tpu.memory_space<hbm>>
      %dma_wait3A_372 = tpu.memref_squeeze %dma_wait3A_371 : memref<1x40000xf32, #tpu.memory_space<hbm>> -> memref<40000xf32, #tpu.memory_space<hbm>>
      tpu.wait_dma2 semaphore(%run_scoped3A_360 : memref<!tpu.dma_semaphore, #tpu.memory_space<semaphore_mem>>) src(%dma_wait3A_372 : memref<40000xf32, #tpu.memory_space<hbm>>) dst(%arg7 : memref<40000xf32, #tpu.memory_space<vmem>>)
      tpu.yield
    }) : () -> ()
    "tpu.region"() ({
      %run_scoped3A_360 = tpu.sem_alloc : memref<!tpu.dma_semaphore, #tpu.memory_space<semaphore_mem>>
      %dma_start3A_361 = arith.constant 0 : i32
      %dma_start3A_362 = tpu.memref_slice %arg2[%add3A, %dma_start3A_361] : memref<32x40000xf32, #tpu.memory_space<hbm>> -> memref<1x40000xf32, #tpu.memory_space<hbm>>
      %dma_start3A_363 = tpu.memref_squeeze %dma_start3A_362 : memref<1x40000xf32, #tpu.memory_space<hbm>> -> memref<40000xf32, #tpu.memory_space<hbm>>
      %dma_start3A_364 = arith.constant 0 : i32
      %dma_start3A_365 = tpu.memref_slice %arg2[%add3A, %dma_start3A_364] : memref<32x40000xf32, #tpu.memory_space<hbm>> -> memref<1x40000xf32, #tpu.memory_space<hbm>>
      %dma_start3A_366 = tpu.memref_squeeze %dma_start3A_365 : memref<1x40000xf32, #tpu.memory_space<hbm>> -> memref<40000xf32, #tpu.memory_space<hbm>>
      tpu.enqueue_dma source(%dma_start3A_366 : memref<40000xf32, #tpu.memory_space<hbm>>) target(%arg8 : memref<40000xf32, #tpu.memory_space<vmem>>) target_semaphore(%run_scoped3A_360 : memref<!tpu.dma_semaphore, #tpu.memory_space<semaphore_mem>>)
      %dma_wait3A_367 = arith.constant 0 : i32
      %dma_wait3A_368 = tpu.memref_slice %arg2[%add3A, %dma_wait3A_367] : memref<32x40000xf32, #tpu.memory_space<hbm>> -> memref<1x40000xf32, #tpu.memory_space<hbm>>
      %dma_wait3A_369 = tpu.memref_squeeze %dma_wait3A_368 : memref<1x40000xf32, #tpu.memory_space<hbm>> -> memref<40000xf32, #tpu.memory_space<hbm>>
      %dma_wait3A_370 = arith.constant 0 : i32
      %dma_wait3A_371 = tpu.memref_slice %arg2[%add3A, %dma_wait3A_370] : memref<32x40000xf32, #tpu.memory_space<hbm>> -> memref<1x40000xf32, #tpu.memory_space<hbm>>
      %dma_wait3A_372 = tpu.memref_squeeze %dma_wait3A_371 : memref<1x40000xf32, #tpu.memory_space<hbm>> -> memref<40000xf32, #tpu.memory_space<hbm>>
      tpu.wait_dma2 semaphore(%run_scoped3A_360 : memref<!tpu.dma_semaphore, #tpu.memory_space<semaphore_mem>>) src(%dma_wait3A_372 : memref<40000xf32, #tpu.memory_space<hbm>>) dst(%arg8 : memref<40000xf32, #tpu.memory_space<vmem>>)
      tpu.yield
    }) : () -> ()
    %dma_start3A_118 = arith.constant 1 : i32
    %dma_start3A_119 = arith.constant 0 : i32
    %dma_start3A_120 = arith.constant 0 : i32
    %dma_start3A_121 = arith.constant 0 : i32
    %dma_start3A_122 = tpu.memref_slice %arg3[%dma_start3A_118, %dma_start3A_119, %dma_start3A_120, %dma_start3A_121] : memref<3x158x1x2048xi32, #tpu.memory_space<hbm>> -> memref<1x1x1x2048xi32, #tpu.memory_space<hbm>>
    %dma_start3A_123 = tpu.memref_squeeze %dma_start3A_122 : memref<1x1x1x2048xi32, #tpu.memory_space<hbm>> -> memref<2048xi32, #tpu.memory_space<hbm>>
    %dma_start3A_124 = arith.constant 0 : i32
    %dma_start3A_125 = tpu.memref_slice %arg3[%dma_start3A_118, %dma_start3A_119, %dma_start3A_120, %dma_start3A_124] : memref<3x158x1x2048xi32, #tpu.memory_space<hbm>> -> memref<1x1x1x2048xi32, #tpu.memory_space<hbm>>
    %dma_start3A_126 = tpu.memref_squeeze %dma_start3A_125 : memref<1x1x1x2048xi32, #tpu.memory_space<hbm>> -> memref<2048xi32, #tpu.memory_space<hbm>>
    tpu.enqueue_dma source(%dma_start3A_126 : memref<2048xi32, #tpu.memory_space<hbm>>) target(%arg9 : memref<2048xi32, #tpu.memory_space<vmem>>) target_semaphore(%arg15 : memref<!tpu.dma_semaphore, #tpu.memory_space<semaphore_mem>>)
    %dma_start3A_127 = arith.constant 1 : i32
    %dma_start3A_128 = arith.constant 0 : i32
    %dma_start3A_129 = arith.constant 0 : i32
    %dma_start3A_130 = arith.constant 0 : i32
    %dma_start3A_131 = tpu.memref_slice %arg4[%dma_start3A_127, %dma_start3A_128, %dma_start3A_129, %dma_start3A_130] : memref<3x158x1x2048xi32, #tpu.memory_space<hbm>> -> memref<1x1x1x2048xi32, #tpu.memory_space<hbm>>
    %dma_start3A_132 = tpu.memref_squeeze %dma_start3A_131 : memref<1x1x1x2048xi32, #tpu.memory_space<hbm>> -> memref<2048xi32, #tpu.memory_space<hbm>>
    %dma_start3A_133 = arith.constant 0 : i32
    %dma_start3A_134 = tpu.memref_slice %arg4[%dma_start3A_127, %dma_start3A_128, %dma_start3A_129, %dma_start3A_133] : memref<3x158x1x2048xi32, #tpu.memory_space<hbm>> -> memref<1x1x1x2048xi32, #tpu.memory_space<hbm>>
    %dma_start3A_135 = tpu.memref_squeeze %dma_start3A_134 : memref<1x1x1x2048xi32, #tpu.memory_space<hbm>> -> memref<2048xi32, #tpu.memory_space<hbm>>
    tpu.enqueue_dma source(%dma_start3A_135 : memref<2048xi32, #tpu.memory_space<hbm>>) target(%arg10 : memref<2048xi32, #tpu.memory_space<vmem>>) target_semaphore(%arg16 : memref<!tpu.dma_semaphore, #tpu.memory_space<semaphore_mem>>)
    %dma_start3A_136 = arith.constant 1 : i32
    %dma_start3A_137 = arith.constant 0 : i32
    %dma_start3A_138 = arith.constant 0 : i32
    %dma_start3A_139 = arith.constant 0 : i32
    %dma_start3A_140 = tpu.memref_slice %arg5[%dma_start3A_136, %dma_start3A_137, %dma_start3A_138, %dma_start3A_139] : memref<3x158x1x2048xf32, #tpu.memory_space<hbm>> -> memref<1x1x1x2048xf32, #tpu.memory_space<hbm>>
    %dma_start3A_141 = tpu.memref_squeeze %dma_start3A_140 : memref<1x1x1x2048xf32, #tpu.memory_space<hbm>> -> memref<2048xf32, #tpu.memory_space<hbm>>
    %dma_start3A_142 = arith.constant 0 : i32
    %dma_start3A_143 = tpu.memref_slice %arg5[%dma_start3A_136, %dma_start3A_137, %dma_start3A_138, %dma_start3A_142] : memref<3x158x1x2048xf32, #tpu.memory_space<hbm>> -> memref<1x1x1x2048xf32, #tpu.memory_space<hbm>>
    %dma_start3A_144 = tpu.memref_squeeze %dma_start3A_143 : memref<1x1x1x2048xf32, #tpu.memory_space<hbm>> -> memref<2048xf32, #tpu.memory_space<hbm>>
    tpu.enqueue_dma source(%dma_start3A_144 : memref<2048xf32, #tpu.memory_space<hbm>>) target(%arg11 : memref<2048xf32, #tpu.memory_space<vmem>>) target_semaphore(%arg17 : memref<!tpu.dma_semaphore, #tpu.memory_space<semaphore_mem>>)
    %dma_wait3A_145 = arith.constant 1 : i32
    %dma_wait3A_146 = arith.constant 0 : i32
    %dma_wait3A_147 = arith.constant 0 : i32
    %dma_wait3A_148 = arith.constant 0 : i32
    %dma_wait3A_149 = tpu.memref_slice %arg3[%dma_wait3A_145, %dma_wait3A_146, %dma_wait3A_147, %dma_wait3A_148] : memref<3x158x1x2048xi32, #tpu.memory_space<hbm>> -> memref<1x1x1x2048xi32, #tpu.memory_space<hbm>>
    %dma_wait3A_150 = tpu.memref_squeeze %dma_wait3A_149 : memref<1x1x1x2048xi32, #tpu.memory_space<hbm>> -> memref<2048xi32, #tpu.memory_space<hbm>>
    %dma_wait3A_151 = arith.constant 0 : i32
    %dma_wait3A_152 = tpu.memref_slice %arg3[%dma_wait3A_145, %dma_wait3A_146, %dma_wait3A_147, %dma_wait3A_151] : memref<3x158x1x2048xi32, #tpu.memory_space<hbm>> -> memref<1x1x1x2048xi32, #tpu.memory_space<hbm>>
    %dma_wait3A_153 = tpu.memref_squeeze %dma_wait3A_152 : memref<1x1x1x2048xi32, #tpu.memory_space<hbm>> -> memref<2048xi32, #tpu.memory_space<hbm>>
    tpu.wait_dma2 semaphore(%arg15 : memref<!tpu.dma_semaphore, #tpu.memory_space<semaphore_mem>>) src(%dma_wait3A_153 : memref<2048xi32, #tpu.memory_space<hbm>>) dst(%arg9 : memref<2048xi32, #tpu.memory_space<vmem>>)
    %dma_wait3A_154 = arith.constant 1 : i32
    %dma_wait3A_155 = arith.constant 0 : i32
    %dma_wait3A_156 = arith.constant 0 : i32
    %dma_wait3A_157 = arith.constant 0 : i32
    %dma_wait3A_158 = tpu.memref_slice %arg4[%dma_wait3A_154, %dma_wait3A_155, %dma_wait3A_156, %dma_wait3A_157] : memref<3x158x1x2048xi32, #tpu.memory_space<hbm>> -> memref<1x1x1x2048xi32, #tpu.memory_space<hbm>>
    %dma_wait3A_159 = tpu.memref_squeeze %dma_wait3A_158 : memref<1x1x1x2048xi32, #tpu.memory_space<hbm>> -> memref<2048xi32, #tpu.memory_space<hbm>>
    %dma_wait3A_160 = arith.constant 0 : i32
    %dma_wait3A_161 = tpu.memref_slice %arg4[%dma_wait3A_154, %dma_wait3A_155, %dma_wait3A_156, %dma_wait3A_160] : memref<3x158x1x2048xi32, #tpu.memory_space<hbm>> -> memref<1x1x1x2048xi32, #tpu.memory_space<hbm>>
    %dma_wait3A_162 = tpu.memref_squeeze %dma_wait3A_161 : memref<1x1x1x2048xi32, #tpu.memory_space<hbm>> -> memref<2048xi32, #tpu.memory_space<hbm>>
    tpu.wait_dma2 semaphore(%arg16 : memref<!tpu.dma_semaphore, #tpu.memory_space<semaphore_mem>>) src(%dma_wait3A_162 : memref<2048xi32, #tpu.memory_space<hbm>>) dst(%arg10 : memref<2048xi32, #tpu.memory_space<vmem>>)
    %dma_wait3A_163 = arith.constant 1 : i32
    %dma_wait3A_164 = arith.constant 0 : i32
    %dma_wait3A_165 = arith.constant 0 : i32
    %dma_wait3A_166 = arith.constant 0 : i32
    %dma_wait3A_167 = tpu.memref_slice %arg5[%dma_wait3A_163, %dma_wait3A_164, %dma_wait3A_165, %dma_wait3A_166] : memref<3x158x1x2048xf32, #tpu.memory_space<hbm>> -> memref<1x1x1x2048xf32, #tpu.memory_space<hbm>>
    %dma_wait3A_168 = tpu.memref_squeeze %dma_wait3A_167 : memref<1x1x1x2048xf32, #tpu.memory_space<hbm>> -> memref<2048xf32, #tpu.memory_space<hbm>>
    %dma_wait3A_169 = arith.constant 0 : i32
    %dma_wait3A_170 = tpu.memref_slice %arg5[%dma_wait3A_163, %dma_wait3A_164, %dma_wait3A_165, %dma_wait3A_169] : memref<3x158x1x2048xf32, #tpu.memory_space<hbm>> -> memref<1x1x1x2048xf32, #tpu.memory_space<hbm>>
    %dma_wait3A_171 = tpu.memref_squeeze %dma_wait3A_170 : memref<1x1x1x2048xf32, #tpu.memory_space<hbm>> -> memref<2048xf32, #tpu.memory_space<hbm>>
    tpu.wait_dma2 semaphore(%arg17 : memref<!tpu.dma_semaphore, #tpu.memory_space<semaphore_mem>>) src(%dma_wait3A_171 : memref<2048xf32, #tpu.memory_space<hbm>>) dst(%arg11 : memref<2048xf32, #tpu.memory_space<vmem>>)
    %scan3A_172 = arith.constant 0 : i32
    %scan3A_173 = arith.constant 0 : i32
    %scan3A_174 = arith.constant 79 : i32
    %scan3A_175 = arith.addi %scan3A_173, %scan3A_174 : i32
    %scan3A_176 = arith.constant 1 : i32
    scf.for %scan3A_360 = %scan3A_173 to %scan3A_175 step %scan3A_176  : i32 {
      %mul3A_361 = arith.constant 2 : i32
      %mul3A_362 = arith.muli %scan3A_360, %mul3A_361 : i32
      %add3A_363 = arith.constant 1 : i32
      %add3A_364 = arith.addi %mul3A_362, %add3A_363 : i32
      %min3A = arith.constant 157 : i32
      %min3A_365 = arith.minsi %add3A_364, %min3A : i32
      %dma_start3A_366 = arith.constant 1 : i32
      %dma_start3A_367 = arith.constant 0 : i32
      %dma_start3A_368 = arith.constant 0 : i32
      %dma_start3A_369 = tpu.memref_slice %arg3[%dma_start3A_366, %min3A_365, %dma_start3A_367, %dma_start3A_368] : memref<3x158x1x2048xi32, #tpu.memory_space<hbm>> -> memref<1x1x1x2048xi32, #tpu.memory_space<hbm>>
      %dma_start3A_370 = tpu.memref_squeeze %dma_start3A_369 : memref<1x1x1x2048xi32, #tpu.memory_space<hbm>> -> memref<2048xi32, #tpu.memory_space<hbm>>
      %dma_start3A_371 = arith.constant 0 : i32
      %dma_start3A_372 = tpu.memref_slice %arg3[%dma_start3A_366, %min3A_365, %dma_start3A_367, %dma_start3A_371] : memref<3x158x1x2048xi32, #tpu.memory_space<hbm>> -> memref<1x1x1x2048xi32, #tpu.memory_space<hbm>>
      %dma_start3A_373 = tpu.memref_squeeze %dma_start3A_372 : memref<1x1x1x2048xi32, #tpu.memory_space<hbm>> -> memref<2048xi32, #tpu.memory_space<hbm>>
      tpu.enqueue_dma source(%dma_start3A_373 : memref<2048xi32, #tpu.memory_space<hbm>>) target(%arg12 : memref<2048xi32, #tpu.memory_space<vmem>>) target_semaphore(%arg18 : memref<!tpu.dma_semaphore, #tpu.memory_space<semaphore_mem>>)
      %dma_start3A_374 = arith.constant 1 : i32
      %dma_start3A_375 = arith.constant 0 : i32
      %dma_start3A_376 = arith.constant 0 : i32
      %dma_start3A_377 = tpu.memref_slice %arg4[%dma_start3A_374, %min3A_365, %dma_start3A_375, %dma_start3A_376] : memref<3x158x1x2048xi32, #tpu.memory_space<hbm>> -> memref<1x1x1x2048xi32, #tpu.memory_space<hbm>>
      %dma_start3A_378 = tpu.memref_squeeze %dma_start3A_377 : memref<1x1x1x2048xi32, #tpu.memory_space<hbm>> -> memref<2048xi32, #tpu.memory_space<hbm>>
      %dma_start3A_379 = arith.constant 0 : i32
      %dma_start3A_380 = tpu.memref_slice %arg4[%dma_start3A_374, %min3A_365, %dma_start3A_375, %dma_start3A_379] : memref<3x158x1x2048xi32, #tpu.memory_space<hbm>> -> memref<1x1x1x2048xi32, #tpu.memory_space<hbm>>
      %dma_start3A_381 = tpu.memref_squeeze %dma_start3A_380 : memref<1x1x1x2048xi32, #tpu.memory_space<hbm>> -> memref<2048xi32, #tpu.memory_space<hbm>>
      tpu.enqueue_dma source(%dma_start3A_381 : memref<2048xi32, #tpu.memory_space<hbm>>) target(%arg13 : memref<2048xi32, #tpu.memory_space<vmem>>) target_semaphore(%arg19 : memref<!tpu.dma_semaphore, #tpu.memory_space<semaphore_mem>>)
      %dma_start3A_382 = arith.constant 1 : i32
      %dma_start3A_383 = arith.constant 0 : i32
      %dma_start3A_384 = arith.constant 0 : i32
      %dma_start3A_385 = tpu.memref_slice %arg5[%dma_start3A_382, %min3A_365, %dma_start3A_383, %dma_start3A_384] : memref<3x158x1x2048xf32, #tpu.memory_space<hbm>> -> memref<1x1x1x2048xf32, #tpu.memory_space<hbm>>
      %dma_start3A_386 = tpu.memref_squeeze %dma_start3A_385 : memref<1x1x1x2048xf32, #tpu.memory_space<hbm>> -> memref<2048xf32, #tpu.memory_space<hbm>>
      %dma_start3A_387 = arith.constant 0 : i32
      %dma_start3A_388 = tpu.memref_slice %arg5[%dma_start3A_382, %min3A_365, %dma_start3A_383, %dma_start3A_387] : memref<3x158x1x2048xf32, #tpu.memory_space<hbm>> -> memref<1x1x1x2048xf32, #tpu.memory_space<hbm>>
      %dma_start3A_389 = tpu.memref_squeeze %dma_start3A_388 : memref<1x1x1x2048xf32, #tpu.memory_space<hbm>> -> memref<2048xf32, #tpu.memory_space<hbm>>
      tpu.enqueue_dma source(%dma_start3A_389 : memref<2048xf32, #tpu.memory_space<hbm>>) target(%arg14 : memref<2048xf32, #tpu.memory_space<vmem>>) target_semaphore(%arg20 : memref<!tpu.dma_semaphore, #tpu.memory_space<semaphore_mem>>)
      %parallel_loop3A = arith.constant 0 : i32
      %parallel_loop3A_390 = arith.constant 128 : i32
      %parallel_loop3A_391 = arith.constant 1 : i32
      scf.for %parallel_loop3A_471 = %parallel_loop3A to %parallel_loop3A_390 step %parallel_loop3A_391  : i32 {
        %parallel_loop3A_472 = arith.constant 16 : i32
        %parallel_loop3A_473 = arith.muli %parallel_loop3A_471, %parallel_loop3A_472 : i32
        %parallel_loop3A_474 = arith.index_cast %parallel_loop3A_473 : i32 to index
        %parallel_loop3A_475 = tpu.vector_load %arg9[%parallel_loop3A_474] {strides = array<i32>} : memref<2048xi32, #tpu.memory_space<vmem>>, vector<16xi32>,
        %parallel_loop3A_476 = arith.index_cast %parallel_loop3A_473 : i32 to index
        %parallel_loop3A_477 = tpu.vector_load %arg10[%parallel_loop3A_476] {strides = array<i32>} : memref<2048xi32, #tpu.memory_space<vmem>>, vector<16xi32>,
        %parallel_loop3A_478 = arith.index_cast %parallel_loop3A_473 : i32 to index
        %parallel_loop3A_479 = tpu.vector_load %arg11[%parallel_loop3A_478] {strides = array<i32>} : memref<2048xf32, #tpu.memory_space<vmem>>, vector<16xf32>,
        %parallel_loop3A_480 = arith.constant 0 : i32
        %parallel_loop3A_481 = tpu.memref_slice %arg7[%parallel_loop3A_480] : memref<40000xf32, #tpu.memory_space<vmem>> -> memref<10000xf32, #tpu.memory_space<vmem>>
        %parallel_loop3A_482 = tpu.vector_load_idx %parallel_loop3A_481[%parallel_loop3A_475] : memref<10000xf32, #tpu.memory_space<vmem>>[vector<16xi32>], vector<16xf32>,
        %parallel_loop3A_483 = arith.constant 10000 : i32
        %parallel_loop3A_484 = tpu.memref_slice %arg7[%parallel_loop3A_483] : memref<40000xf32, #tpu.memory_space<vmem>> -> memref<10000xf32, #tpu.memory_space<vmem>>
        %parallel_loop3A_485 = tpu.vector_load_idx %parallel_loop3A_484[%parallel_loop3A_475] : memref<10000xf32, #tpu.memory_space<vmem>>[vector<16xi32>], vector<16xf32>,
        %parallel_loop3A_486 = arith.constant 20000 : i32
        %parallel_loop3A_487 = tpu.memref_slice %arg7[%parallel_loop3A_486] : memref<40000xf32, #tpu.memory_space<vmem>> -> memref<10000xf32, #tpu.memory_space<vmem>>
        %parallel_loop3A_488 = tpu.vector_load_idx %parallel_loop3A_487[%parallel_loop3A_475] : memref<10000xf32, #tpu.memory_space<vmem>>[vector<16xi32>], vector<16xf32>,
        %parallel_loop3A_489 = arith.constant 30000 : i32
        %parallel_loop3A_490 = tpu.memref_slice %arg7[%parallel_loop3A_489] : memref<40000xf32, #tpu.memory_space<vmem>> -> memref<10000xf32, #tpu.memory_space<vmem>>
        %parallel_loop3A_491 = tpu.vector_load_idx %parallel_loop3A_490[%parallel_loop3A_475] : memref<10000xf32, #tpu.memory_space<vmem>>[vector<16xi32>], vector<16xf32>,
        %parallel_loop3A_492 = arith.mulf %parallel_loop3A_482, %parallel_loop3A_479 : vector<16xf32>
        %parallel_loop3A_493 = arith.constant 0 : i32
        %parallel_loop3A_494 = tpu.memref_slice %arg8[%parallel_loop3A_493] : memref<40000xf32, #tpu.memory_space<vmem>> -> memref<10000xf32, #tpu.memory_space<vmem>>
        tpu.vector_store_idx %parallel_loop3A_494[%parallel_loop3A_477], %parallel_loop3A_492 {add = true} : memref<10000xf32, #tpu.memory_space<vmem>>[vector<16xi32>], vector<16xf32>,
        %parallel_loop3A_495 = arith.mulf %parallel_loop3A_485, %parallel_loop3A_479 : vector<16xf32>
        %parallel_loop3A_496 = arith.constant 10000 : i32
        %parallel_loop3A_497 = tpu.memref_slice %arg8[%parallel_loop3A_496] : memref<40000xf32, #tpu.memory_space<vmem>> -> memref<10000xf32, #tpu.memory_space<vmem>>
        tpu.vector_store_idx %parallel_loop3A_497[%parallel_loop3A_477], %parallel_loop3A_495 {add = true} : memref<10000xf32, #tpu.memory_space<vmem>>[vector<16xi32>], vector<16xf32>,
        %parallel_loop3A_498 = arith.mulf %parallel_loop3A_488, %parallel_loop3A_479 : vector<16xf32>
        %parallel_loop3A_499 = arith.constant 20000 : i32
        %parallel_loop3A_500 = tpu.memref_slice %arg8[%parallel_loop3A_499] : memref<40000xf32, #tpu.memory_space<vmem>> -> memref<10000xf32, #tpu.memory_space<vmem>>
        tpu.vector_store_idx %parallel_loop3A_500[%parallel_loop3A_477], %parallel_loop3A_498 {add = true} : memref<10000xf32, #tpu.memory_space<vmem>>[vector<16xi32>], vector<16xf32>,
        %parallel_loop3A_501 = arith.mulf %parallel_loop3A_491, %parallel_loop3A_479 : vector<16xf32>
        %parallel_loop3A_502 = arith.constant 30000 : i32
        %parallel_loop3A_503 = tpu.memref_slice %arg8[%parallel_loop3A_502] : memref<40000xf32, #tpu.memory_space<vmem>> -> memref<10000xf32, #tpu.memory_space<vmem>>
        tpu.vector_store_idx %parallel_loop3A_503[%parallel_loop3A_477], %parallel_loop3A_501 {add = true} : memref<10000xf32, #tpu.memory_space<vmem>>[vector<16xi32>], vector<16xf32>,
      } {sc.loop_unroll_factor = 8 : i64, sc.parallel_access}
      %dma_wait3A_392 = arith.constant 1 : i32
      %dma_wait3A_393 = arith.constant 0 : i32
      %dma_wait3A_394 = arith.constant 0 : i32
      %dma_wait3A_395 = tpu.memref_slice %arg3[%dma_wait3A_392, %min3A_365, %dma_wait3A_393, %dma_wait3A_394] : memref<3x158x1x2048xi32, #tpu.memory_space<hbm>> -> memref<1x1x1x2048xi32, #tpu.memory_space<hbm>>
      %dma_wait3A_396 = tpu.memref_squeeze %dma_wait3A_395 : memref<1x1x1x2048xi32, #tpu.memory_space<hbm>> -> memref<2048xi32, #tpu.memory_space<hbm>>
      %dma_wait3A_397 = arith.constant 0 : i32
      %dma_wait3A_398 = tpu.memref_slice %arg3[%dma_wait3A_392, %min3A_365, %dma_wait3A_393, %dma_wait3A_397] : memref<3x158x1x2048xi32, #tpu.memory_space<hbm>> -> memref<1x1x1x2048xi32, #tpu.memory_space<hbm>>
      %dma_wait3A_399 = tpu.memref_squeeze %dma_wait3A_398 : memref<1x1x1x2048xi32, #tpu.memory_space<hbm>> -> memref<2048xi32, #tpu.memory_space<hbm>>
      tpu.wait_dma2 semaphore(%arg18 : memref<!tpu.dma_semaphore, #tpu.memory_space<semaphore_mem>>) src(%dma_wait3A_399 : memref<2048xi32, #tpu.memory_space<hbm>>) dst(%arg12 : memref<2048xi32, #tpu.memory_space<vmem>>)
      %dma_wait3A_400 = arith.constant 1 : i32
      %dma_wait3A_401 = arith.constant 0 : i32
      %dma_wait3A_402 = arith.constant 0 : i32
      %dma_wait3A_403 = tpu.memref_slice %arg4[%dma_wait3A_400, %min3A_365, %dma_wait3A_401, %dma_wait3A_402] : memref<3x158x1x2048xi32, #tpu.memory_space<hbm>> -> memref<1x1x1x2048xi32, #tpu.memory_space<hbm>>
      %dma_wait3A_404 = tpu.memref_squeeze %dma_wait3A_403 : memref<1x1x1x2048xi32, #tpu.memory_space<hbm>> -> memref<2048xi32, #tpu.memory_space<hbm>>
      %dma_wait3A_405 = arith.constant 0 : i32
      %dma_wait3A_406 = tpu.memref_slice %arg4[%dma_wait3A_400, %min3A_365, %dma_wait3A_401, %dma_wait3A_405] : memref<3x158x1x2048xi32, #tpu.memory_space<hbm>> -> memref<1x1x1x2048xi32, #tpu.memory_space<hbm>>
      %dma_wait3A_407 = tpu.memref_squeeze %dma_wait3A_406 : memref<1x1x1x2048xi32, #tpu.memory_space<hbm>> -> memref<2048xi32, #tpu.memory_space<hbm>>
      tpu.wait_dma2 semaphore(%arg19 : memref<!tpu.dma_semaphore, #tpu.memory_space<semaphore_mem>>) src(%dma_wait3A_407 : memref<2048xi32, #tpu.memory_space<hbm>>) dst(%arg13 : memref<2048xi32, #tpu.memory_space<vmem>>)
      %dma_wait3A_408 = arith.constant 1 : i32
      %dma_wait3A_409 = arith.constant 0 : i32
      %dma_wait3A_410 = arith.constant 0 : i32
      %dma_wait3A_411 = tpu.memref_slice %arg5[%dma_wait3A_408, %min3A_365, %dma_wait3A_409, %dma_wait3A_410] : memref<3x158x1x2048xf32, #tpu.memory_space<hbm>> -> memref<1x1x1x2048xf32, #tpu.memory_space<hbm>>
      %dma_wait3A_412 = tpu.memref_squeeze %dma_wait3A_411 : memref<1x1x1x2048xf32, #tpu.memory_space<hbm>> -> memref<2048xf32, #tpu.memory_space<hbm>>
      %dma_wait3A_413 = arith.constant 0 : i32
      %dma_wait3A_414 = tpu.memref_slice %arg5[%dma_wait3A_408, %min3A_365, %dma_wait3A_409, %dma_wait3A_413] : memref<3x158x1x2048xf32, #tpu.memory_space<hbm>> -> memref<1x1x1x2048xf32, #tpu.memory_space<hbm>>
      %dma_wait3A_415 = tpu.memref_squeeze %dma_wait3A_414 : memref<1x1x1x2048xf32, #tpu.memory_space<hbm>> -> memref<2048xf32, #tpu.memory_space<hbm>>
      tpu.wait_dma2 semaphore(%arg20 : memref<!tpu.dma_semaphore, #tpu.memory_space<semaphore_mem>>) src(%dma_wait3A_415 : memref<2048xf32, #tpu.memory_space<hbm>>) dst(%arg14 : memref<2048xf32, #tpu.memory_space<vmem>>)
      %add3A_416 = arith.constant 2 : i32
      %add3A_417 = arith.addi %mul3A_362, %add3A_416 : i32
      %min3A_418 = arith.constant 157 : i32
      %min3A_419 = arith.minsi %add3A_417, %min3A_418 : i32
      %dma_start3A_420 = arith.constant 1 : i32
      %dma_start3A_421 = arith.constant 0 : i32
      %dma_start3A_422 = arith.constant 0 : i32
      %dma_start3A_423 = tpu.memref_slice %arg3[%dma_start3A_420, %min3A_419, %dma_start3A_421, %dma_start3A_422] : memref<3x158x1x2048xi32, #tpu.memory_space<hbm>> -> memref<1x1x1x2048xi32, #tpu.memory_space<hbm>>
      %dma_start3A_424 = tpu.memref_squeeze %dma_start3A_423 : memref<1x1x1x2048xi32, #tpu.memory_space<hbm>> -> memref<2048xi32, #tpu.memory_space<hbm>>
      %dma_start3A_425 = arith.constant 0 : i32
      %dma_start3A_426 = tpu.memref_slice %arg3[%dma_start3A_420, %min3A_419, %dma_start3A_421, %dma_start3A_425] : memref<3x158x1x2048xi32, #tpu.memory_space<hbm>> -> memref<1x1x1x2048xi32, #tpu.memory_space<hbm>>
      %dma_start3A_427 = tpu.memref_squeeze %dma_start3A_426 : memref<1x1x1x2048xi32, #tpu.memory_space<hbm>> -> memref<2048xi32, #tpu.memory_space<hbm>>
      tpu.enqueue_dma source(%dma_start3A_427 : memref<2048xi32, #tpu.memory_space<hbm>>) target(%arg9 : memref<2048xi32, #tpu.memory_space<vmem>>) target_semaphore(%arg15 : memref<!tpu.dma_semaphore, #tpu.memory_space<semaphore_mem>>)
      %dma_start3A_428 = arith.constant 1 : i32
      %dma_start3A_429 = arith.constant 0 : i32
      %dma_start3A_430 = arith.constant 0 : i32
      %dma_start3A_431 = tpu.memref_slice %arg4[%dma_start3A_428, %min3A_419, %dma_start3A_429, %dma_start3A_430] : memref<3x158x1x2048xi32, #tpu.memory_space<hbm>> -> memref<1x1x1x2048xi32, #tpu.memory_space<hbm>>
      %dma_start3A_432 = tpu.memref_squeeze %dma_start3A_431 : memref<1x1x1x2048xi32, #tpu.memory_space<hbm>> -> memref<2048xi32, #tpu.memory_space<hbm>>
      %dma_start3A_433 = arith.constant 0 : i32
      %dma_start3A_434 = tpu.memref_slice %arg4[%dma_start3A_428, %min3A_419, %dma_start3A_429, %dma_start3A_433] : memref<3x158x1x2048xi32, #tpu.memory_space<hbm>> -> memref<1x1x1x2048xi32, #tpu.memory_space<hbm>>
      %dma_start3A_435 = tpu.memref_squeeze %dma_start3A_434 : memref<1x1x1x2048xi32, #tpu.memory_space<hbm>> -> memref<2048xi32, #tpu.memory_space<hbm>>
      tpu.enqueue_dma source(%dma_start3A_435 : memref<2048xi32, #tpu.memory_space<hbm>>) target(%arg10 : memref<2048xi32, #tpu.memory_space<vmem>>) target_semaphore(%arg16 : memref<!tpu.dma_semaphore, #tpu.memory_space<semaphore_mem>>)
      %dma_start3A_436 = arith.constant 1 : i32
      %dma_start3A_437 = arith.constant 0 : i32
      %dma_start3A_438 = arith.constant 0 : i32
      %dma_start3A_439 = tpu.memref_slice %arg5[%dma_start3A_436, %min3A_419, %dma_start3A_437, %dma_start3A_438] : memref<3x158x1x2048xf32, #tpu.memory_space<hbm>> -> memref<1x1x1x2048xf32, #tpu.memory_space<hbm>>
      %dma_start3A_440 = tpu.memref_squeeze %dma_start3A_439 : memref<1x1x1x2048xf32, #tpu.memory_space<hbm>> -> memref<2048xf32, #tpu.memory_space<hbm>>
      %dma_start3A_441 = arith.constant 0 : i32
      %dma_start3A_442 = tpu.memref_slice %arg5[%dma_start3A_436, %min3A_419, %dma_start3A_437, %dma_start3A_441] : memref<3x158x1x2048xf32, #tpu.memory_space<hbm>> -> memref<1x1x1x2048xf32, #tpu.memory_space<hbm>>
      %dma_start3A_443 = tpu.memref_squeeze %dma_start3A_442 : memref<1x1x1x2048xf32, #tpu.memory_space<hbm>> -> memref<2048xf32, #tpu.memory_space<hbm>>
      tpu.enqueue_dma source(%dma_start3A_443 : memref<2048xf32, #tpu.memory_space<hbm>>) target(%arg11 : memref<2048xf32, #tpu.memory_space<vmem>>) target_semaphore(%arg17 : memref<!tpu.dma_semaphore, #tpu.memory_space<semaphore_mem>>)
      %parallel_loop3A_444 = arith.constant 0 : i32
      %parallel_loop3A_445 = arith.constant 128 : i32
      %parallel_loop3A_446 = arith.constant 1 : i32
      scf.for %parallel_loop3A_471 = %parallel_loop3A_444 to %parallel_loop3A_445 step %parallel_loop3A_446  : i32 {
        %parallel_loop3A_472 = arith.constant 16 : i32
        %parallel_loop3A_473 = arith.muli %parallel_loop3A_471, %parallel_loop3A_472 : i32
        %parallel_loop3A_474 = arith.index_cast %parallel_loop3A_473 : i32 to index
        %parallel_loop3A_475 = tpu.vector_load %arg12[%parallel_loop3A_474] {strides = array<i32>} : memref<2048xi32, #tpu.memory_space<vmem>>, vector<16xi32>,
        %parallel_loop3A_476 = arith.index_cast %parallel_loop3A_473 : i32 to index
        %parallel_loop3A_477 = tpu.vector_load %arg13[%parallel_loop3A_476] {strides = array<i32>} : memref<2048xi32, #tpu.memory_space<vmem>>, vector<16xi32>,
        %parallel_loop3A_478 = arith.index_cast %parallel_loop3A_473 : i32 to index
        %parallel_loop3A_479 = tpu.vector_load %arg14[%parallel_loop3A_478] {strides = array<i32>} : memref<2048xf32, #tpu.memory_space<vmem>>, vector<16xf32>,
        %parallel_loop3A_480 = arith.constant 0 : i32
        %parallel_loop3A_481 = tpu.memref_slice %arg7[%parallel_loop3A_480] : memref<40000xf32, #tpu.memory_space<vmem>> -> memref<10000xf32, #tpu.memory_space<vmem>>
        %parallel_loop3A_482 = tpu.vector_load_idx %parallel_loop3A_481[%parallel_loop3A_475] : memref<10000xf32, #tpu.memory_space<vmem>>[vector<16xi32>], vector<16xf32>,
        %parallel_loop3A_483 = arith.constant 10000 : i32
        %parallel_loop3A_484 = tpu.memref_slice %arg7[%parallel_loop3A_483] : memref<40000xf32, #tpu.memory_space<vmem>> -> memref<10000xf32, #tpu.memory_space<vmem>>
        %parallel_loop3A_485 = tpu.vector_load_idx %parallel_loop3A_484[%parallel_loop3A_475] : memref<10000xf32, #tpu.memory_space<vmem>>[vector<16xi32>], vector<16xf32>,
        %parallel_loop3A_486 = arith.constant 20000 : i32
        %parallel_loop3A_487 = tpu.memref_slice %arg7[%parallel_loop3A_486] : memref<40000xf32, #tpu.memory_space<vmem>> -> memref<10000xf32, #tpu.memory_space<vmem>>
        %parallel_loop3A_488 = tpu.vector_load_idx %parallel_loop3A_487[%parallel_loop3A_475] : memref<10000xf32, #tpu.memory_space<vmem>>[vector<16xi32>], vector<16xf32>,
        %parallel_loop3A_489 = arith.constant 30000 : i32
        %parallel_loop3A_490 = tpu.memref_slice %arg7[%parallel_loop3A_489] : memref<40000xf32, #tpu.memory_space<vmem>> -> memref<10000xf32, #tpu.memory_space<vmem>>
        %parallel_loop3A_491 = tpu.vector_load_idx %parallel_loop3A_490[%parallel_loop3A_475] : memref<10000xf32, #tpu.memory_space<vmem>>[vector<16xi32>], vector<16xf32>,
        %parallel_loop3A_492 = arith.mulf %parallel_loop3A_482, %parallel_loop3A_479 : vector<16xf32>
        %parallel_loop3A_493 = arith.constant 0 : i32
        %parallel_loop3A_494 = tpu.memref_slice %arg8[%parallel_loop3A_493] : memref<40000xf32, #tpu.memory_space<vmem>> -> memref<10000xf32, #tpu.memory_space<vmem>>
        tpu.vector_store_idx %parallel_loop3A_494[%parallel_loop3A_477], %parallel_loop3A_492 {add = true} : memref<10000xf32, #tpu.memory_space<vmem>>[vector<16xi32>], vector<16xf32>,
        %parallel_loop3A_495 = arith.mulf %parallel_loop3A_485, %parallel_loop3A_479 : vector<16xf32>
        %parallel_loop3A_496 = arith.constant 10000 : i32
        %parallel_loop3A_497 = tpu.memref_slice %arg8[%parallel_loop3A_496] : memref<40000xf32, #tpu.memory_space<vmem>> -> memref<10000xf32, #tpu.memory_space<vmem>>
        tpu.vector_store_idx %parallel_loop3A_497[%parallel_loop3A_477], %parallel_loop3A_495 {add = true} : memref<10000xf32, #tpu.memory_space<vmem>>[vector<16xi32>], vector<16xf32>,
        %parallel_loop3A_498 = arith.mulf %parallel_loop3A_488, %parallel_loop3A_479 : vector<16xf32>
        %parallel_loop3A_499 = arith.constant 20000 : i32
        %parallel_loop3A_500 = tpu.memref_slice %arg8[%parallel_loop3A_499] : memref<40000xf32, #tpu.memory_space<vmem>> -> memref<10000xf32, #tpu.memory_space<vmem>>
        tpu.vector_store_idx %parallel_loop3A_500[%parallel_loop3A_477], %parallel_loop3A_498 {add = true} : memref<10000xf32, #tpu.memory_space<vmem>>[vector<16xi32>], vector<16xf32>,
        %parallel_loop3A_501 = arith.mulf %parallel_loop3A_491, %parallel_loop3A_479 : vector<16xf32>
        %parallel_loop3A_502 = arith.constant 30000 : i32
        %parallel_loop3A_503 = tpu.memref_slice %arg8[%parallel_loop3A_502] : memref<40000xf32, #tpu.memory_space<vmem>> -> memref<10000xf32, #tpu.memory_space<vmem>>
        tpu.vector_store_idx %parallel_loop3A_503[%parallel_loop3A_477], %parallel_loop3A_501 {add = true} : memref<10000xf32, #tpu.memory_space<vmem>>[vector<16xi32>], vector<16xf32>,
      } {sc.loop_unroll_factor = 8 : i64, sc.parallel_access}
      %dma_wait3A_447 = arith.constant 1 : i32
      %dma_wait3A_448 = arith.constant 0 : i32
      %dma_wait3A_449 = arith.constant 0 : i32
      %dma_wait3A_450 = tpu.memref_slice %arg3[%dma_wait3A_447, %min3A_419, %dma_wait3A_448, %dma_wait3A_449] : memref<3x158x1x2048xi32, #tpu.memory_space<hbm>> -> memref<1x1x1x2048xi32, #tpu.memory_space<hbm>>
      %dma_wait3A_451 = tpu.memref_squeeze %dma_wait3A_450 : memref<1x1x1x2048xi32, #tpu.memory_space<hbm>> -> memref<2048xi32, #tpu.memory_space<hbm>>
      %dma_wait3A_452 = arith.constant 0 : i32
      %dma_wait3A_453 = tpu.memref_slice %arg3[%dma_wait3A_447, %min3A_419, %dma_wait3A_448, %dma_wait3A_452] : memref<3x158x1x2048xi32, #tpu.memory_space<hbm>> -> memref<1x1x1x2048xi32, #tpu.memory_space<hbm>>
      %dma_wait3A_454 = tpu.memref_squeeze %dma_wait3A_453 : memref<1x1x1x2048xi32, #tpu.memory_space<hbm>> -> memref<2048xi32, #tpu.memory_space<hbm>>
      tpu.wait_dma2 semaphore(%arg15 : memref<!tpu.dma_semaphore, #tpu.memory_space<semaphore_mem>>) src(%dma_wait3A_454 : memref<2048xi32, #tpu.memory_space<hbm>>) dst(%arg9 : memref<2048xi32, #tpu.memory_space<vmem>>)
      %dma_wait3A_455 = arith.constant 1 : i32
      %dma_wait3A_456 = arith.constant 0 : i32
      %dma_wait3A_457 = arith.constant 0 : i32
      %dma_wait3A_458 = tpu.memref_slice %arg4[%dma_wait3A_455, %min3A_419, %dma_wait3A_456, %dma_wait3A_457] : memref<3x158x1x2048xi32, #tpu.memory_space<hbm>> -> memref<1x1x1x2048xi32, #tpu.memory_space<hbm>>
      %dma_wait3A_459 = tpu.memref_squeeze %dma_wait3A_458 : memref<1x1x1x2048xi32, #tpu.memory_space<hbm>> -> memref<2048xi32, #tpu.memory_space<hbm>>
      %dma_wait3A_460 = arith.constant 0 : i32
      %dma_wait3A_461 = tpu.memref_slice %arg4[%dma_wait3A_455, %min3A_419, %dma_wait3A_456, %dma_wait3A_460] : memref<3x158x1x2048xi32, #tpu.memory_space<hbm>> -> memref<1x1x1x2048xi32, #tpu.memory_space<hbm>>
      %dma_wait3A_462 = tpu.memref_squeeze %dma_wait3A_461 : memref<1x1x1x2048xi32, #tpu.memory_space<hbm>> -> memref<2048xi32, #tpu.memory_space<hbm>>
      tpu.wait_dma2 semaphore(%arg16 : memref<!tpu.dma_semaphore, #tpu.memory_space<semaphore_mem>>) src(%dma_wait3A_462 : memref<2048xi32, #tpu.memory_space<hbm>>) dst(%arg10 : memref<2048xi32, #tpu.memory_space<vmem>>)
      %dma_wait3A_463 = arith.constant 1 : i32
      %dma_wait3A_464 = arith.constant 0 : i32
      %dma_wait3A_465 = arith.constant 0 : i32
      %dma_wait3A_466 = tpu.memref_slice %arg5[%dma_wait3A_463, %min3A_419, %dma_wait3A_464, %dma_wait3A_465] : memref<3x158x1x2048xf32, #tpu.memory_space<hbm>> -> memref<1x1x1x2048xf32, #tpu.memory_space<hbm>>
      %dma_wait3A_467 = tpu.memref_squeeze %dma_wait3A_466 : memref<1x1x1x2048xf32, #tpu.memory_space<hbm>> -> memref<2048xf32, #tpu.memory_space<hbm>>
      %dma_wait3A_468 = arith.constant 0 : i32
      %dma_wait3A_469 = tpu.memref_slice %arg5[%dma_wait3A_463, %min3A_419, %dma_wait3A_464, %dma_wait3A_468] : memref<3x158x1x2048xf32, #tpu.memory_space<hbm>> -> memref<1x1x1x2048xf32, #tpu.memory_space<hbm>>
      %dma_wait3A_470 = tpu.memref_squeeze %dma_wait3A_469 : memref<1x1x1x2048xf32, #tpu.memory_space<hbm>> -> memref<2048xf32, #tpu.memory_space<hbm>>
      tpu.wait_dma2 semaphore(%arg17 : memref<!tpu.dma_semaphore, #tpu.memory_space<semaphore_mem>>) src(%dma_wait3A_470 : memref<2048xf32, #tpu.memory_space<hbm>>) dst(%arg11 : memref<2048xf32, #tpu.memory_space<vmem>>)
    }
    %scan3A_177 = arith.constant 79 : i32
    "tpu.region"() ({
      %run_scoped3A_360 = tpu.sem_alloc : memref<!tpu.dma_semaphore, #tpu.memory_space<semaphore_mem>>
      %dma_start3A_361 = arith.constant 0 : i32
      %dma_start3A_362 = tpu.memref_slice %arg2[%add3A, %dma_start3A_361] : memref<32x40000xf32, #tpu.memory_space<hbm>> -> memref<1x40000xf32, #tpu.memory_space<hbm>>
      %dma_start3A_363 = tpu.memref_squeeze %dma_start3A_362 : memref<1x40000xf32, #tpu.memory_space<hbm>> -> memref<40000xf32, #tpu.memory_space<hbm>>
      %dma_start3A_364 = arith.constant 0 : i32
      %dma_start3A_365 = tpu.memref_slice %arg2[%add3A, %dma_start3A_364] : memref<32x40000xf32, #tpu.memory_space<hbm>> -> memref<1x40000xf32, #tpu.memory_space<hbm>>
      %dma_start3A_366 = tpu.memref_squeeze %dma_start3A_365 : memref<1x40000xf32, #tpu.memory_space<hbm>> -> memref<40000xf32, #tpu.memory_space<hbm>>
      tpu.enqueue_dma source(%dma_start3A_366 : memref<40000xf32, #tpu.memory_space<hbm>>) target(%arg7 : memref<40000xf32, #tpu.memory_space<vmem>>) target_semaphore(%run_scoped3A_360 : memref<!tpu.dma_semaphore, #tpu.memory_space<semaphore_mem>>)
      %dma_wait3A_367 = arith.constant 0 : i32
      %dma_wait3A_368 = tpu.memref_slice %arg2[%add3A, %dma_wait3A_367] : memref<32x40000xf32, #tpu.memory_space<hbm>> -> memref<1x40000xf32, #tpu.memory_space<hbm>>
      %dma_wait3A_369 = tpu.memref_squeeze %dma_wait3A_368 : memref<1x40000xf32, #tpu.memory_space<hbm>> -> memref<40000xf32, #tpu.memory_space<hbm>>
      %dma_wait3A_370 = arith.constant 0 : i32
      %dma_wait3A_371 = tpu.memref_slice %arg2[%add3A, %dma_wait3A_370] : memref<32x40000xf32, #tpu.memory_space<hbm>> -> memref<1x40000xf32, #tpu.memory_space<hbm>>
      %dma_wait3A_372 = tpu.memref_squeeze %dma_wait3A_371 : memref<1x40000xf32, #tpu.memory_space<hbm>> -> memref<40000xf32, #tpu.memory_space<hbm>>
      tpu.wait_dma2 semaphore(%run_scoped3A_360 : memref<!tpu.dma_semaphore, #tpu.memory_space<semaphore_mem>>) src(%dma_wait3A_372 : memref<40000xf32, #tpu.memory_space<hbm>>) dst(%arg7 : memref<40000xf32, #tpu.memory_space<vmem>>)
      tpu.yield
    }) : () -> ()
    %dma_start3A_178 = arith.constant 1 : i32
    %dma_start3A_179 = arith.constant 0 : i32
    %dma_start3A_180 = arith.constant 0 : i32
    %dma_start3A_181 = arith.constant 0 : i32
    %dma_start3A_182 = tpu.memref_slice %arg3[%dma_start3A_178, %dma_start3A_179, %dma_start3A_180, %dma_start3A_181] : memref<3x158x1x2048xi32, #tpu.memory_space<hbm>> -> memref<1x1x1x2048xi32, #tpu.memory_space<hbm>>
    %dma_start3A_183 = tpu.memref_squeeze %dma_start3A_182 : memref<1x1x1x2048xi32, #tpu.memory_space<hbm>> -> memref<2048xi32, #tpu.memory_space<hbm>>
    %dma_start3A_184 = arith.constant 0 : i32
    %dma_start3A_185 = tpu.memref_slice %arg3[%dma_start3A_178, %dma_start3A_179, %dma_start3A_180, %dma_start3A_184] : memref<3x158x1x2048xi32, #tpu.memory_space<hbm>> -> memref<1x1x1x2048xi32, #tpu.memory_space<hbm>>
    %dma_start3A_186 = tpu.memref_squeeze %dma_start3A_185 : memref<1x1x1x2048xi32, #tpu.memory_space<hbm>> -> memref<2048xi32, #tpu.memory_space<hbm>>
    tpu.enqueue_dma source(%dma_start3A_186 : memref<2048xi32, #tpu.memory_space<hbm>>) target(%arg9 : memref<2048xi32, #tpu.memory_space<vmem>>) target_semaphore(%arg15 : memref<!tpu.dma_semaphore, #tpu.memory_space<semaphore_mem>>)
    %dma_start3A_187 = arith.constant 1 : i32
    %dma_start3A_188 = arith.constant 0 : i32
    %dma_start3A_189 = arith.constant 0 : i32
    %dma_start3A_190 = arith.constant 0 : i32
    %dma_start3A_191 = tpu.memref_slice %arg4[%dma_start3A_187, %dma_start3A_188, %dma_start3A_189, %dma_start3A_190] : memref<3x158x1x2048xi32, #tpu.memory_space<hbm>> -> memref<1x1x1x2048xi32, #tpu.memory_space<hbm>>
    %dma_start3A_192 = tpu.memref_squeeze %dma_start3A_191 : memref<1x1x1x2048xi32, #tpu.memory_space<hbm>> -> memref<2048xi32, #tpu.memory_space<hbm>>
    %dma_start3A_193 = arith.constant 0 : i32
    %dma_start3A_194 = tpu.memref_slice %arg4[%dma_start3A_187, %dma_start3A_188, %dma_start3A_189, %dma_start3A_193] : memref<3x158x1x2048xi32, #tpu.memory_space<hbm>> -> memref<1x1x1x2048xi32, #tpu.memory_space<hbm>>
    %dma_start3A_195 = tpu.memref_squeeze %dma_start3A_194 : memref<1x1x1x2048xi32, #tpu.memory_space<hbm>> -> memref<2048xi32, #tpu.memory_space<hbm>>
    tpu.enqueue_dma source(%dma_start3A_195 : memref<2048xi32, #tpu.memory_space<hbm>>) target(%arg10 : memref<2048xi32, #tpu.memory_space<vmem>>) target_semaphore(%arg16 : memref<!tpu.dma_semaphore, #tpu.memory_space<semaphore_mem>>)
    %dma_start3A_196 = arith.constant 1 : i32
    %dma_start3A_197 = arith.constant 0 : i32
    %dma_start3A_198 = arith.constant 0 : i32
    %dma_start3A_199 = arith.constant 0 : i32
    %dma_start3A_200 = tpu.memref_slice %arg5[%dma_start3A_196, %dma_start3A_197, %dma_start3A_198, %dma_start3A_199] : memref<3x158x1x2048xf32, #tpu.memory_space<hbm>> -> memref<1x1x1x2048xf32, #tpu.memory_space<hbm>>
    %dma_start3A_201 = tpu.memref_squeeze %dma_start3A_200 : memref<1x1x1x2048xf32, #tpu.memory_space<hbm>> -> memref<2048xf32, #tpu.memory_space<hbm>>
    %dma_start3A_202 = arith.constant 0 : i32
    %dma_start3A_203 = tpu.memref_slice %arg5[%dma_start3A_196, %dma_start3A_197, %dma_start3A_198, %dma_start3A_202] : memref<3x158x1x2048xf32, #tpu.memory_space<hbm>> -> memref<1x1x1x2048xf32, #tpu.memory_space<hbm>>
    %dma_start3A_204 = tpu.memref_squeeze %dma_start3A_203 : memref<1x1x1x2048xf32, #tpu.memory_space<hbm>> -> memref<2048xf32, #tpu.memory_space<hbm>>
    tpu.enqueue_dma source(%dma_start3A_204 : memref<2048xf32, #tpu.memory_space<hbm>>) target(%arg11 : memref<2048xf32, #tpu.memory_space<vmem>>) target_semaphore(%arg17 : memref<!tpu.dma_semaphore, #tpu.memory_space<semaphore_mem>>)
    %dma_wait3A_205 = arith.constant 1 : i32
    %dma_wait3A_206 = arith.constant 0 : i32
    %dma_wait3A_207 = arith.constant 0 : i32
    %dma_wait3A_208 = arith.constant 0 : i32
    %dma_wait3A_209 = tpu.memref_slice %arg3[%dma_wait3A_205, %dma_wait3A_206, %dma_wait3A_207, %dma_wait3A_208] : memref<3x158x1x2048xi32, #tpu.memory_space<hbm>> -> memref<1x1x1x2048xi32, #tpu.memory_space<hbm>>
    %dma_wait3A_210 = tpu.memref_squeeze %dma_wait3A_209 : memref<1x1x1x2048xi32, #tpu.memory_space<hbm>> -> memref<2048xi32, #tpu.memory_space<hbm>>
    %dma_wait3A_211 = arith.constant 0 : i32
    %dma_wait3A_212 = tpu.memref_slice %arg3[%dma_wait3A_205, %dma_wait3A_206, %dma_wait3A_207, %dma_wait3A_211] : memref<3x158x1x2048xi32, #tpu.memory_space<hbm>> -> memref<1x1x1x2048xi32, #tpu.memory_space<hbm>>
    %dma_wait3A_213 = tpu.memref_squeeze %dma_wait3A_212 : memref<1x1x1x2048xi32, #tpu.memory_space<hbm>> -> memref<2048xi32, #tpu.memory_space<hbm>>
    tpu.wait_dma2 semaphore(%arg15 : memref<!tpu.dma_semaphore, #tpu.memory_space<semaphore_mem>>) src(%dma_wait3A_213 : memref<2048xi32, #tpu.memory_space<hbm>>) dst(%arg9 : memref<2048xi32, #tpu.memory_space<vmem>>)
    %dma_wait3A_214 = arith.constant 1 : i32
    %dma_wait3A_215 = arith.constant 0 : i32
    %dma_wait3A_216 = arith.constant 0 : i32
    %dma_wait3A_217 = arith.constant 0 : i32
    %dma_wait3A_218 = tpu.memref_slice %arg4[%dma_wait3A_214, %dma_wait3A_215, %dma_wait3A_216, %dma_wait3A_217] : memref<3x158x1x2048xi32, #tpu.memory_space<hbm>> -> memref<1x1x1x2048xi32, #tpu.memory_space<hbm>>
    %dma_wait3A_219 = tpu.memref_squeeze %dma_wait3A_218 : memref<1x1x1x2048xi32, #tpu.memory_space<hbm>> -> memref<2048xi32, #tpu.memory_space<hbm>>
    %dma_wait3A_220 = arith.constant 0 : i32
    %dma_wait3A_221 = tpu.memref_slice %arg4[%dma_wait3A_214, %dma_wait3A_215, %dma_wait3A_216, %dma_wait3A_220] : memref<3x158x1x2048xi32, #tpu.memory_space<hbm>> -> memref<1x1x1x2048xi32, #tpu.memory_space<hbm>>
    %dma_wait3A_222 = tpu.memref_squeeze %dma_wait3A_221 : memref<1x1x1x2048xi32, #tpu.memory_space<hbm>> -> memref<2048xi32, #tpu.memory_space<hbm>>
    tpu.wait_dma2 semaphore(%arg16 : memref<!tpu.dma_semaphore, #tpu.memory_space<semaphore_mem>>) src(%dma_wait3A_222 : memref<2048xi32, #tpu.memory_space<hbm>>) dst(%arg10 : memref<2048xi32, #tpu.memory_space<vmem>>)
    %dma_wait3A_223 = arith.constant 1 : i32
    %dma_wait3A_224 = arith.constant 0 : i32
    %dma_wait3A_225 = arith.constant 0 : i32
    %dma_wait3A_226 = arith.constant 0 : i32
    %dma_wait3A_227 = tpu.memref_slice %arg5[%dma_wait3A_223, %dma_wait3A_224, %dma_wait3A_225, %dma_wait3A_226] : memref<3x158x1x2048xf32, #tpu.memory_space<hbm>> -> memref<1x1x1x2048xf32, #tpu.memory_space<hbm>>
    %dma_wait3A_228 = tpu.memref_squeeze %dma_wait3A_227 : memref<1x1x1x2048xf32, #tpu.memory_space<hbm>> -> memref<2048xf32, #tpu.memory_space<hbm>>
    %dma_wait3A_229 = arith.constant 0 : i32
    %dma_wait3A_230 = tpu.memref_slice %arg5[%dma_wait3A_223, %dma_wait3A_224, %dma_wait3A_225, %dma_wait3A_229] : memref<3x158x1x2048xf32, #tpu.memory_space<hbm>> -> memref<1x1x1x2048xf32, #tpu.memory_space<hbm>>
    %dma_wait3A_231 = tpu.memref_squeeze %dma_wait3A_230 : memref<1x1x1x2048xf32, #tpu.memory_space<hbm>> -> memref<2048xf32, #tpu.memory_space<hbm>>
    tpu.wait_dma2 semaphore(%arg17 : memref<!tpu.dma_semaphore, #tpu.memory_space<semaphore_mem>>) src(%dma_wait3A_231 : memref<2048xf32, #tpu.memory_space<hbm>>) dst(%arg11 : memref<2048xf32, #tpu.memory_space<vmem>>)
    %scan3A_232 = arith.constant 0 : i32
    %scan3A_233 = arith.constant 0 : i32
    %scan3A_234 = arith.constant 79 : i32
    %scan3A_235 = arith.addi %scan3A_233, %scan3A_234 : i32
    %scan3A_236 = arith.constant 1 : i32
    scf.for %scan3A_360 = %scan3A_233 to %scan3A_235 step %scan3A_236  : i32 {
      %mul3A_361 = arith.constant 2 : i32
      %mul3A_362 = arith.muli %scan3A_360, %mul3A_361 : i32
      %add3A_363 = arith.constant 1 : i32
      %add3A_364 = arith.addi %mul3A_362, %add3A_363 : i32
      %min3A = arith.constant 157 : i32
      %min3A_365 = arith.minsi %add3A_364, %min3A : i32
      %dma_start3A_366 = arith.constant 1 : i32
      %dma_start3A_367 = arith.constant 0 : i32
      %dma_start3A_368 = arith.constant 0 : i32
      %dma_start3A_369 = tpu.memref_slice %arg3[%dma_start3A_366, %min3A_365, %dma_start3A_367, %dma_start3A_368] : memref<3x158x1x2048xi32, #tpu.memory_space<hbm>> -> memref<1x1x1x2048xi32, #tpu.memory_space<hbm>>
      %dma_start3A_370 = tpu.memref_squeeze %dma_start3A_369 : memref<1x1x1x2048xi32, #tpu.memory_space<hbm>> -> memref<2048xi32, #tpu.memory_space<hbm>>
      %dma_start3A_371 = arith.constant 0 : i32
      %dma_start3A_372 = tpu.memref_slice %arg3[%dma_start3A_366, %min3A_365, %dma_start3A_367, %dma_start3A_371] : memref<3x158x1x2048xi32, #tpu.memory_space<hbm>> -> memref<1x1x1x2048xi32, #tpu.memory_space<hbm>>
      %dma_start3A_373 = tpu.memref_squeeze %dma_start3A_372 : memref<1x1x1x2048xi32, #tpu.memory_space<hbm>> -> memref<2048xi32, #tpu.memory_space<hbm>>
      tpu.enqueue_dma source(%dma_start3A_373 : memref<2048xi32, #tpu.memory_space<hbm>>) target(%arg12 : memref<2048xi32, #tpu.memory_space<vmem>>) target_semaphore(%arg18 : memref<!tpu.dma_semaphore, #tpu.memory_space<semaphore_mem>>)
      %dma_start3A_374 = arith.constant 1 : i32
      %dma_start3A_375 = arith.constant 0 : i32
      %dma_start3A_376 = arith.constant 0 : i32
      %dma_start3A_377 = tpu.memref_slice %arg4[%dma_start3A_374, %min3A_365, %dma_start3A_375, %dma_start3A_376] : memref<3x158x1x2048xi32, #tpu.memory_space<hbm>> -> memref<1x1x1x2048xi32, #tpu.memory_space<hbm>>
      %dma_start3A_378 = tpu.memref_squeeze %dma_start3A_377 : memref<1x1x1x2048xi32, #tpu.memory_space<hbm>> -> memref<2048xi32, #tpu.memory_space<hbm>>
      %dma_start3A_379 = arith.constant 0 : i32
      %dma_start3A_380 = tpu.memref_slice %arg4[%dma_start3A_374, %min3A_365, %dma_start3A_375, %dma_start3A_379] : memref<3x158x1x2048xi32, #tpu.memory_space<hbm>> -> memref<1x1x1x2048xi32, #tpu.memory_space<hbm>>
      %dma_start3A_381 = tpu.memref_squeeze %dma_start3A_380 : memref<1x1x1x2048xi32, #tpu.memory_space<hbm>> -> memref<2048xi32, #tpu.memory_space<hbm>>
      tpu.enqueue_dma source(%dma_start3A_381 : memref<2048xi32, #tpu.memory_space<hbm>>) target(%arg13 : memref<2048xi32, #tpu.memory_space<vmem>>) target_semaphore(%arg19 : memref<!tpu.dma_semaphore, #tpu.memory_space<semaphore_mem>>)
      %dma_start3A_382 = arith.constant 1 : i32
      %dma_start3A_383 = arith.constant 0 : i32
      %dma_start3A_384 = arith.constant 0 : i32
      %dma_start3A_385 = tpu.memref_slice %arg5[%dma_start3A_382, %min3A_365, %dma_start3A_383, %dma_start3A_384] : memref<3x158x1x2048xf32, #tpu.memory_space<hbm>> -> memref<1x1x1x2048xf32, #tpu.memory_space<hbm>>
      %dma_start3A_386 = tpu.memref_squeeze %dma_start3A_385 : memref<1x1x1x2048xf32, #tpu.memory_space<hbm>> -> memref<2048xf32, #tpu.memory_space<hbm>>
      %dma_start3A_387 = arith.constant 0 : i32
      %dma_start3A_388 = tpu.memref_slice %arg5[%dma_start3A_382, %min3A_365, %dma_start3A_383, %dma_start3A_387] : memref<3x158x1x2048xf32, #tpu.memory_space<hbm>> -> memref<1x1x1x2048xf32, #tpu.memory_space<hbm>>
      %dma_start3A_389 = tpu.memref_squeeze %dma_start3A_388 : memref<1x1x1x2048xf32, #tpu.memory_space<hbm>> -> memref<2048xf32, #tpu.memory_space<hbm>>
      tpu.enqueue_dma source(%dma_start3A_389 : memref<2048xf32, #tpu.memory_space<hbm>>) target(%arg14 : memref<2048xf32, #tpu.memory_space<vmem>>) target_semaphore(%arg20 : memref<!tpu.dma_semaphore, #tpu.memory_space<semaphore_mem>>)
      %parallel_loop3A = arith.constant 0 : i32
      %parallel_loop3A_390 = arith.constant 128 : i32
      %parallel_loop3A_391 = arith.constant 1 : i32
      scf.for %parallel_loop3A_471 = %parallel_loop3A to %parallel_loop3A_390 step %parallel_loop3A_391  : i32 {
        %parallel_loop3A_472 = arith.constant 16 : i32
        %parallel_loop3A_473 = arith.muli %parallel_loop3A_471, %parallel_loop3A_472 : i32
        %parallel_loop3A_474 = arith.index_cast %parallel_loop3A_473 : i32 to index
        %parallel_loop3A_475 = tpu.vector_load %arg9[%parallel_loop3A_474] {strides = array<i32>} : memref<2048xi32, #tpu.memory_space<vmem>>, vector<16xi32>,
        %parallel_loop3A_476 = arith.index_cast %parallel_loop3A_473 : i32 to index
        %parallel_loop3A_477 = tpu.vector_load %arg10[%parallel_loop3A_476] {strides = array<i32>} : memref<2048xi32, #tpu.memory_space<vmem>>, vector<16xi32>,
        %parallel_loop3A_478 = arith.index_cast %parallel_loop3A_473 : i32 to index
        %parallel_loop3A_479 = tpu.vector_load %arg11[%parallel_loop3A_478] {strides = array<i32>} : memref<2048xf32, #tpu.memory_space<vmem>>, vector<16xf32>,
        %parallel_loop3A_480 = arith.constant 0 : i32
        %parallel_loop3A_481 = tpu.memref_slice %arg8[%parallel_loop3A_480] : memref<40000xf32, #tpu.memory_space<vmem>> -> memref<10000xf32, #tpu.memory_space<vmem>>
        %parallel_loop3A_482 = tpu.vector_load_idx %parallel_loop3A_481[%parallel_loop3A_475] : memref<10000xf32, #tpu.memory_space<vmem>>[vector<16xi32>], vector<16xf32>,
        %parallel_loop3A_483 = arith.constant 10000 : i32
        %parallel_loop3A_484 = tpu.memref_slice %arg8[%parallel_loop3A_483] : memref<40000xf32, #tpu.memory_space<vmem>> -> memref<10000xf32, #tpu.memory_space<vmem>>
        %parallel_loop3A_485 = tpu.vector_load_idx %parallel_loop3A_484[%parallel_loop3A_475] : memref<10000xf32, #tpu.memory_space<vmem>>[vector<16xi32>], vector<16xf32>,
        %parallel_loop3A_486 = arith.constant 20000 : i32
        %parallel_loop3A_487 = tpu.memref_slice %arg8[%parallel_loop3A_486] : memref<40000xf32, #tpu.memory_space<vmem>> -> memref<10000xf32, #tpu.memory_space<vmem>>
        %parallel_loop3A_488 = tpu.vector_load_idx %parallel_loop3A_487[%parallel_loop3A_475] : memref<10000xf32, #tpu.memory_space<vmem>>[vector<16xi32>], vector<16xf32>,
        %parallel_loop3A_489 = arith.constant 30000 : i32
        %parallel_loop3A_490 = tpu.memref_slice %arg8[%parallel_loop3A_489] : memref<40000xf32, #tpu.memory_space<vmem>> -> memref<10000xf32, #tpu.memory_space<vmem>>
        %parallel_loop3A_491 = tpu.vector_load_idx %parallel_loop3A_490[%parallel_loop3A_475] : memref<10000xf32, #tpu.memory_space<vmem>>[vector<16xi32>], vector<16xf32>,
        %parallel_loop3A_492 = arith.mulf %parallel_loop3A_482, %parallel_loop3A_479 : vector<16xf32>
        %parallel_loop3A_493 = arith.constant 0 : i32
        %parallel_loop3A_494 = tpu.memref_slice %arg7[%parallel_loop3A_493] : memref<40000xf32, #tpu.memory_space<vmem>> -> memref<10000xf32, #tpu.memory_space<vmem>>
        tpu.vector_store_idx %parallel_loop3A_494[%parallel_loop3A_477], %parallel_loop3A_492 {add = true} : memref<10000xf32, #tpu.memory_space<vmem>>[vector<16xi32>], vector<16xf32>,
        %parallel_loop3A_495 = arith.mulf %parallel_loop3A_485, %parallel_loop3A_479 : vector<16xf32>
        %parallel_loop3A_496 = arith.constant 10000 : i32
        %parallel_loop3A_497 = tpu.memref_slice %arg7[%parallel_loop3A_496] : memref<40000xf32, #tpu.memory_space<vmem>> -> memref<10000xf32, #tpu.memory_space<vmem>>
        tpu.vector_store_idx %parallel_loop3A_497[%parallel_loop3A_477], %parallel_loop3A_495 {add = true} : memref<10000xf32, #tpu.memory_space<vmem>>[vector<16xi32>], vector<16xf32>,
        %parallel_loop3A_498 = arith.mulf %parallel_loop3A_488, %parallel_loop3A_479 : vector<16xf32>
        %parallel_loop3A_499 = arith.constant 20000 : i32
        %parallel_loop3A_500 = tpu.memref_slice %arg7[%parallel_loop3A_499] : memref<40000xf32, #tpu.memory_space<vmem>> -> memref<10000xf32, #tpu.memory_space<vmem>>
        tpu.vector_store_idx %parallel_loop3A_500[%parallel_loop3A_477], %parallel_loop3A_498 {add = true} : memref<10000xf32, #tpu.memory_space<vmem>>[vector<16xi32>], vector<16xf32>,
        %parallel_loop3A_501 = arith.mulf %parallel_loop3A_491, %parallel_loop3A_479 : vector<16xf32>
        %parallel_loop3A_502 = arith.constant 30000 : i32
        %parallel_loop3A_503 = tpu.memref_slice %arg7[%parallel_loop3A_502] : memref<40000xf32, #tpu.memory_space<vmem>> -> memref<10000xf32, #tpu.memory_space<vmem>>
        tpu.vector_store_idx %parallel_loop3A_503[%parallel_loop3A_477], %parallel_loop3A_501 {add = true} : memref<10000xf32, #tpu.memory_space<vmem>>[vector<16xi32>], vector<16xf32>,
      } {sc.loop_unroll_factor = 8 : i64, sc.parallel_access}
      %dma_wait3A_392 = arith.constant 1 : i32
      %dma_wait3A_393 = arith.constant 0 : i32
      %dma_wait3A_394 = arith.constant 0 : i32
      %dma_wait3A_395 = tpu.memref_slice %arg3[%dma_wait3A_392, %min3A_365, %dma_wait3A_393, %dma_wait3A_394] : memref<3x158x1x2048xi32, #tpu.memory_space<hbm>> -> memref<1x1x1x2048xi32, #tpu.memory_space<hbm>>
      %dma_wait3A_396 = tpu.memref_squeeze %dma_wait3A_395 : memref<1x1x1x2048xi32, #tpu.memory_space<hbm>> -> memref<2048xi32, #tpu.memory_space<hbm>>
      %dma_wait3A_397 = arith.constant 0 : i32
      %dma_wait3A_398 = tpu.memref_slice %arg3[%dma_wait3A_392, %min3A_365, %dma_wait3A_393, %dma_wait3A_397] : memref<3x158x1x2048xi32, #tpu.memory_space<hbm>> -> memref<1x1x1x2048xi32, #tpu.memory_space<hbm>>
      %dma_wait3A_399 = tpu.memref_squeeze %dma_wait3A_398 : memref<1x1x1x2048xi32, #tpu.memory_space<hbm>> -> memref<2048xi32, #tpu.memory_space<hbm>>
      tpu.wait_dma2 semaphore(%arg18 : memref<!tpu.dma_semaphore, #tpu.memory_space<semaphore_mem>>) src(%dma_wait3A_399 : memref<2048xi32, #tpu.memory_space<hbm>>) dst(%arg12 : memref<2048xi32, #tpu.memory_space<vmem>>)
      %dma_wait3A_400 = arith.constant 1 : i32
      %dma_wait3A_401 = arith.constant 0 : i32
      %dma_wait3A_402 = arith.constant 0 : i32
      %dma_wait3A_403 = tpu.memref_slice %arg4[%dma_wait3A_400, %min3A_365, %dma_wait3A_401, %dma_wait3A_402] : memref<3x158x1x2048xi32, #tpu.memory_space<hbm>> -> memref<1x1x1x2048xi32, #tpu.memory_space<hbm>>
      %dma_wait3A_404 = tpu.memref_squeeze %dma_wait3A_403 : memref<1x1x1x2048xi32, #tpu.memory_space<hbm>> -> memref<2048xi32, #tpu.memory_space<hbm>>
      %dma_wait3A_405 = arith.constant 0 : i32
      %dma_wait3A_406 = tpu.memref_slice %arg4[%dma_wait3A_400, %min3A_365, %dma_wait3A_401, %dma_wait3A_405] : memref<3x158x1x2048xi32, #tpu.memory_space<hbm>> -> memref<1x1x1x2048xi32, #tpu.memory_space<hbm>>
      %dma_wait3A_407 = tpu.memref_squeeze %dma_wait3A_406 : memref<1x1x1x2048xi32, #tpu.memory_space<hbm>> -> memref<2048xi32, #tpu.memory_space<hbm>>
      tpu.wait_dma2 semaphore(%arg19 : memref<!tpu.dma_semaphore, #tpu.memory_space<semaphore_mem>>) src(%dma_wait3A_407 : memref<2048xi32, #tpu.memory_space<hbm>>) dst(%arg13 : memref<2048xi32, #tpu.memory_space<vmem>>)
      %dma_wait3A_408 = arith.constant 1 : i32
      %dma_wait3A_409 = arith.constant 0 : i32
      %dma_wait3A_410 = arith.constant 0 : i32
      %dma_wait3A_411 = tpu.memref_slice %arg5[%dma_wait3A_408, %min3A_365, %dma_wait3A_409, %dma_wait3A_410] : memref<3x158x1x2048xf32, #tpu.memory_space<hbm>> -> memref<1x1x1x2048xf32, #tpu.memory_space<hbm>>
      %dma_wait3A_412 = tpu.memref_squeeze %dma_wait3A_411 : memref<1x1x1x2048xf32, #tpu.memory_space<hbm>> -> memref<2048xf32, #tpu.memory_space<hbm>>
      %dma_wait3A_413 = arith.constant 0 : i32
      %dma_wait3A_414 = tpu.memref_slice %arg5[%dma_wait3A_408, %min3A_365, %dma_wait3A_409, %dma_wait3A_413] : memref<3x158x1x2048xf32, #tpu.memory_space<hbm>> -> memref<1x1x1x2048xf32, #tpu.memory_space<hbm>>
      %dma_wait3A_415 = tpu.memref_squeeze %dma_wait3A_414 : memref<1x1x1x2048xf32, #tpu.memory_space<hbm>> -> memref<2048xf32, #tpu.memory_space<hbm>>
      tpu.wait_dma2 semaphore(%arg20 : memref<!tpu.dma_semaphore, #tpu.memory_space<semaphore_mem>>) src(%dma_wait3A_415 : memref<2048xf32, #tpu.memory_space<hbm>>) dst(%arg14 : memref<2048xf32, #tpu.memory_space<vmem>>)
      %add3A_416 = arith.constant 2 : i32
      %add3A_417 = arith.addi %mul3A_362, %add3A_416 : i32
      %min3A_418 = arith.constant 157 : i32
      %min3A_419 = arith.minsi %add3A_417, %min3A_418 : i32
      %dma_start3A_420 = arith.constant 1 : i32
      %dma_start3A_421 = arith.constant 0 : i32
      %dma_start3A_422 = arith.constant 0 : i32
      %dma_start3A_423 = tpu.memref_slice %arg3[%dma_start3A_420, %min3A_419, %dma_start3A_421, %dma_start3A_422] : memref<3x158x1x2048xi32, #tpu.memory_space<hbm>> -> memref<1x1x1x2048xi32, #tpu.memory_space<hbm>>
      %dma_start3A_424 = tpu.memref_squeeze %dma_start3A_423 : memref<1x1x1x2048xi32, #tpu.memory_space<hbm>> -> memref<2048xi32, #tpu.memory_space<hbm>>
      %dma_start3A_425 = arith.constant 0 : i32
      %dma_start3A_426 = tpu.memref_slice %arg3[%dma_start3A_420, %min3A_419, %dma_start3A_421, %dma_start3A_425] : memref<3x158x1x2048xi32, #tpu.memory_space<hbm>> -> memref<1x1x1x2048xi32, #tpu.memory_space<hbm>>
      %dma_start3A_427 = tpu.memref_squeeze %dma_start3A_426 : memref<1x1x1x2048xi32, #tpu.memory_space<hbm>> -> memref<2048xi32, #tpu.memory_space<hbm>>
      tpu.enqueue_dma source(%dma_start3A_427 : memref<2048xi32, #tpu.memory_space<hbm>>) target(%arg9 : memref<2048xi32, #tpu.memory_space<vmem>>) target_semaphore(%arg15 : memref<!tpu.dma_semaphore, #tpu.memory_space<semaphore_mem>>)
      %dma_start3A_428 = arith.constant 1 : i32
      %dma_start3A_429 = arith.constant 0 : i32
      %dma_start3A_430 = arith.constant 0 : i32
      %dma_start3A_431 = tpu.memref_slice %arg4[%dma_start3A_428, %min3A_419, %dma_start3A_429, %dma_start3A_430] : memref<3x158x1x2048xi32, #tpu.memory_space<hbm>> -> memref<1x1x1x2048xi32, #tpu.memory_space<hbm>>
      %dma_start3A_432 = tpu.memref_squeeze %dma_start3A_431 : memref<1x1x1x2048xi32, #tpu.memory_space<hbm>> -> memref<2048xi32, #tpu.memory_space<hbm>>
      %dma_start3A_433 = arith.constant 0 : i32
      %dma_start3A_434 = tpu.memref_slice %arg4[%dma_start3A_428, %min3A_419, %dma_start3A_429, %dma_start3A_433] : memref<3x158x1x2048xi32, #tpu.memory_space<hbm>> -> memref<1x1x1x2048xi32, #tpu.memory_space<hbm>>
      %dma_start3A_435 = tpu.memref_squeeze %dma_start3A_434 : memref<1x1x1x2048xi32, #tpu.memory_space<hbm>> -> memref<2048xi32, #tpu.memory_space<hbm>>
      tpu.enqueue_dma source(%dma_start3A_435 : memref<2048xi32, #tpu.memory_space<hbm>>) target(%arg10 : memref<2048xi32, #tpu.memory_space<vmem>>) target_semaphore(%arg16 : memref<!tpu.dma_semaphore, #tpu.memory_space<semaphore_mem>>)
      %dma_start3A_436 = arith.constant 1 : i32
      %dma_start3A_437 = arith.constant 0 : i32
      %dma_start3A_438 = arith.constant 0 : i32
      %dma_start3A_439 = tpu.memref_slice %arg5[%dma_start3A_436, %min3A_419, %dma_start3A_437, %dma_start3A_438] : memref<3x158x1x2048xf32, #tpu.memory_space<hbm>> -> memref<1x1x1x2048xf32, #tpu.memory_space<hbm>>
      %dma_start3A_440 = tpu.memref_squeeze %dma_start3A_439 : memref<1x1x1x2048xf32, #tpu.memory_space<hbm>> -> memref<2048xf32, #tpu.memory_space<hbm>>
      %dma_start3A_441 = arith.constant 0 : i32
      %dma_start3A_442 = tpu.memref_slice %arg5[%dma_start3A_436, %min3A_419, %dma_start3A_437, %dma_start3A_441] : memref<3x158x1x2048xf32, #tpu.memory_space<hbm>> -> memref<1x1x1x2048xf32, #tpu.memory_space<hbm>>
      %dma_start3A_443 = tpu.memref_squeeze %dma_start3A_442 : memref<1x1x1x2048xf32, #tpu.memory_space<hbm>> -> memref<2048xf32, #tpu.memory_space<hbm>>
      tpu.enqueue_dma source(%dma_start3A_443 : memref<2048xf32, #tpu.memory_space<hbm>>) target(%arg11 : memref<2048xf32, #tpu.memory_space<vmem>>) target_semaphore(%arg17 : memref<!tpu.dma_semaphore, #tpu.memory_space<semaphore_mem>>)
      %parallel_loop3A_444 = arith.constant 0 : i32
      %parallel_loop3A_445 = arith.constant 128 : i32
      %parallel_loop3A_446 = arith.constant 1 : i32
      scf.for %parallel_loop3A_471 = %parallel_loop3A_444 to %parallel_loop3A_445 step %parallel_loop3A_446  : i32 {
        %parallel_loop3A_472 = arith.constant 16 : i32
        %parallel_loop3A_473 = arith.muli %parallel_loop3A_471, %parallel_loop3A_472 : i32
        %parallel_loop3A_474 = arith.index_cast %parallel_loop3A_473 : i32 to index
        %parallel_loop3A_475 = tpu.vector_load %arg12[%parallel_loop3A_474] {strides = array<i32>} : memref<2048xi32, #tpu.memory_space<vmem>>, vector<16xi32>,
        %parallel_loop3A_476 = arith.index_cast %parallel_loop3A_473 : i32 to index
        %parallel_loop3A_477 = tpu.vector_load %arg13[%parallel_loop3A_476] {strides = array<i32>} : memref<2048xi32, #tpu.memory_space<vmem>>, vector<16xi32>,
        %parallel_loop3A_478 = arith.index_cast %parallel_loop3A_473 : i32 to index
        %parallel_loop3A_479 = tpu.vector_load %arg14[%parallel_loop3A_478] {strides = array<i32>} : memref<2048xf32, #tpu.memory_space<vmem>>, vector<16xf32>,
        %parallel_loop3A_480 = arith.constant 0 : i32
        %parallel_loop3A_481 = tpu.memref_slice %arg8[%parallel_loop3A_480] : memref<40000xf32, #tpu.memory_space<vmem>> -> memref<10000xf32, #tpu.memory_space<vmem>>
        %parallel_loop3A_482 = tpu.vector_load_idx %parallel_loop3A_481[%parallel_loop3A_475] : memref<10000xf32, #tpu.memory_space<vmem>>[vector<16xi32>], vector<16xf32>,
        %parallel_loop3A_483 = arith.constant 10000 : i32
        %parallel_loop3A_484 = tpu.memref_slice %arg8[%parallel_loop3A_483] : memref<40000xf32, #tpu.memory_space<vmem>> -> memref<10000xf32, #tpu.memory_space<vmem>>
        %parallel_loop3A_485 = tpu.vector_load_idx %parallel_loop3A_484[%parallel_loop3A_475] : memref<10000xf32, #tpu.memory_space<vmem>>[vector<16xi32>], vector<16xf32>,
        %parallel_loop3A_486 = arith.constant 20000 : i32
        %parallel_loop3A_487 = tpu.memref_slice %arg8[%parallel_loop3A_486] : memref<40000xf32, #tpu.memory_space<vmem>> -> memref<10000xf32, #tpu.memory_space<vmem>>
        %parallel_loop3A_488 = tpu.vector_load_idx %parallel_loop3A_487[%parallel_loop3A_475] : memref<10000xf32, #tpu.memory_space<vmem>>[vector<16xi32>], vector<16xf32>,
        %parallel_loop3A_489 = arith.constant 30000 : i32
        %parallel_loop3A_490 = tpu.memref_slice %arg8[%parallel_loop3A_489] : memref<40000xf32, #tpu.memory_space<vmem>> -> memref<10000xf32, #tpu.memory_space<vmem>>
        %parallel_loop3A_491 = tpu.vector_load_idx %parallel_loop3A_490[%parallel_loop3A_475] : memref<10000xf32, #tpu.memory_space<vmem>>[vector<16xi32>], vector<16xf32>,
        %parallel_loop3A_492 = arith.mulf %parallel_loop3A_482, %parallel_loop3A_479 : vector<16xf32>
        %parallel_loop3A_493 = arith.constant 0 : i32
        %parallel_loop3A_494 = tpu.memref_slice %arg7[%parallel_loop3A_493] : memref<40000xf32, #tpu.memory_space<vmem>> -> memref<10000xf32, #tpu.memory_space<vmem>>
        tpu.vector_store_idx %parallel_loop3A_494[%parallel_loop3A_477], %parallel_loop3A_492 {add = true} : memref<10000xf32, #tpu.memory_space<vmem>>[vector<16xi32>], vector<16xf32>,
        %parallel_loop3A_495 = arith.mulf %parallel_loop3A_485, %parallel_loop3A_479 : vector<16xf32>
        %parallel_loop3A_496 = arith.constant 10000 : i32
        %parallel_loop3A_497 = tpu.memref_slice %arg7[%parallel_loop3A_496] : memref<40000xf32, #tpu.memory_space<vmem>> -> memref<10000xf32, #tpu.memory_space<vmem>>
        tpu.vector_store_idx %parallel_loop3A_497[%parallel_loop3A_477], %parallel_loop3A_495 {add = true} : memref<10000xf32, #tpu.memory_space<vmem>>[vector<16xi32>], vector<16xf32>,
        %parallel_loop3A_498 = arith.mulf %parallel_loop3A_488, %parallel_loop3A_479 : vector<16xf32>
        %parallel_loop3A_499 = arith.constant 20000 : i32
        %parallel_loop3A_500 = tpu.memref_slice %arg7[%parallel_loop3A_499] : memref<40000xf32, #tpu.memory_space<vmem>> -> memref<10000xf32, #tpu.memory_space<vmem>>
        tpu.vector_store_idx %parallel_loop3A_500[%parallel_loop3A_477], %parallel_loop3A_498 {add = true} : memref<10000xf32, #tpu.memory_space<vmem>>[vector<16xi32>], vector<16xf32>,
        %parallel_loop3A_501 = arith.mulf %parallel_loop3A_491, %parallel_loop3A_479 : vector<16xf32>
        %parallel_loop3A_502 = arith.constant 30000 : i32
        %parallel_loop3A_503 = tpu.memref_slice %arg7[%parallel_loop3A_502] : memref<40000xf32, #tpu.memory_space<vmem>> -> memref<10000xf32, #tpu.memory_space<vmem>>
        tpu.vector_store_idx %parallel_loop3A_503[%parallel_loop3A_477], %parallel_loop3A_501 {add = true} : memref<10000xf32, #tpu.memory_space<vmem>>[vector<16xi32>], vector<16xf32>,
      } {sc.loop_unroll_factor = 8 : i64, sc.parallel_access}
      %dma_wait3A_447 = arith.constant 1 : i32
      %dma_wait3A_448 = arith.constant 0 : i32
      %dma_wait3A_449 = arith.constant 0 : i32
      %dma_wait3A_450 = tpu.memref_slice %arg3[%dma_wait3A_447, %min3A_419, %dma_wait3A_448, %dma_wait3A_449] : memref<3x158x1x2048xi32, #tpu.memory_space<hbm>> -> memref<1x1x1x2048xi32, #tpu.memory_space<hbm>>
      %dma_wait3A_451 = tpu.memref_squeeze %dma_wait3A_450 : memref<1x1x1x2048xi32, #tpu.memory_space<hbm>> -> memref<2048xi32, #tpu.memory_space<hbm>>
      %dma_wait3A_452 = arith.constant 0 : i32
      %dma_wait3A_453 = tpu.memref_slice %arg3[%dma_wait3A_447, %min3A_419, %dma_wait3A_448, %dma_wait3A_452] : memref<3x158x1x2048xi32, #tpu.memory_space<hbm>> -> memref<1x1x1x2048xi32, #tpu.memory_space<hbm>>
      %dma_wait3A_454 = tpu.memref_squeeze %dma_wait3A_453 : memref<1x1x1x2048xi32, #tpu.memory_space<hbm>> -> memref<2048xi32, #tpu.memory_space<hbm>>
      tpu.wait_dma2 semaphore(%arg15 : memref<!tpu.dma_semaphore, #tpu.memory_space<semaphore_mem>>) src(%dma_wait3A_454 : memref<2048xi32, #tpu.memory_space<hbm>>) dst(%arg9 : memref<2048xi32, #tpu.memory_space<vmem>>)
      %dma_wait3A_455 = arith.constant 1 : i32
      %dma_wait3A_456 = arith.constant 0 : i32
      %dma_wait3A_457 = arith.constant 0 : i32
      %dma_wait3A_458 = tpu.memref_slice %arg4[%dma_wait3A_455, %min3A_419, %dma_wait3A_456, %dma_wait3A_457] : memref<3x158x1x2048xi32, #tpu.memory_space<hbm>> -> memref<1x1x1x2048xi32, #tpu.memory_space<hbm>>
      %dma_wait3A_459 = tpu.memref_squeeze %dma_wait3A_458 : memref<1x1x1x2048xi32, #tpu.memory_space<hbm>> -> memref<2048xi32, #tpu.memory_space<hbm>>
      %dma_wait3A_460 = arith.constant 0 : i32
      %dma_wait3A_461 = tpu.memref_slice %arg4[%dma_wait3A_455, %min3A_419, %dma_wait3A_456, %dma_wait3A_460] : memref<3x158x1x2048xi32, #tpu.memory_space<hbm>> -> memref<1x1x1x2048xi32, #tpu.memory_space<hbm>>
      %dma_wait3A_462 = tpu.memref_squeeze %dma_wait3A_461 : memref<1x1x1x2048xi32, #tpu.memory_space<hbm>> -> memref<2048xi32, #tpu.memory_space<hbm>>
      tpu.wait_dma2 semaphore(%arg16 : memref<!tpu.dma_semaphore, #tpu.memory_space<semaphore_mem>>) src(%dma_wait3A_462 : memref<2048xi32, #tpu.memory_space<hbm>>) dst(%arg10 : memref<2048xi32, #tpu.memory_space<vmem>>)
      %dma_wait3A_463 = arith.constant 1 : i32
      %dma_wait3A_464 = arith.constant 0 : i32
      %dma_wait3A_465 = arith.constant 0 : i32
      %dma_wait3A_466 = tpu.memref_slice %arg5[%dma_wait3A_463, %min3A_419, %dma_wait3A_464, %dma_wait3A_465] : memref<3x158x1x2048xf32, #tpu.memory_space<hbm>> -> memref<1x1x1x2048xf32, #tpu.memory_space<hbm>>
      %dma_wait3A_467 = tpu.memref_squeeze %dma_wait3A_466 : memref<1x1x1x2048xf32, #tpu.memory_space<hbm>> -> memref<2048xf32, #tpu.memory_space<hbm>>
      %dma_wait3A_468 = arith.constant 0 : i32
      %dma_wait3A_469 = tpu.memref_slice %arg5[%dma_wait3A_463, %min3A_419, %dma_wait3A_464, %dma_wait3A_468] : memref<3x158x1x2048xf32, #tpu.memory_space<hbm>> -> memref<1x1x1x2048xf32, #tpu.memory_space<hbm>>
      %dma_wait3A_470 = tpu.memref_squeeze %dma_wait3A_469 : memref<1x1x1x2048xf32, #tpu.memory_space<hbm>> -> memref<2048xf32, #tpu.memory_space<hbm>>
      tpu.wait_dma2 semaphore(%arg17 : memref<!tpu.dma_semaphore, #tpu.memory_space<semaphore_mem>>) src(%dma_wait3A_470 : memref<2048xf32, #tpu.memory_space<hbm>>) dst(%arg11 : memref<2048xf32, #tpu.memory_space<vmem>>)
    }
    %scan3A_237 = arith.constant 79 : i32
    %run_scoped3A_238 = arith.constant 1 : i32
    "tpu.region"() ({
      %run_scoped3A_360 = tpu.sem_alloc : memref<!tpu.dma_semaphore, #tpu.memory_space<semaphore_mem>>
      %dma_start3A_361 = arith.constant 0 : i32
      %dma_start3A_362 = tpu.memref_slice %arg6[%run_scoped3A_238, %add3A, %dma_start3A_361] : memref<3x32x40000xf32, #tpu.memory_space<hbm>> -> memref<1x1x40000xf32, #tpu.memory_space<hbm>>
      %dma_start3A_363 = tpu.memref_squeeze %dma_start3A_362 : memref<1x1x40000xf32, #tpu.memory_space<hbm>> -> memref<40000xf32, #tpu.memory_space<hbm>>
      %dma_start3A_364 = arith.constant 0 : i32
      %dma_start3A_365 = tpu.memref_slice %arg6[%run_scoped3A_238, %add3A, %dma_start3A_364] : memref<3x32x40000xf32, #tpu.memory_space<hbm>> -> memref<1x1x40000xf32, #tpu.memory_space<hbm>>
      %dma_start3A_366 = tpu.memref_squeeze %dma_start3A_365 : memref<1x1x40000xf32, #tpu.memory_space<hbm>> -> memref<40000xf32, #tpu.memory_space<hbm>>
      tpu.enqueue_dma source(%arg7 : memref<40000xf32, #tpu.memory_space<vmem>>) target(%dma_start3A_366 : memref<40000xf32, #tpu.memory_space<hbm>>) target_semaphore(%run_scoped3A_360 : memref<!tpu.dma_semaphore, #tpu.memory_space<semaphore_mem>>)
      %dma_wait3A_367 = arith.constant 0 : i32
      %dma_wait3A_368 = tpu.memref_slice %arg6[%run_scoped3A_238, %add3A, %dma_wait3A_367] : memref<3x32x40000xf32, #tpu.memory_space<hbm>> -> memref<1x1x40000xf32, #tpu.memory_space<hbm>>
      %dma_wait3A_369 = tpu.memref_squeeze %dma_wait3A_368 : memref<1x1x40000xf32, #tpu.memory_space<hbm>> -> memref<40000xf32, #tpu.memory_space<hbm>>
      %dma_wait3A_370 = arith.constant 0 : i32
      %dma_wait3A_371 = tpu.memref_slice %arg6[%run_scoped3A_238, %add3A, %dma_wait3A_370] : memref<3x32x40000xf32, #tpu.memory_space<hbm>> -> memref<1x1x40000xf32, #tpu.memory_space<hbm>>
      %dma_wait3A_372 = tpu.memref_squeeze %dma_wait3A_371 : memref<1x1x40000xf32, #tpu.memory_space<hbm>> -> memref<40000xf32, #tpu.memory_space<hbm>>
      tpu.wait_dma2 semaphore(%run_scoped3A_360 : memref<!tpu.dma_semaphore, #tpu.memory_space<semaphore_mem>>) src(%arg7 : memref<40000xf32, #tpu.memory_space<vmem>>) dst(%dma_wait3A_372 : memref<40000xf32, #tpu.memory_space<hbm>>)
      tpu.yield
    }) : () -> ()
    "tpu.region"() ({
      %run_scoped3A_360 = tpu.sem_alloc : memref<!tpu.dma_semaphore, #tpu.memory_space<semaphore_mem>>
      %dma_start3A_361 = arith.constant 0 : i32
      %dma_start3A_362 = tpu.memref_slice %arg2[%add3A, %dma_start3A_361] : memref<32x40000xf32, #tpu.memory_space<hbm>> -> memref<1x40000xf32, #tpu.memory_space<hbm>>
      %dma_start3A_363 = tpu.memref_squeeze %dma_start3A_362 : memref<1x40000xf32, #tpu.memory_space<hbm>> -> memref<40000xf32, #tpu.memory_space<hbm>>
      %dma_start3A_364 = arith.constant 0 : i32
      %dma_start3A_365 = tpu.memref_slice %arg2[%add3A, %dma_start3A_364] : memref<32x40000xf32, #tpu.memory_space<hbm>> -> memref<1x40000xf32, #tpu.memory_space<hbm>>
      %dma_start3A_366 = tpu.memref_squeeze %dma_start3A_365 : memref<1x40000xf32, #tpu.memory_space<hbm>> -> memref<40000xf32, #tpu.memory_space<hbm>>
      tpu.enqueue_dma source(%dma_start3A_366 : memref<40000xf32, #tpu.memory_space<hbm>>) target(%arg7 : memref<40000xf32, #tpu.memory_space<vmem>>) target_semaphore(%run_scoped3A_360 : memref<!tpu.dma_semaphore, #tpu.memory_space<semaphore_mem>>)
      %dma_wait3A_367 = arith.constant 0 : i32
      %dma_wait3A_368 = tpu.memref_slice %arg2[%add3A, %dma_wait3A_367] : memref<32x40000xf32, #tpu.memory_space<hbm>> -> memref<1x40000xf32, #tpu.memory_space<hbm>>
      %dma_wait3A_369 = tpu.memref_squeeze %dma_wait3A_368 : memref<1x40000xf32, #tpu.memory_space<hbm>> -> memref<40000xf32, #tpu.memory_space<hbm>>
      %dma_wait3A_370 = arith.constant 0 : i32
      %dma_wait3A_371 = tpu.memref_slice %arg2[%add3A, %dma_wait3A_370] : memref<32x40000xf32, #tpu.memory_space<hbm>> -> memref<1x40000xf32, #tpu.memory_space<hbm>>
      %dma_wait3A_372 = tpu.memref_squeeze %dma_wait3A_371 : memref<1x40000xf32, #tpu.memory_space<hbm>> -> memref<40000xf32, #tpu.memory_space<hbm>>
      tpu.wait_dma2 semaphore(%run_scoped3A_360 : memref<!tpu.dma_semaphore, #tpu.memory_space<semaphore_mem>>) src(%dma_wait3A_372 : memref<40000xf32, #tpu.memory_space<hbm>>) dst(%arg7 : memref<40000xf32, #tpu.memory_space<vmem>>)
      tpu.yield
    }) : () -> ()
    "tpu.region"() ({
      %run_scoped3A_360 = tpu.sem_alloc : memref<!tpu.dma_semaphore, #tpu.memory_space<semaphore_mem>>
      %dma_start3A_361 = arith.constant 0 : i32
      %dma_start3A_362 = tpu.memref_slice %arg2[%add3A, %dma_start3A_361] : memref<32x40000xf32, #tpu.memory_space<hbm>> -> memref<1x40000xf32, #tpu.memory_space<hbm>>
      %dma_start3A_363 = tpu.memref_squeeze %dma_start3A_362 : memref<1x40000xf32, #tpu.memory_space<hbm>> -> memref<40000xf32, #tpu.memory_space<hbm>>
      %dma_start3A_364 = arith.constant 0 : i32
      %dma_start3A_365 = tpu.memref_slice %arg2[%add3A, %dma_start3A_364] : memref<32x40000xf32, #tpu.memory_space<hbm>> -> memref<1x40000xf32, #tpu.memory_space<hbm>>
      %dma_start3A_366 = tpu.memref_squeeze %dma_start3A_365 : memref<1x40000xf32, #tpu.memory_space<hbm>> -> memref<40000xf32, #tpu.memory_space<hbm>>
      tpu.enqueue_dma source(%dma_start3A_366 : memref<40000xf32, #tpu.memory_space<hbm>>) target(%arg8 : memref<40000xf32, #tpu.memory_space<vmem>>) target_semaphore(%run_scoped3A_360 : memref<!tpu.dma_semaphore, #tpu.memory_space<semaphore_mem>>)
      %dma_wait3A_367 = arith.constant 0 : i32
      %dma_wait3A_368 = tpu.memref_slice %arg2[%add3A, %dma_wait3A_367] : memref<32x40000xf32, #tpu.memory_space<hbm>> -> memref<1x40000xf32, #tpu.memory_space<hbm>>
      %dma_wait3A_369 = tpu.memref_squeeze %dma_wait3A_368 : memref<1x40000xf32, #tpu.memory_space<hbm>> -> memref<40000xf32, #tpu.memory_space<hbm>>
      %dma_wait3A_370 = arith.constant 0 : i32
      %dma_wait3A_371 = tpu.memref_slice %arg2[%add3A, %dma_wait3A_370] : memref<32x40000xf32, #tpu.memory_space<hbm>> -> memref<1x40000xf32, #tpu.memory_space<hbm>>
      %dma_wait3A_372 = tpu.memref_squeeze %dma_wait3A_371 : memref<1x40000xf32, #tpu.memory_space<hbm>> -> memref<40000xf32, #tpu.memory_space<hbm>>
      tpu.wait_dma2 semaphore(%run_scoped3A_360 : memref<!tpu.dma_semaphore, #tpu.memory_space<semaphore_mem>>) src(%dma_wait3A_372 : memref<40000xf32, #tpu.memory_space<hbm>>) dst(%arg8 : memref<40000xf32, #tpu.memory_space<vmem>>)
      tpu.yield
    }) : () -> ()
    %dma_start3A_239 = arith.constant 2 : i32
    %dma_start3A_240 = arith.constant 0 : i32
    %dma_start3A_241 = arith.constant 0 : i32
    %dma_start3A_242 = arith.constant 0 : i32
    %dma_start3A_243 = tpu.memref_slice %arg3[%dma_start3A_239, %dma_start3A_240, %dma_start3A_241, %dma_start3A_242] : memref<3x158x1x2048xi32, #tpu.memory_space<hbm>> -> memref<1x1x1x2048xi32, #tpu.memory_space<hbm>>
    %dma_start3A_244 = tpu.memref_squeeze %dma_start3A_243 : memref<1x1x1x2048xi32, #tpu.memory_space<hbm>> -> memref<2048xi32, #tpu.memory_space<hbm>>
    %dma_start3A_245 = arith.constant 0 : i32
    %dma_start3A_246 = tpu.memref_slice %arg3[%dma_start3A_239, %dma_start3A_240, %dma_start3A_241, %dma_start3A_245] : memref<3x158x1x2048xi32, #tpu.memory_space<hbm>> -> memref<1x1x1x2048xi32, #tpu.memory_space<hbm>>
    %dma_start3A_247 = tpu.memref_squeeze %dma_start3A_246 : memref<1x1x1x2048xi32, #tpu.memory_space<hbm>> -> memref<2048xi32, #tpu.memory_space<hbm>>
    tpu.enqueue_dma source(%dma_start3A_247 : memref<2048xi32, #tpu.memory_space<hbm>>) target(%arg9 : memref<2048xi32, #tpu.memory_space<vmem>>) target_semaphore(%arg15 : memref<!tpu.dma_semaphore, #tpu.memory_space<semaphore_mem>>)
    %dma_start3A_248 = arith.constant 2 : i32
    %dma_start3A_249 = arith.constant 0 : i32
    %dma_start3A_250 = arith.constant 0 : i32
    %dma_start3A_251 = arith.constant 0 : i32
    %dma_start3A_252 = tpu.memref_slice %arg4[%dma_start3A_248, %dma_start3A_249, %dma_start3A_250, %dma_start3A_251] : memref<3x158x1x2048xi32, #tpu.memory_space<hbm>> -> memref<1x1x1x2048xi32, #tpu.memory_space<hbm>>
    %dma_start3A_253 = tpu.memref_squeeze %dma_start3A_252 : memref<1x1x1x2048xi32, #tpu.memory_space<hbm>> -> memref<2048xi32, #tpu.memory_space<hbm>>
    %dma_start3A_254 = arith.constant 0 : i32
    %dma_start3A_255 = tpu.memref_slice %arg4[%dma_start3A_248, %dma_start3A_249, %dma_start3A_250, %dma_start3A_254] : memref<3x158x1x2048xi32, #tpu.memory_space<hbm>> -> memref<1x1x1x2048xi32, #tpu.memory_space<hbm>>
    %dma_start3A_256 = tpu.memref_squeeze %dma_start3A_255 : memref<1x1x1x2048xi32, #tpu.memory_space<hbm>> -> memref<2048xi32, #tpu.memory_space<hbm>>
    tpu.enqueue_dma source(%dma_start3A_256 : memref<2048xi32, #tpu.memory_space<hbm>>) target(%arg10 : memref<2048xi32, #tpu.memory_space<vmem>>) target_semaphore(%arg16 : memref<!tpu.dma_semaphore, #tpu.memory_space<semaphore_mem>>)
    %dma_start3A_257 = arith.constant 2 : i32
    %dma_start3A_258 = arith.constant 0 : i32
    %dma_start3A_259 = arith.constant 0 : i32
    %dma_start3A_260 = arith.constant 0 : i32
    %dma_start3A_261 = tpu.memref_slice %arg5[%dma_start3A_257, %dma_start3A_258, %dma_start3A_259, %dma_start3A_260] : memref<3x158x1x2048xf32, #tpu.memory_space<hbm>> -> memref<1x1x1x2048xf32, #tpu.memory_space<hbm>>
    %dma_start3A_262 = tpu.memref_squeeze %dma_start3A_261 : memref<1x1x1x2048xf32, #tpu.memory_space<hbm>> -> memref<2048xf32, #tpu.memory_space<hbm>>
    %dma_start3A_263 = arith.constant 0 : i32
    %dma_start3A_264 = tpu.memref_slice %arg5[%dma_start3A_257, %dma_start3A_258, %dma_start3A_259, %dma_start3A_263] : memref<3x158x1x2048xf32, #tpu.memory_space<hbm>> -> memref<1x1x1x2048xf32, #tpu.memory_space<hbm>>
    %dma_start3A_265 = tpu.memref_squeeze %dma_start3A_264 : memref<1x1x1x2048xf32, #tpu.memory_space<hbm>> -> memref<2048xf32, #tpu.memory_space<hbm>>
    tpu.enqueue_dma source(%dma_start3A_265 : memref<2048xf32, #tpu.memory_space<hbm>>) target(%arg11 : memref<2048xf32, #tpu.memory_space<vmem>>) target_semaphore(%arg17 : memref<!tpu.dma_semaphore, #tpu.memory_space<semaphore_mem>>)
    %dma_wait3A_266 = arith.constant 2 : i32
    %dma_wait3A_267 = arith.constant 0 : i32
    %dma_wait3A_268 = arith.constant 0 : i32
    %dma_wait3A_269 = arith.constant 0 : i32
    %dma_wait3A_270 = tpu.memref_slice %arg3[%dma_wait3A_266, %dma_wait3A_267, %dma_wait3A_268, %dma_wait3A_269] : memref<3x158x1x2048xi32, #tpu.memory_space<hbm>> -> memref<1x1x1x2048xi32, #tpu.memory_space<hbm>>
    %dma_wait3A_271 = tpu.memref_squeeze %dma_wait3A_270 : memref<1x1x1x2048xi32, #tpu.memory_space<hbm>> -> memref<2048xi32, #tpu.memory_space<hbm>>
    %dma_wait3A_272 = arith.constant 0 : i32
    %dma_wait3A_273 = tpu.memref_slice %arg3[%dma_wait3A_266, %dma_wait3A_267, %dma_wait3A_268, %dma_wait3A_272] : memref<3x158x1x2048xi32, #tpu.memory_space<hbm>> -> memref<1x1x1x2048xi32, #tpu.memory_space<hbm>>
    %dma_wait3A_274 = tpu.memref_squeeze %dma_wait3A_273 : memref<1x1x1x2048xi32, #tpu.memory_space<hbm>> -> memref<2048xi32, #tpu.memory_space<hbm>>
    tpu.wait_dma2 semaphore(%arg15 : memref<!tpu.dma_semaphore, #tpu.memory_space<semaphore_mem>>) src(%dma_wait3A_274 : memref<2048xi32, #tpu.memory_space<hbm>>) dst(%arg9 : memref<2048xi32, #tpu.memory_space<vmem>>)
    %dma_wait3A_275 = arith.constant 2 : i32
    %dma_wait3A_276 = arith.constant 0 : i32
    %dma_wait3A_277 = arith.constant 0 : i32
    %dma_wait3A_278 = arith.constant 0 : i32
    %dma_wait3A_279 = tpu.memref_slice %arg4[%dma_wait3A_275, %dma_wait3A_276, %dma_wait3A_277, %dma_wait3A_278] : memref<3x158x1x2048xi32, #tpu.memory_space<hbm>> -> memref<1x1x1x2048xi32, #tpu.memory_space<hbm>>
    %dma_wait3A_280 = tpu.memref_squeeze %dma_wait3A_279 : memref<1x1x1x2048xi32, #tpu.memory_space<hbm>> -> memref<2048xi32, #tpu.memory_space<hbm>>
    %dma_wait3A_281 = arith.constant 0 : i32
    %dma_wait3A_282 = tpu.memref_slice %arg4[%dma_wait3A_275, %dma_wait3A_276, %dma_wait3A_277, %dma_wait3A_281] : memref<3x158x1x2048xi32, #tpu.memory_space<hbm>> -> memref<1x1x1x2048xi32, #tpu.memory_space<hbm>>
    %dma_wait3A_283 = tpu.memref_squeeze %dma_wait3A_282 : memref<1x1x1x2048xi32, #tpu.memory_space<hbm>> -> memref<2048xi32, #tpu.memory_space<hbm>>
    tpu.wait_dma2 semaphore(%arg16 : memref<!tpu.dma_semaphore, #tpu.memory_space<semaphore_mem>>) src(%dma_wait3A_283 : memref<2048xi32, #tpu.memory_space<hbm>>) dst(%arg10 : memref<2048xi32, #tpu.memory_space<vmem>>)
    %dma_wait3A_284 = arith.constant 2 : i32
    %dma_wait3A_285 = arith.constant 0 : i32
    %dma_wait3A_286 = arith.constant 0 : i32
    %dma_wait3A_287 = arith.constant 0 : i32
    %dma_wait3A_288 = tpu.memref_slice %arg5[%dma_wait3A_284, %dma_wait3A_285, %dma_wait3A_286, %dma_wait3A_287] : memref<3x158x1x2048xf32, #tpu.memory_space<hbm>> -> memref<1x1x1x2048xf32, #tpu.memory_space<hbm>>
    %dma_wait3A_289 = tpu.memref_squeeze %dma_wait3A_288 : memref<1x1x1x2048xf32, #tpu.memory_space<hbm>> -> memref<2048xf32, #tpu.memory_space<hbm>>
    %dma_wait3A_290 = arith.constant 0 : i32
    %dma_wait3A_291 = tpu.memref_slice %arg5[%dma_wait3A_284, %dma_wait3A_285, %dma_wait3A_286, %dma_wait3A_290] : memref<3x158x1x2048xf32, #tpu.memory_space<hbm>> -> memref<1x1x1x2048xf32, #tpu.memory_space<hbm>>
    %dma_wait3A_292 = tpu.memref_squeeze %dma_wait3A_291 : memref<1x1x1x2048xf32, #tpu.memory_space<hbm>> -> memref<2048xf32, #tpu.memory_space<hbm>>
    tpu.wait_dma2 semaphore(%arg17 : memref<!tpu.dma_semaphore, #tpu.memory_space<semaphore_mem>>) src(%dma_wait3A_292 : memref<2048xf32, #tpu.memory_space<hbm>>) dst(%arg11 : memref<2048xf32, #tpu.memory_space<vmem>>)
    %scan3A_293 = arith.constant 0 : i32
    %scan3A_294 = arith.constant 0 : i32
    %scan3A_295 = arith.constant 79 : i32
    %scan3A_296 = arith.addi %scan3A_294, %scan3A_295 : i32
    %scan3A_297 = arith.constant 1 : i32
    scf.for %scan3A_360 = %scan3A_294 to %scan3A_296 step %scan3A_297  : i32 {
      %mul3A_361 = arith.constant 2 : i32
      %mul3A_362 = arith.muli %scan3A_360, %mul3A_361 : i32
      %add3A_363 = arith.constant 1 : i32
      %add3A_364 = arith.addi %mul3A_362, %add3A_363 : i32
      %min3A = arith.constant 157 : i32
      %min3A_365 = arith.minsi %add3A_364, %min3A : i32
      %dma_start3A_366 = arith.constant 2 : i32
      %dma_start3A_367 = arith.constant 0 : i32
      %dma_start3A_368 = arith.constant 0 : i32
      %dma_start3A_369 = tpu.memref_slice %arg3[%dma_start3A_366, %min3A_365, %dma_start3A_367, %dma_start3A_368] : memref<3x158x1x2048xi32, #tpu.memory_space<hbm>> -> memref<1x1x1x2048xi32, #tpu.memory_space<hbm>>
      %dma_start3A_370 = tpu.memref_squeeze %dma_start3A_369 : memref<1x1x1x2048xi32, #tpu.memory_space<hbm>> -> memref<2048xi32, #tpu.memory_space<hbm>>
      %dma_start3A_371 = arith.constant 0 : i32
      %dma_start3A_372 = tpu.memref_slice %arg3[%dma_start3A_366, %min3A_365, %dma_start3A_367, %dma_start3A_371] : memref<3x158x1x2048xi32, #tpu.memory_space<hbm>> -> memref<1x1x1x2048xi32, #tpu.memory_space<hbm>>
      %dma_start3A_373 = tpu.memref_squeeze %dma_start3A_372 : memref<1x1x1x2048xi32, #tpu.memory_space<hbm>> -> memref<2048xi32, #tpu.memory_space<hbm>>
      tpu.enqueue_dma source(%dma_start3A_373 : memref<2048xi32, #tpu.memory_space<hbm>>) target(%arg12 : memref<2048xi32, #tpu.memory_space<vmem>>) target_semaphore(%arg18 : memref<!tpu.dma_semaphore, #tpu.memory_space<semaphore_mem>>)
      %dma_start3A_374 = arith.constant 2 : i32
      %dma_start3A_375 = arith.constant 0 : i32
      %dma_start3A_376 = arith.constant 0 : i32
      %dma_start3A_377 = tpu.memref_slice %arg4[%dma_start3A_374, %min3A_365, %dma_start3A_375, %dma_start3A_376] : memref<3x158x1x2048xi32, #tpu.memory_space<hbm>> -> memref<1x1x1x2048xi32, #tpu.memory_space<hbm>>
      %dma_start3A_378 = tpu.memref_squeeze %dma_start3A_377 : memref<1x1x1x2048xi32, #tpu.memory_space<hbm>> -> memref<2048xi32, #tpu.memory_space<hbm>>
      %dma_start3A_379 = arith.constant 0 : i32
      %dma_start3A_380 = tpu.memref_slice %arg4[%dma_start3A_374, %min3A_365, %dma_start3A_375, %dma_start3A_379] : memref<3x158x1x2048xi32, #tpu.memory_space<hbm>> -> memref<1x1x1x2048xi32, #tpu.memory_space<hbm>>
      %dma_start3A_381 = tpu.memref_squeeze %dma_start3A_380 : memref<1x1x1x2048xi32, #tpu.memory_space<hbm>> -> memref<2048xi32, #tpu.memory_space<hbm>>
      tpu.enqueue_dma source(%dma_start3A_381 : memref<2048xi32, #tpu.memory_space<hbm>>) target(%arg13 : memref<2048xi32, #tpu.memory_space<vmem>>) target_semaphore(%arg19 : memref<!tpu.dma_semaphore, #tpu.memory_space<semaphore_mem>>)
      %dma_start3A_382 = arith.constant 2 : i32
      %dma_start3A_383 = arith.constant 0 : i32
      %dma_start3A_384 = arith.constant 0 : i32
      %dma_start3A_385 = tpu.memref_slice %arg5[%dma_start3A_382, %min3A_365, %dma_start3A_383, %dma_start3A_384] : memref<3x158x1x2048xf32, #tpu.memory_space<hbm>> -> memref<1x1x1x2048xf32, #tpu.memory_space<hbm>>
      %dma_start3A_386 = tpu.memref_squeeze %dma_start3A_385 : memref<1x1x1x2048xf32, #tpu.memory_space<hbm>> -> memref<2048xf32, #tpu.memory_space<hbm>>
      %dma_start3A_387 = arith.constant 0 : i32
      %dma_start3A_388 = tpu.memref_slice %arg5[%dma_start3A_382, %min3A_365, %dma_start3A_383, %dma_start3A_387] : memref<3x158x1x2048xf32, #tpu.memory_space<hbm>> -> memref<1x1x1x2048xf32, #tpu.memory_space<hbm>>
      %dma_start3A_389 = tpu.memref_squeeze %dma_start3A_388 : memref<1x1x1x2048xf32, #tpu.memory_space<hbm>> -> memref<2048xf32, #tpu.memory_space<hbm>>
      tpu.enqueue_dma source(%dma_start3A_389 : memref<2048xf32, #tpu.memory_space<hbm>>) target(%arg14 : memref<2048xf32, #tpu.memory_space<vmem>>) target_semaphore(%arg20 : memref<!tpu.dma_semaphore, #tpu.memory_space<semaphore_mem>>)
      %parallel_loop3A = arith.constant 0 : i32
      %parallel_loop3A_390 = arith.constant 128 : i32
      %parallel_loop3A_391 = arith.constant 1 : i32
      scf.for %parallel_loop3A_471 = %parallel_loop3A to %parallel_loop3A_390 step %parallel_loop3A_391  : i32 {
        %parallel_loop3A_472 = arith.constant 16 : i32
        %parallel_loop3A_473 = arith.muli %parallel_loop3A_471, %parallel_loop3A_472 : i32
        %parallel_loop3A_474 = arith.index_cast %parallel_loop3A_473 : i32 to index
        %parallel_loop3A_475 = tpu.vector_load %arg9[%parallel_loop3A_474] {strides = array<i32>} : memref<2048xi32, #tpu.memory_space<vmem>>, vector<16xi32>,
        %parallel_loop3A_476 = arith.index_cast %parallel_loop3A_473 : i32 to index
        %parallel_loop3A_477 = tpu.vector_load %arg10[%parallel_loop3A_476] {strides = array<i32>} : memref<2048xi32, #tpu.memory_space<vmem>>, vector<16xi32>,
        %parallel_loop3A_478 = arith.index_cast %parallel_loop3A_473 : i32 to index
        %parallel_loop3A_479 = tpu.vector_load %arg11[%parallel_loop3A_478] {strides = array<i32>} : memref<2048xf32, #tpu.memory_space<vmem>>, vector<16xf32>,
        %parallel_loop3A_480 = arith.constant 0 : i32
        %parallel_loop3A_481 = tpu.memref_slice %arg7[%parallel_loop3A_480] : memref<40000xf32, #tpu.memory_space<vmem>> -> memref<10000xf32, #tpu.memory_space<vmem>>
        %parallel_loop3A_482 = tpu.vector_load_idx %parallel_loop3A_481[%parallel_loop3A_475] : memref<10000xf32, #tpu.memory_space<vmem>>[vector<16xi32>], vector<16xf32>,
        %parallel_loop3A_483 = arith.constant 10000 : i32
        %parallel_loop3A_484 = tpu.memref_slice %arg7[%parallel_loop3A_483] : memref<40000xf32, #tpu.memory_space<vmem>> -> memref<10000xf32, #tpu.memory_space<vmem>>
        %parallel_loop3A_485 = tpu.vector_load_idx %parallel_loop3A_484[%parallel_loop3A_475] : memref<10000xf32, #tpu.memory_space<vmem>>[vector<16xi32>], vector<16xf32>,
        %parallel_loop3A_486 = arith.constant 20000 : i32
        %parallel_loop3A_487 = tpu.memref_slice %arg7[%parallel_loop3A_486] : memref<40000xf32, #tpu.memory_space<vmem>> -> memref<10000xf32, #tpu.memory_space<vmem>>
        %parallel_loop3A_488 = tpu.vector_load_idx %parallel_loop3A_487[%parallel_loop3A_475] : memref<10000xf32, #tpu.memory_space<vmem>>[vector<16xi32>], vector<16xf32>,
        %parallel_loop3A_489 = arith.constant 30000 : i32
        %parallel_loop3A_490 = tpu.memref_slice %arg7[%parallel_loop3A_489] : memref<40000xf32, #tpu.memory_space<vmem>> -> memref<10000xf32, #tpu.memory_space<vmem>>
        %parallel_loop3A_491 = tpu.vector_load_idx %parallel_loop3A_490[%parallel_loop3A_475] : memref<10000xf32, #tpu.memory_space<vmem>>[vector<16xi32>], vector<16xf32>,
        %parallel_loop3A_492 = arith.mulf %parallel_loop3A_482, %parallel_loop3A_479 : vector<16xf32>
        %parallel_loop3A_493 = arith.constant 0 : i32
        %parallel_loop3A_494 = tpu.memref_slice %arg8[%parallel_loop3A_493] : memref<40000xf32, #tpu.memory_space<vmem>> -> memref<10000xf32, #tpu.memory_space<vmem>>
        tpu.vector_store_idx %parallel_loop3A_494[%parallel_loop3A_477], %parallel_loop3A_492 {add = true} : memref<10000xf32, #tpu.memory_space<vmem>>[vector<16xi32>], vector<16xf32>,
        %parallel_loop3A_495 = arith.mulf %parallel_loop3A_485, %parallel_loop3A_479 : vector<16xf32>
        %parallel_loop3A_496 = arith.constant 10000 : i32
        %parallel_loop3A_497 = tpu.memref_slice %arg8[%parallel_loop3A_496] : memref<40000xf32, #tpu.memory_space<vmem>> -> memref<10000xf32, #tpu.memory_space<vmem>>
        tpu.vector_store_idx %parallel_loop3A_497[%parallel_loop3A_477], %parallel_loop3A_495 {add = true} : memref<10000xf32, #tpu.memory_space<vmem>>[vector<16xi32>], vector<16xf32>,
        %parallel_loop3A_498 = arith.mulf %parallel_loop3A_488, %parallel_loop3A_479 : vector<16xf32>
        %parallel_loop3A_499 = arith.constant 20000 : i32
        %parallel_loop3A_500 = tpu.memref_slice %arg8[%parallel_loop3A_499] : memref<40000xf32, #tpu.memory_space<vmem>> -> memref<10000xf32, #tpu.memory_space<vmem>>
        tpu.vector_store_idx %parallel_loop3A_500[%parallel_loop3A_477], %parallel_loop3A_498 {add = true} : memref<10000xf32, #tpu.memory_space<vmem>>[vector<16xi32>], vector<16xf32>,
        %parallel_loop3A_501 = arith.mulf %parallel_loop3A_491, %parallel_loop3A_479 : vector<16xf32>
        %parallel_loop3A_502 = arith.constant 30000 : i32
        %parallel_loop3A_503 = tpu.memref_slice %arg8[%parallel_loop3A_502] : memref<40000xf32, #tpu.memory_space<vmem>> -> memref<10000xf32, #tpu.memory_space<vmem>>
        tpu.vector_store_idx %parallel_loop3A_503[%parallel_loop3A_477], %parallel_loop3A_501 {add = true} : memref<10000xf32, #tpu.memory_space<vmem>>[vector<16xi32>], vector<16xf32>,
      } {sc.loop_unroll_factor = 8 : i64, sc.parallel_access}
      %dma_wait3A_392 = arith.constant 2 : i32
      %dma_wait3A_393 = arith.constant 0 : i32
      %dma_wait3A_394 = arith.constant 0 : i32
      %dma_wait3A_395 = tpu.memref_slice %arg3[%dma_wait3A_392, %min3A_365, %dma_wait3A_393, %dma_wait3A_394] : memref<3x158x1x2048xi32, #tpu.memory_space<hbm>> -> memref<1x1x1x2048xi32, #tpu.memory_space<hbm>>
      %dma_wait3A_396 = tpu.memref_squeeze %dma_wait3A_395 : memref<1x1x1x2048xi32, #tpu.memory_space<hbm>> -> memref<2048xi32, #tpu.memory_space<hbm>>
      %dma_wait3A_397 = arith.constant 0 : i32
      %dma_wait3A_398 = tpu.memref_slice %arg3[%dma_wait3A_392, %min3A_365, %dma_wait3A_393, %dma_wait3A_397] : memref<3x158x1x2048xi32, #tpu.memory_space<hbm>> -> memref<1x1x1x2048xi32, #tpu.memory_space<hbm>>
      %dma_wait3A_399 = tpu.memref_squeeze %dma_wait3A_398 : memref<1x1x1x2048xi32, #tpu.memory_space<hbm>> -> memref<2048xi32, #tpu.memory_space<hbm>>
      tpu.wait_dma2 semaphore(%arg18 : memref<!tpu.dma_semaphore, #tpu.memory_space<semaphore_mem>>) src(%dma_wait3A_399 : memref<2048xi32, #tpu.memory_space<hbm>>) dst(%arg12 : memref<2048xi32, #tpu.memory_space<vmem>>)
      %dma_wait3A_400 = arith.constant 2 : i32
      %dma_wait3A_401 = arith.constant 0 : i32
      %dma_wait3A_402 = arith.constant 0 : i32
      %dma_wait3A_403 = tpu.memref_slice %arg4[%dma_wait3A_400, %min3A_365, %dma_wait3A_401, %dma_wait3A_402] : memref<3x158x1x2048xi32, #tpu.memory_space<hbm>> -> memref<1x1x1x2048xi32, #tpu.memory_space<hbm>>
      %dma_wait3A_404 = tpu.memref_squeeze %dma_wait3A_403 : memref<1x1x1x2048xi32, #tpu.memory_space<hbm>> -> memref<2048xi32, #tpu.memory_space<hbm>>
      %dma_wait3A_405 = arith.constant 0 : i32
      %dma_wait3A_406 = tpu.memref_slice %arg4[%dma_wait3A_400, %min3A_365, %dma_wait3A_401, %dma_wait3A_405] : memref<3x158x1x2048xi32, #tpu.memory_space<hbm>> -> memref<1x1x1x2048xi32, #tpu.memory_space<hbm>>
      %dma_wait3A_407 = tpu.memref_squeeze %dma_wait3A_406 : memref<1x1x1x2048xi32, #tpu.memory_space<hbm>> -> memref<2048xi32, #tpu.memory_space<hbm>>
      tpu.wait_dma2 semaphore(%arg19 : memref<!tpu.dma_semaphore, #tpu.memory_space<semaphore_mem>>) src(%dma_wait3A_407 : memref<2048xi32, #tpu.memory_space<hbm>>) dst(%arg13 : memref<2048xi32, #tpu.memory_space<vmem>>)
      %dma_wait3A_408 = arith.constant 2 : i32
      %dma_wait3A_409 = arith.constant 0 : i32
      %dma_wait3A_410 = arith.constant 0 : i32
      %dma_wait3A_411 = tpu.memref_slice %arg5[%dma_wait3A_408, %min3A_365, %dma_wait3A_409, %dma_wait3A_410] : memref<3x158x1x2048xf32, #tpu.memory_space<hbm>> -> memref<1x1x1x2048xf32, #tpu.memory_space<hbm>>
      %dma_wait3A_412 = tpu.memref_squeeze %dma_wait3A_411 : memref<1x1x1x2048xf32, #tpu.memory_space<hbm>> -> memref<2048xf32, #tpu.memory_space<hbm>>
      %dma_wait3A_413 = arith.constant 0 : i32
      %dma_wait3A_414 = tpu.memref_slice %arg5[%dma_wait3A_408, %min3A_365, %dma_wait3A_409, %dma_wait3A_413] : memref<3x158x1x2048xf32, #tpu.memory_space<hbm>> -> memref<1x1x1x2048xf32, #tpu.memory_space<hbm>>
      %dma_wait3A_415 = tpu.memref_squeeze %dma_wait3A_414 : memref<1x1x1x2048xf32, #tpu.memory_space<hbm>> -> memref<2048xf32, #tpu.memory_space<hbm>>
      tpu.wait_dma2 semaphore(%arg20 : memref<!tpu.dma_semaphore, #tpu.memory_space<semaphore_mem>>) src(%dma_wait3A_415 : memref<2048xf32, #tpu.memory_space<hbm>>) dst(%arg14 : memref<2048xf32, #tpu.memory_space<vmem>>)
      %add3A_416 = arith.constant 2 : i32
      %add3A_417 = arith.addi %mul3A_362, %add3A_416 : i32
      %min3A_418 = arith.constant 157 : i32
      %min3A_419 = arith.minsi %add3A_417, %min3A_418 : i32
      %dma_start3A_420 = arith.constant 2 : i32
      %dma_start3A_421 = arith.constant 0 : i32
      %dma_start3A_422 = arith.constant 0 : i32
      %dma_start3A_423 = tpu.memref_slice %arg3[%dma_start3A_420, %min3A_419, %dma_start3A_421, %dma_start3A_422] : memref<3x158x1x2048xi32, #tpu.memory_space<hbm>> -> memref<1x1x1x2048xi32, #tpu.memory_space<hbm>>
      %dma_start3A_424 = tpu.memref_squeeze %dma_start3A_423 : memref<1x1x1x2048xi32, #tpu.memory_space<hbm>> -> memref<2048xi32, #tpu.memory_space<hbm>>
      %dma_start3A_425 = arith.constant 0 : i32
      %dma_start3A_426 = tpu.memref_slice %arg3[%dma_start3A_420, %min3A_419, %dma_start3A_421, %dma_start3A_425] : memref<3x158x1x2048xi32, #tpu.memory_space<hbm>> -> memref<1x1x1x2048xi32, #tpu.memory_space<hbm>>
      %dma_start3A_427 = tpu.memref_squeeze %dma_start3A_426 : memref<1x1x1x2048xi32, #tpu.memory_space<hbm>> -> memref<2048xi32, #tpu.memory_space<hbm>>
      tpu.enqueue_dma source(%dma_start3A_427 : memref<2048xi32, #tpu.memory_space<hbm>>) target(%arg9 : memref<2048xi32, #tpu.memory_space<vmem>>) target_semaphore(%arg15 : memref<!tpu.dma_semaphore, #tpu.memory_space<semaphore_mem>>)
      %dma_start3A_428 = arith.constant 2 : i32
      %dma_start3A_429 = arith.constant 0 : i32
      %dma_start3A_430 = arith.constant 0 : i32
      %dma_start3A_431 = tpu.memref_slice %arg4[%dma_start3A_428, %min3A_419, %dma_start3A_429, %dma_start3A_430] : memref<3x158x1x2048xi32, #tpu.memory_space<hbm>> -> memref<1x1x1x2048xi32, #tpu.memory_space<hbm>>
      %dma_start3A_432 = tpu.memref_squeeze %dma_start3A_431 : memref<1x1x1x2048xi32, #tpu.memory_space<hbm>> -> memref<2048xi32, #tpu.memory_space<hbm>>
      %dma_start3A_433 = arith.constant 0 : i32
      %dma_start3A_434 = tpu.memref_slice %arg4[%dma_start3A_428, %min3A_419, %dma_start3A_429, %dma_start3A_433] : memref<3x158x1x2048xi32, #tpu.memory_space<hbm>> -> memref<1x1x1x2048xi32, #tpu.memory_space<hbm>>
      %dma_start3A_435 = tpu.memref_squeeze %dma_start3A_434 : memref<1x1x1x2048xi32, #tpu.memory_space<hbm>> -> memref<2048xi32, #tpu.memory_space<hbm>>
      tpu.enqueue_dma source(%dma_start3A_435 : memref<2048xi32, #tpu.memory_space<hbm>>) target(%arg10 : memref<2048xi32, #tpu.memory_space<vmem>>) target_semaphore(%arg16 : memref<!tpu.dma_semaphore, #tpu.memory_space<semaphore_mem>>)
      %dma_start3A_436 = arith.constant 2 : i32
      %dma_start3A_437 = arith.constant 0 : i32
      %dma_start3A_438 = arith.constant 0 : i32
      %dma_start3A_439 = tpu.memref_slice %arg5[%dma_start3A_436, %min3A_419, %dma_start3A_437, %dma_start3A_438] : memref<3x158x1x2048xf32, #tpu.memory_space<hbm>> -> memref<1x1x1x2048xf32, #tpu.memory_space<hbm>>
      %dma_start3A_440 = tpu.memref_squeeze %dma_start3A_439 : memref<1x1x1x2048xf32, #tpu.memory_space<hbm>> -> memref<2048xf32, #tpu.memory_space<hbm>>
      %dma_start3A_441 = arith.constant 0 : i32
      %dma_start3A_442 = tpu.memref_slice %arg5[%dma_start3A_436, %min3A_419, %dma_start3A_437, %dma_start3A_441] : memref<3x158x1x2048xf32, #tpu.memory_space<hbm>> -> memref<1x1x1x2048xf32, #tpu.memory_space<hbm>>
      %dma_start3A_443 = tpu.memref_squeeze %dma_start3A_442 : memref<1x1x1x2048xf32, #tpu.memory_space<hbm>> -> memref<2048xf32, #tpu.memory_space<hbm>>
      tpu.enqueue_dma source(%dma_start3A_443 : memref<2048xf32, #tpu.memory_space<hbm>>) target(%arg11 : memref<2048xf32, #tpu.memory_space<vmem>>) target_semaphore(%arg17 : memref<!tpu.dma_semaphore, #tpu.memory_space<semaphore_mem>>)
      %parallel_loop3A_444 = arith.constant 0 : i32
      %parallel_loop3A_445 = arith.constant 128 : i32
      %parallel_loop3A_446 = arith.constant 1 : i32
      scf.for %parallel_loop3A_471 = %parallel_loop3A_444 to %parallel_loop3A_445 step %parallel_loop3A_446  : i32 {
        %parallel_loop3A_472 = arith.constant 16 : i32
        %parallel_loop3A_473 = arith.muli %parallel_loop3A_471, %parallel_loop3A_472 : i32
        %parallel_loop3A_474 = arith.index_cast %parallel_loop3A_473 : i32 to index
        %parallel_loop3A_475 = tpu.vector_load %arg12[%parallel_loop3A_474] {strides = array<i32>} : memref<2048xi32, #tpu.memory_space<vmem>>, vector<16xi32>,
        %parallel_loop3A_476 = arith.index_cast %parallel_loop3A_473 : i32 to index
        %parallel_loop3A_477 = tpu.vector_load %arg13[%parallel_loop3A_476] {strides = array<i32>} : memref<2048xi32, #tpu.memory_space<vmem>>, vector<16xi32>,
        %parallel_loop3A_478 = arith.index_cast %parallel_loop3A_473 : i32 to index
        %parallel_loop3A_479 = tpu.vector_load %arg14[%parallel_loop3A_478] {strides = array<i32>} : memref<2048xf32, #tpu.memory_space<vmem>>, vector<16xf32>,
        %parallel_loop3A_480 = arith.constant 0 : i32
        %parallel_loop3A_481 = tpu.memref_slice %arg7[%parallel_loop3A_480] : memref<40000xf32, #tpu.memory_space<vmem>> -> memref<10000xf32, #tpu.memory_space<vmem>>
        %parallel_loop3A_482 = tpu.vector_load_idx %parallel_loop3A_481[%parallel_loop3A_475] : memref<10000xf32, #tpu.memory_space<vmem>>[vector<16xi32>], vector<16xf32>,
        %parallel_loop3A_483 = arith.constant 10000 : i32
        %parallel_loop3A_484 = tpu.memref_slice %arg7[%parallel_loop3A_483] : memref<40000xf32, #tpu.memory_space<vmem>> -> memref<10000xf32, #tpu.memory_space<vmem>>
        %parallel_loop3A_485 = tpu.vector_load_idx %parallel_loop3A_484[%parallel_loop3A_475] : memref<10000xf32, #tpu.memory_space<vmem>>[vector<16xi32>], vector<16xf32>,
        %parallel_loop3A_486 = arith.constant 20000 : i32
        %parallel_loop3A_487 = tpu.memref_slice %arg7[%parallel_loop3A_486] : memref<40000xf32, #tpu.memory_space<vmem>> -> memref<10000xf32, #tpu.memory_space<vmem>>
        %parallel_loop3A_488 = tpu.vector_load_idx %parallel_loop3A_487[%parallel_loop3A_475] : memref<10000xf32, #tpu.memory_space<vmem>>[vector<16xi32>], vector<16xf32>,
        %parallel_loop3A_489 = arith.constant 30000 : i32
        %parallel_loop3A_490 = tpu.memref_slice %arg7[%parallel_loop3A_489] : memref<40000xf32, #tpu.memory_space<vmem>> -> memref<10000xf32, #tpu.memory_space<vmem>>
        %parallel_loop3A_491 = tpu.vector_load_idx %parallel_loop3A_490[%parallel_loop3A_475] : memref<10000xf32, #tpu.memory_space<vmem>>[vector<16xi32>], vector<16xf32>,
        %parallel_loop3A_492 = arith.mulf %parallel_loop3A_482, %parallel_loop3A_479 : vector<16xf32>
        %parallel_loop3A_493 = arith.constant 0 : i32
        %parallel_loop3A_494 = tpu.memref_slice %arg8[%parallel_loop3A_493] : memref<40000xf32, #tpu.memory_space<vmem>> -> memref<10000xf32, #tpu.memory_space<vmem>>
        tpu.vector_store_idx %parallel_loop3A_494[%parallel_loop3A_477], %parallel_loop3A_492 {add = true} : memref<10000xf32, #tpu.memory_space<vmem>>[vector<16xi32>], vector<16xf32>,
        %parallel_loop3A_495 = arith.mulf %parallel_loop3A_485, %parallel_loop3A_479 : vector<16xf32>
        %parallel_loop3A_496 = arith.constant 10000 : i32
        %parallel_loop3A_497 = tpu.memref_slice %arg8[%parallel_loop3A_496] : memref<40000xf32, #tpu.memory_space<vmem>> -> memref<10000xf32, #tpu.memory_space<vmem>>
        tpu.vector_store_idx %parallel_loop3A_497[%parallel_loop3A_477], %parallel_loop3A_495 {add = true} : memref<10000xf32, #tpu.memory_space<vmem>>[vector<16xi32>], vector<16xf32>,
        %parallel_loop3A_498 = arith.mulf %parallel_loop3A_488, %parallel_loop3A_479 : vector<16xf32>
        %parallel_loop3A_499 = arith.constant 20000 : i32
        %parallel_loop3A_500 = tpu.memref_slice %arg8[%parallel_loop3A_499] : memref<40000xf32, #tpu.memory_space<vmem>> -> memref<10000xf32, #tpu.memory_space<vmem>>
        tpu.vector_store_idx %parallel_loop3A_500[%parallel_loop3A_477], %parallel_loop3A_498 {add = true} : memref<10000xf32, #tpu.memory_space<vmem>>[vector<16xi32>], vector<16xf32>,
        %parallel_loop3A_501 = arith.mulf %parallel_loop3A_491, %parallel_loop3A_479 : vector<16xf32>
        %parallel_loop3A_502 = arith.constant 30000 : i32
        %parallel_loop3A_503 = tpu.memref_slice %arg8[%parallel_loop3A_502] : memref<40000xf32, #tpu.memory_space<vmem>> -> memref<10000xf32, #tpu.memory_space<vmem>>
        tpu.vector_store_idx %parallel_loop3A_503[%parallel_loop3A_477], %parallel_loop3A_501 {add = true} : memref<10000xf32, #tpu.memory_space<vmem>>[vector<16xi32>], vector<16xf32>,
      } {sc.loop_unroll_factor = 8 : i64, sc.parallel_access}
      %dma_wait3A_447 = arith.constant 2 : i32
      %dma_wait3A_448 = arith.constant 0 : i32
      %dma_wait3A_449 = arith.constant 0 : i32
      %dma_wait3A_450 = tpu.memref_slice %arg3[%dma_wait3A_447, %min3A_419, %dma_wait3A_448, %dma_wait3A_449] : memref<3x158x1x2048xi32, #tpu.memory_space<hbm>> -> memref<1x1x1x2048xi32, #tpu.memory_space<hbm>>
      %dma_wait3A_451 = tpu.memref_squeeze %dma_wait3A_450 : memref<1x1x1x2048xi32, #tpu.memory_space<hbm>> -> memref<2048xi32, #tpu.memory_space<hbm>>
      %dma_wait3A_452 = arith.constant 0 : i32
      %dma_wait3A_453 = tpu.memref_slice %arg3[%dma_wait3A_447, %min3A_419, %dma_wait3A_448, %dma_wait3A_452] : memref<3x158x1x2048xi32, #tpu.memory_space<hbm>> -> memref<1x1x1x2048xi32, #tpu.memory_space<hbm>>
      %dma_wait3A_454 = tpu.memref_squeeze %dma_wait3A_453 : memref<1x1x1x2048xi32, #tpu.memory_space<hbm>> -> memref<2048xi32, #tpu.memory_space<hbm>>
      tpu.wait_dma2 semaphore(%arg15 : memref<!tpu.dma_semaphore, #tpu.memory_space<semaphore_mem>>) src(%dma_wait3A_454 : memref<2048xi32, #tpu.memory_space<hbm>>) dst(%arg9 : memref<2048xi32, #tpu.memory_space<vmem>>)
      %dma_wait3A_455 = arith.constant 2 : i32
      %dma_wait3A_456 = arith.constant 0 : i32
      %dma_wait3A_457 = arith.constant 0 : i32
      %dma_wait3A_458 = tpu.memref_slice %arg4[%dma_wait3A_455, %min3A_419, %dma_wait3A_456, %dma_wait3A_457] : memref<3x158x1x2048xi32, #tpu.memory_space<hbm>> -> memref<1x1x1x2048xi32, #tpu.memory_space<hbm>>
      %dma_wait3A_459 = tpu.memref_squeeze %dma_wait3A_458 : memref<1x1x1x2048xi32, #tpu.memory_space<hbm>> -> memref<2048xi32, #tpu.memory_space<hbm>>
      %dma_wait3A_460 = arith.constant 0 : i32
      %dma_wait3A_461 = tpu.memref_slice %arg4[%dma_wait3A_455, %min3A_419, %dma_wait3A_456, %dma_wait3A_460] : memref<3x158x1x2048xi32, #tpu.memory_space<hbm>> -> memref<1x1x1x2048xi32, #tpu.memory_space<hbm>>
      %dma_wait3A_462 = tpu.memref_squeeze %dma_wait3A_461 : memref<1x1x1x2048xi32, #tpu.memory_space<hbm>> -> memref<2048xi32, #tpu.memory_space<hbm>>
      tpu.wait_dma2 semaphore(%arg16 : memref<!tpu.dma_semaphore, #tpu.memory_space<semaphore_mem>>) src(%dma_wait3A_462 : memref<2048xi32, #tpu.memory_space<hbm>>) dst(%arg10 : memref<2048xi32, #tpu.memory_space<vmem>>)
      %dma_wait3A_463 = arith.constant 2 : i32
      %dma_wait3A_464 = arith.constant 0 : i32
      %dma_wait3A_465 = arith.constant 0 : i32
      %dma_wait3A_466 = tpu.memref_slice %arg5[%dma_wait3A_463, %min3A_419, %dma_wait3A_464, %dma_wait3A_465] : memref<3x158x1x2048xf32, #tpu.memory_space<hbm>> -> memref<1x1x1x2048xf32, #tpu.memory_space<hbm>>
      %dma_wait3A_467 = tpu.memref_squeeze %dma_wait3A_466 : memref<1x1x1x2048xf32, #tpu.memory_space<hbm>> -> memref<2048xf32, #tpu.memory_space<hbm>>
      %dma_wait3A_468 = arith.constant 0 : i32
      %dma_wait3A_469 = tpu.memref_slice %arg5[%dma_wait3A_463, %min3A_419, %dma_wait3A_464, %dma_wait3A_468] : memref<3x158x1x2048xf32, #tpu.memory_space<hbm>> -> memref<1x1x1x2048xf32, #tpu.memory_space<hbm>>
      %dma_wait3A_470 = tpu.memref_squeeze %dma_wait3A_469 : memref<1x1x1x2048xf32, #tpu.memory_space<hbm>> -> memref<2048xf32, #tpu.memory_space<hbm>>
      tpu.wait_dma2 semaphore(%arg17 : memref<!tpu.dma_semaphore, #tpu.memory_space<semaphore_mem>>) src(%dma_wait3A_470 : memref<2048xf32, #tpu.memory_space<hbm>>) dst(%arg11 : memref<2048xf32, #tpu.memory_space<vmem>>)
    }
    %scan3A_298 = arith.constant 79 : i32
    "tpu.region"() ({
      %run_scoped3A_360 = tpu.sem_alloc : memref<!tpu.dma_semaphore, #tpu.memory_space<semaphore_mem>>
      %dma_start3A_361 = arith.constant 0 : i32
      %dma_start3A_362 = tpu.memref_slice %arg2[%add3A, %dma_start3A_361] : memref<32x40000xf32, #tpu.memory_space<hbm>> -> memref<1x40000xf32, #tpu.memory_space<hbm>>
      %dma_start3A_363 = tpu.memref_squeeze %dma_start3A_362 : memref<1x40000xf32, #tpu.memory_space<hbm>> -> memref<40000xf32, #tpu.memory_space<hbm>>
      %dma_start3A_364 = arith.constant 0 : i32
      %dma_start3A_365 = tpu.memref_slice %arg2[%add3A, %dma_start3A_364] : memref<32x40000xf32, #tpu.memory_space<hbm>> -> memref<1x40000xf32, #tpu.memory_space<hbm>>
      %dma_start3A_366 = tpu.memref_squeeze %dma_start3A_365 : memref<1x40000xf32, #tpu.memory_space<hbm>> -> memref<40000xf32, #tpu.memory_space<hbm>>
      tpu.enqueue_dma source(%dma_start3A_366 : memref<40000xf32, #tpu.memory_space<hbm>>) target(%arg7 : memref<40000xf32, #tpu.memory_space<vmem>>) target_semaphore(%run_scoped3A_360 : memref<!tpu.dma_semaphore, #tpu.memory_space<semaphore_mem>>)
      %dma_wait3A_367 = arith.constant 0 : i32
      %dma_wait3A_368 = tpu.memref_slice %arg2[%add3A, %dma_wait3A_367] : memref<32x40000xf32, #tpu.memory_space<hbm>> -> memref<1x40000xf32, #tpu.memory_space<hbm>>
      %dma_wait3A_369 = tpu.memref_squeeze %dma_wait3A_368 : memref<1x40000xf32, #tpu.memory_space<hbm>> -> memref<40000xf32, #tpu.memory_space<hbm>>
      %dma_wait3A_370 = arith.constant 0 : i32
      %dma_wait3A_371 = tpu.memref_slice %arg2[%add3A, %dma_wait3A_370] : memref<32x40000xf32, #tpu.memory_space<hbm>> -> memref<1x40000xf32, #tpu.memory_space<hbm>>
      %dma_wait3A_372 = tpu.memref_squeeze %dma_wait3A_371 : memref<1x40000xf32, #tpu.memory_space<hbm>> -> memref<40000xf32, #tpu.memory_space<hbm>>
      tpu.wait_dma2 semaphore(%run_scoped3A_360 : memref<!tpu.dma_semaphore, #tpu.memory_space<semaphore_mem>>) src(%dma_wait3A_372 : memref<40000xf32, #tpu.memory_space<hbm>>) dst(%arg7 : memref<40000xf32, #tpu.memory_space<vmem>>)
      tpu.yield
    }) : () -> ()
    %dma_start3A_299 = arith.constant 2 : i32
    %dma_start3A_300 = arith.constant 0 : i32
    %dma_start3A_301 = arith.constant 0 : i32
    %dma_start3A_302 = arith.constant 0 : i32
    %dma_start3A_303 = tpu.memref_slice %arg3[%dma_start3A_299, %dma_start3A_300, %dma_start3A_301, %dma_start3A_302] : memref<3x158x1x2048xi32, #tpu.memory_space<hbm>> -> memref<1x1x1x2048xi32, #tpu.memory_space<hbm>>
    %dma_start3A_304 = tpu.memref_squeeze %dma_start3A_303 : memref<1x1x1x2048xi32, #tpu.memory_space<hbm>> -> memref<2048xi32, #tpu.memory_space<hbm>>
    %dma_start3A_305 = arith.constant 0 : i32
    %dma_start3A_306 = tpu.memref_slice %arg3[%dma_start3A_299, %dma_start3A_300, %dma_start3A_301, %dma_start3A_305] : memref<3x158x1x2048xi32, #tpu.memory_space<hbm>> -> memref<1x1x1x2048xi32, #tpu.memory_space<hbm>>
    %dma_start3A_307 = tpu.memref_squeeze %dma_start3A_306 : memref<1x1x1x2048xi32, #tpu.memory_space<hbm>> -> memref<2048xi32, #tpu.memory_space<hbm>>
    tpu.enqueue_dma source(%dma_start3A_307 : memref<2048xi32, #tpu.memory_space<hbm>>) target(%arg9 : memref<2048xi32, #tpu.memory_space<vmem>>) target_semaphore(%arg15 : memref<!tpu.dma_semaphore, #tpu.memory_space<semaphore_mem>>)
    %dma_start3A_308 = arith.constant 2 : i32
    %dma_start3A_309 = arith.constant 0 : i32
    %dma_start3A_310 = arith.constant 0 : i32
    %dma_start3A_311 = arith.constant 0 : i32
    %dma_start3A_312 = tpu.memref_slice %arg4[%dma_start3A_308, %dma_start3A_309, %dma_start3A_310, %dma_start3A_311] : memref<3x158x1x2048xi32, #tpu.memory_space<hbm>> -> memref<1x1x1x2048xi32, #tpu.memory_space<hbm>>
    %dma_start3A_313 = tpu.memref_squeeze %dma_start3A_312 : memref<1x1x1x2048xi32, #tpu.memory_space<hbm>> -> memref<2048xi32, #tpu.memory_space<hbm>>
    %dma_start3A_314 = arith.constant 0 : i32
    %dma_start3A_315 = tpu.memref_slice %arg4[%dma_start3A_308, %dma_start3A_309, %dma_start3A_310, %dma_start3A_314] : memref<3x158x1x2048xi32, #tpu.memory_space<hbm>> -> memref<1x1x1x2048xi32, #tpu.memory_space<hbm>>
    %dma_start3A_316 = tpu.memref_squeeze %dma_start3A_315 : memref<1x1x1x2048xi32, #tpu.memory_space<hbm>> -> memref<2048xi32, #tpu.memory_space<hbm>>
    tpu.enqueue_dma source(%dma_start3A_316 : memref<2048xi32, #tpu.memory_space<hbm>>) target(%arg10 : memref<2048xi32, #tpu.memory_space<vmem>>) target_semaphore(%arg16 : memref<!tpu.dma_semaphore, #tpu.memory_space<semaphore_mem>>)
    %dma_start3A_317 = arith.constant 2 : i32
    %dma_start3A_318 = arith.constant 0 : i32
    %dma_start3A_319 = arith.constant 0 : i32
    %dma_start3A_320 = arith.constant 0 : i32
    %dma_start3A_321 = tpu.memref_slice %arg5[%dma_start3A_317, %dma_start3A_318, %dma_start3A_319, %dma_start3A_320] : memref<3x158x1x2048xf32, #tpu.memory_space<hbm>> -> memref<1x1x1x2048xf32, #tpu.memory_space<hbm>>
    %dma_start3A_322 = tpu.memref_squeeze %dma_start3A_321 : memref<1x1x1x2048xf32, #tpu.memory_space<hbm>> -> memref<2048xf32, #tpu.memory_space<hbm>>
    %dma_start3A_323 = arith.constant 0 : i32
    %dma_start3A_324 = tpu.memref_slice %arg5[%dma_start3A_317, %dma_start3A_318, %dma_start3A_319, %dma_start3A_323] : memref<3x158x1x2048xf32, #tpu.memory_space<hbm>> -> memref<1x1x1x2048xf32, #tpu.memory_space<hbm>>
    %dma_start3A_325 = tpu.memref_squeeze %dma_start3A_324 : memref<1x1x1x2048xf32, #tpu.memory_space<hbm>> -> memref<2048xf32, #tpu.memory_space<hbm>>
    tpu.enqueue_dma source(%dma_start3A_325 : memref<2048xf32, #tpu.memory_space<hbm>>) target(%arg11 : memref<2048xf32, #tpu.memory_space<vmem>>) target_semaphore(%arg17 : memref<!tpu.dma_semaphore, #tpu.memory_space<semaphore_mem>>)
    %dma_wait3A_326 = arith.constant 2 : i32
    %dma_wait3A_327 = arith.constant 0 : i32
    %dma_wait3A_328 = arith.constant 0 : i32
    %dma_wait3A_329 = arith.constant 0 : i32
    %dma_wait3A_330 = tpu.memref_slice %arg3[%dma_wait3A_326, %dma_wait3A_327, %dma_wait3A_328, %dma_wait3A_329] : memref<3x158x1x2048xi32, #tpu.memory_space<hbm>> -> memref<1x1x1x2048xi32, #tpu.memory_space<hbm>>
    %dma_wait3A_331 = tpu.memref_squeeze %dma_wait3A_330 : memref<1x1x1x2048xi32, #tpu.memory_space<hbm>> -> memref<2048xi32, #tpu.memory_space<hbm>>
    %dma_wait3A_332 = arith.constant 0 : i32
    %dma_wait3A_333 = tpu.memref_slice %arg3[%dma_wait3A_326, %dma_wait3A_327, %dma_wait3A_328, %dma_wait3A_332] : memref<3x158x1x2048xi32, #tpu.memory_space<hbm>> -> memref<1x1x1x2048xi32, #tpu.memory_space<hbm>>
    %dma_wait3A_334 = tpu.memref_squeeze %dma_wait3A_333 : memref<1x1x1x2048xi32, #tpu.memory_space<hbm>> -> memref<2048xi32, #tpu.memory_space<hbm>>
    tpu.wait_dma2 semaphore(%arg15 : memref<!tpu.dma_semaphore, #tpu.memory_space<semaphore_mem>>) src(%dma_wait3A_334 : memref<2048xi32, #tpu.memory_space<hbm>>) dst(%arg9 : memref<2048xi32, #tpu.memory_space<vmem>>)
    %dma_wait3A_335 = arith.constant 2 : i32
    %dma_wait3A_336 = arith.constant 0 : i32
    %dma_wait3A_337 = arith.constant 0 : i32
    %dma_wait3A_338 = arith.constant 0 : i32
    %dma_wait3A_339 = tpu.memref_slice %arg4[%dma_wait3A_335, %dma_wait3A_336, %dma_wait3A_337, %dma_wait3A_338] : memref<3x158x1x2048xi32, #tpu.memory_space<hbm>> -> memref<1x1x1x2048xi32, #tpu.memory_space<hbm>>
    %dma_wait3A_340 = tpu.memref_squeeze %dma_wait3A_339 : memref<1x1x1x2048xi32, #tpu.memory_space<hbm>> -> memref<2048xi32, #tpu.memory_space<hbm>>
    %dma_wait3A_341 = arith.constant 0 : i32
    %dma_wait3A_342 = tpu.memref_slice %arg4[%dma_wait3A_335, %dma_wait3A_336, %dma_wait3A_337, %dma_wait3A_341] : memref<3x158x1x2048xi32, #tpu.memory_space<hbm>> -> memref<1x1x1x2048xi32, #tpu.memory_space<hbm>>
    %dma_wait3A_343 = tpu.memref_squeeze %dma_wait3A_342 : memref<1x1x1x2048xi32, #tpu.memory_space<hbm>> -> memref<2048xi32, #tpu.memory_space<hbm>>
    tpu.wait_dma2 semaphore(%arg16 : memref<!tpu.dma_semaphore, #tpu.memory_space<semaphore_mem>>) src(%dma_wait3A_343 : memref<2048xi32, #tpu.memory_space<hbm>>) dst(%arg10 : memref<2048xi32, #tpu.memory_space<vmem>>)
    %dma_wait3A_344 = arith.constant 2 : i32
    %dma_wait3A_345 = arith.constant 0 : i32
    %dma_wait3A_346 = arith.constant 0 : i32
    %dma_wait3A_347 = arith.constant 0 : i32
    %dma_wait3A_348 = tpu.memref_slice %arg5[%dma_wait3A_344, %dma_wait3A_345, %dma_wait3A_346, %dma_wait3A_347] : memref<3x158x1x2048xf32, #tpu.memory_space<hbm>> -> memref<1x1x1x2048xf32, #tpu.memory_space<hbm>>
    %dma_wait3A_349 = tpu.memref_squeeze %dma_wait3A_348 : memref<1x1x1x2048xf32, #tpu.memory_space<hbm>> -> memref<2048xf32, #tpu.memory_space<hbm>>
    %dma_wait3A_350 = arith.constant 0 : i32
    %dma_wait3A_351 = tpu.memref_slice %arg5[%dma_wait3A_344, %dma_wait3A_345, %dma_wait3A_346, %dma_wait3A_350] : memref<3x158x1x2048xf32, #tpu.memory_space<hbm>> -> memref<1x1x1x2048xf32, #tpu.memory_space<hbm>>
    %dma_wait3A_352 = tpu.memref_squeeze %dma_wait3A_351 : memref<1x1x1x2048xf32, #tpu.memory_space<hbm>> -> memref<2048xf32, #tpu.memory_space<hbm>>
    tpu.wait_dma2 semaphore(%arg17 : memref<!tpu.dma_semaphore, #tpu.memory_space<semaphore_mem>>) src(%dma_wait3A_352 : memref<2048xf32, #tpu.memory_space<hbm>>) dst(%arg11 : memref<2048xf32, #tpu.memory_space<vmem>>)
    %scan3A_353 = arith.constant 0 : i32
    %scan3A_354 = arith.constant 0 : i32
    %scan3A_355 = arith.constant 79 : i32
    %scan3A_356 = arith.addi %scan3A_354, %scan3A_355 : i32
    %scan3A_357 = arith.constant 1 : i32
    scf.for %scan3A_360 = %scan3A_354 to %scan3A_356 step %scan3A_357  : i32 {
      %mul3A_361 = arith.constant 2 : i32
      %mul3A_362 = arith.muli %scan3A_360, %mul3A_361 : i32
      %add3A_363 = arith.constant 1 : i32
      %add3A_364 = arith.addi %mul3A_362, %add3A_363 : i32
      %min3A = arith.constant 157 : i32
      %min3A_365 = arith.minsi %add3A_364, %min3A : i32
      %dma_start3A_366 = arith.constant 2 : i32
      %dma_start3A_367 = arith.constant 0 : i32
      %dma_start3A_368 = arith.constant 0 : i32
      %dma_start3A_369 = tpu.memref_slice %arg3[%dma_start3A_366, %min3A_365, %dma_start3A_367, %dma_start3A_368] : memref<3x158x1x2048xi32, #tpu.memory_space<hbm>> -> memref<1x1x1x2048xi32, #tpu.memory_space<hbm>>
      %dma_start3A_370 = tpu.memref_squeeze %dma_start3A_369 : memref<1x1x1x2048xi32, #tpu.memory_space<hbm>> -> memref<2048xi32, #tpu.memory_space<hbm>>
      %dma_start3A_371 = arith.constant 0 : i32
      %dma_start3A_372 = tpu.memref_slice %arg3[%dma_start3A_366, %min3A_365, %dma_start3A_367, %dma_start3A_371] : memref<3x158x1x2048xi32, #tpu.memory_space<hbm>> -> memref<1x1x1x2048xi32, #tpu.memory_space<hbm>>
      %dma_start3A_373 = tpu.memref_squeeze %dma_start3A_372 : memref<1x1x1x2048xi32, #tpu.memory_space<hbm>> -> memref<2048xi32, #tpu.memory_space<hbm>>
      tpu.enqueue_dma source(%dma_start3A_373 : memref<2048xi32, #tpu.memory_space<hbm>>) target(%arg12 : memref<2048xi32, #tpu.memory_space<vmem>>) target_semaphore(%arg18 : memref<!tpu.dma_semaphore, #tpu.memory_space<semaphore_mem>>)
      %dma_start3A_374 = arith.constant 2 : i32
      %dma_start3A_375 = arith.constant 0 : i32
      %dma_start3A_376 = arith.constant 0 : i32
      %dma_start3A_377 = tpu.memref_slice %arg4[%dma_start3A_374, %min3A_365, %dma_start3A_375, %dma_start3A_376] : memref<3x158x1x2048xi32, #tpu.memory_space<hbm>> -> memref<1x1x1x2048xi32, #tpu.memory_space<hbm>>
      %dma_start3A_378 = tpu.memref_squeeze %dma_start3A_377 : memref<1x1x1x2048xi32, #tpu.memory_space<hbm>> -> memref<2048xi32, #tpu.memory_space<hbm>>
      %dma_start3A_379 = arith.constant 0 : i32
      %dma_start3A_380 = tpu.memref_slice %arg4[%dma_start3A_374, %min3A_365, %dma_start3A_375, %dma_start3A_379] : memref<3x158x1x2048xi32, #tpu.memory_space<hbm>> -> memref<1x1x1x2048xi32, #tpu.memory_space<hbm>>
      %dma_start3A_381 = tpu.memref_squeeze %dma_start3A_380 : memref<1x1x1x2048xi32, #tpu.memory_space<hbm>> -> memref<2048xi32, #tpu.memory_space<hbm>>
      tpu.enqueue_dma source(%dma_start3A_381 : memref<2048xi32, #tpu.memory_space<hbm>>) target(%arg13 : memref<2048xi32, #tpu.memory_space<vmem>>) target_semaphore(%arg19 : memref<!tpu.dma_semaphore, #tpu.memory_space<semaphore_mem>>)
      %dma_start3A_382 = arith.constant 2 : i32
      %dma_start3A_383 = arith.constant 0 : i32
      %dma_start3A_384 = arith.constant 0 : i32
      %dma_start3A_385 = tpu.memref_slice %arg5[%dma_start3A_382, %min3A_365, %dma_start3A_383, %dma_start3A_384] : memref<3x158x1x2048xf32, #tpu.memory_space<hbm>> -> memref<1x1x1x2048xf32, #tpu.memory_space<hbm>>
      %dma_start3A_386 = tpu.memref_squeeze %dma_start3A_385 : memref<1x1x1x2048xf32, #tpu.memory_space<hbm>> -> memref<2048xf32, #tpu.memory_space<hbm>>
      %dma_start3A_387 = arith.constant 0 : i32
      %dma_start3A_388 = tpu.memref_slice %arg5[%dma_start3A_382, %min3A_365, %dma_start3A_383, %dma_start3A_387] : memref<3x158x1x2048xf32, #tpu.memory_space<hbm>> -> memref<1x1x1x2048xf32, #tpu.memory_space<hbm>>
      %dma_start3A_389 = tpu.memref_squeeze %dma_start3A_388 : memref<1x1x1x2048xf32, #tpu.memory_space<hbm>> -> memref<2048xf32, #tpu.memory_space<hbm>>
      tpu.enqueue_dma source(%dma_start3A_389 : memref<2048xf32, #tpu.memory_space<hbm>>) target(%arg14 : memref<2048xf32, #tpu.memory_space<vmem>>) target_semaphore(%arg20 : memref<!tpu.dma_semaphore, #tpu.memory_space<semaphore_mem>>)
      %parallel_loop3A = arith.constant 0 : i32
      %parallel_loop3A_390 = arith.constant 128 : i32
      %parallel_loop3A_391 = arith.constant 1 : i32
      scf.for %parallel_loop3A_471 = %parallel_loop3A to %parallel_loop3A_390 step %parallel_loop3A_391  : i32 {
        %parallel_loop3A_472 = arith.constant 16 : i32
        %parallel_loop3A_473 = arith.muli %parallel_loop3A_471, %parallel_loop3A_472 : i32
        %parallel_loop3A_474 = arith.index_cast %parallel_loop3A_473 : i32 to index
        %parallel_loop3A_475 = tpu.vector_load %arg9[%parallel_loop3A_474] {strides = array<i32>} : memref<2048xi32, #tpu.memory_space<vmem>>, vector<16xi32>,
        %parallel_loop3A_476 = arith.index_cast %parallel_loop3A_473 : i32 to index
        %parallel_loop3A_477 = tpu.vector_load %arg10[%parallel_loop3A_476] {strides = array<i32>} : memref<2048xi32, #tpu.memory_space<vmem>>, vector<16xi32>,
        %parallel_loop3A_478 = arith.index_cast %parallel_loop3A_473 : i32 to index
        %parallel_loop3A_479 = tpu.vector_load %arg11[%parallel_loop3A_478] {strides = array<i32>} : memref<2048xf32, #tpu.memory_space<vmem>>, vector<16xf32>,
        %parallel_loop3A_480 = arith.constant 0 : i32
        %parallel_loop3A_481 = tpu.memref_slice %arg8[%parallel_loop3A_480] : memref<40000xf32, #tpu.memory_space<vmem>> -> memref<10000xf32, #tpu.memory_space<vmem>>
        %parallel_loop3A_482 = tpu.vector_load_idx %parallel_loop3A_481[%parallel_loop3A_475] : memref<10000xf32, #tpu.memory_space<vmem>>[vector<16xi32>], vector<16xf32>,
        %parallel_loop3A_483 = arith.constant 10000 : i32
        %parallel_loop3A_484 = tpu.memref_slice %arg8[%parallel_loop3A_483] : memref<40000xf32, #tpu.memory_space<vmem>> -> memref<10000xf32, #tpu.memory_space<vmem>>
        %parallel_loop3A_485 = tpu.vector_load_idx %parallel_loop3A_484[%parallel_loop3A_475] : memref<10000xf32, #tpu.memory_space<vmem>>[vector<16xi32>], vector<16xf32>,
        %parallel_loop3A_486 = arith.constant 20000 : i32
        %parallel_loop3A_487 = tpu.memref_slice %arg8[%parallel_loop3A_486] : memref<40000xf32, #tpu.memory_space<vmem>> -> memref<10000xf32, #tpu.memory_space<vmem>>
        %parallel_loop3A_488 = tpu.vector_load_idx %parallel_loop3A_487[%parallel_loop3A_475] : memref<10000xf32, #tpu.memory_space<vmem>>[vector<16xi32>], vector<16xf32>,
        %parallel_loop3A_489 = arith.constant 30000 : i32
        %parallel_loop3A_490 = tpu.memref_slice %arg8[%parallel_loop3A_489] : memref<40000xf32, #tpu.memory_space<vmem>> -> memref<10000xf32, #tpu.memory_space<vmem>>
        %parallel_loop3A_491 = tpu.vector_load_idx %parallel_loop3A_490[%parallel_loop3A_475] : memref<10000xf32, #tpu.memory_space<vmem>>[vector<16xi32>], vector<16xf32>,
        %parallel_loop3A_492 = arith.mulf %parallel_loop3A_482, %parallel_loop3A_479 : vector<16xf32>
        %parallel_loop3A_493 = arith.constant 0 : i32
        %parallel_loop3A_494 = tpu.memref_slice %arg7[%parallel_loop3A_493] : memref<40000xf32, #tpu.memory_space<vmem>> -> memref<10000xf32, #tpu.memory_space<vmem>>
        tpu.vector_store_idx %parallel_loop3A_494[%parallel_loop3A_477], %parallel_loop3A_492 {add = true} : memref<10000xf32, #tpu.memory_space<vmem>>[vector<16xi32>], vector<16xf32>,
        %parallel_loop3A_495 = arith.mulf %parallel_loop3A_485, %parallel_loop3A_479 : vector<16xf32>
        %parallel_loop3A_496 = arith.constant 10000 : i32
        %parallel_loop3A_497 = tpu.memref_slice %arg7[%parallel_loop3A_496] : memref<40000xf32, #tpu.memory_space<vmem>> -> memref<10000xf32, #tpu.memory_space<vmem>>
        tpu.vector_store_idx %parallel_loop3A_497[%parallel_loop3A_477], %parallel_loop3A_495 {add = true} : memref<10000xf32, #tpu.memory_space<vmem>>[vector<16xi32>], vector<16xf32>,
        %parallel_loop3A_498 = arith.mulf %parallel_loop3A_488, %parallel_loop3A_479 : vector<16xf32>
        %parallel_loop3A_499 = arith.constant 20000 : i32
        %parallel_loop3A_500 = tpu.memref_slice %arg7[%parallel_loop3A_499] : memref<40000xf32, #tpu.memory_space<vmem>> -> memref<10000xf32, #tpu.memory_space<vmem>>
        tpu.vector_store_idx %parallel_loop3A_500[%parallel_loop3A_477], %parallel_loop3A_498 {add = true} : memref<10000xf32, #tpu.memory_space<vmem>>[vector<16xi32>], vector<16xf32>,
        %parallel_loop3A_501 = arith.mulf %parallel_loop3A_491, %parallel_loop3A_479 : vector<16xf32>
        %parallel_loop3A_502 = arith.constant 30000 : i32
        %parallel_loop3A_503 = tpu.memref_slice %arg7[%parallel_loop3A_502] : memref<40000xf32, #tpu.memory_space<vmem>> -> memref<10000xf32, #tpu.memory_space<vmem>>
        tpu.vector_store_idx %parallel_loop3A_503[%parallel_loop3A_477], %parallel_loop3A_501 {add = true} : memref<10000xf32, #tpu.memory_space<vmem>>[vector<16xi32>], vector<16xf32>,
      } {sc.loop_unroll_factor = 8 : i64, sc.parallel_access}
      %dma_wait3A_392 = arith.constant 2 : i32
      %dma_wait3A_393 = arith.constant 0 : i32
      %dma_wait3A_394 = arith.constant 0 : i32
      %dma_wait3A_395 = tpu.memref_slice %arg3[%dma_wait3A_392, %min3A_365, %dma_wait3A_393, %dma_wait3A_394] : memref<3x158x1x2048xi32, #tpu.memory_space<hbm>> -> memref<1x1x1x2048xi32, #tpu.memory_space<hbm>>
      %dma_wait3A_396 = tpu.memref_squeeze %dma_wait3A_395 : memref<1x1x1x2048xi32, #tpu.memory_space<hbm>> -> memref<2048xi32, #tpu.memory_space<hbm>>
      %dma_wait3A_397 = arith.constant 0 : i32
      %dma_wait3A_398 = tpu.memref_slice %arg3[%dma_wait3A_392, %min3A_365, %dma_wait3A_393, %dma_wait3A_397] : memref<3x158x1x2048xi32, #tpu.memory_space<hbm>> -> memref<1x1x1x2048xi32, #tpu.memory_space<hbm>>
      %dma_wait3A_399 = tpu.memref_squeeze %dma_wait3A_398 : memref<1x1x1x2048xi32, #tpu.memory_space<hbm>> -> memref<2048xi32, #tpu.memory_space<hbm>>
      tpu.wait_dma2 semaphore(%arg18 : memref<!tpu.dma_semaphore, #tpu.memory_space<semaphore_mem>>) src(%dma_wait3A_399 : memref<2048xi32, #tpu.memory_space<hbm>>) dst(%arg12 : memref<2048xi32, #tpu.memory_space<vmem>>)
      %dma_wait3A_400 = arith.constant 2 : i32
      %dma_wait3A_401 = arith.constant 0 : i32
      %dma_wait3A_402 = arith.constant 0 : i32
      %dma_wait3A_403 = tpu.memref_slice %arg4[%dma_wait3A_400, %min3A_365, %dma_wait3A_401, %dma_wait3A_402] : memref<3x158x1x2048xi32, #tpu.memory_space<hbm>> -> memref<1x1x1x2048xi32, #tpu.memory_space<hbm>>
      %dma_wait3A_404 = tpu.memref_squeeze %dma_wait3A_403 : memref<1x1x1x2048xi32, #tpu.memory_space<hbm>> -> memref<2048xi32, #tpu.memory_space<hbm>>
      %dma_wait3A_405 = arith.constant 0 : i32
      %dma_wait3A_406 = tpu.memref_slice %arg4[%dma_wait3A_400, %min3A_365, %dma_wait3A_401, %dma_wait3A_405] : memref<3x158x1x2048xi32, #tpu.memory_space<hbm>> -> memref<1x1x1x2048xi32, #tpu.memory_space<hbm>>
      %dma_wait3A_407 = tpu.memref_squeeze %dma_wait3A_406 : memref<1x1x1x2048xi32, #tpu.memory_space<hbm>> -> memref<2048xi32, #tpu.memory_space<hbm>>
      tpu.wait_dma2 semaphore(%arg19 : memref<!tpu.dma_semaphore, #tpu.memory_space<semaphore_mem>>) src(%dma_wait3A_407 : memref<2048xi32, #tpu.memory_space<hbm>>) dst(%arg13 : memref<2048xi32, #tpu.memory_space<vmem>>)
      %dma_wait3A_408 = arith.constant 2 : i32
      %dma_wait3A_409 = arith.constant 0 : i32
      %dma_wait3A_410 = arith.constant 0 : i32
      %dma_wait3A_411 = tpu.memref_slice %arg5[%dma_wait3A_408, %min3A_365, %dma_wait3A_409, %dma_wait3A_410] : memref<3x158x1x2048xf32, #tpu.memory_space<hbm>> -> memref<1x1x1x2048xf32, #tpu.memory_space<hbm>>
      %dma_wait3A_412 = tpu.memref_squeeze %dma_wait3A_411 : memref<1x1x1x2048xf32, #tpu.memory_space<hbm>> -> memref<2048xf32, #tpu.memory_space<hbm>>
      %dma_wait3A_413 = arith.constant 0 : i32
      %dma_wait3A_414 = tpu.memref_slice %arg5[%dma_wait3A_408, %min3A_365, %dma_wait3A_409, %dma_wait3A_413] : memref<3x158x1x2048xf32, #tpu.memory_space<hbm>> -> memref<1x1x1x2048xf32, #tpu.memory_space<hbm>>
      %dma_wait3A_415 = tpu.memref_squeeze %dma_wait3A_414 : memref<1x1x1x2048xf32, #tpu.memory_space<hbm>> -> memref<2048xf32, #tpu.memory_space<hbm>>
      tpu.wait_dma2 semaphore(%arg20 : memref<!tpu.dma_semaphore, #tpu.memory_space<semaphore_mem>>) src(%dma_wait3A_415 : memref<2048xf32, #tpu.memory_space<hbm>>) dst(%arg14 : memref<2048xf32, #tpu.memory_space<vmem>>)
      %add3A_416 = arith.constant 2 : i32
      %add3A_417 = arith.addi %mul3A_362, %add3A_416 : i32
      %min3A_418 = arith.constant 157 : i32
      %min3A_419 = arith.minsi %add3A_417, %min3A_418 : i32
      %dma_start3A_420 = arith.constant 2 : i32
      %dma_start3A_421 = arith.constant 0 : i32
      %dma_start3A_422 = arith.constant 0 : i32
      %dma_start3A_423 = tpu.memref_slice %arg3[%dma_start3A_420, %min3A_419, %dma_start3A_421, %dma_start3A_422] : memref<3x158x1x2048xi32, #tpu.memory_space<hbm>> -> memref<1x1x1x2048xi32, #tpu.memory_space<hbm>>
      %dma_start3A_424 = tpu.memref_squeeze %dma_start3A_423 : memref<1x1x1x2048xi32, #tpu.memory_space<hbm>> -> memref<2048xi32, #tpu.memory_space<hbm>>
      %dma_start3A_425 = arith.constant 0 : i32
      %dma_start3A_426 = tpu.memref_slice %arg3[%dma_start3A_420, %min3A_419, %dma_start3A_421, %dma_start3A_425] : memref<3x158x1x2048xi32, #tpu.memory_space<hbm>> -> memref<1x1x1x2048xi32, #tpu.memory_space<hbm>>
      %dma_start3A_427 = tpu.memref_squeeze %dma_start3A_426 : memref<1x1x1x2048xi32, #tpu.memory_space<hbm>> -> memref<2048xi32, #tpu.memory_space<hbm>>
      tpu.enqueue_dma source(%dma_start3A_427 : memref<2048xi32, #tpu.memory_space<hbm>>) target(%arg9 : memref<2048xi32, #tpu.memory_space<vmem>>) target_semaphore(%arg15 : memref<!tpu.dma_semaphore, #tpu.memory_space<semaphore_mem>>)
      %dma_start3A_428 = arith.constant 2 : i32
      %dma_start3A_429 = arith.constant 0 : i32
      %dma_start3A_430 = arith.constant 0 : i32
      %dma_start3A_431 = tpu.memref_slice %arg4[%dma_start3A_428, %min3A_419, %dma_start3A_429, %dma_start3A_430] : memref<3x158x1x2048xi32, #tpu.memory_space<hbm>> -> memref<1x1x1x2048xi32, #tpu.memory_space<hbm>>
      %dma_start3A_432 = tpu.memref_squeeze %dma_start3A_431 : memref<1x1x1x2048xi32, #tpu.memory_space<hbm>> -> memref<2048xi32, #tpu.memory_space<hbm>>
      %dma_start3A_433 = arith.constant 0 : i32
      %dma_start3A_434 = tpu.memref_slice %arg4[%dma_start3A_428, %min3A_419, %dma_start3A_429, %dma_start3A_433] : memref<3x158x1x2048xi32, #tpu.memory_space<hbm>> -> memref<1x1x1x2048xi32, #tpu.memory_space<hbm>>
      %dma_start3A_435 = tpu.memref_squeeze %dma_start3A_434 : memref<1x1x1x2048xi32, #tpu.memory_space<hbm>> -> memref<2048xi32, #tpu.memory_space<hbm>>
      tpu.enqueue_dma source(%dma_start3A_435 : memref<2048xi32, #tpu.memory_space<hbm>>) target(%arg10 : memref<2048xi32, #tpu.memory_space<vmem>>) target_semaphore(%arg16 : memref<!tpu.dma_semaphore, #tpu.memory_space<semaphore_mem>>)
      %dma_start3A_436 = arith.constant 2 : i32
      %dma_start3A_437 = arith.constant 0 : i32
      %dma_start3A_438 = arith.constant 0 : i32
      %dma_start3A_439 = tpu.memref_slice %arg5[%dma_start3A_436, %min3A_419, %dma_start3A_437, %dma_start3A_438] : memref<3x158x1x2048xf32, #tpu.memory_space<hbm>> -> memref<1x1x1x2048xf32, #tpu.memory_space<hbm>>
      %dma_start3A_440 = tpu.memref_squeeze %dma_start3A_439 : memref<1x1x1x2048xf32, #tpu.memory_space<hbm>> -> memref<2048xf32, #tpu.memory_space<hbm>>
      %dma_start3A_441 = arith.constant 0 : i32
      %dma_start3A_442 = tpu.memref_slice %arg5[%dma_start3A_436, %min3A_419, %dma_start3A_437, %dma_start3A_441] : memref<3x158x1x2048xf32, #tpu.memory_space<hbm>> -> memref<1x1x1x2048xf32, #tpu.memory_space<hbm>>
      %dma_start3A_443 = tpu.memref_squeeze %dma_start3A_442 : memref<1x1x1x2048xf32, #tpu.memory_space<hbm>> -> memref<2048xf32, #tpu.memory_space<hbm>>
      tpu.enqueue_dma source(%dma_start3A_443 : memref<2048xf32, #tpu.memory_space<hbm>>) target(%arg11 : memref<2048xf32, #tpu.memory_space<vmem>>) target_semaphore(%arg17 : memref<!tpu.dma_semaphore, #tpu.memory_space<semaphore_mem>>)
      %parallel_loop3A_444 = arith.constant 0 : i32
      %parallel_loop3A_445 = arith.constant 128 : i32
      %parallel_loop3A_446 = arith.constant 1 : i32
      scf.for %parallel_loop3A_471 = %parallel_loop3A_444 to %parallel_loop3A_445 step %parallel_loop3A_446  : i32 {
        %parallel_loop3A_472 = arith.constant 16 : i32
        %parallel_loop3A_473 = arith.muli %parallel_loop3A_471, %parallel_loop3A_472 : i32
        %parallel_loop3A_474 = arith.index_cast %parallel_loop3A_473 : i32 to index
        %parallel_loop3A_475 = tpu.vector_load %arg12[%parallel_loop3A_474] {strides = array<i32>} : memref<2048xi32, #tpu.memory_space<vmem>>, vector<16xi32>,
        %parallel_loop3A_476 = arith.index_cast %parallel_loop3A_473 : i32 to index
        %parallel_loop3A_477 = tpu.vector_load %arg13[%parallel_loop3A_476] {strides = array<i32>} : memref<2048xi32, #tpu.memory_space<vmem>>, vector<16xi32>,
        %parallel_loop3A_478 = arith.index_cast %parallel_loop3A_473 : i32 to index
        %parallel_loop3A_479 = tpu.vector_load %arg14[%parallel_loop3A_478] {strides = array<i32>} : memref<2048xf32, #tpu.memory_space<vmem>>, vector<16xf32>,
        %parallel_loop3A_480 = arith.constant 0 : i32
        %parallel_loop3A_481 = tpu.memref_slice %arg8[%parallel_loop3A_480] : memref<40000xf32, #tpu.memory_space<vmem>> -> memref<10000xf32, #tpu.memory_space<vmem>>
        %parallel_loop3A_482 = tpu.vector_load_idx %parallel_loop3A_481[%parallel_loop3A_475] : memref<10000xf32, #tpu.memory_space<vmem>>[vector<16xi32>], vector<16xf32>,
        %parallel_loop3A_483 = arith.constant 10000 : i32
        %parallel_loop3A_484 = tpu.memref_slice %arg8[%parallel_loop3A_483] : memref<40000xf32, #tpu.memory_space<vmem>> -> memref<10000xf32, #tpu.memory_space<vmem>>
        %parallel_loop3A_485 = tpu.vector_load_idx %parallel_loop3A_484[%parallel_loop3A_475] : memref<10000xf32, #tpu.memory_space<vmem>>[vector<16xi32>], vector<16xf32>,
        %parallel_loop3A_486 = arith.constant 20000 : i32
        %parallel_loop3A_487 = tpu.memref_slice %arg8[%parallel_loop3A_486] : memref<40000xf32, #tpu.memory_space<vmem>> -> memref<10000xf32, #tpu.memory_space<vmem>>
        %parallel_loop3A_488 = tpu.vector_load_idx %parallel_loop3A_487[%parallel_loop3A_475] : memref<10000xf32, #tpu.memory_space<vmem>>[vector<16xi32>], vector<16xf32>,
        %parallel_loop3A_489 = arith.constant 30000 : i32
        %parallel_loop3A_490 = tpu.memref_slice %arg8[%parallel_loop3A_489] : memref<40000xf32, #tpu.memory_space<vmem>> -> memref<10000xf32, #tpu.memory_space<vmem>>
        %parallel_loop3A_491 = tpu.vector_load_idx %parallel_loop3A_490[%parallel_loop3A_475] : memref<10000xf32, #tpu.memory_space<vmem>>[vector<16xi32>], vector<16xf32>,
        %parallel_loop3A_492 = arith.mulf %parallel_loop3A_482, %parallel_loop3A_479 : vector<16xf32>
        %parallel_loop3A_493 = arith.constant 0 : i32
        %parallel_loop3A_494 = tpu.memref_slice %arg7[%parallel_loop3A_493] : memref<40000xf32, #tpu.memory_space<vmem>> -> memref<10000xf32, #tpu.memory_space<vmem>>
        tpu.vector_store_idx %parallel_loop3A_494[%parallel_loop3A_477], %parallel_loop3A_492 {add = true} : memref<10000xf32, #tpu.memory_space<vmem>>[vector<16xi32>], vector<16xf32>,
        %parallel_loop3A_495 = arith.mulf %parallel_loop3A_485, %parallel_loop3A_479 : vector<16xf32>
        %parallel_loop3A_496 = arith.constant 10000 : i32
        %parallel_loop3A_497 = tpu.memref_slice %arg7[%parallel_loop3A_496] : memref<40000xf32, #tpu.memory_space<vmem>> -> memref<10000xf32, #tpu.memory_space<vmem>>
        tpu.vector_store_idx %parallel_loop3A_497[%parallel_loop3A_477], %parallel_loop3A_495 {add = true} : memref<10000xf32, #tpu.memory_space<vmem>>[vector<16xi32>], vector<16xf32>,
        %parallel_loop3A_498 = arith.mulf %parallel_loop3A_488, %parallel_loop3A_479 : vector<16xf32>
        %parallel_loop3A_499 = arith.constant 20000 : i32
        %parallel_loop3A_500 = tpu.memref_slice %arg7[%parallel_loop3A_499] : memref<40000xf32, #tpu.memory_space<vmem>> -> memref<10000xf32, #tpu.memory_space<vmem>>
        tpu.vector_store_idx %parallel_loop3A_500[%parallel_loop3A_477], %parallel_loop3A_498 {add = true} : memref<10000xf32, #tpu.memory_space<vmem>>[vector<16xi32>], vector<16xf32>,
        %parallel_loop3A_501 = arith.mulf %parallel_loop3A_491, %parallel_loop3A_479 : vector<16xf32>
        %parallel_loop3A_502 = arith.constant 30000 : i32
        %parallel_loop3A_503 = tpu.memref_slice %arg7[%parallel_loop3A_502] : memref<40000xf32, #tpu.memory_space<vmem>> -> memref<10000xf32, #tpu.memory_space<vmem>>
        tpu.vector_store_idx %parallel_loop3A_503[%parallel_loop3A_477], %parallel_loop3A_501 {add = true} : memref<10000xf32, #tpu.memory_space<vmem>>[vector<16xi32>], vector<16xf32>,
      } {sc.loop_unroll_factor = 8 : i64, sc.parallel_access}
      %dma_wait3A_447 = arith.constant 2 : i32
      %dma_wait3A_448 = arith.constant 0 : i32
      %dma_wait3A_449 = arith.constant 0 : i32
      %dma_wait3A_450 = tpu.memref_slice %arg3[%dma_wait3A_447, %min3A_419, %dma_wait3A_448, %dma_wait3A_449] : memref<3x158x1x2048xi32, #tpu.memory_space<hbm>> -> memref<1x1x1x2048xi32, #tpu.memory_space<hbm>>
      %dma_wait3A_451 = tpu.memref_squeeze %dma_wait3A_450 : memref<1x1x1x2048xi32, #tpu.memory_space<hbm>> -> memref<2048xi32, #tpu.memory_space<hbm>>
      %dma_wait3A_452 = arith.constant 0 : i32
      %dma_wait3A_453 = tpu.memref_slice %arg3[%dma_wait3A_447, %min3A_419, %dma_wait3A_448, %dma_wait3A_452] : memref<3x158x1x2048xi32, #tpu.memory_space<hbm>> -> memref<1x1x1x2048xi32, #tpu.memory_space<hbm>>
      %dma_wait3A_454 = tpu.memref_squeeze %dma_wait3A_453 : memref<1x1x1x2048xi32, #tpu.memory_space<hbm>> -> memref<2048xi32, #tpu.memory_space<hbm>>
      tpu.wait_dma2 semaphore(%arg15 : memref<!tpu.dma_semaphore, #tpu.memory_space<semaphore_mem>>) src(%dma_wait3A_454 : memref<2048xi32, #tpu.memory_space<hbm>>) dst(%arg9 : memref<2048xi32, #tpu.memory_space<vmem>>)
      %dma_wait3A_455 = arith.constant 2 : i32
      %dma_wait3A_456 = arith.constant 0 : i32
      %dma_wait3A_457 = arith.constant 0 : i32
      %dma_wait3A_458 = tpu.memref_slice %arg4[%dma_wait3A_455, %min3A_419, %dma_wait3A_456, %dma_wait3A_457] : memref<3x158x1x2048xi32, #tpu.memory_space<hbm>> -> memref<1x1x1x2048xi32, #tpu.memory_space<hbm>>
      %dma_wait3A_459 = tpu.memref_squeeze %dma_wait3A_458 : memref<1x1x1x2048xi32, #tpu.memory_space<hbm>> -> memref<2048xi32, #tpu.memory_space<hbm>>
      %dma_wait3A_460 = arith.constant 0 : i32
      %dma_wait3A_461 = tpu.memref_slice %arg4[%dma_wait3A_455, %min3A_419, %dma_wait3A_456, %dma_wait3A_460] : memref<3x158x1x2048xi32, #tpu.memory_space<hbm>> -> memref<1x1x1x2048xi32, #tpu.memory_space<hbm>>
      %dma_wait3A_462 = tpu.memref_squeeze %dma_wait3A_461 : memref<1x1x1x2048xi32, #tpu.memory_space<hbm>> -> memref<2048xi32, #tpu.memory_space<hbm>>
      tpu.wait_dma2 semaphore(%arg16 : memref<!tpu.dma_semaphore, #tpu.memory_space<semaphore_mem>>) src(%dma_wait3A_462 : memref<2048xi32, #tpu.memory_space<hbm>>) dst(%arg10 : memref<2048xi32, #tpu.memory_space<vmem>>)
      %dma_wait3A_463 = arith.constant 2 : i32
      %dma_wait3A_464 = arith.constant 0 : i32
      %dma_wait3A_465 = arith.constant 0 : i32
      %dma_wait3A_466 = tpu.memref_slice %arg5[%dma_wait3A_463, %min3A_419, %dma_wait3A_464, %dma_wait3A_465] : memref<3x158x1x2048xf32, #tpu.memory_space<hbm>> -> memref<1x1x1x2048xf32, #tpu.memory_space<hbm>>
      %dma_wait3A_467 = tpu.memref_squeeze %dma_wait3A_466 : memref<1x1x1x2048xf32, #tpu.memory_space<hbm>> -> memref<2048xf32, #tpu.memory_space<hbm>>
      %dma_wait3A_468 = arith.constant 0 : i32
      %dma_wait3A_469 = tpu.memref_slice %arg5[%dma_wait3A_463, %min3A_419, %dma_wait3A_464, %dma_wait3A_468] : memref<3x158x1x2048xf32, #tpu.memory_space<hbm>> -> memref<1x1x1x2048xf32, #tpu.memory_space<hbm>>
      %dma_wait3A_470 = tpu.memref_squeeze %dma_wait3A_469 : memref<1x1x1x2048xf32, #tpu.memory_space<hbm>> -> memref<2048xf32, #tpu.memory_space<hbm>>
      tpu.wait_dma2 semaphore(%arg17 : memref<!tpu.dma_semaphore, #tpu.memory_space<semaphore_mem>>) src(%dma_wait3A_470 : memref<2048xf32, #tpu.memory_space<hbm>>) dst(%arg11 : memref<2048xf32, #tpu.memory_space<vmem>>)
    }
    %scan3A_358 = arith.constant 79 : i32
    %run_scoped3A_359 = arith.constant 2 : i32
    "tpu.region"() ({
      %run_scoped3A_360 = tpu.sem_alloc : memref<!tpu.dma_semaphore, #tpu.memory_space<semaphore_mem>>
      %dma_start3A_361 = arith.constant 0 : i32
      %dma_start3A_362 = tpu.memref_slice %arg6[%run_scoped3A_359, %add3A, %dma_start3A_361] : memref<3x32x40000xf32, #tpu.memory_space<hbm>> -> memref<1x1x40000xf32, #tpu.memory_space<hbm>>
      %dma_start3A_363 = tpu.memref_squeeze %dma_start3A_362 : memref<1x1x40000xf32, #tpu.memory_space<hbm>> -> memref<40000xf32, #tpu.memory_space<hbm>>
      %dma_start3A_364 = arith.constant 0 : i32
      %dma_start3A_365 = tpu.memref_slice %arg6[%run_scoped3A_359, %add3A, %dma_start3A_364] : memref<3x32x40000xf32, #tpu.memory_space<hbm>> -> memref<1x1x40000xf32, #tpu.memory_space<hbm>>
      %dma_start3A_366 = tpu.memref_squeeze %dma_start3A_365 : memref<1x1x40000xf32, #tpu.memory_space<hbm>> -> memref<40000xf32, #tpu.memory_space<hbm>>
      tpu.enqueue_dma source(%arg7 : memref<40000xf32, #tpu.memory_space<vmem>>) target(%dma_start3A_366 : memref<40000xf32, #tpu.memory_space<hbm>>) target_semaphore(%run_scoped3A_360 : memref<!tpu.dma_semaphore, #tpu.memory_space<semaphore_mem>>)
      %dma_wait3A_367 = arith.constant 0 : i32
      %dma_wait3A_368 = tpu.memref_slice %arg6[%run_scoped3A_359, %add3A, %dma_wait3A_367] : memref<3x32x40000xf32, #tpu.memory_space<hbm>> -> memref<1x1x40000xf32, #tpu.memory_space<hbm>>
      %dma_wait3A_369 = tpu.memref_squeeze %dma_wait3A_368 : memref<1x1x40000xf32, #tpu.memory_space<hbm>> -> memref<40000xf32, #tpu.memory_space<hbm>>
      %dma_wait3A_370 = arith.constant 0 : i32
      %dma_wait3A_371 = tpu.memref_slice %arg6[%run_scoped3A_359, %add3A, %dma_wait3A_370] : memref<3x32x40000xf32, #tpu.memory_space<hbm>> -> memref<1x1x40000xf32, #tpu.memory_space<hbm>>
      %dma_wait3A_372 = tpu.memref_squeeze %dma_wait3A_371 : memref<1x1x40000xf32, #tpu.memory_space<hbm>> -> memref<40000xf32, #tpu.memory_space<hbm>>
      tpu.wait_dma2 semaphore(%run_scoped3A_360 : memref<!tpu.dma_semaphore, #tpu.memory_space<semaphore_mem>>) src(%arg7 : memref<40000xf32, #tpu.memory_space<vmem>>) dst(%dma_wait3A_372 : memref<40000xf32, #tpu.memory_space<hbm>>)
      tpu.yield
    }) : () -> ()
    return
  }
}

module attributes {stable_mosaic.version = 14 : i64} {
  func.func @body(%arg0: i32, %arg1: memref<1x10000x128xf32, #tpu.memory_space<vmem>>, %arg2: memref<128x128xf32, #tpu.memory_space<vmem>>, %arg3: memref<128x128xf32, #tpu.memory_space<vmem>>, %arg4: memref<128x128xf32, #tpu.memory_space<vmem>>, %arg5: memref<128x128xf32, #tpu.memory_space<vmem>>, %arg6: memref<5000x128xf32, #tpu.memory_space<vmem>>, %arg7: memref<5000x128xf32, #tpu.memory_space<vmem>>, %arg8: memref<1x5000x128xf32, #tpu.memory_space<vmem>>, %arg9: memref<1x5000x128xf32, #tpu.memory_space<vmem>>, %arg10: memref<5000x128xf32, #tpu.memory_space<vmem>>, %arg11: memref<5000x128xf32, #tpu.memory_space<vmem>>) attributes {dimension_semantics = [#tpu.dimension_semantics<arbitrary>], iteration_bounds = array<i64: 3>, scalar_prefetch = 0 : i64, scratch_operands = 2 : i64, tpu.core_type = #tpu.core_type<tc>, window_params = [{transform_indices = @transform_0, window_bounds = array<i64: 1, 10000, 128>}, {pipeline_mode = #tpu.pipeline_mode<synchronous>, transform_indices = @transform_1, window_bounds = array<i64: 128, 128>}, {pipeline_mode = #tpu.pipeline_mode<synchronous>, transform_indices = @transform_2, window_bounds = array<i64: 128, 128>}, {pipeline_mode = #tpu.pipeline_mode<synchronous>, transform_indices = @transform_3, window_bounds = array<i64: 128, 128>}, {pipeline_mode = #tpu.pipeline_mode<synchronous>, transform_indices = @transform_4, window_bounds = array<i64: 128, 128>}, {pipeline_mode = #tpu.pipeline_mode<synchronous>, transform_indices = @transform_5, window_bounds = array<i64: 5000, 128>}, {pipeline_mode = #tpu.pipeline_mode<synchronous>, transform_indices = @transform_6, window_bounds = array<i64: 5000, 128>}, {transform_indices = @transform_7, window_bounds = array<i64: 1, 5000, 128>}, {transform_indices = @transform_8, window_bounds = array<i64: 1, 5000, 128>}]} {
    %get3A = arith.constant 0 : index
    %get3A_0 = arith.constant 0 : index
    %get3A_1 = vector.load %arg4[%get3A, %get3A_0] : memref<128x128xf32, #tpu.memory_space<vmem>>, vector<128x128xf32>
    %get3A_2 = arith.constant 0 : index
    %get3A_3 = arith.constant 0 : index
    %get3A_4 = vector.load %arg5[%get3A_2, %get3A_3] : memref<128x128xf32, #tpu.memory_space<vmem>>, vector<128x128xf32>
    %get3A_5 = arith.constant 0 : index
    %get3A_6 = arith.constant 0 : index
    %get3A_7 = vector.load %arg2[%get3A_5, %get3A_6] : memref<128x128xf32, #tpu.memory_space<vmem>>, vector<128x128xf32>
    %get3A_8 = arith.constant 0 : index
    %get3A_9 = arith.constant 0 : index
    %get3A_10 = vector.load %arg3[%get3A_8, %get3A_9] : memref<128x128xf32, #tpu.memory_space<vmem>>, vector<128x128xf32>
    %dot_general3A = arith.constant dense<0.000000e+00> : vector<128x128xf32>
    %dot_general3A_11 = tpu.matmul %get3A_7, %get3A_7, %dot_general3A {dimension_numbers = #tpu.dot_dimension_numbers<[0], [0], [1], [1], [0, 1, 1, 1], [], []>, transpose_lhs_hint = false} : vector<128x128xf32>, vector<128x128xf32>, vector<128x128xf32> -> vector<128x128xf32>
    %dot_general3A_12 = arith.constant dense<0.000000e+00> : vector<128x128xf32>
    %dot_general3A_13 = tpu.matmul %get3A_10, %get3A_10, %dot_general3A_12 {dimension_numbers = #tpu.dot_dimension_numbers<[0], [0], [1], [1], [0, 1, 1, 1], [], []>, transpose_lhs_hint = false} : vector<128x128xf32>, vector<128x128xf32>, vector<128x128xf32> -> vector<128x128xf32>
    %get3A_14 = arith.constant 0 : index
    %get3A_15 = arith.constant 0 : index
    %get3A_16 = arith.constant 0 : index
    %get3A_17 = vector.load %arg1[%get3A_14, %get3A_15, %get3A_16] : memref<1x10000x128xf32, #tpu.memory_space<vmem>>, vector<1x5000x128xf32>
    %get3A_18 = vector.shape_cast %get3A_17 : vector<1x5000x128xf32> to vector<5000x128xf32>
    %get3A_19 = arith.constant 0 : index
    %get3A_20 = arith.constant 5000 : index
    %get3A_21 = arith.constant 0 : index
    %get3A_22 = vector.load %arg1[%get3A_19, %get3A_20, %get3A_21] : memref<1x10000x128xf32, #tpu.memory_space<vmem>>, vector<1x5000x128xf32>
    %get3A_23 = vector.shape_cast %get3A_22 : vector<1x5000x128xf32> to vector<5000x128xf32>
    %dot_general3A_24 = arith.constant dense<0.000000e+00> : vector<128x128xf32>
    %dot_general3A_25 = tpu.matmul %get3A_18, %get3A_18, %dot_general3A_24 {dimension_numbers = #tpu.dot_dimension_numbers<[0], [0], [1], [1], [0, 1, 1, 1], [], []>, transpose_lhs_hint = false} : vector<5000x128xf32>, vector<5000x128xf32>, vector<128x128xf32> -> vector<128x128xf32>
    %dot_general3A_26 = arith.constant dense<0.000000e+00> : vector<128x128xf32>
    %dot_general3A_27 = tpu.matmul %get3A_23, %get3A_23, %dot_general3A_26 {dimension_numbers = #tpu.dot_dimension_numbers<[0], [0], [1], [1], [0, 1, 1, 1], [], []>, transpose_lhs_hint = false} : vector<5000x128xf32>, vector<5000x128xf32>, vector<128x128xf32> -> vector<128x128xf32>
    %dot_general3A_28 = arith.constant dense<0.000000e+00> : vector<5000x128xf32>
    %dot_general3A_29 = tpu.matmul %get3A_18, %dot_general3A_11, %dot_general3A_28 {dimension_numbers = #tpu.dot_dimension_numbers<[1], [0], [0], [1], [0, 0, 1, 1], [], []>, transpose_lhs_hint = false} : vector<5000x128xf32>, vector<128x128xf32>, vector<5000x128xf32> -> vector<5000x128xf32>
    %dot_general3A_30 = arith.constant dense<0.000000e+00> : vector<5000x128xf32>
    %dot_general3A_31 = tpu.matmul %dot_general3A_29, %dot_general3A_25, %dot_general3A_30 {dimension_numbers = #tpu.dot_dimension_numbers<[1], [0], [0], [1], [0, 0, 1, 1], [], []>, transpose_lhs_hint = false} : vector<5000x128xf32>, vector<128x128xf32>, vector<5000x128xf32> -> vector<5000x128xf32>
    %dot_general3A_32 = arith.constant dense<0.000000e+00> : vector<5000x128xf32>
    %dot_general3A_33 = tpu.matmul %get3A_23, %dot_general3A_13, %dot_general3A_32 {dimension_numbers = #tpu.dot_dimension_numbers<[1], [0], [0], [1], [0, 0, 1, 1], [], []>, transpose_lhs_hint = false} : vector<5000x128xf32>, vector<128x128xf32>, vector<5000x128xf32> -> vector<5000x128xf32>
    %dot_general3A_34 = arith.constant dense<0.000000e+00> : vector<5000x128xf32>
    %dot_general3A_35 = tpu.matmul %dot_general3A_33, %dot_general3A_27, %dot_general3A_34 {dimension_numbers = #tpu.dot_dimension_numbers<[1], [0], [0], [1], [0, 0, 1, 1], [], []>, transpose_lhs_hint = false} : vector<5000x128xf32>, vector<128x128xf32>, vector<5000x128xf32> -> vector<5000x128xf32>
    %dot_general3A_36 = arith.constant dense<0.000000e+00> : vector<5000x128xf32>
    %dot_general3A_37 = tpu.matmul %dot_general3A_31, %get3A_1, %dot_general3A_36 {dimension_numbers = #tpu.dot_dimension_numbers<[1], [0], [0], [1], [0, 0, 1, 1], [], []>, transpose_lhs_hint = false} : vector<5000x128xf32>, vector<128x128xf32>, vector<5000x128xf32> -> vector<5000x128xf32>
    %max3A = arith.constant 0.000000e+00 : f32
    %max3A_38 = vector.broadcast %max3A : f32 to vector<5000x128xf32>
    %max3A_39 = arith.maximumf %dot_general3A_37, %max3A_38 : vector<5000x128xf32>
    %swap3A = arith.constant 0 : index
    %swap3A_40 = arith.constant 0 : index
    %swap3A_41 = arith.constant 0 : index
    %swap3A_42 = vector.load %arg8[%swap3A, %swap3A_40, %swap3A_41] : memref<1x5000x128xf32, #tpu.memory_space<vmem>>, vector<1x5000x128xf32>
    %swap3A_43 = vector.shape_cast %swap3A_42 : vector<1x5000x128xf32> to vector<5000x128xf32>
    %swap3A_44 = vector.shape_cast %max3A_39 : vector<5000x128xf32> to vector<1x5000x128xf32>
    tpu.vector_store %arg8[%swap3A, %swap3A_40, %swap3A_41], %swap3A_44 {strides = array<i32>} : memref<1x5000x128xf32, #tpu.memory_space<vmem>>, vector<1x5000x128xf32>,
    %dot_general3A_45 = arith.constant dense<0.000000e+00> : vector<5000x128xf32>
    %dot_general3A_46 = tpu.matmul %dot_general3A_35, %get3A_4, %dot_general3A_45 {dimension_numbers = #tpu.dot_dimension_numbers<[1], [0], [0], [1], [0, 0, 1, 1], [], []>, transpose_lhs_hint = false} : vector<5000x128xf32>, vector<128x128xf32>, vector<5000x128xf32> -> vector<5000x128xf32>
    %max3A_47 = arith.constant 0.000000e+00 : f32
    %max3A_48 = vector.broadcast %max3A_47 : f32 to vector<5000x128xf32>
    %max3A_49 = arith.maximumf %dot_general3A_46, %max3A_48 : vector<5000x128xf32>
    %swap3A_50 = arith.constant 0 : index
    %swap3A_51 = arith.constant 0 : index
    %swap3A_52 = arith.constant 0 : index
    %swap3A_53 = vector.load %arg9[%swap3A_50, %swap3A_51, %swap3A_52] : memref<1x5000x128xf32, #tpu.memory_space<vmem>>, vector<1x5000x128xf32>
    %swap3A_54 = vector.shape_cast %swap3A_53 : vector<1x5000x128xf32> to vector<5000x128xf32>
    %swap3A_55 = vector.shape_cast %max3A_49 : vector<5000x128xf32> to vector<1x5000x128xf32>
    tpu.vector_store %arg9[%swap3A_50, %swap3A_51, %swap3A_52], %swap3A_55 {strides = array<i32>} : memref<1x5000x128xf32, #tpu.memory_space<vmem>>, vector<1x5000x128xf32>,
    %eq3A = arith.constant 0 : i32
    %eq3A_56 = arith.cmpi eq, %arg0, %eq3A : i32
    %convert_element_type3A = arith.extui %eq3A_56 : i1 to i32
    %cond3A = arith.constant 0 : i32
    %cond3A_57 = arith.cmpi ne, %convert_element_type3A, %cond3A : i32
    scf.if %cond3A_57 {
      %swap3A_67 = arith.constant 0 : index
      %swap3A_68 = arith.constant 0 : index
      %swap3A_69 = vector.load %arg10[%swap3A_67, %swap3A_68] : memref<5000x128xf32, #tpu.memory_space<vmem>>, vector<5000x128xf32>
      tpu.vector_store %arg10[%swap3A_67, %swap3A_68], %dot_general3A_31 {strides = array<i32>} : memref<5000x128xf32, #tpu.memory_space<vmem>>, vector<5000x128xf32>,
      %swap3A_70 = arith.constant 0 : index
      %swap3A_71 = arith.constant 0 : index
      %swap3A_72 = vector.load %arg11[%swap3A_70, %swap3A_71] : memref<5000x128xf32, #tpu.memory_space<vmem>>, vector<5000x128xf32>
      tpu.vector_store %arg11[%swap3A_70, %swap3A_71], %dot_general3A_35 {strides = array<i32>} : memref<5000x128xf32, #tpu.memory_space<vmem>>, vector<5000x128xf32>,
    } else {
    }
    %gt3A = arith.constant 0 : i32
    %gt3A_58 = arith.cmpi sgt, %arg0, %gt3A : i32
    %convert_element_type3A_59 = arith.extui %gt3A_58 : i1 to i32
    %cond3A_60 = arith.constant 0 : i32
    %cond3A_61 = arith.cmpi ne, %convert_element_type3A_59, %cond3A_60 : i32
    scf.if %cond3A_61 {
      %get3A_67 = arith.constant 0 : index
      %get3A_68 = arith.constant 0 : index
      %get3A_69 = vector.load %arg10[%get3A_67, %get3A_68] : memref<5000x128xf32, #tpu.memory_space<vmem>>, vector<5000x128xf32>
      %add3A = arith.addf %get3A_69, %dot_general3A_31 : vector<5000x128xf32>
      %swap3A_70 = arith.constant 0 : index
      %swap3A_71 = arith.constant 0 : index
      %swap3A_72 = vector.load %arg10[%swap3A_70, %swap3A_71] : memref<5000x128xf32, #tpu.memory_space<vmem>>, vector<5000x128xf32>
      tpu.vector_store %arg10[%swap3A_70, %swap3A_71], %add3A {strides = array<i32>} : memref<5000x128xf32, #tpu.memory_space<vmem>>, vector<5000x128xf32>,
      %get3A_73 = arith.constant 0 : index
      %get3A_74 = arith.constant 0 : index
      %get3A_75 = vector.load %arg11[%get3A_73, %get3A_74] : memref<5000x128xf32, #tpu.memory_space<vmem>>, vector<5000x128xf32>
      %add3A_76 = arith.addf %get3A_75, %dot_general3A_35 : vector<5000x128xf32>
      %swap3A_77 = arith.constant 0 : index
      %swap3A_78 = arith.constant 0 : index
      %swap3A_79 = vector.load %arg11[%swap3A_77, %swap3A_78] : memref<5000x128xf32, #tpu.memory_space<vmem>>, vector<5000x128xf32>
      tpu.vector_store %arg11[%swap3A_77, %swap3A_78], %add3A_76 {strides = array<i32>} : memref<5000x128xf32, #tpu.memory_space<vmem>>, vector<5000x128xf32>,
    } else {
    }
    %eq3A_62 = arith.constant 2 : i32
    %eq3A_63 = arith.cmpi eq, %arg0, %eq3A_62 : i32
    %convert_element_type3A_64 = arith.extui %eq3A_63 : i1 to i32
    %cond3A_65 = arith.constant 0 : i32
    %cond3A_66 = arith.cmpi ne, %convert_element_type3A_64, %cond3A_65 : i32
    scf.if %cond3A_66 {
      %get3A_67 = arith.constant 0 : index
      %get3A_68 = arith.constant 0 : index
      %get3A_69 = vector.load %arg10[%get3A_67, %get3A_68] : memref<5000x128xf32, #tpu.memory_space<vmem>>, vector<5000x128xf32>
      %div3A = arith.constant 3.000000e+00 : f32
      %div3A_70 = vector.broadcast %div3A : f32 to vector<5000x128xf32>
      %div3A_71 = arith.divf %get3A_69, %div3A_70 : vector<5000x128xf32>
      %dot_general3A_72 = arith.constant dense<0.000000e+00> : vector<5000x128xf32>
      %dot_general3A_73 = tpu.matmul %div3A_71, %get3A_1, %dot_general3A_72 {dimension_numbers = #tpu.dot_dimension_numbers<[1], [0], [0], [1], [0, 0, 1, 1], [], []>, transpose_lhs_hint = false} : vector<5000x128xf32>, vector<128x128xf32>, vector<5000x128xf32> -> vector<5000x128xf32>
      %max3A_74 = arith.constant 0.000000e+00 : f32
      %max3A_75 = vector.broadcast %max3A_74 : f32 to vector<5000x128xf32>
      %max3A_76 = arith.maximumf %dot_general3A_73, %max3A_75 : vector<5000x128xf32>
      %swap3A_77 = arith.constant 0 : index
      %swap3A_78 = arith.constant 0 : index
      %swap3A_79 = vector.load %arg6[%swap3A_77, %swap3A_78] : memref<5000x128xf32, #tpu.memory_space<vmem>>, vector<5000x128xf32>
      tpu.vector_store %arg6[%swap3A_77, %swap3A_78], %max3A_76 {strides = array<i32>} : memref<5000x128xf32, #tpu.memory_space<vmem>>, vector<5000x128xf32>,
      %get3A_80 = arith.constant 0 : index
      %get3A_81 = arith.constant 0 : index
      %get3A_82 = vector.load %arg11[%get3A_80, %get3A_81] : memref<5000x128xf32, #tpu.memory_space<vmem>>, vector<5000x128xf32>
      %div3A_83 = arith.constant 3.000000e+00 : f32
      %div3A_84 = vector.broadcast %div3A_83 : f32 to vector<5000x128xf32>
      %div3A_85 = arith.divf %get3A_82, %div3A_84 : vector<5000x128xf32>
      %dot_general3A_86 = arith.constant dense<0.000000e+00> : vector<5000x128xf32>
      %dot_general3A_87 = tpu.matmul %div3A_85, %get3A_4, %dot_general3A_86 {dimension_numbers = #tpu.dot_dimension_numbers<[1], [0], [0], [1], [0, 0, 1, 1], [], []>, transpose_lhs_hint = false} : vector<5000x128xf32>, vector<128x128xf32>, vector<5000x128xf32> -> vector<5000x128xf32>
      %max3A_88 = arith.constant 0.000000e+00 : f32
      %max3A_89 = vector.broadcast %max3A_88 : f32 to vector<5000x128xf32>
      %max3A_90 = arith.maximumf %dot_general3A_87, %max3A_89 : vector<5000x128xf32>
      %swap3A_91 = arith.constant 0 : index
      %swap3A_92 = arith.constant 0 : index
      %swap3A_93 = vector.load %arg7[%swap3A_91, %swap3A_92] : memref<5000x128xf32, #tpu.memory_space<vmem>>, vector<5000x128xf32>
      tpu.vector_store %arg7[%swap3A_91, %swap3A_92], %max3A_90 {strides = array<i32>} : memref<5000x128xf32, #tpu.memory_space<vmem>>, vector<5000x128xf32>,
    } else {
    }
    return
  }
  func.func @transform_0(%arg0: i32) -> (i32, i32, i32) {
    %c0_i32 = arith.constant 0 : i32
    %c0_i32_0 = arith.constant 0 : i32
    %c0_i32_1 = arith.constant 0 : i32
    return %arg0, %c0_i32, %c0_i32_0 : i32, i32, i32
  }
  func.func @transform_1(%arg0: i32) -> (i32, i32) {
    %c0_i32 = arith.constant 0 : i32
    %c0_i32_0 = arith.constant 0 : i32
    %c0_i32_1 = arith.constant 0 : i32
    return %c0_i32, %c0_i32_0 : i32, i32
  }
  func.func @transform_2(%arg0: i32) -> (i32, i32) {
    %c0_i32 = arith.constant 0 : i32
    %c0_i32_0 = arith.constant 0 : i32
    %c0_i32_1 = arith.constant 0 : i32
    return %c0_i32, %c0_i32_0 : i32, i32
  }
  func.func @transform_3(%arg0: i32) -> (i32, i32) {
    %c0_i32 = arith.constant 0 : i32
    %c0_i32_0 = arith.constant 0 : i32
    %c0_i32_1 = arith.constant 0 : i32
    return %c0_i32, %c0_i32_0 : i32, i32
  }
  func.func @transform_4(%arg0: i32) -> (i32, i32) {
    %c0_i32 = arith.constant 0 : i32
    %c0_i32_0 = arith.constant 0 : i32
    %c0_i32_1 = arith.constant 0 : i32
    return %c0_i32, %c0_i32_0 : i32, i32
  }
  func.func @transform_5(%arg0: i32) -> (i32, i32) {
    %c0_i32 = arith.constant 0 : i32
    %c0_i32_0 = arith.constant 0 : i32
    %c0_i32_1 = arith.constant 0 : i32
    return %c0_i32, %c0_i32_0 : i32, i32
  }
  func.func @transform_6(%arg0: i32) -> (i32, i32) {
    %c0_i32 = arith.constant 0 : i32
    %c0_i32_0 = arith.constant 0 : i32
    %c0_i32_1 = arith.constant 0 : i32
    return %c0_i32, %c0_i32_0 : i32, i32
  }
  func.func @transform_7(%arg0: i32) -> (i32, i32, i32) {
    %c0_i32 = arith.constant 0 : i32
    %c0_i32_0 = arith.constant 0 : i32
    %c0_i32_1 = arith.constant 0 : i32
    return %arg0, %c0_i32, %c0_i32_0 : i32, i32, i32
  }
  func.func @transform_8(%arg0: i32) -> (i32, i32, i32) {
    %c0_i32 = arith.constant 0 : i32
    %c0_i32_0 = arith.constant 0 : i32
    %c0_i32_1 = arith.constant 0 : i32
    return %arg0, %c0_i32, %c0_i32_0 : i32, i32, i32
  }
}

</mosaic_0001>

<sc_bundles>
// kernel: kernel.4.cloned.1.call-start
scs
__scs_entry_jumppad:
0x0: {  	(pc) =	sbr.rel $0x88, $3  }
0x1: {  	(tag) =	ssettag $0x0;
	lr =	simm.s32 $0x1  }
0x2: {  	[smem:$0x3F98] =	sst lr;
	_ =	strace $0xD0000000  }
0x3: {  	_ = 	snop  }
0x4: {  	_ = 	snop  }
0x5: {  	_ = 	snop  }
0x6: {  	_ = 	snop  }
0x7: {  	_ = 	snop  }
__scs_overlays_trampoline_lowered:
0x8: {  	[smem:$0x3FA7] =	sst s0  }
0x9: {  	[smem:$0x3FA8] =	sst s1  }
0xa: {  	[smem:$0x3FA9] =	sst s2  }
0xb: {  	[smem:$0x3FAA] =	sst s3  }
0xc: {  	[smem:$0x3FAB] =	sst s4  }
0xd: {  	[smem:$0x3FAC] =	sst s5  }
0xe: {  	[smem:$0x3FAD] =	sst s6  }
0xf: {  	[smem:$0x3FAE] =	sst s7  }
0x10: {  	[smem:$0x3FAF] =	sst s8  }
0x11: {  	[smem:$0x3FB0] =	sst s9;
	s0 =	simm.s32 @!p0 $0x0  }
0x12: {  	s1 =	sld [smem:$0x3F96];
	s0 =	simm.s32 @p0 $0x1  }
0x13: {  	[smem:$0x3FB1] =	sst s0;
	s0 =	simm.s32 @!p1 $0x0  }
0x14: {  	s2 =	sld [smem:$0x3F95];
	s0 =	simm.s32 @p1 $0x1  }
0x15: {  	[smem:$0x3FB2] =	sst s0;
	s0 =	simm.s32 @!p2 $0x0  }
0x16: {  	s3 =	sld [smem:$0x3FDB];
	s0 =	simm.s32 @p2 $0x1  }
0x17: {  	s4 =	simm.s32 $0x1BF5;
	[smem:$0x3FB4] =	sst s0  }
0x18: {  	s0 =	sld [smem:$0x3F97];
	_ =	swait.ge [sflag:s4], $0x0  }
0x19: {  	s7 =	sld [smem:$0x3F98]  }
0x1a: {  	s8 =	sadd.s32 $0xFFFFE003, lr  }
0x1b: {  	s9 =	sadd.s32 $0xFFFFFEF7, lr;
	s5 =	simm.s32 $0xFFFFFFFF;
	p2 =	slt.u32 s8, $0xFFFFF086  }
0x1c: {  	p1 =	slt.u32 s9, $0xF7A;
	s5 =	simm.s32 @!p2 $0x0  }
0x1d: {  	s5 =	simm.s32 @p1 $0x1;
	p0 =	seq.s32 s7, s2  }
0x1e: {  	s7 =	smul.u32 @!p0 $0xF7A, s2;
	p2 =	seq.s32 @!p0 s5, $0x0  }
0x1f: {  	s9 =	smul.u32 $0xF7A, s1;
	s8 =	simm.s32 @!p0 $0x1BF5;
	p2 =	por !p2, p0  }
0x20: {  	[sflag:s8] =	ssyncset.s32 @!p0 $0xFFFFF086;
	s6 =	sadd.s32 @!p0 s3, s7;
	s7 =	simm.s32 @!p0 $0x108  }
0x21: {  	s3 =	sadd.s32 s3, s9;
	s6 =	sadd.s32 @!p0 $0x88, s6;
	s7 =	simm.s32 @p2 $0x1082  }
0x22: {  	[simem:s7], [sflag:s8] =	dma.local @!p0 [hbm:s6], $0xF7A  }
0x23: {  	s9 =	sor.u32 $0xD0000000, s2;
	s6 =	simm.s32 $0x108;
	_ =	swait.ge @!p0 [sflag:s8], $0x0  }
0x24: {  	s3 =	sadd.s32 $0x88, s3;
	s6 =	simm.s32 @!p1 $0x1082;
	[sflag:s4] =	ssyncset.s32 $0xFFFFF086  }
0x25: {  	[simem:s6], [sflag:s4] =	dma.local [hbm:s3], $0xF7A  }
0x26: {  	[smem:$0x3F98] =	sst s1;
	(tag) =	ssettag s2;
	_ =	strace s9  }
0x27: {  	s1 =	sld [smem:$0x3FA8]  }
0x28: {  	s2 =	sld [smem:$0x3FA9]  }
0x29: {  	s4 =	sld [smem:$0x3FAB]  }
0x2a: {  	p0 =	seq.s32 s5, $0x0;
	s5 =	sld [smem:$0x3FAC]  }
0x2b: {  	s6 =	sld [smem:$0x3FAD]  }
0x2c: {  	s7 =	sld [smem:$0x3FAE]  }
0x2d: {  	s3 =	simm.s32 $0x108;
	s8 =	sld [smem:$0x3FAF]  }
0x2e: {  	s3 =	simm.s32 @!p0 $0x1082;
	s9 =	sld [smem:$0x3FB0]  }
0x2f: {  	lr =	sadd.s32 s0, s3;
	s0 =	sld [smem:$0x3FA7]  }
0x30: {  	s3 =	sld [smem:$0x3FAA]  }
0x31: {  	[smem:$0x3FB3] =	sst s10  }
0x32: {  	s10 =	sld [smem:$0x3FB1];
	_ =	sdelay $0x3  }
0x33: {  	p0 =	seq.s32 s10, $0x1;
	s10 =	sld [smem:$0x3FB3];
	_ =	sdelay $0x3  }
0x34: {  	[smem:$0x3FB3] =	sst s10  }
0x35: {  	s10 =	sld [smem:$0x3FB2];
	_ =	sdelay $0x3  }
0x36: {  	p1 =	seq.s32 s10, $0x1;
	s10 =	sld [smem:$0x3FB3];
	_ =	sdelay $0x3  }
0x37: {  	[smem:$0x3FB3] =	sst s10  }
0x38: {  	s10 =	sld [smem:$0x3FB4]  }
0x39: {  	_ = 	snop;
	(pc) =	sbr.ind lr, $3  }
0x3a: {  	_ = 	snop  }
0x3b: {  	_ = 	snop  }
0x3c: {  	p2 =	seq.s32 s10, $0x1;
	s10 =	sld [smem:$0x3FB3]  }
0x3d: {  	_ =	shalt  }
0x3e: {  	_ =	shalt  }
0x3f: {  	_ =	shalt  }
0x40: {  	_ =	shalt  }
0x41: {  	_ =	shalt  }
0x42: {  	_ =	shalt  }
0x43: {  	_ =	shalt  }
0x44: {  	_ =	shalt  }
0x45: {  	_ =	shalt  }
0x46: {  	_ =	shalt  }
0x47: {  	_ =	shalt  }
0x48: {  	_ =	shalt  }
0x49: {  	_ =	shalt  }
0x4a: {  	_ =	shalt  }
0x4b: {  	_ =	shalt  }
0x4c: {  	_ =	shalt  }
0x4d: {  	_ =	shalt  }
0x4e: {  	_ =	shalt  }
0x4f: {  	_ =	shalt  }
0x50: {  	_ =	shalt  }
0x51: {  	_ =	shalt  }
0x52: {  	_ =	shalt  }
0x53: {  	_ =	shalt  }
0x54: {  	_ =	shalt  }
0x55: {  	_ =	shalt  }
0x56: {  	_ =	shalt  }
0x57: {  	_ =	shalt  }
0x58: {  	_ =	shalt  }
0x59: {  	_ =	shalt  }
0x5a: {  	_ =	shalt  }
0x5b: {  	_ =	shalt  }
0x5c: {  	_ =	shalt  }
0x5d: {  	_ =	shalt  }
0x5e: {  	_ =	shalt  }
0x5f: {  	_ =	shalt  }
0x60: {  	_ =	shalt  }
0x61: {  	_ =	shalt  }
0x62: {  	_ =	shalt  }
0x63: {  	_ =	shalt  }
0x64: {  	_ =	shalt  }
0x65: {  	_ =	shalt  }
0x66: {  	_ =	shalt  }
0x67: {  	_ =	shalt  }
0x68: {  	_ =	shalt  }
0x69: {  	_ =	shalt  }
0x6a: {  	_ =	shalt  }
0x6b: {  	_ =	shalt  }
0x6c: {  	_ =	shalt  }
0x6d: {  	_ =	shalt  }
0x6e: {  	_ =	shalt  }
0x6f: {  	_ =	shalt  }
0x70: {  	_ =	shalt  }
0x71: {  	_ =	shalt  }
0x72: {  	_ =	shalt  }
0x73: {  	_ =	shalt  }
0x74: {  	_ =	shalt  }
0x75: {  	_ =	shalt  }
0x76: {  	_ =	shalt  }
0x77: {  	_ =	shalt  }
0x78: {  	_ =	shalt  }
0x79: {  	_ =	shalt  }
0x7a: {  	_ =	shalt  }
0x7b: {  	_ =	shalt  }
0x7c: {  	_ =	shalt  }
0x7d: {  	_ =	shalt  }
0x7e: {  	_ =	shalt  }
0x7f: {  	_ =	shalt  }
0x80: {  	_ =	shalt  }
0x81: {  	_ =	shalt  }
0x82: {  	_ =	shalt  }
0x83: {  	_ =	shalt  }
0x84: {  	_ =	shalt  }
0x85: {  	_ =	shalt  }
0x86: {  	_ =	shalt  }
0x87: {  	_ =	shalt  }
.Lfunc_end0:
.L_simem_size_0:
called_computation_lowered:
.L_overlay_start_0:
0x88: {  	s2 =	sld [smem:$0x3FD9]  }
0x89: {  	s3 =	sld [smem:$0x3FFE];
	_ =	sdelay $0x1  }
0x8a: {  	s1 =	srdreg.scid  }
0x8b: {  	s0 =	sand.u32 $0x1, s1  }
0x8c: {  	s14 =	sshll.u32 s0, $0xA;
	s2 =	sadd.s32 s3, s2  }
0x8d: {  	s2 =	sadd.s32 s2, s14  }
0x8e: {  	[smem:$0x3FBF] =	sst s2  }
0x8f: {  	_ = 	snop  }
0x90: {  	s2 =	sld [smem:$0x3FD0];
	_ =	sdelay $0x2  }
0x91: {  	s15 =	simm.s32 $0xA;
	s4 =	simm.s32 $0x10  }
0x92: {  	[smem:s4], [sflag:s15] =	dma.local [hbm:s2], $0x1  }
0x93: {  	_ =	swait.eq [sflag:s15], $0x1  }
0x94: {  	[sflag:s15] =	ssyncset.done $0x0  }
0x95: {  	s16 =	sld [smem:$0x12];
	[sflag:s15] =	ssyncadd.s32 $0xFFFFFFFF  }
0x96: {  	s17 =	sld [smem:$0x13];
	(tm) =	ssettm $0x1  }
0x97: {  	s18 =	sld [smem:$0x3FFB];
	_ =	sdelay $0x3  }
0x98: {  	_ =	strace s18  }
0x99: {  	s4 =	sld [smem:$0x3FFC];
	_ =	sdelay $0x3  }
0x9a: {  	_ =	strace s4  }
0x9b: {  	s4 =	sld [smem:$0x3FFD];
	_ =	sdelay $0x3  }
0x9c: {  	_ =	strace s4  }
0x9d: {  	_ =	strace $0x8FFFFFFF  }
0x9e: {  	s19 =	sld [smem:$0x3FDB];
	_ =	sdelay $0x1  }
0x9f: {  	s5 =	simm.s32 $_scs_section_size  }
0xa0: {  	s6 =	simm.s32 $_size__tile_overlayer_lowered;
	s7 =	simm.s32 $_tile_overlayer_lowered  }
0xa1: {  	s22 =	simm.s32 $0x1BFF;
	s21 =	sshll.u32 s7, $0x1;
	s4 =	sadd.s32 s5, s19  }
0xa2: {  	s8 =	simm.s32 $0x0;
	s20 =	sshll.u32 s6, $0x1;
	s6 =	sadd.s32 s21, s4  }
0xa3: {  	[timem:s8], [sflag:s22] =	dma.local [hbm:s6], s20  }
0xa4: {  	_ =	swait.ge [sflag:s22], s20  }
0xa5: {  	s5 =	ssub.s32 $0x0, s20;
	[sflag:s22] =	ssyncset.done $0x0  }
0xa6: {  	[sflag:s22] =	ssyncadd.s32 s5;
	_ =	sdelay $0x1  }
0xa7: {  	s23 =	simm.s32 $0x1B8B  }
0xa8: {  	_ =	swait.ge [sflag:s23], $0x1  }
0xa9: {  	[sflag:s23] =	ssyncset.done $0x0  }
0xaa: {  	s25 =	simm.s32 $0x1B8E;
	s24 =	sld [smem:$0x3FFE];
	[sflag:s23] =	ssyncadd.s32 $0xFFFFFFFF  }
0xab: {  	s26 =	simm.s32 $execute0_lowered;
	[smem:$0x3FD2] =	sst s25  }
0xac: {  	s6 =	sshll.u32 s26, $0x1;
	_ =	strace $0x80000046;
	[dreg:$0x1] =	wrdreg $0xFFFFFFFF  }
0xad: {  	s28 =	simm.s32 $_size_execute0_lowered;
	s4 =	sadd.s32 s4, s6;
	[dreg:$0x0] =	wrdreg $0x0  }
0xae: {  	s6 =	sshll.u32 s28, $0x1;
	[dreg:$0x2] =	wrdreg s4  }
0xaf: {  	[dreg:$0x3] =	wrdreg s6  }
0xb0: {  	[dreg:$0x4] =	wrdreg $0xC0  }
0xb1: {  	_ =	task [dreg:s8], $0x5FFFF  }
0xb2: {  	[dreg:$0x1] =	wrdreg $0xFFFFFFFF  }
0xb3: {  	[dreg:$0x0] =	wrdreg $0x60  }
0xb4: {  	[dreg:$0x2] =	wrdreg s17  }
0xb5: {  	[dreg:$0x3] =	wrdreg s16  }
0xb6: {  	[dreg:$0x4] =	wrdreg s24  }
0xb7: {  	[dreg:$0x5] =	wrdreg $0x9  }
0xb8: {  	_ =	task.clear_ibuf [dreg:s8], $0x6FFFF;
	_ =	strace $0x90000046  }
0xb9: {  	s29 =	simm.s32 $0x9;
	_ =	strace $0x80000048  }
0xba: {  	_ =	swait.ge [sflag:s29], $0x1  }
0xbb: {  	[sflag:s29] =	ssyncadd.s32 $0xFFFFFFFF  }
0xbc: {  	_ =	strace $0x90000048  }
0xbd: {  	_ =	sfence  }
0xbe: {  	s30 =	sld [smem:$0x0];
	_ =	sdelay $0x2  }
0xbf: {  	s31 =	sshll.u32 s1, $0xD;
	s1 =	sshrl.u32 s1, $0x2  }
0xc0: {  	s3 =	sand.u32 $0x4000, s31;
	s1 =	sadd.s32 s1, s30  }
0xc1: {  	s0 =	sor.u32 s3, s0;
	s1 =	sshll.u32 s1, $0x11  }
0xc2: {  	s0 =	sor.u32 s1, s0  }
0xc3: {  	s0 =	sadd.s32 $0x8F2B, s0  }
0xc4: {  	[sflag:s0] =	ssyncadd.remote.s32 $0x1  }
0xc5: {  	_ =	sfence.sel $0xFFFF  }
0xc6: {  	[dreg:$0x0] =	wrdreg $0xFFFFFFFF;
	(pc) =	sbr.abs _section_cstart, $3  }
0xc7: {  	[dreg:$0x1] =	wrdreg $0xFFFFFFFF  }
0xc8: {  	_ =	task.clear_ibuf [dreg:s8], $0x2FFFF;
	_ =	strace $0x9FFFFFFF  }
0xc9: {  	(tm) =	ssettm $0x7FFFFFFF  }
tec
execute0_lowered:
.L_overlay_start_1:
0x0: {  	(tag) =	ssettag $0x1  }
0x1: {  	s1 =	rddreg [dreg:$0x0]  }
0x2: {  	s0 =	srdreg.scid;
	s2 =	rddreg [dreg:$0x1]  }
0x3: {  	s5 =	stileid.u32;
	s7 =	rddreg [dreg:$0x2]  }
0x4: {  	s13 =	simm.s32 $0x80;
	s14 =	simm.s32 $0x400;
	s28 =	simm.s32 $0x15100  }
0x5: {  	s29 =	simm.s32 $0x15900;
	s30 =	simm.s32 $0x16100;
	s31 =	simm.s32 $0x2710  }
0x6: {  	s11 =	simm.s32 $0xEAA0;
	s15 =	simm.s32 $0x111B0;
	s16 =	simm.s32 $0x4  }
0x7: {  	s0 =	sand.u32 $0x1, s0;
	s9 =	sadd.s32 $0x3D800, s7;
	s20 =	sadd.s32 $0x9E00, s2  }
0x8: {  	s21 =	sadd.s32 $0x29C00, s7;
	s23 =	sadd.s32 $0xC200, s7;
	s3 =	sshll.u32 s0, $0x4  }
0x9: {  	s24 =	sadd.s32 $0x13C00, s2;
	s4 =	sor.u32 s5, s3;
	s3 =	simm.s32 $0x0  }
0xa: {  	s26 =	sadd.s32 $0x33A00, s7;
	s0 =	ssub.s32 $0x2, s0;
	[smem:$0x7FF] =	sst s3  }
0xb: {  	s5 =	sshll.u32 s5, $0x7;
	_ =	strace $0x80000047;
	[dreg:$0x5] =	wrdreg s20  }
0xc: {  	s18 =	sshrl.u32 s0, $0x1;
	s4 =	sshrl.u32 s4, $0x3;
	[dreg:$0x6] =	wrdreg s21  }
0xd: {  	s8 =	sand.u32 $0x380, s5;
	s5 =	sadd.s32 $0x2400, s7;
	[dreg:$0x7] =	wrdreg s23  }
0xe: {  	s0 =	ssub.s32 s0, s18;
	s6 =	smul.u32 $0x4E400, s4;
	[dreg:$0x9] =	wrdreg s24  }
0xf: {  	s4 =	sadd.s32 $0x1FE00, s7;
	[dreg:$0xa] =	wrdreg s26;
	s7 =	sadd.s32 $0x16000, s7  }
0x10: {  	s0 =	smax.u32 s0, $0x1;
	s20 =	simm.s32 $0x9C80;
	s21 =	simm.s32 $0x13900  }
0x11: {  	s23 =	simm.s32 $0x14900;
	s24 =	simm.s32 $0x1;
	[dreg:$0xb] =	wrdreg s7  }
0x12: {  	s26 =	simm.s32 $0x3;
	[dreg:$0xd] =	wrdreg s0;
	s8 =	sor.u32 s8, s6  }
0x13: {  	s0 =	simm.s32 $0x7530;
	s7 =	simm.s32 $0xC390;
	s10 =	sshrl.u32 s8, $0x3  }
0x14: {  	s22 =	sadd.s32 $0x139000, s8;
	s8 =	sadd.s32 $0x272000, s8;
	s6 =	sadd.s32 s1, s10  }
0x15: {  	s19 =	sadd.s32 s9, s10;
	s1 =	sshrl.u32 s22, $0x3;
	s25 =	sshrl.u32 s8, $0x3  }
0x16: {  	s22 =	simm.s32 $0x14100;
	s8 =	simm.s32 $0x5;
	s10 =	simm.s32 $0x0  }
0x17: {  	[dreg:$0x4] =	wrdreg s19;
	s1 =	sadd.s32 s9, s1;
	s19 =	simm.s32 $0x7  }
0x18: {  	[dreg:$0x8] =	wrdreg s1;
	s1 =	sadd.s32 s9, s25;
	s25 =	simm.s32 $0x2  }
0x19: {  	s9 =	simm.s32 $0x6;
	[dreg:$0xc] =	wrdreg s1;
	s1 =	simm.s32 $0x4E20  }
.LBB2_1:
0x1a: {  	[tilespmem:s3], [sflag:$0x7] =	stream.strided.gather [hbm4b:s6+s13], $0x9C80, s14, s13, $0x38;
	[tilespmem:$0x16900] =	vst v63  }
0x1b: {  	_ =	swait.ge [sflag:s19], $0x9C80  }
0x1c: {  	[sflag:s19] =	ssyncset.done $0x0  }
0x1d: {  	[sflag:s19] =	ssyncadd.s32 $0xFFFF6380  }
0x1e: {  	[tilespmem:s20], [sflag:$0x7] =	stream.strided.gather [hbm4b:s6+s13], $0x9C80, s14, s13, $0x38;
	[tilespmem:$0x16900] =	vst v63  }
0x1f: {  	_ =	swait.ge [sflag:s19], $0x9C80  }
0x20: {  	[sflag:s19] =	ssyncset.done $0x0  }
0x21: {  	[sflag:s19] =	ssyncadd.s32 $0xFFFF6380  }
0x22: {  	[tilespmem:s21], [sflag:$0x1] =	stream.linear.gather [hbm4b:s2+s3], $0x800, $0x38;
	[tilespmem:$0x16900] =	vst v63  }
0x23: {  	_ = 	snop  }
0x24: {  	[tilespmem:s22], [sflag:$0x2] =	stream.linear.gather [hbm4b:s4+s3], $0x800, $0x38;
	[tilespmem:$0x16900] =	vst v63  }
0x25: {  	_ = 	snop  }
0x26: {  	[tilespmem:s23], [sflag:$0x3] =	stream.linear.gather [hbm4b:s5+s3], $0x800, $0x38;
	[tilespmem:$0x16900] =	vst v63  }
0x27: {  	_ =	swait.ge [sflag:s24], $0x800  }
0x28: {  	[sflag:s24] =	ssyncset.done $0x0  }
0x29: {  	[sflag:s24] =	ssyncadd.s32 $0xFFFFF800  }
0x2a: {  	_ =	swait.ge [sflag:s25], $0x800  }
0x2b: {  	[sflag:s25] =	ssyncset.done $0x0  }
0x2c: {  	[sflag:s25] =	ssyncadd.s32 $0xFFFFF800  }
0x2d: {  	_ =	swait.ge [sflag:s26], $0x800  }
0x2e: {  	[sflag:s26] =	ssyncset.done $0x0  }
0x2f: {  	s12 =	simm.s32 $0x0;
	[sflag:s26] =	ssyncadd.s32 $0xFFFFF800  }
.LBB2_2:
0x30: {  	s13 =	sshll.u32 s12, $0x9  }
0x31: {  	s13 =	sor.u32 $0x100, s13  }
0x32: {  	s14 =	sadd.s32 s2, s13  }
0x33: {  	[tilespmem:s28], [sflag:$0x4] =	stream.linear.gather [hbm4b:s14+s3], $0x800, $0x38;
	[tilespmem:$0x16900] =	vst v63  }
0x34: {  	s18 =	sadd.s32 s4, s13  }
0x35: {  	[tilespmem:s29], [sflag:$0x5] =	stream.linear.gather [hbm4b:s18+s3], $0x800, $0x38;
	[tilespmem:$0x16900] =	vst v63  }
0x36: {  	s17 =	simm.s32 $0x13940;
	s13 =	sadd.s32 s5, s13  }
0x37: {  	[tilespmem:s30], [sflag:$0x6] =	stream.linear.gather [hbm4b:s13+s3], $0x800, $0x38;
	[tilespmem:$0x16900] =	vst v63  }
0x38: {  	v0 =	vld [tilespmem:s17+$0x30]  }
0x39: {  	v1 =	vld [tilespmem:s17+$0xFFFFFFD0]  }
0x3a: {  	v2 =	vld [tilespmem:s17+$0xFFFFFFE0]  }
0x3b: {  	v3 =	vld [tilespmem:s17+$0xFFFFFFF0]  }
0x3c: {  	v4 =	vld [tilespmem:s17+$0x0]  }
0x3d: {  	s13 =	simm.s32 $0x14940;
	v5 =	vld [tilespmem:s17+$0x10]  }
0x3e: {  	s14 =	simm.s32 $0x14140;
	v6 =	vld [tilespmem:s13+$0x30]  }
0x3f: {  	v7 =	vld [tilespmem:s14+$0x30]  }
0x40: {  	v11 =	vld [tilespmem:s17+$0x20]  }
0x41: {  	v12 =	vld [tilespmem:s17+$0xFFFFFFC0]  }
0x42: {  	v28 =	vld [tilespmem:s13+$0xFFFFFFC0]  }
0x43: {  	v29 =	vld [tilespmem:s13+$0xFFFFFFD0]  }
0x44: {  	v30 =	vld [tilespmem:s13+$0xFFFFFFE0]  }
0x45: {  	v31 =	vld [tilespmem:s14+$0xFFFFFFC0]  }
0x46: {  	v32 =	vld [tilespmem:s13+$0xFFFFFFF0]  }
0x47: {  	v33 =	vld [tilespmem:s13+$0x0]  }
0x48: {  	v34 =	vld [tilespmem:s13+$0x10]  }
0x49: {  	v35 =	vld [tilespmem:s13+$0x20]  }
0x4a: {  	v36 =	vld [tilespmem:s14+$0xFFFFFFD0]  }
0x4b: {  	v37 =	vld [tilespmem:s14+$0xFFFFFFE0]  }
0x4c: {  	v38 =	vld [tilespmem:s14+$0xFFFFFFF0]  }
0x4d: {  	v39 =	vld [tilespmem:s14+$0x0]  }
0x4e: {  	v57 =	vld [tilespmem:s14+$0x10]  }
0x4f: {  	v8 =	vld.idx.msk [tilespmem:v0+s3+$0x0], $0xffff  }
0x50: {  	v9 =	vld.idx.msk [tilespmem:v0+s31+$0x0], $0xffff  }
0x51: {  	v10 =	vld.idx.msk [tilespmem:v0+s1+$0x0], $0xffff  }
0x52: {  	v0 =	vld.idx.msk [tilespmem:v0+s0+$0x0], $0xffff  }
0x53: {  	v13 =	vld.idx.msk [tilespmem:v1+s3+$0x0], $0xffff  }
0x54: {  	v14 =	vld.idx.msk [tilespmem:v1+s31+$0x0], $0xffff  }
0x55: {  	v51 =	vld.idx.msk [tilespmem:v1+s1+$0x0], $0xffff  }
0x56: {  	v52 =	vld.idx.msk [tilespmem:v12+s31+$0x0], $0xffff  }
0x57: {  	v53 =	vld.idx.msk [tilespmem:v12+s1+$0x0], $0xffff  }
0x58: {  	v54 =	vld.idx.msk [tilespmem:v12+s0+$0x0], $0xffff  }
0x59: {  	v1 =	vld.idx.msk [tilespmem:v1+s0+$0x0], $0xffff  }
0x5a: {  	v55 =	vld.idx.msk [tilespmem:v2+s3+$0x0], $0xffff  }
0x5b: {  	v56 =	vld.idx.msk [tilespmem:v2+s31+$0x0], $0xffff  }
0x5c: {  	v15 =	vld.idx.msk [tilespmem:v2+s1+$0x0], $0xffff  }
0x5d: {  	v2 =	vld.idx.msk [tilespmem:v2+s0+$0x0], $0xffff  }
0x5e: {  	v16 =	vld.idx.msk [tilespmem:v3+s3+$0x0], $0xffff  }
0x5f: {  	v17 =	vld.idx.msk [tilespmem:v3+s31+$0x0], $0xffff  }
0x60: {  	v18 =	vld.idx.msk [tilespmem:v3+s1+$0x0], $0xffff  }
0x61: {  	v3 =	vld.idx.msk [tilespmem:v3+s0+$0x0], $0xffff  }
0x62: {  	v19 =	vld.idx.msk [tilespmem:v4+s3+$0x0], $0xffff  }
0x63: {  	v20 =	vld.idx.msk [tilespmem:v4+s31+$0x0], $0xffff  }
0x64: {  	v21 =	vld.idx.msk [tilespmem:v4+s1+$0x0], $0xffff  }
0x65: {  	v4 =	vld.idx.msk [tilespmem:v4+s0+$0x0], $0xffff  }
0x66: {  	v22 =	vld.idx.msk [tilespmem:v5+s3+$0x0], $0xffff  }
0x67: {  	v23 =	vld.idx.msk [tilespmem:v5+s31+$0x0], $0xffff  }
0x68: {  	v24 =	vld.idx.msk [tilespmem:v5+s1+$0x0], $0xffff  }
0x69: {  	v5 =	vld.idx.msk [tilespmem:v5+s0+$0x0], $0xffff  }
0x6a: {  	v25 =	vld.idx.msk [tilespmem:v11+s3+$0x0], $0xffff  }
0x6b: {  	v26 =	vld.idx.msk [tilespmem:v11+s31+$0x0], $0xffff  }
0x6c: {  	v27 =	vld.idx.msk [tilespmem:v11+s1+$0x0], $0xffff;
	v8 =	vmul.f32 v8, v6  }
0x6d: {  	v11 =	vld.idx.msk [tilespmem:v11+s0+$0x0], $0xffff;
	v59 =	vmul.f32 v13, v29  }
0x6e: {  	v61 =	vmul.f32 v55, v30;
	[tilespmem:v7+s20+$0x0] =	vst.idx.add.f32.msk $0xffff, v8  }
0x6f: {  	v63 =	vmul.f32 v16, v32;
	[tilespmem:v36+s20+$0x0] =	vst.idx.add.f32.msk $0xffff, v59  }
0x70: {  	v9 =	vmul.f32 v9, v6;
	[tilespmem:v37+s20+$0x0] =	vst.idx.add.f32.msk $0xffff, v61  }
0x71: {  	v60 =	vmul.f32 v14, v29;
	[tilespmem:v38+s20+$0x0] =	vst.idx.add.f32.msk $0xffff, v63  }
0x72: {  	v62 =	vmul.f32 v56, v30;
	[tilespmem:v7+s7+$0x0] =	vst.idx.add.f32.msk $0xffff, v9  }
0x73: {  	v50 =	vmul.f32 v10, v6;
	[tilespmem:v36+s7+$0x0] =	vst.idx.add.f32.msk $0xffff, v60  }
0x74: {  	v0 =	vmul.f32 v0, v6;
	v6 =	vmul.f32 v51, v29;
	[tilespmem:v37+s7+$0x0] =	vst.idx.add.f32.msk $0xffff, v62  }
0x75: {  	[tilespmem:v7+s11+$0x0] =	vst.idx.add.f32.msk $0xffff, v50  }
0x76: {  	v1 =	vmul.f32 v1, v29;
	[tilespmem:v36+s11+$0x0] =	vst.idx.add.f32.msk $0xffff, v6  }
0x77: {  	[tilespmem:v7+s15+$0x0] =	vst.idx.add.f32.msk $0xffff, v0  }
0x78: {  	[tilespmem:v36+s15+$0x0] =	vst.idx.add.f32.msk $0xffff, v1;
	v1 =	vmul.f32 v15, v30  }
0x79: {  	v2 =	vmul.f32 v2, v30;
	v0 =	vld.idx.msk [tilespmem:v12+s3+$0x0], $0xffff  }
0x7a: {  	[tilespmem:v37+s11+$0x0] =	vst.idx.add.f32.msk $0xffff, v1;
	v1 =	vmul.f32 v17, v32  }
0x7b: {  	[tilespmem:v37+s15+$0x0] =	vst.idx.add.f32.msk $0xffff, v2;
	v2 =	vmul.f32 v18, v32  }
0x7c: {  	v3 =	vmul.f32 v3, v32;
	[tilespmem:v38+s7+$0x0] =	vst.idx.add.f32.msk $0xffff, v1  }
0x7d: {  	v1 =	vmul.f32 v19, v33;
	[tilespmem:v38+s11+$0x0] =	vst.idx.add.f32.msk $0xffff, v2  }
0x7e: {  	v0 =	vmul.f32 v0, v28;
	[tilespmem:v38+s15+$0x0] =	vst.idx.add.f32.msk $0xffff, v3  }
0x7f: {  	v2 =	vmul.f32 v20, v33;
	[tilespmem:v39+s20+$0x0] =	vst.idx.add.f32.msk $0xffff, v1  }
0x80: {  	v7 =	vmul.f32 v52, v28;
	[tilespmem:v31+s20+$0x0] =	vst.idx.add.f32.msk $0xffff, v0  }
0x81: {  	v0 =	vmul.f32 v53, v28;
	[tilespmem:v39+s7+$0x0] =	vst.idx.add.f32.msk $0xffff, v2  }
0x82: {  	[tilespmem:v31+s7+$0x0] =	vst.idx.add.f32.msk $0xffff, v7  }
0x83: {  	v3 =	vmul.f32 v21, v33;
	[tilespmem:v31+s11+$0x0] =	vst.idx.add.f32.msk $0xffff, v0  }
0x84: {  	v1 =	vmul.f32 v4, v33;
	v0 =	vld [tilespmem:s14+$0x20]  }
0x85: {  	v2 =	vmul.f32 v22, v34;
	[tilespmem:v39+s11+$0x0] =	vst.idx.add.f32.msk $0xffff, v3  }
0x86: {  	v58 =	vmul.f32 v54, v28;
	[tilespmem:v39+s15+$0x0] =	vst.idx.add.f32.msk $0xffff, v1  }
0x87: {  	v3 =	vmul.f32 v23, v34;
	[tilespmem:v57+s20+$0x0] =	vst.idx.add.f32.msk $0xffff, v2  }
0x88: {  	v1 =	vmul.f32 v24, v34;
	[tilespmem:v31+s15+$0x0] =	vst.idx.add.f32.msk $0xffff, v58  }
0x89: {  	v2 =	vmul.f32 v5, v34;
	[tilespmem:v57+s7+$0x0] =	vst.idx.add.f32.msk $0xffff, v3  }
0x8a: {  	v3 =	vmul.f32 v25, v35;
	[tilespmem:v57+s11+$0x0] =	vst.idx.add.f32.msk $0xffff, v1  }
0x8b: {  	v1 =	vmul.f32 v26, v35;
	[tilespmem:v57+s15+$0x0] =	vst.idx.add.f32.msk $0xffff, v2  }
0x8c: {  	v2 =	vmul.f32 v27, v35;
	[tilespmem:v0+s20+$0x0] =	vst.idx.add.f32.msk $0xffff, v3  }
0x8d: {  	[tilespmem:v0+s7+$0x0] =	vst.idx.add.f32.msk $0xffff, v1  }
0x8e: {  	s18 =	simm.s32 $0x139C0;
	s17 =	simm.s32 $0x0;
	v1 =	vmul.f32 v11, v35;
	[tilespmem:v0+s11+$0x0] =	vst.idx.add.f32.msk $0xffff, v2  }
.LBB2_3:
0x8f: {  	v2 =	vld [tilespmem:s18+$0x30]  }
0x90: {  	v3 =	vld [tilespmem:s18+$0xFFFFFFD0]  }
0x91: {  	v4 =	vld [tilespmem:s18+$0xFFFFFFE0]  }
0x92: {  	s17 =	sadd.s32 $0x8, s17;
	v5 =	vld [tilespmem:s18+$0xFFFFFFF0]  }
0x93: {  	p0 =	slt.u32 s17, $0x78;
	v6 =	vld [tilespmem:s18+$0x0]  }
0x94: {  	s13 =	sadd.s32 $0x80, s13;
	v7 =	vld [tilespmem:s18+$0x10]  }
0x95: {  	s14 =	sadd.s32 $0x80, s14;
	v8 =	vld [tilespmem:s13+$0x30]  }
0x96: {  	v9 =	vld [tilespmem:s14+$0x30]  }
0x97: {  	v10 =	vld.idx.msk [tilespmem:v2+s3+$0x0], $0xffff  }
0x98: {  	v11 =	vld.idx.msk [tilespmem:v2+s31+$0x0], $0xffff  }
0x99: {  	v12 =	vld.idx.msk [tilespmem:v2+s1+$0x0], $0xffff  }
0x9a: {  	v2 =	vld.idx.msk [tilespmem:v2+s0+$0x0], $0xffff  }
0x9b: {  	v13 =	vld [tilespmem:s18+$0x20]  }
0x9c: {  	v14 =	vld [tilespmem:s18+$0xFFFFFFC0]  }
0x9d: {  	v10 =	vmul.f32 v10, v8;
	v15 =	vld.idx.msk [tilespmem:v3+s3+$0x0], $0xffff  }
0x9e: {  	v11 =	vmul.f32 v11, v8;
	v16 =	vld.idx.msk [tilespmem:v3+s31+$0x0], $0xffff  }
0x9f: {  	[tilespmem:v9+s20+$0x0] =	vst.idx.add.f32.msk $0xffff, v10;
	v10 =	vmul.f32 v12, v8  }
0xa0: {  	v2 =	vmul.f32 v2, v8;
	[tilespmem:v9+s7+$0x0] =	vst.idx.add.f32.msk $0xffff, v11  }
0xa1: {  	[tilespmem:v9+s11+$0x0] =	vst.idx.add.f32.msk $0xffff, v10  }
0xa2: {  	[tilespmem:v9+s15+$0x0] =	vst.idx.add.f32.msk $0xffff, v2  }
0xa3: {  	v2 =	vld.idx.msk [tilespmem:v3+s1+$0x0], $0xffff  }
0xa4: {  	v8 =	vld.idx.msk [tilespmem:v14+s3+$0x0], $0xffff  }
0xa5: {  	v9 =	vld.idx.msk [tilespmem:v14+s31+$0x0], $0xffff  }
0xa6: {  	v10 =	vld.idx.msk [tilespmem:v14+s1+$0x0], $0xffff  }
0xa7: {  	v11 =	vld.idx.msk [tilespmem:v14+s0+$0x0], $0xffff  }
0xa8: {  	v3 =	vld.idx.msk [tilespmem:v3+s0+$0x0], $0xffff  }
0xa9: {  	v12 =	vld.idx.msk [tilespmem:v4+s3+$0x0], $0xffff  }
0xaa: {  	v14 =	vld.idx.msk [tilespmem:v4+s31+$0x0], $0xffff  }
0xab: {  	v17 =	vld.idx.msk [tilespmem:v4+s1+$0x0], $0xffff  }
0xac: {  	v4 =	vld.idx.msk [tilespmem:v4+s0+$0x0], $0xffff  }
0xad: {  	v18 =	vld.idx.msk [tilespmem:v5+s3+$0x0], $0xffff  }
0xae: {  	v19 =	vld.idx.msk [tilespmem:v5+s31+$0x0], $0xffff  }
0xaf: {  	v20 =	vld.idx.msk [tilespmem:v5+s1+$0x0], $0xffff  }
0xb0: {  	v5 =	vld.idx.msk [tilespmem:v5+s0+$0x0], $0xffff  }
0xb1: {  	v21 =	vld.idx.msk [tilespmem:v6+s3+$0x0], $0xffff  }
0xb2: {  	v22 =	vld.idx.msk [tilespmem:v6+s31+$0x0], $0xffff  }
0xb3: {  	v23 =	vld.idx.msk [tilespmem:v6+s1+$0x0], $0xffff  }
0xb4: {  	v6 =	vld.idx.msk [tilespmem:v6+s0+$0x0], $0xffff  }
0xb5: {  	v24 =	vld.idx.msk [tilespmem:v7+s3+$0x0], $0xffff  }
0xb6: {  	v25 =	vld.idx.msk [tilespmem:v7+s31+$0x0], $0xffff  }
0xb7: {  	v26 =	vld.idx.msk [tilespmem:v7+s1+$0x0], $0xffff  }
0xb8: {  	v7 =	vld.idx.msk [tilespmem:v7+s0+$0x0], $0xffff  }
0xb9: {  	v27 =	vld.idx.msk [tilespmem:v13+s3+$0x0], $0xffff  }
0xba: {  	v28 =	vld.idx.msk [tilespmem:v13+s31+$0x0], $0xffff  }
0xbb: {  	v29 =	vld.idx.msk [tilespmem:v13+s1+$0x0], $0xffff  }
0xbc: {  	v13 =	vld.idx.msk [tilespmem:v13+s0+$0x0], $0xffff  }
0xbd: {  	v30 =	vld [tilespmem:s13+$0xFFFFFFC0]  }
0xbe: {  	v31 =	vld [tilespmem:s13+$0xFFFFFFD0]  }
0xbf: {  	v32 =	vld [tilespmem:s13+$0xFFFFFFE0]  }
0xc0: {  	v33 =	vld [tilespmem:s13+$0xFFFFFFF0]  }
0xc1: {  	v34 =	vld [tilespmem:s13+$0x0]  }
0xc2: {  	v8 =	vmul.f32 v8, v30;
	v9 =	vmul.f32 v9, v30;
	v35 =	vld [tilespmem:s13+$0x10]  }
0xc3: {  	v10 =	vmul.f32 v10, v30;
	v11 =	vmul.f32 v11, v30;
	v30 =	vld [tilespmem:s13+$0x20]  }
0xc4: {  	v15 =	vmul.f32 v15, v31;
	v16 =	vmul.f32 v16, v31;
	v36 =	vld [tilespmem:s14+$0xFFFFFFC0]  }
0xc5: {  	v2 =	vmul.f32 v2, v31;
	v3 =	vmul.f32 v3, v31;
	v37 =	vld [tilespmem:s14+$0xFFFFFFD0]  }
0xc6: {  	v12 =	vmul.f32 v12, v32;
	v14 =	vmul.f32 v14, v32;
	v31 =	vld [tilespmem:s14+$0xFFFFFFE0]  }
0xc7: {  	v17 =	vmul.f32 v17, v32;
	v4 =	vmul.f32 v4, v32;
	v32 =	vld [tilespmem:s14+$0xFFFFFFF0]  }
0xc8: {  	v18 =	vmul.f32 v18, v33;
	v19 =	vmul.f32 v19, v33;
	v38 =	vld [tilespmem:s14+$0x0]  }
0xc9: {  	v20 =	vmul.f32 v20, v33;
	v5 =	vmul.f32 v5, v33;
	v33 =	vld [tilespmem:s14+$0x10]  }
0xca: {  	v21 =	vmul.f32 v21, v34;
	v22 =	vmul.f32 v22, v34;
	v39 =	vld [tilespmem:s14+$0x20]  }
0xcb: {  	v23 =	vmul.f32 v23, v34;
	v6 =	vmul.f32 v6, v34;
	[tilespmem:v0+s15+$0x0] =	vst.idx.add.f32.msk $0xffff, v1  }
0xcc: {  	[tilespmem:v36+s20+$0x0] =	vst.idx.add.f32.msk $0xffff, v8;
	v8 =	vmul.f32 v24, v35;
	v24 =	vmul.f32 v25, v35  }
0xcd: {  	v7 =	vmul.f32 v7, v35;
	[tilespmem:v36+s7+$0x0] =	vst.idx.add.f32.msk $0xffff, v9;
	v9 =	vmul.f32 v26, v35  }
0xce: {  	v25 =	vmul.f32 v28, v30;
	[tilespmem:v36+s11+$0x0] =	vst.idx.add.f32.msk $0xffff, v10;
	v10 =	vmul.f32 v27, v30  }
0xcf: {  	v1 =	vmul.f32 v13, v30;
	[tilespmem:v36+s15+$0x0] =	vst.idx.add.f32.msk $0xffff, v11;
	v11 =	vmul.f32 v29, v30;
	v0 =	vmov v39  }
0xd0: {  	[tilespmem:v37+s20+$0x0] =	vst.idx.add.f32.msk $0xffff, v15  }
0xd1: {  	[tilespmem:v37+s7+$0x0] =	vst.idx.add.f32.msk $0xffff, v16  }
0xd2: {  	[tilespmem:v37+s11+$0x0] =	vst.idx.add.f32.msk $0xffff, v2  }
0xd3: {  	[tilespmem:v37+s15+$0x0] =	vst.idx.add.f32.msk $0xffff, v3  }
0xd4: {  	[tilespmem:v31+s20+$0x0] =	vst.idx.add.f32.msk $0xffff, v12  }
0xd5: {  	[tilespmem:v31+s7+$0x0] =	vst.idx.add.f32.msk $0xffff, v14  }
0xd6: {  	[tilespmem:v31+s11+$0x0] =	vst.idx.add.f32.msk $0xffff, v17  }
0xd7: {  	[tilespmem:v31+s15+$0x0] =	vst.idx.add.f32.msk $0xffff, v4  }
0xd8: {  	[tilespmem:v32+s20+$0x0] =	vst.idx.add.f32.msk $0xffff, v18  }
0xd9: {  	[tilespmem:v32+s7+$0x0] =	vst.idx.add.f32.msk $0xffff, v19  }
0xda: {  	[tilespmem:v32+s11+$0x0] =	vst.idx.add.f32.msk $0xffff, v20  }
0xdb: {  	[tilespmem:v32+s15+$0x0] =	vst.idx.add.f32.msk $0xffff, v5  }
0xdc: {  	[tilespmem:v38+s20+$0x0] =	vst.idx.add.f32.msk $0xffff, v21  }
0xdd: {  	[tilespmem:v38+s7+$0x0] =	vst.idx.add.f32.msk $0xffff, v22  }
0xde: {  	[tilespmem:v38+s11+$0x0] =	vst.idx.add.f32.msk $0xffff, v23  }
0xdf: {  	[tilespmem:v38+s15+$0x0] =	vst.idx.add.f32.msk $0xffff, v6  }
0xe0: {  	[tilespmem:v33+s20+$0x0] =	vst.idx.add.f32.msk $0xffff, v8  }
0xe1: {  	[tilespmem:v33+s7+$0x0] =	vst.idx.add.f32.msk $0xffff, v24  }
.Ltmp0:
0xe2: {  	[tilespmem:v33+s11+$0x0] =	vst.idx.add.f32.msk $0xffff, v9;
	(pc) =	sbr.rel @p0 .LBB2_3-.Ltmp0, $4  }
0xe3: {  	[tilespmem:v33+s15+$0x0] =	vst.idx.add.f32.msk $0xffff, v7  }
0xe4: {  	[tilespmem:v39+s20+$0x0] =	vst.idx.add.f32.msk $0xffff, v10  }
0xe5: {  	[tilespmem:v39+s7+$0x0] =	vst.idx.add.f32.msk $0xffff, v25  }
0xe6: {  	s18 =	sadd.s32 $0x80, s18;
	[tilespmem:v39+s11+$0x0] =	vst.idx.add.f32.msk $0xffff, v11  }
0xe7: {  	_ =	sdelay $0x3  }
0xe8: {  	[tilespmem:v0+s15+$0x0] =	vst.idx.add.f32.msk $0xffff, v1  }
0xe9: {  	_ =	swait.ge [sflag:s16], $0x800  }
0xea: {  	[sflag:s16] =	ssyncset.done $0x0  }
0xeb: {  	[sflag:s16] =	ssyncadd.s32 $0xFFFFF800  }
0xec: {  	_ =	swait.ge [sflag:s8], $0x800  }
0xed: {  	s13 =	sshll.u32 s12, $0x1;
	[sflag:s8] =	ssyncset.done $0x0  }
0xee: {  	s13 =	smin.u32 s13, $0x9B;
	[sflag:s8] =	ssyncadd.s32 $0xFFFFF800  }
0xef: {  	s13 =	sshll.u32 s13, $0x8;
	_ =	swait.ge [sflag:s9], $0x800  }
0xf0: {  	s13 =	sadd.s32 $0x200, s13;
	[sflag:s9] =	ssyncset.done $0x0  }
0xf1: {  	s14 =	sadd.s32 s2, s13;
	[sflag:s9] =	ssyncadd.s32 $0xFFFFF800  }
0xf2: {  	[tilespmem:s21], [sflag:$0x1] =	stream.linear.gather [hbm4b:s14+s3], $0x800, $0x38;
	[tilespmem:$0x16900] =	vst v63  }
0xf3: {  	s18 =	sadd.s32 s4, s13  }
0xf4: {  	[tilespmem:s22], [sflag:$0x2] =	stream.linear.gather [hbm4b:s18+s3], $0x800, $0x38;
	[tilespmem:$0x16900] =	vst v63  }
0xf5: {  	s17 =	simm.s32 $0x15140;
	s13 =	sadd.s32 s5, s13  }
0xf6: {  	[tilespmem:s23], [sflag:$0x3] =	stream.linear.gather [hbm4b:s13+s3], $0x800, $0x38;
	[tilespmem:$0x16900] =	vst v63  }
0xf7: {  	v0 =	vld [tilespmem:s17+$0x30]  }
0xf8: {  	v1 =	vld [tilespmem:s17+$0xFFFFFFD0]  }
0xf9: {  	v2 =	vld [tilespmem:s17+$0xFFFFFFE0]  }
0xfa: {  	v3 =	vld [tilespmem:s17+$0xFFFFFFF0]  }
0xfb: {  	v4 =	vld [tilespmem:s17+$0x0]  }
0xfc: {  	s13 =	simm.s32 $0x16140;
	v5 =	vld [tilespmem:s17+$0x10]  }
0xfd: {  	s14 =	simm.s32 $0x15940;
	v6 =	vld [tilespmem:s13+$0x30]  }
0xfe: {  	v7 =	vld [tilespmem:s14+$0x30]  }
0xff: {  	v11 =	vld [tilespmem:s17+$0x20]  }
0x100: {  	v12 =	vld [tilespmem:s17+$0xFFFFFFC0]  }
0x101: {  	v28 =	vld [tilespmem:s13+$0xFFFFFFC0]  }
0x102: {  	v29 =	vld [tilespmem:s13+$0xFFFFFFD0]  }
0x103: {  	v30 =	vld [tilespmem:s13+$0xFFFFFFE0]  }
0x104: {  	v31 =	vld [tilespmem:s14+$0xFFFFFFC0]  }
0x105: {  	v32 =	vld [tilespmem:s13+$0xFFFFFFF0]  }
0x106: {  	v33 =	vld [tilespmem:s13+$0x0]  }
0x107: {  	v34 =	vld [tilespmem:s13+$0x10]  }
0x108: {  	v35 =	vld [tilespmem:s13+$0x20]  }
0x109: {  	v36 =	vld [tilespmem:s14+$0xFFFFFFD0]  }
0x10a: {  	v37 =	vld [tilespmem:s14+$0xFFFFFFE0]  }
0x10b: {  	v38 =	vld [tilespmem:s14+$0xFFFFFFF0]  }
0x10c: {  	v39 =	vld [tilespmem:s14+$0x0]  }
0x10d: {  	v57 =	vld [tilespmem:s14+$0x10]  }
0x10e: {  	v8 =	vld.idx.msk [tilespmem:v0+s3+$0x0], $0xffff  }
0x10f: {  	v9 =	vld.idx.msk [tilespmem:v0+s31+$0x0], $0xffff  }
0x110: {  	v10 =	vld.idx.msk [tilespmem:v0+s1+$0x0], $0xffff  }
0x111: {  	v0 =	vld.idx.msk [tilespmem:v0+s0+$0x0], $0xffff  }
0x112: {  	v13 =	vld.idx.msk [tilespmem:v1+s3+$0x0], $0xffff  }
0x113: {  	v14 =	vld.idx.msk [tilespmem:v1+s31+$0x0], $0xffff  }
0x114: {  	v51 =	vld.idx.msk [tilespmem:v1+s1+$0x0], $0xffff  }
0x115: {  	v52 =	vld.idx.msk [tilespmem:v12+s31+$0x0], $0xffff  }
0x116: {  	v53 =	vld.idx.msk [tilespmem:v12+s1+$0x0], $0xffff  }
0x117: {  	v54 =	vld.idx.msk [tilespmem:v12+s0+$0x0], $0xffff  }
0x118: {  	v1 =	vld.idx.msk [tilespmem:v1+s0+$0x0], $0xffff  }
0x119: {  	v55 =	vld.idx.msk [tilespmem:v2+s3+$0x0], $0xffff  }
0x11a: {  	v56 =	vld.idx.msk [tilespmem:v2+s31+$0x0], $0xffff  }
0x11b: {  	v15 =	vld.idx.msk [tilespmem:v2+s1+$0x0], $0xffff  }
0x11c: {  	v2 =	vld.idx.msk [tilespmem:v2+s0+$0x0], $0xffff  }
0x11d: {  	v16 =	vld.idx.msk [tilespmem:v3+s3+$0x0], $0xffff  }
0x11e: {  	v17 =	vld.idx.msk [tilespmem:v3+s31+$0x0], $0xffff  }
0x11f: {  	v18 =	vld.idx.msk [tilespmem:v3+s1+$0x0], $0xffff  }
0x120: {  	v3 =	vld.idx.msk [tilespmem:v3+s0+$0x0], $0xffff  }
0x121: {  	v19 =	vld.idx.msk [tilespmem:v4+s3+$0x0], $0xffff  }
0x122: {  	v20 =	vld.idx.msk [tilespmem:v4+s31+$0x0], $0xffff  }
0x123: {  	v21 =	vld.idx.msk [tilespmem:v4+s1+$0x0], $0xffff  }
0x124: {  	v4 =	vld.idx.msk [tilespmem:v4+s0+$0x0], $0xffff  }
0x125: {  	v22 =	vld.idx.msk [tilespmem:v5+s3+$0x0], $0xffff  }
0x126: {  	v23 =	vld.idx.msk [tilespmem:v5+s31+$0x0], $0xffff  }
0x127: {  	v24 =	vld.idx.msk [tilespmem:v5+s1+$0x0], $0xffff  }
0x128: {  	v5 =	vld.idx.msk [tilespmem:v5+s0+$0x0], $0xffff  }
0x129: {  	v25 =	vld.idx.msk [tilespmem:v11+s3+$0x0], $0xffff  }
0x12a: {  	v26 =	vld.idx.msk [tilespmem:v11+s31+$0x0], $0xffff  }
0x12b: {  	v27 =	vld.idx.msk [tilespmem:v11+s1+$0x0], $0xffff;
	v8 =	vmul.f32 v8, v6  }
0x12c: {  	v11 =	vld.idx.msk [tilespmem:v11+s0+$0x0], $0xffff;
	v59 =	vmul.f32 v13, v29  }
0x12d: {  	v61 =	vmul.f32 v55, v30;
	[tilespmem:v7+s20+$0x0] =	vst.idx.add.f32.msk $0xffff, v8  }
0x12e: {  	v63 =	vmul.f32 v16, v32;
	[tilespmem:v36+s20+$0x0] =	vst.idx.add.f32.msk $0xffff, v59  }
0x12f: {  	v9 =	vmul.f32 v9, v6;
	[tilespmem:v37+s20+$0x0] =	vst.idx.add.f32.msk $0xffff, v61  }
0x130: {  	v60 =	vmul.f32 v14, v29;
	[tilespmem:v38+s20+$0x0] =	vst.idx.add.f32.msk $0xffff, v63  }
0x131: {  	v62 =	vmul.f32 v56, v30;
	[tilespmem:v7+s7+$0x0] =	vst.idx.add.f32.msk $0xffff, v9  }
0x132: {  	v50 =	vmul.f32 v10, v6;
	[tilespmem:v36+s7+$0x0] =	vst.idx.add.f32.msk $0xffff, v60  }
0x133: {  	v0 =	vmul.f32 v0, v6;
	v6 =	vmul.f32 v51, v29;
	[tilespmem:v37+s7+$0x0] =	vst.idx.add.f32.msk $0xffff, v62  }
0x134: {  	[tilespmem:v7+s11+$0x0] =	vst.idx.add.f32.msk $0xffff, v50  }
0x135: {  	v1 =	vmul.f32 v1, v29;
	[tilespmem:v36+s11+$0x0] =	vst.idx.add.f32.msk $0xffff, v6  }
0x136: {  	[tilespmem:v7+s15+$0x0] =	vst.idx.add.f32.msk $0xffff, v0  }
0x137: {  	[tilespmem:v36+s15+$0x0] =	vst.idx.add.f32.msk $0xffff, v1;
	v1 =	vmul.f32 v15, v30  }
0x138: {  	v2 =	vmul.f32 v2, v30;
	v0 =	vld.idx.msk [tilespmem:v12+s3+$0x0], $0xffff  }
0x139: {  	[tilespmem:v37+s11+$0x0] =	vst.idx.add.f32.msk $0xffff, v1;
	v1 =	vmul.f32 v17, v32  }
0x13a: {  	[tilespmem:v37+s15+$0x0] =	vst.idx.add.f32.msk $0xffff, v2;
	v2 =	vmul.f32 v18, v32  }
0x13b: {  	v3 =	vmul.f32 v3, v32;
	[tilespmem:v38+s7+$0x0] =	vst.idx.add.f32.msk $0xffff, v1  }
0x13c: {  	v1 =	vmul.f32 v19, v33;
	[tilespmem:v38+s11+$0x0] =	vst.idx.add.f32.msk $0xffff, v2  }
0x13d: {  	v0 =	vmul.f32 v0, v28;
	[tilespmem:v38+s15+$0x0] =	vst.idx.add.f32.msk $0xffff, v3  }
0x13e: {  	v2 =	vmul.f32 v20, v33;
	[tilespmem:v39+s20+$0x0] =	vst.idx.add.f32.msk $0xffff, v1  }
0x13f: {  	v7 =	vmul.f32 v52, v28;
	[tilespmem:v31+s20+$0x0] =	vst.idx.add.f32.msk $0xffff, v0  }
0x140: {  	v0 =	vmul.f32 v53, v28;
	[tilespmem:v39+s7+$0x0] =	vst.idx.add.f32.msk $0xffff, v2  }
0x141: {  	[tilespmem:v31+s7+$0x0] =	vst.idx.add.f32.msk $0xffff, v7  }
0x142: {  	v3 =	vmul.f32 v21, v33;
	[tilespmem:v31+s11+$0x0] =	vst.idx.add.f32.msk $0xffff, v0  }
0x143: {  	v1 =	vmul.f32 v4, v33;
	v0 =	vld [tilespmem:s14+$0x20]  }
0x144: {  	v2 =	vmul.f32 v22, v34;
	[tilespmem:v39+s11+$0x0] =	vst.idx.add.f32.msk $0xffff, v3  }
0x145: {  	v58 =	vmul.f32 v54, v28;
	[tilespmem:v39+s15+$0x0] =	vst.idx.add.f32.msk $0xffff, v1  }
0x146: {  	v3 =	vmul.f32 v23, v34;
	[tilespmem:v57+s20+$0x0] =	vst.idx.add.f32.msk $0xffff, v2  }
0x147: {  	v1 =	vmul.f32 v24, v34;
	[tilespmem:v31+s15+$0x0] =	vst.idx.add.f32.msk $0xffff, v58  }
0x148: {  	v2 =	vmul.f32 v5, v34;
	[tilespmem:v57+s7+$0x0] =	vst.idx.add.f32.msk $0xffff, v3  }
0x149: {  	v3 =	vmul.f32 v25, v35;
	[tilespmem:v57+s11+$0x0] =	vst.idx.add.f32.msk $0xffff, v1  }
0x14a: {  	v1 =	vmul.f32 v26, v35;
	[tilespmem:v57+s15+$0x0] =	vst.idx.add.f32.msk $0xffff, v2  }
0x14b: {  	v2 =	vmul.f32 v27, v35;
	[tilespmem:v0+s20+$0x0] =	vst.idx.add.f32.msk $0xffff, v3  }
0x14c: {  	[tilespmem:v0+s7+$0x0] =	vst.idx.add.f32.msk $0xffff, v1  }
0x14d: {  	s18 =	simm.s32 $0x151C0;
	s17 =	simm.s32 $0x0;
	v1 =	vmul.f32 v11, v35;
	[tilespmem:v0+s11+$0x0] =	vst.idx.add.f32.msk $0xffff, v2  }
.LBB2_5:
0x14e: {  	v2 =	vld [tilespmem:s18+$0x30]  }
0x14f: {  	v3 =	vld [tilespmem:s18+$0xFFFFFFD0]  }
0x150: {  	v4 =	vld [tilespmem:s18+$0xFFFFFFE0]  }
0x151: {  	s17 =	sadd.s32 $0x8, s17;
	v5 =	vld [tilespmem:s18+$0xFFFFFFF0]  }
0x152: {  	p0 =	slt.u32 s17, $0x78;
	v6 =	vld [tilespmem:s18+$0x0]  }
0x153: {  	s13 =	sadd.s32 $0x80, s13;
	v7 =	vld [tilespmem:s18+$0x10]  }
0x154: {  	s14 =	sadd.s32 $0x80, s14;
	v8 =	vld [tilespmem:s13+$0x30]  }
0x155: {  	v9 =	vld [tilespmem:s14+$0x30]  }
0x156: {  	v10 =	vld.idx.msk [tilespmem:v2+s3+$0x0], $0xffff  }
0x157: {  	v11 =	vld.idx.msk [tilespmem:v2+s31+$0x0], $0xffff  }
0x158: {  	v12 =	vld.idx.msk [tilespmem:v2+s1+$0x0], $0xffff  }
0x159: {  	v2 =	vld.idx.msk [tilespmem:v2+s0+$0x0], $0xffff  }
0x15a: {  	v13 =	vld [tilespmem:s18+$0x20]  }
0x15b: {  	v14 =	vld [tilespmem:s18+$0xFFFFFFC0]  }
0x15c: {  	v10 =	vmul.f32 v10, v8;
	v15 =	vld.idx.msk [tilespmem:v3+s3+$0x0], $0xffff  }
0x15d: {  	v11 =	vmul.f32 v11, v8;
	v16 =	vld.idx.msk [tilespmem:v3+s31+$0x0], $0xffff  }
0x15e: {  	[tilespmem:v9+s20+$0x0] =	vst.idx.add.f32.msk $0xffff, v10;
	v10 =	vmul.f32 v12, v8  }
0x15f: {  	v2 =	vmul.f32 v2, v8;
	[tilespmem:v9+s7+$0x0] =	vst.idx.add.f32.msk $0xffff, v11  }
0x160: {  	[tilespmem:v9+s11+$0x0] =	vst.idx.add.f32.msk $0xffff, v10  }
0x161: {  	[tilespmem:v9+s15+$0x0] =	vst.idx.add.f32.msk $0xffff, v2  }
0x162: {  	v2 =	vld.idx.msk [tilespmem:v3+s1+$0x0], $0xffff  }
0x163: {  	v8 =	vld.idx.msk [tilespmem:v14+s3+$0x0], $0xffff  }
0x164: {  	v9 =	vld.idx.msk [tilespmem:v14+s31+$0x0], $0xffff  }
0x165: {  	v10 =	vld.idx.msk [tilespmem:v14+s1+$0x0], $0xffff  }
0x166: {  	v11 =	vld.idx.msk [tilespmem:v14+s0+$0x0], $0xffff  }
0x167: {  	v3 =	vld.idx.msk [tilespmem:v3+s0+$0x0], $0xffff  }
0x168: {  	v12 =	vld.idx.msk [tilespmem:v4+s3+$0x0], $0xffff  }
0x169: {  	v14 =	vld.idx.msk [tilespmem:v4+s31+$0x0], $0xffff  }
0x16a: {  	v17 =	vld.idx.msk [tilespmem:v4+s1+$0x0], $0xffff  }
0x16b: {  	v4 =	vld.idx.msk [tilespmem:v4+s0+$0x0], $0xffff  }
0x16c: {  	v18 =	vld.idx.msk [tilespmem:v5+s3+$0x0], $0xffff  }
0x16d: {  	v19 =	vld.idx.msk [tilespmem:v5+s31+$0x0], $0xffff  }
0x16e: {  	v20 =	vld.idx.msk [tilespmem:v5+s1+$0x0], $0xffff  }
0x16f: {  	v5 =	vld.idx.msk [tilespmem:v5+s0+$0x0], $0xffff  }
0x170: {  	v21 =	vld.idx.msk [tilespmem:v6+s3+$0x0], $0xffff  }
0x171: {  	v22 =	vld.idx.msk [tilespmem:v6+s31+$0x0], $0xffff  }
0x172: {  	v23 =	vld.idx.msk [tilespmem:v6+s1+$0x0], $0xffff  }
0x173: {  	v6 =	vld.idx.msk [tilespmem:v6+s0+$0x0], $0xffff  }
0x174: {  	v24 =	vld.idx.msk [tilespmem:v7+s3+$0x0], $0xffff  }
0x175: {  	v25 =	vld.idx.msk [tilespmem:v7+s31+$0x0], $0xffff  }
0x176: {  	v26 =	vld.idx.msk [tilespmem:v7+s1+$0x0], $0xffff  }
0x177: {  	v7 =	vld.idx.msk [tilespmem:v7+s0+$0x0], $0xffff  }
0x178: {  	v27 =	vld.idx.msk [tilespmem:v13+s3+$0x0], $0xffff  }
0x179: {  	v28 =	vld.idx.msk [tilespmem:v13+s31+$0x0], $0xffff  }
0x17a: {  	v29 =	vld.idx.msk [tilespmem:v13+s1+$0x0], $0xffff  }
0x17b: {  	v13 =	vld.idx.msk [tilespmem:v13+s0+$0x0], $0xffff  }
0x17c: {  	v30 =	vld [tilespmem:s13+$0xFFFFFFC0]  }
0x17d: {  	v31 =	vld [tilespmem:s13+$0xFFFFFFD0]  }
0x17e: {  	v32 =	vld [tilespmem:s13+$0xFFFFFFE0]  }
0x17f: {  	v33 =	vld [tilespmem:s13+$0xFFFFFFF0]  }
0x180: {  	v34 =	vld [tilespmem:s13+$0x0]  }
0x181: {  	v8 =	vmul.f32 v8, v30;
	v9 =	vmul.f32 v9, v30;
	v35 =	vld [tilespmem:s13+$0x10]  }
0x182: {  	v10 =	vmul.f32 v10, v30;
	v11 =	vmul.f32 v11, v30;
	v30 =	vld [tilespmem:s13+$0x20]  }
0x183: {  	v15 =	vmul.f32 v15, v31;
	v16 =	vmul.f32 v16, v31;
	v36 =	vld [tilespmem:s14+$0xFFFFFFC0]  }
0x184: {  	v2 =	vmul.f32 v2, v31;
	v3 =	vmul.f32 v3, v31;
	v37 =	vld [tilespmem:s14+$0xFFFFFFD0]  }
0x185: {  	v12 =	vmul.f32 v12, v32;
	v14 =	vmul.f32 v14, v32;
	v31 =	vld [tilespmem:s14+$0xFFFFFFE0]  }
0x186: {  	v17 =	vmul.f32 v17, v32;
	v4 =	vmul.f32 v4, v32;
	v32 =	vld [tilespmem:s14+$0xFFFFFFF0]  }
0x187: {  	v18 =	vmul.f32 v18, v33;
	v19 =	vmul.f32 v19, v33;
	v38 =	vld [tilespmem:s14+$0x0]  }
0x188: {  	v20 =	vmul.f32 v20, v33;
	v5 =	vmul.f32 v5, v33;
	v33 =	vld [tilespmem:s14+$0x10]  }
0x189: {  	v21 =	vmul.f32 v21, v34;
	v22 =	vmul.f32 v22, v34;
	v39 =	vld [tilespmem:s14+$0x20]  }
0x18a: {  	v23 =	vmul.f32 v23, v34;
	v6 =	vmul.f32 v6, v34;
	[tilespmem:v0+s15+$0x0] =	vst.idx.add.f32.msk $0xffff, v1  }
0x18b: {  	[tilespmem:v36+s20+$0x0] =	vst.idx.add.f32.msk $0xffff, v8;
	v8 =	vmul.f32 v24, v35;
	v24 =	vmul.f32 v25, v35  }
0x18c: {  	v7 =	vmul.f32 v7, v35;
	[tilespmem:v36+s7+$0x0] =	vst.idx.add.f32.msk $0xffff, v9;
	v9 =	vmul.f32 v26, v35  }
0x18d: {  	v25 =	vmul.f32 v28, v30;
	[tilespmem:v36+s11+$0x0] =	vst.idx.add.f32.msk $0xffff, v10;
	v10 =	vmul.f32 v27, v30  }
0x18e: {  	v1 =	vmul.f32 v13, v30;
	[tilespmem:v36+s15+$0x0] =	vst.idx.add.f32.msk $0xffff, v11;
	v11 =	vmul.f32 v29, v30;
	v0 =	vmov v39  }
0x18f: {  	[tilespmem:v37+s20+$0x0] =	vst.idx.add.f32.msk $0xffff, v15  }
0x190: {  	[tilespmem:v37+s7+$0x0] =	vst.idx.add.f32.msk $0xffff, v16  }
0x191: {  	[tilespmem:v37+s11+$0x0] =	vst.idx.add.f32.msk $0xffff, v2  }
0x192: {  	[tilespmem:v37+s15+$0x0] =	vst.idx.add.f32.msk $0xffff, v3  }
0x193: {  	[tilespmem:v31+s20+$0x0] =	vst.idx.add.f32.msk $0xffff, v12  }
0x194: {  	[tilespmem:v31+s7+$0x0] =	vst.idx.add.f32.msk $0xffff, v14  }
0x195: {  	[tilespmem:v31+s11+$0x0] =	vst.idx.add.f32.msk $0xffff, v17  }
0x196: {  	[tilespmem:v31+s15+$0x0] =	vst.idx.add.f32.msk $0xffff, v4  }
0x197: {  	[tilespmem:v32+s20+$0x0] =	vst.idx.add.f32.msk $0xffff, v18  }
0x198: {  	[tilespmem:v32+s7+$0x0] =	vst.idx.add.f32.msk $0xffff, v19  }
0x199: {  	[tilespmem:v32+s11+$0x0] =	vst.idx.add.f32.msk $0xffff, v20  }
0x19a: {  	[tilespmem:v32+s15+$0x0] =	vst.idx.add.f32.msk $0xffff, v5  }
0x19b: {  	[tilespmem:v38+s20+$0x0] =	vst.idx.add.f32.msk $0xffff, v21  }
0x19c: {  	[tilespmem:v38+s7+$0x0] =	vst.idx.add.f32.msk $0xffff, v22  }
0x19d: {  	[tilespmem:v38+s11+$0x0] =	vst.idx.add.f32.msk $0xffff, v23  }
0x19e: {  	[tilespmem:v38+s15+$0x0] =	vst.idx.add.f32.msk $0xffff, v6  }
0x19f: {  	[tilespmem:v33+s20+$0x0] =	vst.idx.add.f32.msk $0xffff, v8  }
0x1a0: {  	[tilespmem:v33+s7+$0x0] =	vst.idx.add.f32.msk $0xffff, v24  }
.Ltmp1:
0x1a1: {  	[tilespmem:v33+s11+$0x0] =	vst.idx.add.f32.msk $0xffff, v9;
	(pc) =	sbr.rel @p0 .LBB2_5-.Ltmp1, $4  }
0x1a2: {  	[tilespmem:v33+s15+$0x0] =	vst.idx.add.f32.msk $0xffff, v7  }
0x1a3: {  	[tilespmem:v39+s20+$0x0] =	vst.idx.add.f32.msk $0xffff, v10  }
0x1a4: {  	[tilespmem:v39+s7+$0x0] =	vst.idx.add.f32.msk $0xffff, v25  }
0x1a5: {  	s18 =	sadd.s32 $0x80, s18;
	[tilespmem:v39+s11+$0x0] =	vst.idx.add.f32.msk $0xffff, v11  }
0x1a6: {  	_ =	sdelay $0x3  }
0x1a7: {  	[tilespmem:v0+s15+$0x0] =	vst.idx.add.f32.msk $0xffff, v1  }
0x1a8: {  	_ =	swait.ge [sflag:s24], $0x800  }
0x1a9: {  	[sflag:s24] =	ssyncset.done $0x0  }
0x1aa: {  	s12 =	sadd.s32 $0x1, s12;
	[sflag:s24] =	ssyncadd.s32 $0xFFFFF800  }
0x1ab: {  	p0 =	sne.s32 s12, $0x4F;
	_ =	swait.ge [sflag:s25], $0x800  }
.Ltmp2:
0x1ac: {  	[sflag:s25] =	ssyncset.done $0x0;
	(pc) =	sbr.rel @p0 .LBB2_2-.Ltmp2, $4  }
0x1ad: {  	[sflag:s25] =	ssyncadd.s32 $0xFFFFF800  }
0x1ae: {  	_ =	swait.ge [sflag:s26], $0x800  }
0x1af: {  	[sflag:s26] =	ssyncset.done $0x0  }
0x1b0: {  	[sflag:s26] =	ssyncadd.s32 $0xFFFFF800  }
0x1b1: {  	s12 =	simm.s32 $0x0;
	s13 =	simm.s32 $0x80;
	s14 =	simm.s32 $0x400  }
0x1b2: {  	[tilespmem:s12], [sflag:$0x7] =	stream.strided.gather [hbm4b:s6+s13], $0x9C80, s14, s13, $0x38;
	[tilespmem:$0x16900] =	vst v63  }
0x1b3: {  	_ =	swait.ge [sflag:s19], $0x9C80  }
0x1b4: {  	[sflag:s19] =	ssyncset.done $0x0  }
0x1b5: {  	[sflag:s19] =	ssyncadd.s32 $0xFFFF6380  }
0x1b6: {  	[tilespmem:s21], [sflag:$0x1] =	stream.linear.gather [hbm4b:s2+s12], $0x800, $0x38;
	[tilespmem:$0x16900] =	vst v63  }
0x1b7: {  	_ = 	snop  }
0x1b8: {  	[tilespmem:s22], [sflag:$0x2] =	stream.linear.gather [hbm4b:s4+s12], $0x800, $0x38;
	[tilespmem:$0x16900] =	vst v63  }
0x1b9: {  	_ = 	snop  }
0x1ba: {  	[tilespmem:s23], [sflag:$0x3] =	stream.linear.gather [hbm4b:s5+s12], $0x800, $0x38;
	[tilespmem:$0x16900] =	vst v63  }
0x1bb: {  	_ =	swait.ge [sflag:s24], $0x800  }
0x1bc: {  	[sflag:s24] =	ssyncset.done $0x0  }
0x1bd: {  	[sflag:s24] =	ssyncadd.s32 $0xFFFFF800  }
0x1be: {  	_ =	swait.ge [sflag:s25], $0x800  }
0x1bf: {  	[sflag:s25] =	ssyncset.done $0x0  }
0x1c0: {  	[sflag:s25] =	ssyncadd.s32 $0xFFFFF800  }
0x1c1: {  	_ =	swait.ge [sflag:s26], $0x800  }
0x1c2: {  	[sflag:s26] =	ssyncset.done $0x0  }
0x1c3: {  	[sflag:s26] =	ssyncadd.s32 $0xFFFFF800  }
.LBB2_8:
0x1c4: {  	s13 =	sshll.u32 s12, $0x9  }
0x1c5: {  	s13 =	sor.u32 $0x100, s13  }
0x1c6: {  	s14 =	sadd.s32 s2, s13  }
0x1c7: {  	[tilespmem:s28], [sflag:$0x4] =	stream.linear.gather [hbm4b:s14+s3], $0x800, $0x38;
	[tilespmem:$0x16900] =	vst v63  }
0x1c8: {  	s18 =	sadd.s32 s4, s13  }
0x1c9: {  	[tilespmem:s29], [sflag:$0x5] =	stream.linear.gather [hbm4b:s18+s3], $0x800, $0x38;
	[tilespmem:$0x16900] =	vst v63  }
0x1ca: {  	s17 =	simm.s32 $0x13940;
	s13 =	sadd.s32 s5, s13  }
0x1cb: {  	[tilespmem:s30], [sflag:$0x6] =	stream.linear.gather [hbm4b:s13+s3], $0x800, $0x38;
	[tilespmem:$0x16900] =	vst v63  }
0x1cc: {  	v0 =	vld [tilespmem:s17+$0x30]  }
0x1cd: {  	v1 =	vld [tilespmem:s17+$0xFFFFFFD0]  }
0x1ce: {  	v2 =	vld [tilespmem:s17+$0xFFFFFFE0]  }
0x1cf: {  	v3 =	vld [tilespmem:s17+$0xFFFFFFF0]  }
0x1d0: {  	v4 =	vld [tilespmem:s17+$0x0]  }
0x1d1: {  	s13 =	simm.s32 $0x14940;
	v5 =	vld [tilespmem:s17+$0x10]  }
0x1d2: {  	s14 =	simm.s32 $0x14140;
	v6 =	vld [tilespmem:s13+$0x30]  }
0x1d3: {  	v7 =	vld [tilespmem:s14+$0x30]  }
0x1d4: {  	v11 =	vld [tilespmem:s17+$0x20]  }
0x1d5: {  	v12 =	vld [tilespmem:s17+$0xFFFFFFC0]  }
0x1d6: {  	v28 =	vld [tilespmem:s13+$0xFFFFFFC0]  }
0x1d7: {  	v29 =	vld [tilespmem:s13+$0xFFFFFFD0]  }
0x1d8: {  	v30 =	vld [tilespmem:s13+$0xFFFFFFE0]  }
0x1d9: {  	v31 =	vld [tilespmem:s14+$0xFFFFFFC0]  }
0x1da: {  	v32 =	vld [tilespmem:s13+$0xFFFFFFF0]  }
0x1db: {  	v33 =	vld [tilespmem:s13+$0x0]  }
0x1dc: {  	v34 =	vld [tilespmem:s13+$0x10]  }
0x1dd: {  	v35 =	vld [tilespmem:s13+$0x20]  }
0x1de: {  	v36 =	vld [tilespmem:s14+$0xFFFFFFD0]  }
0x1df: {  	v37 =	vld [tilespmem:s14+$0xFFFFFFE0]  }
0x1e0: {  	v38 =	vld [tilespmem:s14+$0xFFFFFFF0]  }
0x1e1: {  	v39 =	vld [tilespmem:s14+$0x0]  }
0x1e2: {  	v57 =	vld [tilespmem:s14+$0x10]  }
0x1e3: {  	v8 =	vld.idx.msk [tilespmem:v0+s20+$0x0], $0xffff  }
0x1e4: {  	v9 =	vld.idx.msk [tilespmem:v0+s7+$0x0], $0xffff  }
0x1e5: {  	v10 =	vld.idx.msk [tilespmem:v0+s11+$0x0], $0xffff  }
0x1e6: {  	v0 =	vld.idx.msk [tilespmem:v0+s15+$0x0], $0xffff  }
0x1e7: {  	v13 =	vld.idx.msk [tilespmem:v1+s20+$0x0], $0xffff  }
0x1e8: {  	v14 =	vld.idx.msk [tilespmem:v1+s7+$0x0], $0xffff  }
0x1e9: {  	v51 =	vld.idx.msk [tilespmem:v1+s11+$0x0], $0xffff  }
0x1ea: {  	v52 =	vld.idx.msk [tilespmem:v12+s7+$0x0], $0xffff  }
0x1eb: {  	v53 =	vld.idx.msk [tilespmem:v12+s11+$0x0], $0xffff  }
0x1ec: {  	v54 =	vld.idx.msk [tilespmem:v12+s15+$0x0], $0xffff  }
0x1ed: {  	v1 =	vld.idx.msk [tilespmem:v1+s15+$0x0], $0xffff  }
0x1ee: {  	v55 =	vld.idx.msk [tilespmem:v2+s20+$0x0], $0xffff  }
0x1ef: {  	v56 =	vld.idx.msk [tilespmem:v2+s7+$0x0], $0xffff  }
0x1f0: {  	v15 =	vld.idx.msk [tilespmem:v2+s11+$0x0], $0xffff  }
0x1f1: {  	v2 =	vld.idx.msk [tilespmem:v2+s15+$0x0], $0xffff  }
0x1f2: {  	v16 =	vld.idx.msk [tilespmem:v3+s20+$0x0], $0xffff  }
0x1f3: {  	v17 =	vld.idx.msk [tilespmem:v3+s7+$0x0], $0xffff  }
0x1f4: {  	v18 =	vld.idx.msk [tilespmem:v3+s11+$0x0], $0xffff  }
0x1f5: {  	v3 =	vld.idx.msk [tilespmem:v3+s15+$0x0], $0xffff  }
0x1f6: {  	v19 =	vld.idx.msk [tilespmem:v4+s20+$0x0], $0xffff  }
0x1f7: {  	v20 =	vld.idx.msk [tilespmem:v4+s7+$0x0], $0xffff  }
0x1f8: {  	v21 =	vld.idx.msk [tilespmem:v4+s11+$0x0], $0xffff  }
0x1f9: {  	v4 =	vld.idx.msk [tilespmem:v4+s15+$0x0], $0xffff  }
0x1fa: {  	v22 =	vld.idx.msk [tilespmem:v5+s20+$0x0], $0xffff  }
0x1fb: {  	v23 =	vld.idx.msk [tilespmem:v5+s7+$0x0], $0xffff  }
0x1fc: {  	v24 =	vld.idx.msk [tilespmem:v5+s11+$0x0], $0xffff  }
0x1fd: {  	v5 =	vld.idx.msk [tilespmem:v5+s15+$0x0], $0xffff  }
0x1fe: {  	v25 =	vld.idx.msk [tilespmem:v11+s20+$0x0], $0xffff  }
0x1ff: {  	v26 =	vld.idx.msk [tilespmem:v11+s7+$0x0], $0xffff  }
0x200: {  	v27 =	vld.idx.msk [tilespmem:v11+s11+$0x0], $0xffff;
	v8 =	vmul.f32 v8, v6  }
0x201: {  	v11 =	vld.idx.msk [tilespmem:v11+s15+$0x0], $0xffff;
	v59 =	vmul.f32 v13, v29  }
0x202: {  	v61 =	vmul.f32 v55, v30;
	[tilespmem:v7+s3+$0x0] =	vst.idx.add.f32.msk $0xffff, v8  }
0x203: {  	v63 =	vmul.f32 v16, v32;
	[tilespmem:v36+s3+$0x0] =	vst.idx.add.f32.msk $0xffff, v59  }
0x204: {  	v9 =	vmul.f32 v9, v6;
	[tilespmem:v37+s3+$0x0] =	vst.idx.add.f32.msk $0xffff, v61  }
0x205: {  	v60 =	vmul.f32 v14, v29;
	[tilespmem:v38+s3+$0x0] =	vst.idx.add.f32.msk $0xffff, v63  }
0x206: {  	v62 =	vmul.f32 v56, v30;
	[tilespmem:v7+s31+$0x0] =	vst.idx.add.f32.msk $0xffff, v9  }
0x207: {  	v50 =	vmul.f32 v10, v6;
	[tilespmem:v36+s31+$0x0] =	vst.idx.add.f32.msk $0xffff, v60  }
0x208: {  	v0 =	vmul.f32 v0, v6;
	v6 =	vmul.f32 v51, v29;
	[tilespmem:v37+s31+$0x0] =	vst.idx.add.f32.msk $0xffff, v62  }
0x209: {  	[tilespmem:v7+s1+$0x0] =	vst.idx.add.f32.msk $0xffff, v50  }
0x20a: {  	v1 =	vmul.f32 v1, v29;
	[tilespmem:v36+s1+$0x0] =	vst.idx.add.f32.msk $0xffff, v6  }
0x20b: {  	[tilespmem:v7+s0+$0x0] =	vst.idx.add.f32.msk $0xffff, v0  }
0x20c: {  	[tilespmem:v36+s0+$0x0] =	vst.idx.add.f32.msk $0xffff, v1;
	v1 =	vmul.f32 v15, v30  }
0x20d: {  	v2 =	vmul.f32 v2, v30;
	v0 =	vld.idx.msk [tilespmem:v12+s20+$0x0], $0xffff  }
0x20e: {  	[tilespmem:v37+s1+$0x0] =	vst.idx.add.f32.msk $0xffff, v1;
	v1 =	vmul.f32 v17, v32  }
0x20f: {  	[tilespmem:v37+s0+$0x0] =	vst.idx.add.f32.msk $0xffff, v2;
	v2 =	vmul.f32 v18, v32  }
0x210: {  	v3 =	vmul.f32 v3, v32;
	[tilespmem:v38+s31+$0x0] =	vst.idx.add.f32.msk $0xffff, v1  }
0x211: {  	v1 =	vmul.f32 v19, v33;
	[tilespmem:v38+s1+$0x0] =	vst.idx.add.f32.msk $0xffff, v2  }
0x212: {  	v0 =	vmul.f32 v0, v28;
	[tilespmem:v38+s0+$0x0] =	vst.idx.add.f32.msk $0xffff, v3  }
0x213: {  	v2 =	vmul.f32 v20, v33;
	[tilespmem:v39+s3+$0x0] =	vst.idx.add.f32.msk $0xffff, v1  }
0x214: {  	v7 =	vmul.f32 v52, v28;
	[tilespmem:v31+s3+$0x0] =	vst.idx.add.f32.msk $0xffff, v0  }
0x215: {  	v0 =	vmul.f32 v53, v28;
	[tilespmem:v39+s31+$0x0] =	vst.idx.add.f32.msk $0xffff, v2  }
0x216: {  	[tilespmem:v31+s31+$0x0] =	vst.idx.add.f32.msk $0xffff, v7  }
0x217: {  	v3 =	vmul.f32 v21, v33;
	[tilespmem:v31+s1+$0x0] =	vst.idx.add.f32.msk $0xffff, v0  }
0x218: {  	v1 =	vmul.f32 v4, v33;
	v0 =	vld [tilespmem:s14+$0x20]  }
0x219: {  	v2 =	vmul.f32 v22, v34;
	[tilespmem:v39+s1+$0x0] =	vst.idx.add.f32.msk $0xffff, v3  }
0x21a: {  	v58 =	vmul.f32 v54, v28;
	[tilespmem:v39+s0+$0x0] =	vst.idx.add.f32.msk $0xffff, v1  }
0x21b: {  	v3 =	vmul.f32 v23, v34;
	[tilespmem:v57+s3+$0x0] =	vst.idx.add.f32.msk $0xffff, v2  }
0x21c: {  	v1 =	vmul.f32 v24, v34;
	[tilespmem:v31+s0+$0x0] =	vst.idx.add.f32.msk $0xffff, v58  }
0x21d: {  	v2 =	vmul.f32 v5, v34;
	[tilespmem:v57+s31+$0x0] =	vst.idx.add.f32.msk $0xffff, v3  }
0x21e: {  	v3 =	vmul.f32 v25, v35;
	[tilespmem:v57+s1+$0x0] =	vst.idx.add.f32.msk $0xffff, v1  }
0x21f: {  	v1 =	vmul.f32 v26, v35;
	[tilespmem:v57+s0+$0x0] =	vst.idx.add.f32.msk $0xffff, v2  }
0x220: {  	v2 =	vmul.f32 v27, v35;
	[tilespmem:v0+s3+$0x0] =	vst.idx.add.f32.msk $0xffff, v3  }
0x221: {  	[tilespmem:v0+s31+$0x0] =	vst.idx.add.f32.msk $0xffff, v1  }
0x222: {  	s18 =	simm.s32 $0x139C0;
	s17 =	simm.s32 $0x0;
	v1 =	vmul.f32 v11, v35;
	[tilespmem:v0+s1+$0x0] =	vst.idx.add.f32.msk $0xffff, v2  }
.LBB2_9:
0x223: {  	v2 =	vld [tilespmem:s18+$0x30]  }
0x224: {  	v3 =	vld [tilespmem:s18+$0xFFFFFFD0]  }
0x225: {  	v4 =	vld [tilespmem:s18+$0xFFFFFFE0]  }
0x226: {  	s17 =	sadd.s32 $0x8, s17;
	v5 =	vld [tilespmem:s18+$0xFFFFFFF0]  }
0x227: {  	p0 =	slt.u32 s17, $0x78;
	v6 =	vld [tilespmem:s18+$0x0]  }
0x228: {  	s13 =	sadd.s32 $0x80, s13;
	v7 =	vld [tilespmem:s18+$0x10]  }
0x229: {  	s14 =	sadd.s32 $0x80, s14;
	v8 =	vld [tilespmem:s13+$0x30]  }
0x22a: {  	v9 =	vld [tilespmem:s14+$0x30]  }
0x22b: {  	v10 =	vld.idx.msk [tilespmem:v2+s20+$0x0], $0xffff  }
0x22c: {  	v11 =	vld.idx.msk [tilespmem:v2+s7+$0x0], $0xffff  }
0x22d: {  	v12 =	vld.idx.msk [tilespmem:v2+s11+$0x0], $0xffff  }
0x22e: {  	v2 =	vld.idx.msk [tilespmem:v2+s15+$0x0], $0xffff  }
0x22f: {  	v13 =	vld [tilespmem:s18+$0x20]  }
0x230: {  	v14 =	vld [tilespmem:s18+$0xFFFFFFC0]  }
0x231: {  	v10 =	vmul.f32 v10, v8;
	v15 =	vld.idx.msk [tilespmem:v3+s20+$0x0], $0xffff  }
0x232: {  	v11 =	vmul.f32 v11, v8;
	v16 =	vld.idx.msk [tilespmem:v3+s7+$0x0], $0xffff  }
0x233: {  	[tilespmem:v9+s3+$0x0] =	vst.idx.add.f32.msk $0xffff, v10;
	v10 =	vmul.f32 v12, v8  }
0x234: {  	v2 =	vmul.f32 v2, v8;
	[tilespmem:v9+s31+$0x0] =	vst.idx.add.f32.msk $0xffff, v11  }
0x235: {  	[tilespmem:v9+s1+$0x0] =	vst.idx.add.f32.msk $0xffff, v10  }
0x236: {  	[tilespmem:v9+s0+$0x0] =	vst.idx.add.f32.msk $0xffff, v2  }
0x237: {  	v2 =	vld.idx.msk [tilespmem:v3+s11+$0x0], $0xffff  }
0x238: {  	v8 =	vld.idx.msk [tilespmem:v14+s20+$0x0], $0xffff  }
0x239: {  	v9 =	vld.idx.msk [tilespmem:v14+s7+$0x0], $0xffff  }
0x23a: {  	v10 =	vld.idx.msk [tilespmem:v14+s11+$0x0], $0xffff  }
0x23b: {  	v11 =	vld.idx.msk [tilespmem:v14+s15+$0x0], $0xffff  }
0x23c: {  	v3 =	vld.idx.msk [tilespmem:v3+s15+$0x0], $0xffff  }
0x23d: {  	v12 =	vld.idx.msk [tilespmem:v4+s20+$0x0], $0xffff  }
0x23e: {  	v14 =	vld.idx.msk [tilespmem:v4+s7+$0x0], $0xffff  }
0x23f: {  	v17 =	vld.idx.msk [tilespmem:v4+s11+$0x0], $0xffff  }
0x240: {  	v4 =	vld.idx.msk [tilespmem:v4+s15+$0x0], $0xffff  }
0x241: {  	v18 =	vld.idx.msk [tilespmem:v5+s20+$0x0], $0xffff  }
0x242: {  	v19 =	vld.idx.msk [tilespmem:v5+s7+$0x0], $0xffff  }
0x243: {  	v20 =	vld.idx.msk [tilespmem:v5+s11+$0x0], $0xffff  }
0x244: {  	v5 =	vld.idx.msk [tilespmem:v5+s15+$0x0], $0xffff  }
0x245: {  	v21 =	vld.idx.msk [tilespmem:v6+s20+$0x0], $0xffff  }
0x246: {  	v22 =	vld.idx.msk [tilespmem:v6+s7+$0x0], $0xffff  }
0x247: {  	v23 =	vld.idx.msk [tilespmem:v6+s11+$0x0], $0xffff  }
0x248: {  	v6 =	vld.idx.msk [tilespmem:v6+s15+$0x0], $0xffff  }
0x249: {  	v24 =	vld.idx.msk [tilespmem:v7+s20+$0x0], $0xffff  }
0x24a: {  	v25 =	vld.idx.msk [tilespmem:v7+s7+$0x0], $0xffff  }
0x24b: {  	v26 =	vld.idx.msk [tilespmem:v7+s11+$0x0], $0xffff  }
0x24c: {  	v7 =	vld.idx.msk [tilespmem:v7+s15+$0x0], $0xffff  }
0x24d: {  	v27 =	vld.idx.msk [tilespmem:v13+s20+$0x0], $0xffff  }
0x24e: {  	v28 =	vld.idx.msk [tilespmem:v13+s7+$0x0], $0xffff  }
0x24f: {  	v29 =	vld.idx.msk [tilespmem:v13+s11+$0x0], $0xffff  }
0x250: {  	v13 =	vld.idx.msk [tilespmem:v13+s15+$0x0], $0xffff  }
0x251: {  	v30 =	vld [tilespmem:s13+$0xFFFFFFC0]  }
0x252: {  	v31 =	vld [tilespmem:s13+$0xFFFFFFD0]  }
0x253: {  	v32 =	vld [tilespmem:s13+$0xFFFFFFE0]  }
0x254: {  	v33 =	vld [tilespmem:s13+$0xFFFFFFF0]  }
0x255: {  	v34 =	vld [tilespmem:s13+$0x0]  }
0x256: {  	v8 =	vmul.f32 v8, v30;
	v9 =	vmul.f32 v9, v30;
	v35 =	vld [tilespmem:s13+$0x10]  }
0x257: {  	v10 =	vmul.f32 v10, v30;
	v11 =	vmul.f32 v11, v30;
	v30 =	vld [tilespmem:s13+$0x20]  }
0x258: {  	v15 =	vmul.f32 v15, v31;
	v16 =	vmul.f32 v16, v31;
	v36 =	vld [tilespmem:s14+$0xFFFFFFC0]  }
0x259: {  	v2 =	vmul.f32 v2, v31;
	v3 =	vmul.f32 v3, v31;
	v37 =	vld [tilespmem:s14+$0xFFFFFFD0]  }
0x25a: {  	v12 =	vmul.f32 v12, v32;
	v14 =	vmul.f32 v14, v32;
	v31 =	vld [tilespmem:s14+$0xFFFFFFE0]  }
0x25b: {  	v17 =	vmul.f32 v17, v32;
	v4 =	vmul.f32 v4, v32;
	v32 =	vld [tilespmem:s14+$0xFFFFFFF0]  }
0x25c: {  	v18 =	vmul.f32 v18, v33;
	v19 =	vmul.f32 v19, v33;
	v38 =	vld [tilespmem:s14+$0x0]  }
0x25d: {  	v20 =	vmul.f32 v20, v33;
	v5 =	vmul.f32 v5, v33;
	v33 =	vld [tilespmem:s14+$0x10]  }
0x25e: {  	v21 =	vmul.f32 v21, v34;
	v22 =	vmul.f32 v22, v34;
	v39 =	vld [tilespmem:s14+$0x20]  }
0x25f: {  	v23 =	vmul.f32 v23, v34;
	v6 =	vmul.f32 v6, v34;
	[tilespmem:v0+s0+$0x0] =	vst.idx.add.f32.msk $0xffff, v1  }
0x260: {  	[tilespmem:v36+s3+$0x0] =	vst.idx.add.f32.msk $0xffff, v8;
	v8 =	vmul.f32 v24, v35;
	v24 =	vmul.f32 v25, v35  }
0x261: {  	v7 =	vmul.f32 v7, v35;
	[tilespmem:v36+s31+$0x0] =	vst.idx.add.f32.msk $0xffff, v9;
	v9 =	vmul.f32 v26, v35  }
0x262: {  	v25 =	vmul.f32 v28, v30;
	[tilespmem:v36+s1+$0x0] =	vst.idx.add.f32.msk $0xffff, v10;
	v10 =	vmul.f32 v27, v30  }
0x263: {  	v1 =	vmul.f32 v13, v30;
	[tilespmem:v36+s0+$0x0] =	vst.idx.add.f32.msk $0xffff, v11;
	v11 =	vmul.f32 v29, v30;
	v0 =	vmov v39  }
0x264: {  	[tilespmem:v37+s3+$0x0] =	vst.idx.add.f32.msk $0xffff, v15  }
0x265: {  	[tilespmem:v37+s31+$0x0] =	vst.idx.add.f32.msk $0xffff, v16  }
0x266: {  	[tilespmem:v37+s1+$0x0] =	vst.idx.add.f32.msk $0xffff, v2  }
0x267: {  	[tilespmem:v37+s0+$0x0] =	vst.idx.add.f32.msk $0xffff, v3  }
0x268: {  	[tilespmem:v31+s3+$0x0] =	vst.idx.add.f32.msk $0xffff, v12  }
0x269: {  	[tilespmem:v31+s31+$0x0] =	vst.idx.add.f32.msk $0xffff, v14  }
0x26a: {  	[tilespmem:v31+s1+$0x0] =	vst.idx.add.f32.msk $0xffff, v17  }
0x26b: {  	[tilespmem:v31+s0+$0x0] =	vst.idx.add.f32.msk $0xffff, v4  }
0x26c: {  	[tilespmem:v32+s3+$0x0] =	vst.idx.add.f32.msk $0xffff, v18  }
0x26d: {  	[tilespmem:v32+s31+$0x0] =	vst.idx.add.f32.msk $0xffff, v19  }
0x26e: {  	[tilespmem:v32+s1+$0x0] =	vst.idx.add.f32.msk $0xffff, v20  }
0x26f: {  	[tilespmem:v32+s0+$0x0] =	vst.idx.add.f32.msk $0xffff, v5  }
0x270: {  	[tilespmem:v38+s3+$0x0] =	vst.idx.add.f32.msk $0xffff, v21  }
0x271: {  	[tilespmem:v38+s31+$0x0] =	vst.idx.add.f32.msk $0xffff, v22  }
0x272: {  	[tilespmem:v38+s1+$0x0] =	vst.idx.add.f32.msk $0xffff, v23  }
0x273: {  	[tilespmem:v38+s0+$0x0] =	vst.idx.add.f32.msk $0xffff, v6  }
0x274: {  	[tilespmem:v33+s3+$0x0] =	vst.idx.add.f32.msk $0xffff, v8  }
0x275: {  	[tilespmem:v33+s31+$0x0] =	vst.idx.add.f32.msk $0xffff, v24  }
.Ltmp3:
0x276: {  	[tilespmem:v33+s1+$0x0] =	vst.idx.add.f32.msk $0xffff, v9;
	(pc) =	sbr.rel @p0 .LBB2_9-.Ltmp3, $4  }
0x277: {  	[tilespmem:v33+s0+$0x0] =	vst.idx.add.f32.msk $0xffff, v7  }
0x278: {  	[tilespmem:v39+s3+$0x0] =	vst.idx.add.f32.msk $0xffff, v10  }
0x279: {  	[tilespmem:v39+s31+$0x0] =	vst.idx.add.f32.msk $0xffff, v25  }
0x27a: {  	s18 =	sadd.s32 $0x80, s18;
	[tilespmem:v39+s1+$0x0] =	vst.idx.add.f32.msk $0xffff, v11  }
0x27b: {  	_ =	sdelay $0x3  }
0x27c: {  	[tilespmem:v0+s0+$0x0] =	vst.idx.add.f32.msk $0xffff, v1  }
0x27d: {  	_ =	swait.ge [sflag:s16], $0x800  }
0x27e: {  	[sflag:s16] =	ssyncset.done $0x0  }
0x27f: {  	[sflag:s16] =	ssyncadd.s32 $0xFFFFF800  }
0x280: {  	_ =	swait.ge [sflag:s8], $0x800  }
0x281: {  	s13 =	sshll.u32 s12, $0x1;
	[sflag:s8] =	ssyncset.done $0x0  }
0x282: {  	s13 =	smin.u32 s13, $0x9B;
	[sflag:s8] =	ssyncadd.s32 $0xFFFFF800  }
0x283: {  	s13 =	sshll.u32 s13, $0x8;
	_ =	swait.ge [sflag:s9], $0x800  }
0x284: {  	s13 =	sadd.s32 $0x200, s13;
	[sflag:s9] =	ssyncset.done $0x0  }
0x285: {  	s14 =	sadd.s32 s2, s13;
	[sflag:s9] =	ssyncadd.s32 $0xFFFFF800  }
0x286: {  	[tilespmem:s21], [sflag:$0x1] =	stream.linear.gather [hbm4b:s14+s3], $0x800, $0x38;
	[tilespmem:$0x16900] =	vst v63  }
0x287: {  	s18 =	sadd.s32 s4, s13  }
0x288: {  	[tilespmem:s22], [sflag:$0x2] =	stream.linear.gather [hbm4b:s18+s3], $0x800, $0x38;
	[tilespmem:$0x16900] =	vst v63  }
0x289: {  	s17 =	simm.s32 $0x15140;
	s13 =	sadd.s32 s5, s13  }
0x28a: {  	[tilespmem:s23], [sflag:$0x3] =	stream.linear.gather [hbm4b:s13+s3], $0x800, $0x38;
	[tilespmem:$0x16900] =	vst v63  }
0x28b: {  	v0 =	vld [tilespmem:s17+$0x30]  }
0x28c: {  	v1 =	vld [tilespmem:s17+$0xFFFFFFD0]  }
0x28d: {  	v2 =	vld [tilespmem:s17+$0xFFFFFFE0]  }
0x28e: {  	v3 =	vld [tilespmem:s17+$0xFFFFFFF0]  }
0x28f: {  	v4 =	vld [tilespmem:s17+$0x0]  }
0x290: {  	s13 =	simm.s32 $0x16140;
	v5 =	vld [tilespmem:s17+$0x10]  }
0x291: {  	s14 =	simm.s32 $0x15940;
	v6 =	vld [tilespmem:s13+$0x30]  }
0x292: {  	v7 =	vld [tilespmem:s14+$0x30]  }
0x293: {  	v11 =	vld [tilespmem:s17+$0x20]  }
0x294: {  	v12 =	vld [tilespmem:s17+$0xFFFFFFC0]  }
0x295: {  	v28 =	vld [tilespmem:s13+$0xFFFFFFC0]  }
0x296: {  	v29 =	vld [tilespmem:s13+$0xFFFFFFD0]  }
0x297: {  	v30 =	vld [tilespmem:s13+$0xFFFFFFE0]  }
0x298: {  	v31 =	vld [tilespmem:s14+$0xFFFFFFC0]  }
0x299: {  	v32 =	vld [tilespmem:s13+$0xFFFFFFF0]  }
0x29a: {  	v33 =	vld [tilespmem:s13+$0x0]  }
0x29b: {  	v34 =	vld [tilespmem:s13+$0x10]  }
0x29c: {  	v35 =	vld [tilespmem:s13+$0x20]  }
0x29d: {  	v36 =	vld [tilespmem:s14+$0xFFFFFFD0]  }
0x29e: {  	v37 =	vld [tilespmem:s14+$0xFFFFFFE0]  }
0x29f: {  	v38 =	vld [tilespmem:s14+$0xFFFFFFF0]  }
0x2a0: {  	v39 =	vld [tilespmem:s14+$0x0]  }
0x2a1: {  	v57 =	vld [tilespmem:s14+$0x10]  }
0x2a2: {  	v8 =	vld.idx.msk [tilespmem:v0+s20+$0x0], $0xffff  }
0x2a3: {  	v9 =	vld.idx.msk [tilespmem:v0+s7+$0x0], $0xffff  }
0x2a4: {  	v10 =	vld.idx.msk [tilespmem:v0+s11+$0x0], $0xffff  }
0x2a5: {  	v0 =	vld.idx.msk [tilespmem:v0+s15+$0x0], $0xffff  }
0x2a6: {  	v13 =	vld.idx.msk [tilespmem:v1+s20+$0x0], $0xffff  }
0x2a7: {  	v14 =	vld.idx.msk [tilespmem:v1+s7+$0x0], $0xffff  }
0x2a8: {  	v51 =	vld.idx.msk [tilespmem:v1+s11+$0x0], $0xffff  }
0x2a9: {  	v52 =	vld.idx.msk [tilespmem:v12+s7+$0x0], $0xffff  }
0x2aa: {  	v53 =	vld.idx.msk [tilespmem:v12+s11+$0x0], $0xffff  }
0x2ab: {  	v54 =	vld.idx.msk [tilespmem:v12+s15+$0x0], $0xffff  }
0x2ac: {  	v1 =	vld.idx.msk [tilespmem:v1+s15+$0x0], $0xffff  }
0x2ad: {  	v55 =	vld.idx.msk [tilespmem:v2+s20+$0x0], $0xffff  }
0x2ae: {  	v56 =	vld.idx.msk [tilespmem:v2+s7+$0x0], $0xffff  }
0x2af: {  	v15 =	vld.idx.msk [tilespmem:v2+s11+$0x0], $0xffff  }
0x2b0: {  	v2 =	vld.idx.msk [tilespmem:v2+s15+$0x0], $0xffff  }
0x2b1: {  	v16 =	vld.idx.msk [tilespmem:v3+s20+$0x0], $0xffff  }
0x2b2: {  	v17 =	vld.idx.msk [tilespmem:v3+s7+$0x0], $0xffff  }
0x2b3: {  	v18 =	vld.idx.msk [tilespmem:v3+s11+$0x0], $0xffff  }
0x2b4: {  	v3 =	vld.idx.msk [tilespmem:v3+s15+$0x0], $0xffff  }
0x2b5: {  	v19 =	vld.idx.msk [tilespmem:v4+s20+$0x0], $0xffff  }
0x2b6: {  	v20 =	vld.idx.msk [tilespmem:v4+s7+$0x0], $0xffff  }
0x2b7: {  	v21 =	vld.idx.msk [tilespmem:v4+s11+$0x0], $0xffff  }
0x2b8: {  	v4 =	vld.idx.msk [tilespmem:v4+s15+$0x0], $0xffff  }
0x2b9: {  	v22 =	vld.idx.msk [tilespmem:v5+s20+$0x0], $0xffff  }
0x2ba: {  	v23 =	vld.idx.msk [tilespmem:v5+s7+$0x0], $0xffff  }
0x2bb: {  	v24 =	vld.idx.msk [tilespmem:v5+s11+$0x0], $0xffff  }
0x2bc: {  	v5 =	vld.idx.msk [tilespmem:v5+s15+$0x0], $0xffff  }
0x2bd: {  	v25 =	vld.idx.msk [tilespmem:v11+s20+$0x0], $0xffff  }
0x2be: {  	v26 =	vld.idx.msk [tilespmem:v11+s7+$0x0], $0xffff  }
0x2bf: {  	v27 =	vld.idx.msk [tilespmem:v11+s11+$0x0], $0xffff;
	v8 =	vmul.f32 v8, v6  }
0x2c0: {  	v11 =	vld.idx.msk [tilespmem:v11+s15+$0x0], $0xffff;
	v59 =	vmul.f32 v13, v29  }
0x2c1: {  	v61 =	vmul.f32 v55, v30;
	[tilespmem:v7+s3+$0x0] =	vst.idx.add.f32.msk $0xffff, v8  }
0x2c2: {  	v63 =	vmul.f32 v16, v32;
	[tilespmem:v36+s3+$0x0] =	vst.idx.add.f32.msk $0xffff, v59  }
0x2c3: {  	v9 =	vmul.f32 v9, v6;
	[tilespmem:v37+s3+$0x0] =	vst.idx.add.f32.msk $0xffff, v61  }
0x2c4: {  	v60 =	vmul.f32 v14, v29;
	[tilespmem:v38+s3+$0x0] =	vst.idx.add.f32.msk $0xffff, v63  }
0x2c5: {  	v62 =	vmul.f32 v56, v30;
	[tilespmem:v7+s31+$0x0] =	vst.idx.add.f32.msk $0xffff, v9  }
0x2c6: {  	v50 =	vmul.f32 v10, v6;
	[tilespmem:v36+s31+$0x0] =	vst.idx.add.f32.msk $0xffff, v60  }
0x2c7: {  	v0 =	vmul.f32 v0, v6;
	v6 =	vmul.f32 v51, v29;
	[tilespmem:v37+s31+$0x0] =	vst.idx.add.f32.msk $0xffff, v62  }
0x2c8: {  	[tilespmem:v7+s1+$0x0] =	vst.idx.add.f32.msk $0xffff, v50  }
0x2c9: {  	v1 =	vmul.f32 v1, v29;
	[tilespmem:v36+s1+$0x0] =	vst.idx.add.f32.msk $0xffff, v6  }
0x2ca: {  	[tilespmem:v7+s0+$0x0] =	vst.idx.add.f32.msk $0xffff, v0  }
0x2cb: {  	[tilespmem:v36+s0+$0x0] =	vst.idx.add.f32.msk $0xffff, v1;
	v1 =	vmul.f32 v15, v30  }
0x2cc: {  	v2 =	vmul.f32 v2, v30;
	v0 =	vld.idx.msk [tilespmem:v12+s20+$0x0], $0xffff  }
0x2cd: {  	[tilespmem:v37+s1+$0x0] =	vst.idx.add.f32.msk $0xffff, v1;
	v1 =	vmul.f32 v17, v32  }
0x2ce: {  	[tilespmem:v37+s0+$0x0] =	vst.idx.add.f32.msk $0xffff, v2;
	v2 =	vmul.f32 v18, v32  }
0x2cf: {  	v3 =	vmul.f32 v3, v32;
	[tilespmem:v38+s31+$0x0] =	vst.idx.add.f32.msk $0xffff, v1  }
0x2d0: {  	v1 =	vmul.f32 v19, v33;
	[tilespmem:v38+s1+$0x0] =	vst.idx.add.f32.msk $0xffff, v2  }
0x2d1: {  	v0 =	vmul.f32 v0, v28;
	[tilespmem:v38+s0+$0x0] =	vst.idx.add.f32.msk $0xffff, v3  }
0x2d2: {  	v2 =	vmul.f32 v20, v33;
	[tilespmem:v39+s3+$0x0] =	vst.idx.add.f32.msk $0xffff, v1  }
0x2d3: {  	v7 =	vmul.f32 v52, v28;
	[tilespmem:v31+s3+$0x0] =	vst.idx.add.f32.msk $0xffff, v0  }
0x2d4: {  	v0 =	vmul.f32 v53, v28;
	[tilespmem:v39+s31+$0x0] =	vst.idx.add.f32.msk $0xffff, v2  }
0x2d5: {  	[tilespmem:v31+s31+$0x0] =	vst.idx.add.f32.msk $0xffff, v7  }
0x2d6: {  	v3 =	vmul.f32 v21, v33;
	[tilespmem:v31+s1+$0x0] =	vst.idx.add.f32.msk $0xffff, v0  }
0x2d7: {  	v1 =	vmul.f32 v4, v33;
	v0 =	vld [tilespmem:s14+$0x20]  }
0x2d8: {  	v2 =	vmul.f32 v22, v34;
	[tilespmem:v39+s1+$0x0] =	vst.idx.add.f32.msk $0xffff, v3  }
0x2d9: {  	v58 =	vmul.f32 v54, v28;
	[tilespmem:v39+s0+$0x0] =	vst.idx.add.f32.msk $0xffff, v1  }
0x2da: {  	v3 =	vmul.f32 v23, v34;
	[tilespmem:v57+s3+$0x0] =	vst.idx.add.f32.msk $0xffff, v2  }
0x2db: {  	v1 =	vmul.f32 v24, v34;
	[tilespmem:v31+s0+$0x0] =	vst.idx.add.f32.msk $0xffff, v58  }
0x2dc: {  	v2 =	vmul.f32 v5, v34;
	[tilespmem:v57+s31+$0x0] =	vst.idx.add.f32.msk $0xffff, v3  }
0x2dd: {  	v3 =	vmul.f32 v25, v35;
	[tilespmem:v57+s1+$0x0] =	vst.idx.add.f32.msk $0xffff, v1  }
0x2de: {  	v1 =	vmul.f32 v26, v35;
	[tilespmem:v57+s0+$0x0] =	vst.idx.add.f32.msk $0xffff, v2  }
0x2df: {  	v2 =	vmul.f32 v27, v35;
	[tilespmem:v0+s3+$0x0] =	vst.idx.add.f32.msk $0xffff, v3  }
0x2e0: {  	[tilespmem:v0+s31+$0x0] =	vst.idx.add.f32.msk $0xffff, v1  }
0x2e1: {  	s18 =	simm.s32 $0x151C0;
	s17 =	simm.s32 $0x0;
	v1 =	vmul.f32 v11, v35;
	[tilespmem:v0+s1+$0x0] =	vst.idx.add.f32.msk $0xffff, v2  }
.LBB2_11:
0x2e2: {  	v2 =	vld [tilespmem:s18+$0x30]  }
0x2e3: {  	v3 =	vld [tilespmem:s18+$0xFFFFFFD0]  }
0x2e4: {  	v4 =	vld [tilespmem:s18+$0xFFFFFFE0]  }
0x2e5: {  	s17 =	sadd.s32 $0x8, s17;
	v5 =	vld [tilespmem:s18+$0xFFFFFFF0]  }
0x2e6: {  	p0 =	slt.u32 s17, $0x78;
	v6 =	vld [tilespmem:s18+$0x0]  }
0x2e7: {  	s13 =	sadd.s32 $0x80, s13;
	v7 =	vld [tilespmem:s18+$0x10]  }
0x2e8: {  	s14 =	sadd.s32 $0x80, s14;
	v8 =	vld [tilespmem:s13+$0x30]  }
0x2e9: {  	v9 =	vld [tilespmem:s14+$0x30]  }
0x2ea: {  	v10 =	vld.idx.msk [tilespmem:v2+s20+$0x0], $0xffff  }
0x2eb: {  	v11 =	vld.idx.msk [tilespmem:v2+s7+$0x0], $0xffff  }
0x2ec: {  	v12 =	vld.idx.msk [tilespmem:v2+s11+$0x0], $0xffff  }
0x2ed: {  	v2 =	vld.idx.msk [tilespmem:v2+s15+$0x0], $0xffff  }
0x2ee: {  	v13 =	vld [tilespmem:s18+$0x20]  }
0x2ef: {  	v14 =	vld [tilespmem:s18+$0xFFFFFFC0]  }
0x2f0: {  	v10 =	vmul.f32 v10, v8;
	v15 =	vld.idx.msk [tilespmem:v3+s20+$0x0], $0xffff  }
0x2f1: {  	v11 =	vmul.f32 v11, v8;
	v16 =	vld.idx.msk [tilespmem:v3+s7+$0x0], $0xffff  }
0x2f2: {  	[tilespmem:v9+s3+$0x0] =	vst.idx.add.f32.msk $0xffff, v10;
	v10 =	vmul.f32 v12, v8  }
0x2f3: {  	v2 =	vmul.f32 v2, v8;
	[tilespmem:v9+s31+$0x0] =	vst.idx.add.f32.msk $0xffff, v11  }
0x2f4: {  	[tilespmem:v9+s1+$0x0] =	vst.idx.add.f32.msk $0xffff, v10  }
0x2f5: {  	[tilespmem:v9+s0+$0x0] =	vst.idx.add.f32.msk $0xffff, v2  }
0x2f6: {  	v2 =	vld.idx.msk [tilespmem:v3+s11+$0x0], $0xffff  }
0x2f7: {  	v8 =	vld.idx.msk [tilespmem:v14+s20+$0x0], $0xffff  }
0x2f8: {  	v9 =	vld.idx.msk [tilespmem:v14+s7+$0x0], $0xffff  }
0x2f9: {  	v10 =	vld.idx.msk [tilespmem:v14+s11+$0x0], $0xffff  }
0x2fa: {  	v11 =	vld.idx.msk [tilespmem:v14+s15+$0x0], $0xffff  }
0x2fb: {  	v3 =	vld.idx.msk [tilespmem:v3+s15+$0x0], $0xffff  }
0x2fc: {  	v12 =	vld.idx.msk [tilespmem:v4+s20+$0x0], $0xffff  }
0x2fd: {  	v14 =	vld.idx.msk [tilespmem:v4+s7+$0x0], $0xffff  }
0x2fe: {  	v17 =	vld.idx.msk [tilespmem:v4+s11+$0x0], $0xffff  }
0x2ff: {  	v4 =	vld.idx.msk [tilespmem:v4+s15+$0x0], $0xffff  }
0x300: {  	v18 =	vld.idx.msk [tilespmem:v5+s20+$0x0], $0xffff  }
0x301: {  	v19 =	vld.idx.msk [tilespmem:v5+s7+$0x0], $0xffff  }
0x302: {  	v20 =	vld.idx.msk [tilespmem:v5+s11+$0x0], $0xffff  }
0x303: {  	v5 =	vld.idx.msk [tilespmem:v5+s15+$0x0], $0xffff  }
0x304: {  	v21 =	vld.idx.msk [tilespmem:v6+s20+$0x0], $0xffff  }
0x305: {  	v22 =	vld.idx.msk [tilespmem:v6+s7+$0x0], $0xffff  }
0x306: {  	v23 =	vld.idx.msk [tilespmem:v6+s11+$0x0], $0xffff  }
0x307: {  	v6 =	vld.idx.msk [tilespmem:v6+s15+$0x0], $0xffff  }
0x308: {  	v24 =	vld.idx.msk [tilespmem:v7+s20+$0x0], $0xffff  }
0x309: {  	v25 =	vld.idx.msk [tilespmem:v7+s7+$0x0], $0xffff  }
0x30a: {  	v26 =	vld.idx.msk [tilespmem:v7+s11+$0x0], $0xffff  }
0x30b: {  	v7 =	vld.idx.msk [tilespmem:v7+s15+$0x0], $0xffff  }
0x30c: {  	v27 =	vld.idx.msk [tilespmem:v13+s20+$0x0], $0xffff  }
0x30d: {  	v28 =	vld.idx.msk [tilespmem:v13+s7+$0x0], $0xffff  }
0x30e: {  	v29 =	vld.idx.msk [tilespmem:v13+s11+$0x0], $0xffff  }
0x30f: {  	v13 =	vld.idx.msk [tilespmem:v13+s15+$0x0], $0xffff  }
0x310: {  	v30 =	vld [tilespmem:s13+$0xFFFFFFC0]  }
0x311: {  	v31 =	vld [tilespmem:s13+$0xFFFFFFD0]  }
0x312: {  	v32 =	vld [tilespmem:s13+$0xFFFFFFE0]  }
0x313: {  	v33 =	vld [tilespmem:s13+$0xFFFFFFF0]  }
0x314: {  	v34 =	vld [tilespmem:s13+$0x0]  }
0x315: {  	v8 =	vmul.f32 v8, v30;
	v9 =	vmul.f32 v9, v30;
	v35 =	vld [tilespmem:s13+$0x10]  }
0x316: {  	v10 =	vmul.f32 v10, v30;
	v11 =	vmul.f32 v11, v30;
	v30 =	vld [tilespmem:s13+$0x20]  }
0x317: {  	v15 =	vmul.f32 v15, v31;
	v16 =	vmul.f32 v16, v31;
	v36 =	vld [tilespmem:s14+$0xFFFFFFC0]  }
0x318: {  	v2 =	vmul.f32 v2, v31;
	v3 =	vmul.f32 v3, v31;
	v37 =	vld [tilespmem:s14+$0xFFFFFFD0]  }
0x319: {  	v12 =	vmul.f32 v12, v32;
	v14 =	vmul.f32 v14, v32;
	v31 =	vld [tilespmem:s14+$0xFFFFFFE0]  }
0x31a: {  	v17 =	vmul.f32 v17, v32;
	v4 =	vmul.f32 v4, v32;
	v32 =	vld [tilespmem:s14+$0xFFFFFFF0]  }
0x31b: {  	v18 =	vmul.f32 v18, v33;
	v19 =	vmul.f32 v19, v33;
	v38 =	vld [tilespmem:s14+$0x0]  }
0x31c: {  	v20 =	vmul.f32 v20, v33;
	v5 =	vmul.f32 v5, v33;
	v33 =	vld [tilespmem:s14+$0x10]  }
0x31d: {  	v21 =	vmul.f32 v21, v34;
	v22 =	vmul.f32 v22, v34;
	v39 =	vld [tilespmem:s14+$0x20]  }
0x31e: {  	v23 =	vmul.f32 v23, v34;
	v6 =	vmul.f32 v6, v34;
	[tilespmem:v0+s0+$0x0] =	vst.idx.add.f32.msk $0xffff, v1  }
0x31f: {  	[tilespmem:v36+s3+$0x0] =	vst.idx.add.f32.msk $0xffff, v8;
	v8 =	vmul.f32 v24, v35;
	v24 =	vmul.f32 v25, v35  }
0x320: {  	v7 =	vmul.f32 v7, v35;
	[tilespmem:v36+s31+$0x0] =	vst.idx.add.f32.msk $0xffff, v9;
	v9 =	vmul.f32 v26, v35  }
0x321: {  	v25 =	vmul.f32 v28, v30;
	[tilespmem:v36+s1+$0x0] =	vst.idx.add.f32.msk $0xffff, v10;
	v10 =	vmul.f32 v27, v30  }
0x322: {  	v1 =	vmul.f32 v13, v30;
	[tilespmem:v36+s0+$0x0] =	vst.idx.add.f32.msk $0xffff, v11;
	v11 =	vmul.f32 v29, v30;
	v0 =	vmov v39  }
0x323: {  	[tilespmem:v37+s3+$0x0] =	vst.idx.add.f32.msk $0xffff, v15  }
0x324: {  	[tilespmem:v37+s31+$0x0] =	vst.idx.add.f32.msk $0xffff, v16  }
0x325: {  	[tilespmem:v37+s1+$0x0] =	vst.idx.add.f32.msk $0xffff, v2  }
0x326: {  	[tilespmem:v37+s0+$0x0] =	vst.idx.add.f32.msk $0xffff, v3  }
0x327: {  	[tilespmem:v31+s3+$0x0] =	vst.idx.add.f32.msk $0xffff, v12  }
0x328: {  	[tilespmem:v31+s31+$0x0] =	vst.idx.add.f32.msk $0xffff, v14  }
0x329: {  	[tilespmem:v31+s1+$0x0] =	vst.idx.add.f32.msk $0xffff, v17  }
0x32a: {  	[tilespmem:v31+s0+$0x0] =	vst.idx.add.f32.msk $0xffff, v4  }
0x32b: {  	[tilespmem:v32+s3+$0x0] =	vst.idx.add.f32.msk $0xffff, v18  }
0x32c: {  	[tilespmem:v32+s31+$0x0] =	vst.idx.add.f32.msk $0xffff, v19  }
0x32d: {  	[tilespmem:v32+s1+$0x0] =	vst.idx.add.f32.msk $0xffff, v20  }
0x32e: {  	[tilespmem:v32+s0+$0x0] =	vst.idx.add.f32.msk $0xffff, v5  }
0x32f: {  	[tilespmem:v38+s3+$0x0] =	vst.idx.add.f32.msk $0xffff, v21  }
0x330: {  	[tilespmem:v38+s31+$0x0] =	vst.idx.add.f32.msk $0xffff, v22  }
0x331: {  	[tilespmem:v38+s1+$0x0] =	vst.idx.add.f32.msk $0xffff, v23  }
0x332: {  	[tilespmem:v38+s0+$0x0] =	vst.idx.add.f32.msk $0xffff, v6  }
0x333: {  	[tilespmem:v33+s3+$0x0] =	vst.idx.add.f32.msk $0xffff, v8  }
0x334: {  	[tilespmem:v33+s31+$0x0] =	vst.idx.add.f32.msk $0xffff, v24  }
.Ltmp4:
0x335: {  	[tilespmem:v33+s1+$0x0] =	vst.idx.add.f32.msk $0xffff, v9;
	(pc) =	sbr.rel @p0 .LBB2_11-.Ltmp4, $4  }
0x336: {  	[tilespmem:v33+s0+$0x0] =	vst.idx.add.f32.msk $0xffff, v7  }
0x337: {  	[tilespmem:v39+s3+$0x0] =	vst.idx.add.f32.msk $0xffff, v10  }
0x338: {  	[tilespmem:v39+s31+$0x0] =	vst.idx.add.f32.msk $0xffff, v25  }
0x339: {  	s18 =	sadd.s32 $0x80, s18;
	[tilespmem:v39+s1+$0x0] =	vst.idx.add.f32.msk $0xffff, v11  }
0x33a: {  	_ =	sdelay $0x3  }
0x33b: {  	[tilespmem:v0+s0+$0x0] =	vst.idx.add.f32.msk $0xffff, v1  }
0x33c: {  	_ =	swait.ge [sflag:s24], $0x800  }
0x33d: {  	[sflag:s24] =	ssyncset.done $0x0  }
0x33e: {  	s12 =	sadd.s32 $0x1, s12;
	[sflag:s24] =	ssyncadd.s32 $0xFFFFF800  }
0x33f: {  	p0 =	sne.s32 s12, $0x4F;
	_ =	swait.ge [sflag:s25], $0x800  }
.Ltmp5:
0x340: {  	[sflag:s25] =	ssyncset.done $0x0;
	(pc) =	sbr.rel @p0 .LBB2_8-.Ltmp5, $4  }
0x341: {  	[sflag:s25] =	ssyncadd.s32 $0xFFFFF800  }
0x342: {  	_ =	swait.ge [sflag:s26], $0x800  }
0x343: {  	[sflag:s26] =	ssyncset.done $0x0  }
0x344: {  	[sflag:s26] =	ssyncadd.s32 $0xFFFFF800  }
0x345: {  	s12 =	simm.s32 $0x0  }
0x346: {  	s13 =	rddreg [dreg:$0x4];
	s14 =	simm.s32 $0x80;
	s17 =	simm.s32 $0x400  }
0x347: {  	[hbm4b:s13+s14] =	stream.strided.scatter [tilespmem:s12], [sflag:$0x7], $0x9C80, s17, s14, $0x38;
	[tilespmem:$0x16900] =	vst v63  }
0x348: {  	_ =	swait.ge [sflag:s19], $0x9C80  }
0x349: {  	[sflag:s19] =	ssyncset.done $0x0  }
0x34a: {  	[sflag:s19] =	ssyncadd.s32 $0xFFFF6380  }
0x34b: {  	[tilespmem:s12], [sflag:$0x7] =	stream.strided.gather [hbm4b:s6+s14], $0x9C80, s17, s14, $0x38;
	[tilespmem:$0x16900] =	vst v63  }
0x34c: {  	_ =	swait.ge [sflag:s19], $0x9C80  }
0x34d: {  	[sflag:s19] =	ssyncset.done $0x0  }
0x34e: {  	[sflag:s19] =	ssyncadd.s32 $0xFFFF6380  }
0x34f: {  	[tilespmem:s20], [sflag:$0x7] =	stream.strided.gather [hbm4b:s6+s14], $0x9C80, s17, s14, $0x38;
	[tilespmem:$0x16900] =	vst v63  }
0x350: {  	_ =	swait.ge [sflag:s19], $0x9C80  }
0x351: {  	[sflag:s19] =	ssyncset.done $0x0  }
0x352: {  	s14 =	rddreg [dreg:$0x5];
	[sflag:s19] =	ssyncadd.s32 $0xFFFF6380  }
0x353: {  	[tilespmem:s21], [sflag:$0x1] =	stream.linear.gather [hbm4b:s14+s12], $0x800, $0x38;
	[tilespmem:$0x16900] =	vst v63  }
0x354: {  	s17 =	rddreg [dreg:$0x6]  }
0x355: {  	[tilespmem:s22], [sflag:$0x2] =	stream.linear.gather [hbm4b:s17+s12], $0x800, $0x38;
	[tilespmem:$0x16900] =	vst v63  }
0x356: {  	s18 =	rddreg [dreg:$0x7]  }
0x357: {  	[tilespmem:s23], [sflag:$0x3] =	stream.linear.gather [hbm4b:s18+s12], $0x800, $0x38;
	[tilespmem:$0x16900] =	vst v63  }
0x358: {  	_ =	swait.ge [sflag:s24], $0x800  }
0x359: {  	[sflag:s24] =	ssyncset.done $0x0  }
0x35a: {  	[sflag:s24] =	ssyncadd.s32 $0xFFFFF800  }
0x35b: {  	_ =	swait.ge [sflag:s25], $0x800  }
0x35c: {  	[sflag:s25] =	ssyncset.done $0x0  }
0x35d: {  	[sflag:s25] =	ssyncadd.s32 $0xFFFFF800  }
0x35e: {  	_ =	swait.ge [sflag:s26], $0x800  }
0x35f: {  	[sflag:s26] =	ssyncset.done $0x0  }
0x360: {  	[sflag:s26] =	ssyncadd.s32 $0xFFFFF800  }
.LBB2_14:
0x361: {  	s13 =	sshll.u32 s12, $0x9  }
0x362: {  	s13 =	sadd.s32 $0x9F00, s13  }
0x363: {  	s14 =	sadd.s32 s2, s13  }
0x364: {  	[tilespmem:s28], [sflag:$0x4] =	stream.linear.gather [hbm4b:s14+s3], $0x800, $0x38;
	[tilespmem:$0x16900] =	vst v63  }
0x365: {  	s18 =	sadd.s32 s4, s13  }
0x366: {  	[tilespmem:s29], [sflag:$0x5] =	stream.linear.gather [hbm4b:s18+s3], $0x800, $0x38;
	[tilespmem:$0x16900] =	vst v63  }
0x367: {  	s17 =	simm.s32 $0x13940;
	s13 =	sadd.s32 s5, s13  }
0x368: {  	[tilespmem:s30], [sflag:$0x6] =	stream.linear.gather [hbm4b:s13+s3], $0x800, $0x38;
	[tilespmem:$0x16900] =	vst v63  }
0x369: {  	v0 =	vld [tilespmem:s17+$0x30]  }
0x36a: {  	v1 =	vld [tilespmem:s17+$0xFFFFFFD0]  }
0x36b: {  	v2 =	vld [tilespmem:s17+$0xFFFFFFE0]  }
0x36c: {  	v3 =	vld [tilespmem:s17+$0xFFFFFFF0]  }
0x36d: {  	v4 =	vld [tilespmem:s17+$0x0]  }
0x36e: {  	s13 =	simm.s32 $0x14940;
	v5 =	vld [tilespmem:s17+$0x10]  }
0x36f: {  	s14 =	simm.s32 $0x14140;
	v6 =	vld [tilespmem:s13+$0x30]  }
0x370: {  	v7 =	vld [tilespmem:s14+$0x30]  }
0x371: {  	v11 =	vld [tilespmem:s17+$0x20]  }
0x372: {  	v12 =	vld [tilespmem:s17+$0xFFFFFFC0]  }
0x373: {  	v28 =	vld [tilespmem:s13+$0xFFFFFFC0]  }
0x374: {  	v29 =	vld [tilespmem:s13+$0xFFFFFFD0]  }
0x375: {  	v30 =	vld [tilespmem:s13+$0xFFFFFFE0]  }
0x376: {  	v31 =	vld [tilespmem:s14+$0xFFFFFFC0]  }
0x377: {  	v32 =	vld [tilespmem:s13+$0xFFFFFFF0]  }
0x378: {  	v33 =	vld [tilespmem:s13+$0x0]  }
0x379: {  	v34 =	vld [tilespmem:s13+$0x10]  }
0x37a: {  	v35 =	vld [tilespmem:s13+$0x20]  }
0x37b: {  	v36 =	vld [tilespmem:s14+$0xFFFFFFD0]  }
0x37c: {  	v37 =	vld [tilespmem:s14+$0xFFFFFFE0]  }
0x37d: {  	v38 =	vld [tilespmem:s14+$0xFFFFFFF0]  }
0x37e: {  	v39 =	vld [tilespmem:s14+$0x0]  }
0x37f: {  	v57 =	vld [tilespmem:s14+$0x10]  }
0x380: {  	v8 =	vld.idx.msk [tilespmem:v0+s3+$0x0], $0xffff  }
0x381: {  	v9 =	vld.idx.msk [tilespmem:v0+s31+$0x0], $0xffff  }
0x382: {  	v10 =	vld.idx.msk [tilespmem:v0+s1+$0x0], $0xffff  }
0x383: {  	v0 =	vld.idx.msk [tilespmem:v0+s0+$0x0], $0xffff  }
0x384: {  	v13 =	vld.idx.msk [tilespmem:v1+s3+$0x0], $0xffff  }
0x385: {  	v14 =	vld.idx.msk [tilespmem:v1+s31+$0x0], $0xffff  }
0x386: {  	v51 =	vld.idx.msk [tilespmem:v1+s1+$0x0], $0xffff  }
0x387: {  	v52 =	vld.idx.msk [tilespmem:v12+s31+$0x0], $0xffff  }
0x388: {  	v53 =	vld.idx.msk [tilespmem:v12+s1+$0x0], $0xffff  }
0x389: {  	v54 =	vld.idx.msk [tilespmem:v12+s0+$0x0], $0xffff  }
0x38a: {  	v1 =	vld.idx.msk [tilespmem:v1+s0+$0x0], $0xffff  }
0x38b: {  	v55 =	vld.idx.msk [tilespmem:v2+s3+$0x0], $0xffff  }
0x38c: {  	v56 =	vld.idx.msk [tilespmem:v2+s31+$0x0], $0xffff  }
0x38d: {  	v15 =	vld.idx.msk [tilespmem:v2+s1+$0x0], $0xffff  }
0x38e: {  	v2 =	vld.idx.msk [tilespmem:v2+s0+$0x0], $0xffff  }
0x38f: {  	v16 =	vld.idx.msk [tilespmem:v3+s3+$0x0], $0xffff  }
0x390: {  	v17 =	vld.idx.msk [tilespmem:v3+s31+$0x0], $0xffff  }
0x391: {  	v18 =	vld.idx.msk [tilespmem:v3+s1+$0x0], $0xffff  }
0x392: {  	v3 =	vld.idx.msk [tilespmem:v3+s0+$0x0], $0xffff  }
0x393: {  	v19 =	vld.idx.msk [tilespmem:v4+s3+$0x0], $0xffff  }
0x394: {  	v20 =	vld.idx.msk [tilespmem:v4+s31+$0x0], $0xffff  }
0x395: {  	v21 =	vld.idx.msk [tilespmem:v4+s1+$0x0], $0xffff  }
0x396: {  	v4 =	vld.idx.msk [tilespmem:v4+s0+$0x0], $0xffff  }
0x397: {  	v22 =	vld.idx.msk [tilespmem:v5+s3+$0x0], $0xffff  }
0x398: {  	v23 =	vld.idx.msk [tilespmem:v5+s31+$0x0], $0xffff  }
0x399: {  	v24 =	vld.idx.msk [tilespmem:v5+s1+$0x0], $0xffff  }
0x39a: {  	v5 =	vld.idx.msk [tilespmem:v5+s0+$0x0], $0xffff  }
0x39b: {  	v25 =	vld.idx.msk [tilespmem:v11+s3+$0x0], $0xffff  }
0x39c: {  	v26 =	vld.idx.msk [tilespmem:v11+s31+$0x0], $0xffff  }
0x39d: {  	v27 =	vld.idx.msk [tilespmem:v11+s1+$0x0], $0xffff;
	v8 =	vmul.f32 v8, v6  }
0x39e: {  	v11 =	vld.idx.msk [tilespmem:v11+s0+$0x0], $0xffff;
	v59 =	vmul.f32 v13, v29  }
0x39f: {  	v61 =	vmul.f32 v55, v30;
	[tilespmem:v7+s20+$0x0] =	vst.idx.add.f32.msk $0xffff, v8  }
0x3a0: {  	v63 =	vmul.f32 v16, v32;
	[tilespmem:v36+s20+$0x0] =	vst.idx.add.f32.msk $0xffff, v59  }
0x3a1: {  	v9 =	vmul.f32 v9, v6;
	[tilespmem:v37+s20+$0x0] =	vst.idx.add.f32.msk $0xffff, v61  }
0x3a2: {  	v60 =	vmul.f32 v14, v29;
	[tilespmem:v38+s20+$0x0] =	vst.idx.add.f32.msk $0xffff, v63  }
0x3a3: {  	v62 =	vmul.f32 v56, v30;
	[tilespmem:v7+s7+$0x0] =	vst.idx.add.f32.msk $0xffff, v9  }
0x3a4: {  	v50 =	vmul.f32 v10, v6;
	[tilespmem:v36+s7+$0x0] =	vst.idx.add.f32.msk $0xffff, v60  }
0x3a5: {  	v0 =	vmul.f32 v0, v6;
	v6 =	vmul.f32 v51, v29;
	[tilespmem:v37+s7+$0x0] =	vst.idx.add.f32.msk $0xffff, v62  }
0x3a6: {  	[tilespmem:v7+s11+$0x0] =	vst.idx.add.f32.msk $0xffff, v50  }
0x3a7: {  	v1 =	vmul.f32 v1, v29;
	[tilespmem:v36+s11+$0x0] =	vst.idx.add.f32.msk $0xffff, v6  }
0x3a8: {  	[tilespmem:v7+s15+$0x0] =	vst.idx.add.f32.msk $0xffff, v0  }
0x3a9: {  	[tilespmem:v36+s15+$0x0] =	vst.idx.add.f32.msk $0xffff, v1;
	v1 =	vmul.f32 v15, v30  }
0x3aa: {  	v2 =	vmul.f32 v2, v30;
	v0 =	vld.idx.msk [tilespmem:v12+s3+$0x0], $0xffff  }
0x3ab: {  	[tilespmem:v37+s11+$0x0] =	vst.idx.add.f32.msk $0xffff, v1;
	v1 =	vmul.f32 v17, v32  }
0x3ac: {  	[tilespmem:v37+s15+$0x0] =	vst.idx.add.f32.msk $0xffff, v2;
	v2 =	vmul.f32 v18, v32  }
0x3ad: {  	v3 =	vmul.f32 v3, v32;
	[tilespmem:v38+s7+$0x0] =	vst.idx.add.f32.msk $0xffff, v1  }
0x3ae: {  	v1 =	vmul.f32 v19, v33;
	[tilespmem:v38+s11+$0x0] =	vst.idx.add.f32.msk $0xffff, v2  }
0x3af: {  	v0 =	vmul.f32 v0, v28;
	[tilespmem:v38+s15+$0x0] =	vst.idx.add.f32.msk $0xffff, v3  }
0x3b0: {  	v2 =	vmul.f32 v20, v33;
	[tilespmem:v39+s20+$0x0] =	vst.idx.add.f32.msk $0xffff, v1  }
0x3b1: {  	v7 =	vmul.f32 v52, v28;
	[tilespmem:v31+s20+$0x0] =	vst.idx.add.f32.msk $0xffff, v0  }
0x3b2: {  	v0 =	vmul.f32 v53, v28;
	[tilespmem:v39+s7+$0x0] =	vst.idx.add.f32.msk $0xffff, v2  }
0x3b3: {  	[tilespmem:v31+s7+$0x0] =	vst.idx.add.f32.msk $0xffff, v7  }
0x3b4: {  	v3 =	vmul.f32 v21, v33;
	[tilespmem:v31+s11+$0x0] =	vst.idx.add.f32.msk $0xffff, v0  }
0x3b5: {  	v1 =	vmul.f32 v4, v33;
	v0 =	vld [tilespmem:s14+$0x20]  }
0x3b6: {  	v2 =	vmul.f32 v22, v34;
	[tilespmem:v39+s11+$0x0] =	vst.idx.add.f32.msk $0xffff, v3  }
0x3b7: {  	v58 =	vmul.f32 v54, v28;
	[tilespmem:v39+s15+$0x0] =	vst.idx.add.f32.msk $0xffff, v1  }
0x3b8: {  	v3 =	vmul.f32 v23, v34;
	[tilespmem:v57+s20+$0x0] =	vst.idx.add.f32.msk $0xffff, v2  }
0x3b9: {  	v1 =	vmul.f32 v24, v34;
	[tilespmem:v31+s15+$0x0] =	vst.idx.add.f32.msk $0xffff, v58  }
0x3ba: {  	v2 =	vmul.f32 v5, v34;
	[tilespmem:v57+s7+$0x0] =	vst.idx.add.f32.msk $0xffff, v3  }
0x3bb: {  	v3 =	vmul.f32 v25, v35;
	[tilespmem:v57+s11+$0x0] =	vst.idx.add.f32.msk $0xffff, v1  }
0x3bc: {  	v1 =	vmul.f32 v26, v35;
	[tilespmem:v57+s15+$0x0] =	vst.idx.add.f32.msk $0xffff, v2  }
0x3bd: {  	v2 =	vmul.f32 v27, v35;
	[tilespmem:v0+s20+$0x0] =	vst.idx.add.f32.msk $0xffff, v3  }
0x3be: {  	[tilespmem:v0+s7+$0x0] =	vst.idx.add.f32.msk $0xffff, v1  }
0x3bf: {  	s18 =	simm.s32 $0x139C0;
	s17 =	simm.s32 $0x0;
	v1 =	vmul.f32 v11, v35;
	[tilespmem:v0+s11+$0x0] =	vst.idx.add.f32.msk $0xffff, v2  }
.LBB2_15:
0x3c0: {  	v2 =	vld [tilespmem:s18+$0x30]  }
0x3c1: {  	v3 =	vld [tilespmem:s18+$0xFFFFFFD0]  }
0x3c2: {  	v4 =	vld [tilespmem:s18+$0xFFFFFFE0]  }
0x3c3: {  	s17 =	sadd.s32 $0x8, s17;
	v5 =	vld [tilespmem:s18+$0xFFFFFFF0]  }
0x3c4: {  	p0 =	slt.u32 s17, $0x78;
	v6 =	vld [tilespmem:s18+$0x0]  }
0x3c5: {  	s13 =	sadd.s32 $0x80, s13;
	v7 =	vld [tilespmem:s18+$0x10]  }
0x3c6: {  	s14 =	sadd.s32 $0x80, s14;
	v8 =	vld [tilespmem:s13+$0x30]  }
0x3c7: {  	v9 =	vld [tilespmem:s14+$0x30]  }
0x3c8: {  	v10 =	vld.idx.msk [tilespmem:v2+s3+$0x0], $0xffff  }
0x3c9: {  	v11 =	vld.idx.msk [tilespmem:v2+s31+$0x0], $0xffff  }
0x3ca: {  	v12 =	vld.idx.msk [tilespmem:v2+s1+$0x0], $0xffff  }
0x3cb: {  	v2 =	vld.idx.msk [tilespmem:v2+s0+$0x0], $0xffff  }
0x3cc: {  	v13 =	vld [tilespmem:s18+$0x20]  }
0x3cd: {  	v14 =	vld [tilespmem:s18+$0xFFFFFFC0]  }
0x3ce: {  	v10 =	vmul.f32 v10, v8;
	v15 =	vld.idx.msk [tilespmem:v3+s3+$0x0], $0xffff  }
0x3cf: {  	v11 =	vmul.f32 v11, v8;
	v16 =	vld.idx.msk [tilespmem:v3+s31+$0x0], $0xffff  }
0x3d0: {  	[tilespmem:v9+s20+$0x0] =	vst.idx.add.f32.msk $0xffff, v10;
	v10 =	vmul.f32 v12, v8  }
0x3d1: {  	v2 =	vmul.f32 v2, v8;
	[tilespmem:v9+s7+$0x0] =	vst.idx.add.f32.msk $0xffff, v11  }
0x3d2: {  	[tilespmem:v9+s11+$0x0] =	vst.idx.add.f32.msk $0xffff, v10  }
0x3d3: {  	[tilespmem:v9+s15+$0x0] =	vst.idx.add.f32.msk $0xffff, v2  }
0x3d4: {  	v2 =	vld.idx.msk [tilespmem:v3+s1+$0x0], $0xffff  }
0x3d5: {  	v8 =	vld.idx.msk [tilespmem:v14+s3+$0x0], $0xffff  }
0x3d6: {  	v9 =	vld.idx.msk [tilespmem:v14+s31+$0x0], $0xffff  }
0x3d7: {  	v10 =	vld.idx.msk [tilespmem:v14+s1+$0x0], $0xffff  }
0x3d8: {  	v11 =	vld.idx.msk [tilespmem:v14+s0+$0x0], $0xffff  }
0x3d9: {  	v3 =	vld.idx.msk [tilespmem:v3+s0+$0x0], $0xffff  }
0x3da: {  	v12 =	vld.idx.msk [tilespmem:v4+s3+$0x0], $0xffff  }
0x3db: {  	v14 =	vld.idx.msk [tilespmem:v4+s31+$0x0], $0xffff  }
0x3dc: {  	v17 =	vld.idx.msk [tilespmem:v4+s1+$0x0], $0xffff  }
0x3dd: {  	v4 =	vld.idx.msk [tilespmem:v4+s0+$0x0], $0xffff  }
0x3de: {  	v18 =	vld.idx.msk [tilespmem:v5+s3+$0x0], $0xffff  }
0x3df: {  	v19 =	vld.idx.msk [tilespmem:v5+s31+$0x0], $0xffff  }
0x3e0: {  	v20 =	vld.idx.msk [tilespmem:v5+s1+$0x0], $0xffff  }
0x3e1: {  	v5 =	vld.idx.msk [tilespmem:v5+s0+$0x0], $0xffff  }
0x3e2: {  	v21 =	vld.idx.msk [tilespmem:v6+s3+$0x0], $0xffff  }
0x3e3: {  	v22 =	vld.idx.msk [tilespmem:v6+s31+$0x0], $0xffff  }
0x3e4: {  	v23 =	vld.idx.msk [tilespmem:v6+s1+$0x0], $0xffff  }
0x3e5: {  	v6 =	vld.idx.msk [tilespmem:v6+s0+$0x0], $0xffff  }
0x3e6: {  	v24 =	vld.idx.msk [tilespmem:v7+s3+$0x0], $0xffff  }
0x3e7: {  	v25 =	vld.idx.msk [tilespmem:v7+s31+$0x0], $0xffff  }
0x3e8: {  	v26 =	vld.idx.msk [tilespmem:v7+s1+$0x0], $0xffff  }
0x3e9: {  	v7 =	vld.idx.msk [tilespmem:v7+s0+$0x0], $0xffff  }
0x3ea: {  	v27 =	vld.idx.msk [tilespmem:v13+s3+$0x0], $0xffff  }
0x3eb: {  	v28 =	vld.idx.msk [tilespmem:v13+s31+$0x0], $0xffff  }
0x3ec: {  	v29 =	vld.idx.msk [tilespmem:v13+s1+$0x0], $0xffff  }
0x3ed: {  	v13 =	vld.idx.msk [tilespmem:v13+s0+$0x0], $0xffff  }
0x3ee: {  	v30 =	vld [tilespmem:s13+$0xFFFFFFC0]  }
0x3ef: {  	v31 =	vld [tilespmem:s13+$0xFFFFFFD0]  }
0x3f0: {  	v32 =	vld [tilespmem:s13+$0xFFFFFFE0]  }
0x3f1: {  	v33 =	vld [tilespmem:s13+$0xFFFFFFF0]  }
0x3f2: {  	v34 =	vld [tilespmem:s13+$0x0]  }
0x3f3: {  	v8 =	vmul.f32 v8, v30;
	v9 =	vmul.f32 v9, v30;
	v35 =	vld [tilespmem:s13+$0x10]  }
0x3f4: {  	v10 =	vmul.f32 v10, v30;
	v11 =	vmul.f32 v11, v30;
	v30 =	vld [tilespmem:s13+$0x20]  }
0x3f5: {  	v15 =	vmul.f32 v15, v31;
	v16 =	vmul.f32 v16, v31;
	v36 =	vld [tilespmem:s14+$0xFFFFFFC0]  }
0x3f6: {  	v2 =	vmul.f32 v2, v31;
	v3 =	vmul.f32 v3, v31;
	v37 =	vld [tilespmem:s14+$0xFFFFFFD0]  }
0x3f7: {  	v12 =	vmul.f32 v12, v32;
	v14 =	vmul.f32 v14, v32;
	v31 =	vld [tilespmem:s14+$0xFFFFFFE0]  }
0x3f8: {  	v17 =	vmul.f32 v17, v32;
	v4 =	vmul.f32 v4, v32;
	v32 =	vld [tilespmem:s14+$0xFFFFFFF0]  }
0x3f9: {  	v18 =	vmul.f32 v18, v33;
	v19 =	vmul.f32 v19, v33;
	v38 =	vld [tilespmem:s14+$0x0]  }
0x3fa: {  	v20 =	vmul.f32 v20, v33;
	v5 =	vmul.f32 v5, v33;
	v33 =	vld [tilespmem:s14+$0x10]  }
0x3fb: {  	v21 =	vmul.f32 v21, v34;
	v22 =	vmul.f32 v22, v34;
	v39 =	vld [tilespmem:s14+$0x20]  }
0x3fc: {  	v23 =	vmul.f32 v23, v34;
	v6 =	vmul.f32 v6, v34;
	[tilespmem:v0+s15+$0x0] =	vst.idx.add.f32.msk $0xffff, v1  }
0x3fd: {  	[tilespmem:v36+s20+$0x0] =	vst.idx.add.f32.msk $0xffff, v8;
	v8 =	vmul.f32 v24, v35;
	v24 =	vmul.f32 v25, v35  }
0x3fe: {  	v7 =	vmul.f32 v7, v35;
	[tilespmem:v36+s7+$0x0] =	vst.idx.add.f32.msk $0xffff, v9;
	v9 =	vmul.f32 v26, v35  }
0x3ff: {  	v25 =	vmul.f32 v28, v30;
	[tilespmem:v36+s11+$0x0] =	vst.idx.add.f32.msk $0xffff, v10;
	v10 =	vmul.f32 v27, v30  }
0x400: {  	v1 =	vmul.f32 v13, v30;
	[tilespmem:v36+s15+$0x0] =	vst.idx.add.f32.msk $0xffff, v11;
	v11 =	vmul.f32 v29, v30;
	v0 =	vmov v39  }
0x401: {  	[tilespmem:v37+s20+$0x0] =	vst.idx.add.f32.msk $0xffff, v15  }
0x402: {  	[tilespmem:v37+s7+$0x0] =	vst.idx.add.f32.msk $0xffff, v16  }
0x403: {  	[tilespmem:v37+s11+$0x0] =	vst.idx.add.f32.msk $0xffff, v2  }
0x404: {  	[tilespmem:v37+s15+$0x0] =	vst.idx.add.f32.msk $0xffff, v3  }
0x405: {  	[tilespmem:v31+s20+$0x0] =	vst.idx.add.f32.msk $0xffff, v12  }
0x406: {  	[tilespmem:v31+s7+$0x0] =	vst.idx.add.f32.msk $0xffff, v14  }
0x407: {  	[tilespmem:v31+s11+$0x0] =	vst.idx.add.f32.msk $0xffff, v17  }
0x408: {  	[tilespmem:v31+s15+$0x0] =	vst.idx.add.f32.msk $0xffff, v4  }
0x409: {  	[tilespmem:v32+s20+$0x0] =	vst.idx.add.f32.msk $0xffff, v18  }
0x40a: {  	[tilespmem:v32+s7+$0x0] =	vst.idx.add.f32.msk $0xffff, v19  }
0x40b: {  	[tilespmem:v32+s11+$0x0] =	vst.idx.add.f32.msk $0xffff, v20  }
0x40c: {  	[tilespmem:v32+s15+$0x0] =	vst.idx.add.f32.msk $0xffff, v5  }
0x40d: {  	[tilespmem:v38+s20+$0x0] =	vst.idx.add.f32.msk $0xffff, v21  }
0x40e: {  	[tilespmem:v38+s7+$0x0] =	vst.idx.add.f32.msk $0xffff, v22  }
0x40f: {  	[tilespmem:v38+s11+$0x0] =	vst.idx.add.f32.msk $0xffff, v23  }
0x410: {  	[tilespmem:v38+s15+$0x0] =	vst.idx.add.f32.msk $0xffff, v6  }
0x411: {  	[tilespmem:v33+s20+$0x0] =	vst.idx.add.f32.msk $0xffff, v8  }
0x412: {  	[tilespmem:v33+s7+$0x0] =	vst.idx.add.f32.msk $0xffff, v24  }
.Ltmp6:
0x413: {  	[tilespmem:v33+s11+$0x0] =	vst.idx.add.f32.msk $0xffff, v9;
	(pc) =	sbr.rel @p0 .LBB2_15-.Ltmp6, $4  }
0x414: {  	[tilespmem:v33+s15+$0x0] =	vst.idx.add.f32.msk $0xffff, v7  }
0x415: {  	[tilespmem:v39+s20+$0x0] =	vst.idx.add.f32.msk $0xffff, v10  }
0x416: {  	[tilespmem:v39+s7+$0x0] =	vst.idx.add.f32.msk $0xffff, v25  }
0x417: {  	s18 =	sadd.s32 $0x80, s18;
	[tilespmem:v39+s11+$0x0] =	vst.idx.add.f32.msk $0xffff, v11  }
0x418: {  	_ =	sdelay $0x3  }
0x419: {  	[tilespmem:v0+s15+$0x0] =	vst.idx.add.f32.msk $0xffff, v1  }
0x41a: {  	_ =	swait.ge [sflag:s16], $0x800  }
0x41b: {  	[sflag:s16] =	ssyncset.done $0x0  }
0x41c: {  	[sflag:s16] =	ssyncadd.s32 $0xFFFFF800  }
0x41d: {  	_ =	swait.ge [sflag:s8], $0x800  }
0x41e: {  	s13 =	sshll.u32 s12, $0x1;
	[sflag:s8] =	ssyncset.done $0x0  }
0x41f: {  	s13 =	smin.u32 s13, $0x9B;
	[sflag:s8] =	ssyncadd.s32 $0xFFFFF800  }
0x420: {  	s13 =	sshll.u32 s13, $0x8;
	_ =	swait.ge [sflag:s9], $0x800  }
0x421: {  	s13 =	sadd.s32 $0xA000, s13;
	[sflag:s9] =	ssyncset.done $0x0  }
0x422: {  	s14 =	sadd.s32 s2, s13;
	[sflag:s9] =	ssyncadd.s32 $0xFFFFF800  }
0x423: {  	[tilespmem:s21], [sflag:$0x1] =	stream.linear.gather [hbm4b:s14+s3], $0x800, $0x38;
	[tilespmem:$0x16900] =	vst v63  }
0x424: {  	s18 =	sadd.s32 s4, s13  }
0x425: {  	[tilespmem:s22], [sflag:$0x2] =	stream.linear.gather [hbm4b:s18+s3], $0x800, $0x38;
	[tilespmem:$0x16900] =	vst v63  }
0x426: {  	s17 =	simm.s32 $0x15140;
	s13 =	sadd.s32 s5, s13  }
0x427: {  	[tilespmem:s23], [sflag:$0x3] =	stream.linear.gather [hbm4b:s13+s3], $0x800, $0x38;
	[tilespmem:$0x16900] =	vst v63  }
0x428: {  	v0 =	vld [tilespmem:s17+$0x30]  }
0x429: {  	v1 =	vld [tilespmem:s17+$0xFFFFFFD0]  }
0x42a: {  	v2 =	vld [tilespmem:s17+$0xFFFFFFE0]  }
0x42b: {  	v3 =	vld [tilespmem:s17+$0xFFFFFFF0]  }
0x42c: {  	v4 =	vld [tilespmem:s17+$0x0]  }
0x42d: {  	s13 =	simm.s32 $0x16140;
	v5 =	vld [tilespmem:s17+$0x10]  }
0x42e: {  	s14 =	simm.s32 $0x15940;
	v6 =	vld [tilespmem:s13+$0x30]  }
0x42f: {  	v7 =	vld [tilespmem:s14+$0x30]  }
0x430: {  	v11 =	vld [tilespmem:s17+$0x20]  }
0x431: {  	v12 =	vld [tilespmem:s17+$0xFFFFFFC0]  }
0x432: {  	v28 =	vld [tilespmem:s13+$0xFFFFFFC0]  }
0x433: {  	v29 =	vld [tilespmem:s13+$0xFFFFFFD0]  }
0x434: {  	v30 =	vld [tilespmem:s13+$0xFFFFFFE0]  }
0x435: {  	v31 =	vld [tilespmem:s14+$0xFFFFFFC0]  }
0x436: {  	v32 =	vld [tilespmem:s13+$0xFFFFFFF0]  }
0x437: {  	v33 =	vld [tilespmem:s13+$0x0]  }
0x438: {  	v34 =	vld [tilespmem:s13+$0x10]  }
0x439: {  	v35 =	vld [tilespmem:s13+$0x20]  }
0x43a: {  	v36 =	vld [tilespmem:s14+$0xFFFFFFD0]  }
0x43b: {  	v37 =	vld [tilespmem:s14+$0xFFFFFFE0]  }
0x43c: {  	v38 =	vld [tilespmem:s14+$0xFFFFFFF0]  }
0x43d: {  	v39 =	vld [tilespmem:s14+$0x0]  }
0x43e: {  	v57 =	vld [tilespmem:s14+$0x10]  }
0x43f: {  	v8 =	vld.idx.msk [tilespmem:v0+s3+$0x0], $0xffff  }
0x440: {  	v9 =	vld.idx.msk [tilespmem:v0+s31+$0x0], $0xffff  }
0x441: {  	v10 =	vld.idx.msk [tilespmem:v0+s1+$0x0], $0xffff  }
0x442: {  	v0 =	vld.idx.msk [tilespmem:v0+s0+$0x0], $0xffff  }
0x443: {  	v13 =	vld.idx.msk [tilespmem:v1+s3+$0x0], $0xffff  }
0x444: {  	v14 =	vld.idx.msk [tilespmem:v1+s31+$0x0], $0xffff  }
0x445: {  	v51 =	vld.idx.msk [tilespmem:v1+s1+$0x0], $0xffff  }
0x446: {  	v52 =	vld.idx.msk [tilespmem:v12+s31+$0x0], $0xffff  }
0x447: {  	v53 =	vld.idx.msk [tilespmem:v12+s1+$0x0], $0xffff  }
0x448: {  	v54 =	vld.idx.msk [tilespmem:v12+s0+$0x0], $0xffff  }
0x449: {  	v1 =	vld.idx.msk [tilespmem:v1+s0+$0x0], $0xffff  }
0x44a: {  	v55 =	vld.idx.msk [tilespmem:v2+s3+$0x0], $0xffff  }
0x44b: {  	v56 =	vld.idx.msk [tilespmem:v2+s31+$0x0], $0xffff  }
0x44c: {  	v15 =	vld.idx.msk [tilespmem:v2+s1+$0x0], $0xffff  }
0x44d: {  	v2 =	vld.idx.msk [tilespmem:v2+s0+$0x0], $0xffff  }
0x44e: {  	v16 =	vld.idx.msk [tilespmem:v3+s3+$0x0], $0xffff  }
0x44f: {  	v17 =	vld.idx.msk [tilespmem:v3+s31+$0x0], $0xffff  }
0x450: {  	v18 =	vld.idx.msk [tilespmem:v3+s1+$0x0], $0xffff  }
0x451: {  	v3 =	vld.idx.msk [tilespmem:v3+s0+$0x0], $0xffff  }
0x452: {  	v19 =	vld.idx.msk [tilespmem:v4+s3+$0x0], $0xffff  }
0x453: {  	v20 =	vld.idx.msk [tilespmem:v4+s31+$0x0], $0xffff  }
0x454: {  	v21 =	vld.idx.msk [tilespmem:v4+s1+$0x0], $0xffff  }
0x455: {  	v4 =	vld.idx.msk [tilespmem:v4+s0+$0x0], $0xffff  }
0x456: {  	v22 =	vld.idx.msk [tilespmem:v5+s3+$0x0], $0xffff  }
0x457: {  	v23 =	vld.idx.msk [tilespmem:v5+s31+$0x0], $0xffff  }
0x458: {  	v24 =	vld.idx.msk [tilespmem:v5+s1+$0x0], $0xffff  }
0x459: {  	v5 =	vld.idx.msk [tilespmem:v5+s0+$0x0], $0xffff  }
0x45a: {  	v25 =	vld.idx.msk [tilespmem:v11+s3+$0x0], $0xffff  }
0x45b: {  	v26 =	vld.idx.msk [tilespmem:v11+s31+$0x0], $0xffff  }
0x45c: {  	v27 =	vld.idx.msk [tilespmem:v11+s1+$0x0], $0xffff;
	v8 =	vmul.f32 v8, v6  }
0x45d: {  	v11 =	vld.idx.msk [tilespmem:v11+s0+$0x0], $0xffff;
	v59 =	vmul.f32 v13, v29  }
0x45e: {  	v61 =	vmul.f32 v55, v30;
	[tilespmem:v7+s20+$0x0] =	vst.idx.add.f32.msk $0xffff, v8  }
0x45f: {  	v63 =	vmul.f32 v16, v32;
	[tilespmem:v36+s20+$0x0] =	vst.idx.add.f32.msk $0xffff, v59  }
0x460: {  	v9 =	vmul.f32 v9, v6;
	[tilespmem:v37+s20+$0x0] =	vst.idx.add.f32.msk $0xffff, v61  }
0x461: {  	v60 =	vmul.f32 v14, v29;
	[tilespmem:v38+s20+$0x0] =	vst.idx.add.f32.msk $0xffff, v63  }
0x462: {  	v62 =	vmul.f32 v56, v30;
	[tilespmem:v7+s7+$0x0] =	vst.idx.add.f32.msk $0xffff, v9  }
0x463: {  	v50 =	vmul.f32 v10, v6;
	[tilespmem:v36+s7+$0x0] =	vst.idx.add.f32.msk $0xffff, v60  }
0x464: {  	v0 =	vmul.f32 v0, v6;
	v6 =	vmul.f32 v51, v29;
	[tilespmem:v37+s7+$0x0] =	vst.idx.add.f32.msk $0xffff, v62  }
0x465: {  	[tilespmem:v7+s11+$0x0] =	vst.idx.add.f32.msk $0xffff, v50  }
0x466: {  	v1 =	vmul.f32 v1, v29;
	[tilespmem:v36+s11+$0x0] =	vst.idx.add.f32.msk $0xffff, v6  }
0x467: {  	[tilespmem:v7+s15+$0x0] =	vst.idx.add.f32.msk $0xffff, v0  }
0x468: {  	[tilespmem:v36+s15+$0x0] =	vst.idx.add.f32.msk $0xffff, v1;
	v1 =	vmul.f32 v15, v30  }
0x469: {  	v2 =	vmul.f32 v2, v30;
	v0 =	vld.idx.msk [tilespmem:v12+s3+$0x0], $0xffff  }
0x46a: {  	[tilespmem:v37+s11+$0x0] =	vst.idx.add.f32.msk $0xffff, v1;
	v1 =	vmul.f32 v17, v32  }
0x46b: {  	[tilespmem:v37+s15+$0x0] =	vst.idx.add.f32.msk $0xffff, v2;
	v2 =	vmul.f32 v18, v32  }
0x46c: {  	v3 =	vmul.f32 v3, v32;
	[tilespmem:v38+s7+$0x0] =	vst.idx.add.f32.msk $0xffff, v1  }
0x46d: {  	v1 =	vmul.f32 v19, v33;
	[tilespmem:v38+s11+$0x0] =	vst.idx.add.f32.msk $0xffff, v2  }
0x46e: {  	v0 =	vmul.f32 v0, v28;
	[tilespmem:v38+s15+$0x0] =	vst.idx.add.f32.msk $0xffff, v3  }
0x46f: {  	v2 =	vmul.f32 v20, v33;
	[tilespmem:v39+s20+$0x0] =	vst.idx.add.f32.msk $0xffff, v1  }
0x470: {  	v7 =	vmul.f32 v52, v28;
	[tilespmem:v31+s20+$0x0] =	vst.idx.add.f32.msk $0xffff, v0  }
0x471: {  	v0 =	vmul.f32 v53, v28;
	[tilespmem:v39+s7+$0x0] =	vst.idx.add.f32.msk $0xffff, v2  }
0x472: {  	[tilespmem:v31+s7+$0x0] =	vst.idx.add.f32.msk $0xffff, v7  }
0x473: {  	v3 =	vmul.f32 v21, v33;
	[tilespmem:v31+s11+$0x0] =	vst.idx.add.f32.msk $0xffff, v0  }
0x474: {  	v1 =	vmul.f32 v4, v33;
	v0 =	vld [tilespmem:s14+$0x20]  }
0x475: {  	v2 =	vmul.f32 v22, v34;
	[tilespmem:v39+s11+$0x0] =	vst.idx.add.f32.msk $0xffff, v3  }
0x476: {  	v58 =	vmul.f32 v54, v28;
	[tilespmem:v39+s15+$0x0] =	vst.idx.add.f32.msk $0xffff, v1  }
0x477: {  	v3 =	vmul.f32 v23, v34;
	[tilespmem:v57+s20+$0x0] =	vst.idx.add.f32.msk $0xffff, v2  }
0x478: {  	v1 =	vmul.f32 v24, v34;
	[tilespmem:v31+s15+$0x0] =	vst.idx.add.f32.msk $0xffff, v58  }
0x479: {  	v2 =	vmul.f32 v5, v34;
	[tilespmem:v57+s7+$0x0] =	vst.idx.add.f32.msk $0xffff, v3  }
0x47a: {  	v3 =	vmul.f32 v25, v35;
	[tilespmem:v57+s11+$0x0] =	vst.idx.add.f32.msk $0xffff, v1  }
0x47b: {  	v1 =	vmul.f32 v26, v35;
	[tilespmem:v57+s15+$0x0] =	vst.idx.add.f32.msk $0xffff, v2  }
0x47c: {  	v2 =	vmul.f32 v27, v35;
	[tilespmem:v0+s20+$0x0] =	vst.idx.add.f32.msk $0xffff, v3  }
0x47d: {  	[tilespmem:v0+s7+$0x0] =	vst.idx.add.f32.msk $0xffff, v1  }
0x47e: {  	s18 =	simm.s32 $0x151C0;
	s17 =	simm.s32 $0x0;
	v1 =	vmul.f32 v11, v35;
	[tilespmem:v0+s11+$0x0] =	vst.idx.add.f32.msk $0xffff, v2  }
.LBB2_17:
0x47f: {  	v2 =	vld [tilespmem:s18+$0x30]  }
0x480: {  	v3 =	vld [tilespmem:s18+$0xFFFFFFD0]  }
0x481: {  	v4 =	vld [tilespmem:s18+$0xFFFFFFE0]  }
0x482: {  	s17 =	sadd.s32 $0x8, s17;
	v5 =	vld [tilespmem:s18+$0xFFFFFFF0]  }
0x483: {  	p0 =	slt.u32 s17, $0x78;
	v6 =	vld [tilespmem:s18+$0x0]  }
0x484: {  	s13 =	sadd.s32 $0x80, s13;
	v7 =	vld [tilespmem:s18+$0x10]  }
0x485: {  	s14 =	sadd.s32 $0x80, s14;
	v8 =	vld [tilespmem:s13+$0x30]  }
0x486: {  	v9 =	vld [tilespmem:s14+$0x30]  }
0x487: {  	v10 =	vld.idx.msk [tilespmem:v2+s3+$0x0], $0xffff  }
0x488: {  	v11 =	vld.idx.msk [tilespmem:v2+s31+$0x0], $0xffff  }
0x489: {  	v12 =	vld.idx.msk [tilespmem:v2+s1+$0x0], $0xffff  }
0x48a: {  	v2 =	vld.idx.msk [tilespmem:v2+s0+$0x0], $0xffff  }
0x48b: {  	v13 =	vld [tilespmem:s18+$0x20]  }
0x48c: {  	v14 =	vld [tilespmem:s18+$0xFFFFFFC0]  }
0x48d: {  	v10 =	vmul.f32 v10, v8;
	v15 =	vld.idx.msk [tilespmem:v3+s3+$0x0], $0xffff  }
0x48e: {  	v11 =	vmul.f32 v11, v8;
	v16 =	vld.idx.msk [tilespmem:v3+s31+$0x0], $0xffff  }
0x48f: {  	[tilespmem:v9+s20+$0x0] =	vst.idx.add.f32.msk $0xffff, v10;
	v10 =	vmul.f32 v12, v8  }
0x490: {  	v2 =	vmul.f32 v2, v8;
	[tilespmem:v9+s7+$0x0] =	vst.idx.add.f32.msk $0xffff, v11  }
0x491: {  	[tilespmem:v9+s11+$0x0] =	vst.idx.add.f32.msk $0xffff, v10  }
0x492: {  	[tilespmem:v9+s15+$0x0] =	vst.idx.add.f32.msk $0xffff, v2  }
0x493: {  	v2 =	vld.idx.msk [tilespmem:v3+s1+$0x0], $0xffff  }
0x494: {  	v8 =	vld.idx.msk [tilespmem:v14+s3+$0x0], $0xffff  }
0x495: {  	v9 =	vld.idx.msk [tilespmem:v14+s31+$0x0], $0xffff  }
0x496: {  	v10 =	vld.idx.msk [tilespmem:v14+s1+$0x0], $0xffff  }
0x497: {  	v11 =	vld.idx.msk [tilespmem:v14+s0+$0x0], $0xffff  }
0x498: {  	v3 =	vld.idx.msk [tilespmem:v3+s0+$0x0], $0xffff  }
0x499: {  	v12 =	vld.idx.msk [tilespmem:v4+s3+$0x0], $0xffff  }
0x49a: {  	v14 =	vld.idx.msk [tilespmem:v4+s31+$0x0], $0xffff  }
0x49b: {  	v17 =	vld.idx.msk [tilespmem:v4+s1+$0x0], $0xffff  }
0x49c: {  	v4 =	vld.idx.msk [tilespmem:v4+s0+$0x0], $0xffff  }
0x49d: {  	v18 =	vld.idx.msk [tilespmem:v5+s3+$0x0], $0xffff  }
0x49e: {  	v19 =	vld.idx.msk [tilespmem:v5+s31+$0x0], $0xffff  }
0x49f: {  	v20 =	vld.idx.msk [tilespmem:v5+s1+$0x0], $0xffff  }
0x4a0: {  	v5 =	vld.idx.msk [tilespmem:v5+s0+$0x0], $0xffff  }
0x4a1: {  	v21 =	vld.idx.msk [tilespmem:v6+s3+$0x0], $0xffff  }
0x4a2: {  	v22 =	vld.idx.msk [tilespmem:v6+s31+$0x0], $0xffff  }
0x4a3: {  	v23 =	vld.idx.msk [tilespmem:v6+s1+$0x0], $0xffff  }
0x4a4: {  	v6 =	vld.idx.msk [tilespmem:v6+s0+$0x0], $0xffff  }
0x4a5: {  	v24 =	vld.idx.msk [tilespmem:v7+s3+$0x0], $0xffff  }
0x4a6: {  	v25 =	vld.idx.msk [tilespmem:v7+s31+$0x0], $0xffff  }
0x4a7: {  	v26 =	vld.idx.msk [tilespmem:v7+s1+$0x0], $0xffff  }
0x4a8: {  	v7 =	vld.idx.msk [tilespmem:v7+s0+$0x0], $0xffff  }
0x4a9: {  	v27 =	vld.idx.msk [tilespmem:v13+s3+$0x0], $0xffff  }
0x4aa: {  	v28 =	vld.idx.msk [tilespmem:v13+s31+$0x0], $0xffff  }
0x4ab: {  	v29 =	vld.idx.msk [tilespmem:v13+s1+$0x0], $0xffff  }
0x4ac: {  	v13 =	vld.idx.msk [tilespmem:v13+s0+$0x0], $0xffff  }
0x4ad: {  	v30 =	vld [tilespmem:s13+$0xFFFFFFC0]  }
0x4ae: {  	v31 =	vld [tilespmem:s13+$0xFFFFFFD0]  }
0x4af: {  	v32 =	vld [tilespmem:s13+$0xFFFFFFE0]  }
0x4b0: {  	v33 =	vld [tilespmem:s13+$0xFFFFFFF0]  }
0x4b1: {  	v34 =	vld [tilespmem:s13+$0x0]  }
0x4b2: {  	v8 =	vmul.f32 v8, v30;
	v9 =	vmul.f32 v9, v30;
	v35 =	vld [tilespmem:s13+$0x10]  }
0x4b3: {  	v10 =	vmul.f32 v10, v30;
	v11 =	vmul.f32 v11, v30;
	v30 =	vld [tilespmem:s13+$0x20]  }
0x4b4: {  	v15 =	vmul.f32 v15, v31;
	v16 =	vmul.f32 v16, v31;
	v36 =	vld [tilespmem:s14+$0xFFFFFFC0]  }
0x4b5: {  	v2 =	vmul.f32 v2, v31;
	v3 =	vmul.f32 v3, v31;
	v37 =	vld [tilespmem:s14+$0xFFFFFFD0]  }
0x4b6: {  	v12 =	vmul.f32 v12, v32;
	v14 =	vmul.f32 v14, v32;
	v31 =	vld [tilespmem:s14+$0xFFFFFFE0]  }
0x4b7: {  	v17 =	vmul.f32 v17, v32;
	v4 =	vmul.f32 v4, v32;
	v32 =	vld [tilespmem:s14+$0xFFFFFFF0]  }
0x4b8: {  	v18 =	vmul.f32 v18, v33;
	v19 =	vmul.f32 v19, v33;
	v38 =	vld [tilespmem:s14+$0x0]  }
0x4b9: {  	v20 =	vmul.f32 v20, v33;
	v5 =	vmul.f32 v5, v33;
	v33 =	vld [tilespmem:s14+$0x10]  }
0x4ba: {  	v21 =	vmul.f32 v21, v34;
	v22 =	vmul.f32 v22, v34;
	v39 =	vld [tilespmem:s14+$0x20]  }
0x4bb: {  	v23 =	vmul.f32 v23, v34;
	v6 =	vmul.f32 v6, v34;
	[tilespmem:v0+s15+$0x0] =	vst.idx.add.f32.msk $0xffff, v1  }
0x4bc: {  	[tilespmem:v36+s20+$0x0] =	vst.idx.add.f32.msk $0xffff, v8;
	v8 =	vmul.f32 v24, v35;
	v24 =	vmul.f32 v25, v35  }
0x4bd: {  	v7 =	vmul.f32 v7, v35;
	[tilespmem:v36+s7+$0x0] =	vst.idx.add.f32.msk $0xffff, v9;
	v9 =	vmul.f32 v26, v35  }
0x4be: {  	v25 =	vmul.f32 v28, v30;
	[tilespmem:v36+s11+$0x0] =	vst.idx.add.f32.msk $0xffff, v10;
	v10 =	vmul.f32 v27, v30  }
0x4bf: {  	v1 =	vmul.f32 v13, v30;
	[tilespmem:v36+s15+$0x0] =	vst.idx.add.f32.msk $0xffff, v11;
	v11 =	vmul.f32 v29, v30;
	v0 =	vmov v39  }
0x4c0: {  	[tilespmem:v37+s20+$0x0] =	vst.idx.add.f32.msk $0xffff, v15  }
0x4c1: {  	[tilespmem:v37+s7+$0x0] =	vst.idx.add.f32.msk $0xffff, v16  }
0x4c2: {  	[tilespmem:v37+s11+$0x0] =	vst.idx.add.f32.msk $0xffff, v2  }
0x4c3: {  	[tilespmem:v37+s15+$0x0] =	vst.idx.add.f32.msk $0xffff, v3  }
0x4c4: {  	[tilespmem:v31+s20+$0x0] =	vst.idx.add.f32.msk $0xffff, v12  }
0x4c5: {  	[tilespmem:v31+s7+$0x0] =	vst.idx.add.f32.msk $0xffff, v14  }
0x4c6: {  	[tilespmem:v31+s11+$0x0] =	vst.idx.add.f32.msk $0xffff, v17  }
0x4c7: {  	[tilespmem:v31+s15+$0x0] =	vst.idx.add.f32.msk $0xffff, v4  }
0x4c8: {  	[tilespmem:v32+s20+$0x0] =	vst.idx.add.f32.msk $0xffff, v18  }
0x4c9: {  	[tilespmem:v32+s7+$0x0] =	vst.idx.add.f32.msk $0xffff, v19  }
0x4ca: {  	[tilespmem:v32+s11+$0x0] =	vst.idx.add.f32.msk $0xffff, v20  }
0x4cb: {  	[tilespmem:v32+s15+$0x0] =	vst.idx.add.f32.msk $0xffff, v5  }
0x4cc: {  	[tilespmem:v38+s20+$0x0] =	vst.idx.add.f32.msk $0xffff, v21  }
0x4cd: {  	[tilespmem:v38+s7+$0x0] =	vst.idx.add.f32.msk $0xffff, v22  }
0x4ce: {  	[tilespmem:v38+s11+$0x0] =	vst.idx.add.f32.msk $0xffff, v23  }
0x4cf: {  	[tilespmem:v38+s15+$0x0] =	vst.idx.add.f32.msk $0xffff, v6  }
0x4d0: {  	[tilespmem:v33+s20+$0x0] =	vst.idx.add.f32.msk $0xffff, v8  }
0x4d1: {  	[tilespmem:v33+s7+$0x0] =	vst.idx.add.f32.msk $0xffff, v24  }
.Ltmp7:
0x4d2: {  	[tilespmem:v33+s11+$0x0] =	vst.idx.add.f32.msk $0xffff, v9;
	(pc) =	sbr.rel @p0 .LBB2_17-.Ltmp7, $4  }
0x4d3: {  	[tilespmem:v33+s15+$0x0] =	vst.idx.add.f32.msk $0xffff, v7  }
0x4d4: {  	[tilespmem:v39+s20+$0x0] =	vst.idx.add.f32.msk $0xffff, v10  }
0x4d5: {  	[tilespmem:v39+s7+$0x0] =	vst.idx.add.f32.msk $0xffff, v25  }
0x4d6: {  	s18 =	sadd.s32 $0x80, s18;
	[tilespmem:v39+s11+$0x0] =	vst.idx.add.f32.msk $0xffff, v11  }
0x4d7: {  	_ =	sdelay $0x3  }
0x4d8: {  	[tilespmem:v0+s15+$0x0] =	vst.idx.add.f32.msk $0xffff, v1  }
0x4d9: {  	_ =	swait.ge [sflag:s24], $0x800  }
0x4da: {  	[sflag:s24] =	ssyncset.done $0x0  }
0x4db: {  	s12 =	sadd.s32 $0x1, s12;
	[sflag:s24] =	ssyncadd.s32 $0xFFFFF800  }
0x4dc: {  	p0 =	sne.s32 s12, $0x4F;
	_ =	swait.ge [sflag:s25], $0x800  }
.Ltmp8:
0x4dd: {  	[sflag:s25] =	ssyncset.done $0x0;
	(pc) =	sbr.rel @p0 .LBB2_14-.Ltmp8, $4  }
0x4de: {  	[sflag:s25] =	ssyncadd.s32 $0xFFFFF800  }
0x4df: {  	_ =	swait.ge [sflag:s26], $0x800  }
0x4e0: {  	[sflag:s26] =	ssyncset.done $0x0  }
0x4e1: {  	[sflag:s26] =	ssyncadd.s32 $0xFFFFF800  }
0x4e2: {  	s12 =	simm.s32 $0x0;
	s13 =	simm.s32 $0x80;
	s14 =	simm.s32 $0x400  }
0x4e3: {  	[tilespmem:s12], [sflag:$0x7] =	stream.strided.gather [hbm4b:s6+s13], $0x9C80, s14, s13, $0x38;
	[tilespmem:$0x16900] =	vst v63  }
0x4e4: {  	_ =	swait.ge [sflag:s19], $0x9C80  }
0x4e5: {  	[sflag:s19] =	ssyncset.done $0x0  }
0x4e6: {  	s14 =	rddreg [dreg:$0x5];
	[sflag:s19] =	ssyncadd.s32 $0xFFFF6380  }
0x4e7: {  	[tilespmem:s21], [sflag:$0x1] =	stream.linear.gather [hbm4b:s14+s12], $0x800, $0x38;
	[tilespmem:$0x16900] =	vst v63  }
0x4e8: {  	s17 =	rddreg [dreg:$0x6]  }
0x4e9: {  	[tilespmem:s22], [sflag:$0x2] =	stream.linear.gather [hbm4b:s17+s12], $0x800, $0x38;
	[tilespmem:$0x16900] =	vst v63  }
0x4ea: {  	s18 =	rddreg [dreg:$0x7]  }
0x4eb: {  	[tilespmem:s23], [sflag:$0x3] =	stream.linear.gather [hbm4b:s18+s12], $0x800, $0x38;
	[tilespmem:$0x16900] =	vst v63  }
0x4ec: {  	_ =	swait.ge [sflag:s24], $0x800  }
0x4ed: {  	[sflag:s24] =	ssyncset.done $0x0  }
0x4ee: {  	[sflag:s24] =	ssyncadd.s32 $0xFFFFF800  }
0x4ef: {  	_ =	swait.ge [sflag:s25], $0x800  }
0x4f0: {  	[sflag:s25] =	ssyncset.done $0x0  }
0x4f1: {  	[sflag:s25] =	ssyncadd.s32 $0xFFFFF800  }
0x4f2: {  	_ =	swait.ge [sflag:s26], $0x800  }
0x4f3: {  	[sflag:s26] =	ssyncset.done $0x0  }
0x4f4: {  	[sflag:s26] =	ssyncadd.s32 $0xFFFFF800  }
.LBB2_20:
0x4f5: {  	s13 =	sshll.u32 s12, $0x9  }
0x4f6: {  	s13 =	sadd.s32 $0x9F00, s13  }
0x4f7: {  	s14 =	sadd.s32 s2, s13  }
0x4f8: {  	[tilespmem:s28], [sflag:$0x4] =	stream.linear.gather [hbm4b:s14+s3], $0x800, $0x38;
	[tilespmem:$0x16900] =	vst v63  }
0x4f9: {  	s18 =	sadd.s32 s4, s13  }
0x4fa: {  	[tilespmem:s29], [sflag:$0x5] =	stream.linear.gather [hbm4b:s18+s3], $0x800, $0x38;
	[tilespmem:$0x16900] =	vst v63  }
0x4fb: {  	s17 =	simm.s32 $0x13940;
	s13 =	sadd.s32 s5, s13  }
0x4fc: {  	[tilespmem:s30], [sflag:$0x6] =	stream.linear.gather [hbm4b:s13+s3], $0x800, $0x38;
	[tilespmem:$0x16900] =	vst v63  }
0x4fd: {  	v0 =	vld [tilespmem:s17+$0x30]  }
0x4fe: {  	v1 =	vld [tilespmem:s17+$0xFFFFFFD0]  }
0x4ff: {  	v2 =	vld [tilespmem:s17+$0xFFFFFFE0]  }
0x500: {  	v3 =	vld [tilespmem:s17+$0xFFFFFFF0]  }
0x501: {  	v4 =	vld [tilespmem:s17+$0x0]  }
0x502: {  	s13 =	simm.s32 $0x14940;
	v5 =	vld [tilespmem:s17+$0x10]  }
0x503: {  	s14 =	simm.s32 $0x14140;
	v6 =	vld [tilespmem:s13+$0x30]  }
0x504: {  	v7 =	vld [tilespmem:s14+$0x30]  }
0x505: {  	v11 =	vld [tilespmem:s17+$0x20]  }
0x506: {  	v12 =	vld [tilespmem:s17+$0xFFFFFFC0]  }
0x507: {  	v28 =	vld [tilespmem:s13+$0xFFFFFFC0]  }
0x508: {  	v29 =	vld [tilespmem:s13+$0xFFFFFFD0]  }
0x509: {  	v30 =	vld [tilespmem:s13+$0xFFFFFFE0]  }
0x50a: {  	v31 =	vld [tilespmem:s14+$0xFFFFFFC0]  }
0x50b: {  	v32 =	vld [tilespmem:s13+$0xFFFFFFF0]  }
0x50c: {  	v33 =	vld [tilespmem:s13+$0x0]  }
0x50d: {  	v34 =	vld [tilespmem:s13+$0x10]  }
0x50e: {  	v35 =	vld [tilespmem:s13+$0x20]  }
0x50f: {  	v36 =	vld [tilespmem:s14+$0xFFFFFFD0]  }
0x510: {  	v37 =	vld [tilespmem:s14+$0xFFFFFFE0]  }
0x511: {  	v38 =	vld [tilespmem:s14+$0xFFFFFFF0]  }
0x512: {  	v39 =	vld [tilespmem:s14+$0x0]  }
0x513: {  	v57 =	vld [tilespmem:s14+$0x10]  }
0x514: {  	v8 =	vld.idx.msk [tilespmem:v0+s20+$0x0], $0xffff  }
0x515: {  	v9 =	vld.idx.msk [tilespmem:v0+s7+$0x0], $0xffff  }
0x516: {  	v10 =	vld.idx.msk [tilespmem:v0+s11+$0x0], $0xffff  }
0x517: {  	v0 =	vld.idx.msk [tilespmem:v0+s15+$0x0], $0xffff  }
0x518: {  	v13 =	vld.idx.msk [tilespmem:v1+s20+$0x0], $0xffff  }
0x519: {  	v14 =	vld.idx.msk [tilespmem:v1+s7+$0x0], $0xffff  }
0x51a: {  	v51 =	vld.idx.msk [tilespmem:v1+s11+$0x0], $0xffff  }
0x51b: {  	v52 =	vld.idx.msk [tilespmem:v12+s7+$0x0], $0xffff  }
0x51c: {  	v53 =	vld.idx.msk [tilespmem:v12+s11+$0x0], $0xffff  }
0x51d: {  	v54 =	vld.idx.msk [tilespmem:v12+s15+$0x0], $0xffff  }
0x51e: {  	v1 =	vld.idx.msk [tilespmem:v1+s15+$0x0], $0xffff  }
0x51f: {  	v55 =	vld.idx.msk [tilespmem:v2+s20+$0x0], $0xffff  }
0x520: {  	v56 =	vld.idx.msk [tilespmem:v2+s7+$0x0], $0xffff  }
0x521: {  	v15 =	vld.idx.msk [tilespmem:v2+s11+$0x0], $0xffff  }
0x522: {  	v2 =	vld.idx.msk [tilespmem:v2+s15+$0x0], $0xffff  }
0x523: {  	v16 =	vld.idx.msk [tilespmem:v3+s20+$0x0], $0xffff  }
0x524: {  	v17 =	vld.idx.msk [tilespmem:v3+s7+$0x0], $0xffff  }
0x525: {  	v18 =	vld.idx.msk [tilespmem:v3+s11+$0x0], $0xffff  }
0x526: {  	v3 =	vld.idx.msk [tilespmem:v3+s15+$0x0], $0xffff  }
0x527: {  	v19 =	vld.idx.msk [tilespmem:v4+s20+$0x0], $0xffff  }
0x528: {  	v20 =	vld.idx.msk [tilespmem:v4+s7+$0x0], $0xffff  }
0x529: {  	v21 =	vld.idx.msk [tilespmem:v4+s11+$0x0], $0xffff  }
0x52a: {  	v4 =	vld.idx.msk [tilespmem:v4+s15+$0x0], $0xffff  }
0x52b: {  	v22 =	vld.idx.msk [tilespmem:v5+s20+$0x0], $0xffff  }
0x52c: {  	v23 =	vld.idx.msk [tilespmem:v5+s7+$0x0], $0xffff  }
0x52d: {  	v24 =	vld.idx.msk [tilespmem:v5+s11+$0x0], $0xffff  }
0x52e: {  	v5 =	vld.idx.msk [tilespmem:v5+s15+$0x0], $0xffff  }
0x52f: {  	v25 =	vld.idx.msk [tilespmem:v11+s20+$0x0], $0xffff  }
0x530: {  	v26 =	vld.idx.msk [tilespmem:v11+s7+$0x0], $0xffff  }
0x531: {  	v27 =	vld.idx.msk [tilespmem:v11+s11+$0x0], $0xffff;
	v8 =	vmul.f32 v8, v6  }
0x532: {  	v11 =	vld.idx.msk [tilespmem:v11+s15+$0x0], $0xffff;
	v59 =	vmul.f32 v13, v29  }
0x533: {  	v61 =	vmul.f32 v55, v30;
	[tilespmem:v7+s3+$0x0] =	vst.idx.add.f32.msk $0xffff, v8  }
0x534: {  	v63 =	vmul.f32 v16, v32;
	[tilespmem:v36+s3+$0x0] =	vst.idx.add.f32.msk $0xffff, v59  }
0x535: {  	v9 =	vmul.f32 v9, v6;
	[tilespmem:v37+s3+$0x0] =	vst.idx.add.f32.msk $0xffff, v61  }
0x536: {  	v60 =	vmul.f32 v14, v29;
	[tilespmem:v38+s3+$0x0] =	vst.idx.add.f32.msk $0xffff, v63  }
0x537: {  	v62 =	vmul.f32 v56, v30;
	[tilespmem:v7+s31+$0x0] =	vst.idx.add.f32.msk $0xffff, v9  }
0x538: {  	v50 =	vmul.f32 v10, v6;
	[tilespmem:v36+s31+$0x0] =	vst.idx.add.f32.msk $0xffff, v60  }
0x539: {  	v0 =	vmul.f32 v0, v6;
	v6 =	vmul.f32 v51, v29;
	[tilespmem:v37+s31+$0x0] =	vst.idx.add.f32.msk $0xffff, v62  }
0x53a: {  	[tilespmem:v7+s1+$0x0] =	vst.idx.add.f32.msk $0xffff, v50  }
0x53b: {  	v1 =	vmul.f32 v1, v29;
	[tilespmem:v36+s1+$0x0] =	vst.idx.add.f32.msk $0xffff, v6  }
0x53c: {  	[tilespmem:v7+s0+$0x0] =	vst.idx.add.f32.msk $0xffff, v0  }
0x53d: {  	[tilespmem:v36+s0+$0x0] =	vst.idx.add.f32.msk $0xffff, v1;
	v1 =	vmul.f32 v15, v30  }
0x53e: {  	v2 =	vmul.f32 v2, v30;
	v0 =	vld.idx.msk [tilespmem:v12+s20+$0x0], $0xffff  }
0x53f: {  	[tilespmem:v37+s1+$0x0] =	vst.idx.add.f32.msk $0xffff, v1;
	v1 =	vmul.f32 v17, v32  }
0x540: {  	[tilespmem:v37+s0+$0x0] =	vst.idx.add.f32.msk $0xffff, v2;
	v2 =	vmul.f32 v18, v32  }
0x541: {  	v3 =	vmul.f32 v3, v32;
	[tilespmem:v38+s31+$0x0] =	vst.idx.add.f32.msk $0xffff, v1  }
0x542: {  	v1 =	vmul.f32 v19, v33;
	[tilespmem:v38+s1+$0x0] =	vst.idx.add.f32.msk $0xffff, v2  }
0x543: {  	v0 =	vmul.f32 v0, v28;
	[tilespmem:v38+s0+$0x0] =	vst.idx.add.f32.msk $0xffff, v3  }
0x544: {  	v2 =	vmul.f32 v20, v33;
	[tilespmem:v39+s3+$0x0] =	vst.idx.add.f32.msk $0xffff, v1  }
0x545: {  	v7 =	vmul.f32 v52, v28;
	[tilespmem:v31+s3+$0x0] =	vst.idx.add.f32.msk $0xffff, v0  }
0x546: {  	v0 =	vmul.f32 v53, v28;
	[tilespmem:v39+s31+$0x0] =	vst.idx.add.f32.msk $0xffff, v2  }
0x547: {  	[tilespmem:v31+s31+$0x0] =	vst.idx.add.f32.msk $0xffff, v7  }
0x548: {  	v3 =	vmul.f32 v21, v33;
	[tilespmem:v31+s1+$0x0] =	vst.idx.add.f32.msk $0xffff, v0  }
0x549: {  	v1 =	vmul.f32 v4, v33;
	v0 =	vld [tilespmem:s14+$0x20]  }
0x54a: {  	v2 =	vmul.f32 v22, v34;
	[tilespmem:v39+s1+$0x0] =	vst.idx.add.f32.msk $0xffff, v3  }
0x54b: {  	v58 =	vmul.f32 v54, v28;
	[tilespmem:v39+s0+$0x0] =	vst.idx.add.f32.msk $0xffff, v1  }
0x54c: {  	v3 =	vmul.f32 v23, v34;
	[tilespmem:v57+s3+$0x0] =	vst.idx.add.f32.msk $0xffff, v2  }
0x54d: {  	v1 =	vmul.f32 v24, v34;
	[tilespmem:v31+s0+$0x0] =	vst.idx.add.f32.msk $0xffff, v58  }
0x54e: {  	v2 =	vmul.f32 v5, v34;
	[tilespmem:v57+s31+$0x0] =	vst.idx.add.f32.msk $0xffff, v3  }
0x54f: {  	v3 =	vmul.f32 v25, v35;
	[tilespmem:v57+s1+$0x0] =	vst.idx.add.f32.msk $0xffff, v1  }
0x550: {  	v1 =	vmul.f32 v26, v35;
	[tilespmem:v57+s0+$0x0] =	vst.idx.add.f32.msk $0xffff, v2  }
0x551: {  	v2 =	vmul.f32 v27, v35;
	[tilespmem:v0+s3+$0x0] =	vst.idx.add.f32.msk $0xffff, v3  }
0x552: {  	[tilespmem:v0+s31+$0x0] =	vst.idx.add.f32.msk $0xffff, v1  }
0x553: {  	s18 =	simm.s32 $0x139C0;
	s17 =	simm.s32 $0x0;
	v1 =	vmul.f32 v11, v35;
	[tilespmem:v0+s1+$0x0] =	vst.idx.add.f32.msk $0xffff, v2  }
.LBB2_21:
0x554: {  	v2 =	vld [tilespmem:s18+$0x30]  }
0x555: {  	v3 =	vld [tilespmem:s18+$0xFFFFFFD0]  }
0x556: {  	v4 =	vld [tilespmem:s18+$0xFFFFFFE0]  }
0x557: {  	s17 =	sadd.s32 $0x8, s17;
	v5 =	vld [tilespmem:s18+$0xFFFFFFF0]  }
0x558: {  	p0 =	slt.u32 s17, $0x78;
	v6 =	vld [tilespmem:s18+$0x0]  }
0x559: {  	s13 =	sadd.s32 $0x80, s13;
	v7 =	vld [tilespmem:s18+$0x10]  }
0x55a: {  	s14 =	sadd.s32 $0x80, s14;
	v8 =	vld [tilespmem:s13+$0x30]  }
0x55b: {  	v9 =	vld [tilespmem:s14+$0x30]  }
0x55c: {  	v10 =	vld.idx.msk [tilespmem:v2+s20+$0x0], $0xffff  }
0x55d: {  	v11 =	vld.idx.msk [tilespmem:v2+s7+$0x0], $0xffff  }
0x55e: {  	v12 =	vld.idx.msk [tilespmem:v2+s11+$0x0], $0xffff  }
0x55f: {  	v2 =	vld.idx.msk [tilespmem:v2+s15+$0x0], $0xffff  }
0x560: {  	v13 =	vld [tilespmem:s18+$0x20]  }
0x561: {  	v14 =	vld [tilespmem:s18+$0xFFFFFFC0]  }
0x562: {  	v10 =	vmul.f32 v10, v8;
	v15 =	vld.idx.msk [tilespmem:v3+s20+$0x0], $0xffff  }
0x563: {  	v11 =	vmul.f32 v11, v8;
	v16 =	vld.idx.msk [tilespmem:v3+s7+$0x0], $0xffff  }
0x564: {  	[tilespmem:v9+s3+$0x0] =	vst.idx.add.f32.msk $0xffff, v10;
	v10 =	vmul.f32 v12, v8  }
0x565: {  	v2 =	vmul.f32 v2, v8;
	[tilespmem:v9+s31+$0x0] =	vst.idx.add.f32.msk $0xffff, v11  }
0x566: {  	[tilespmem:v9+s1+$0x0] =	vst.idx.add.f32.msk $0xffff, v10  }
0x567: {  	[tilespmem:v9+s0+$0x0] =	vst.idx.add.f32.msk $0xffff, v2  }
0x568: {  	v2 =	vld.idx.msk [tilespmem:v3+s11+$0x0], $0xffff  }
0x569: {  	v8 =	vld.idx.msk [tilespmem:v14+s20+$0x0], $0xffff  }
0x56a: {  	v9 =	vld.idx.msk [tilespmem:v14+s7+$0x0], $0xffff  }
0x56b: {  	v10 =	vld.idx.msk [tilespmem:v14+s11+$0x0], $0xffff  }
0x56c: {  	v11 =	vld.idx.msk [tilespmem:v14+s15+$0x0], $0xffff  }
0x56d: {  	v3 =	vld.idx.msk [tilespmem:v3+s15+$0x0], $0xffff  }
0x56e: {  	v12 =	vld.idx.msk [tilespmem:v4+s20+$0x0], $0xffff  }
0x56f: {  	v14 =	vld.idx.msk [tilespmem:v4+s7+$0x0], $0xffff  }
0x570: {  	v17 =	vld.idx.msk [tilespmem:v4+s11+$0x0], $0xffff  }
0x571: {  	v4 =	vld.idx.msk [tilespmem:v4+s15+$0x0], $0xffff  }
0x572: {  	v18 =	vld.idx.msk [tilespmem:v5+s20+$0x0], $0xffff  }
0x573: {  	v19 =	vld.idx.msk [tilespmem:v5+s7+$0x0], $0xffff  }
0x574: {  	v20 =	vld.idx.msk [tilespmem:v5+s11+$0x0], $0xffff  }
0x575: {  	v5 =	vld.idx.msk [tilespmem:v5+s15+$0x0], $0xffff  }
0x576: {  	v21 =	vld.idx.msk [tilespmem:v6+s20+$0x0], $0xffff  }
0x577: {  	v22 =	vld.idx.msk [tilespmem:v6+s7+$0x0], $0xffff  }
0x578: {  	v23 =	vld.idx.msk [tilespmem:v6+s11+$0x0], $0xffff  }
0x579: {  	v6 =	vld.idx.msk [tilespmem:v6+s15+$0x0], $0xffff  }
0x57a: {  	v24 =	vld.idx.msk [tilespmem:v7+s20+$0x0], $0xffff  }
0x57b: {  	v25 =	vld.idx.msk [tilespmem:v7+s7+$0x0], $0xffff  }
0x57c: {  	v26 =	vld.idx.msk [tilespmem:v7+s11+$0x0], $0xffff  }
0x57d: {  	v7 =	vld.idx.msk [tilespmem:v7+s15+$0x0], $0xffff  }
0x57e: {  	v27 =	vld.idx.msk [tilespmem:v13+s20+$0x0], $0xffff  }
0x57f: {  	v28 =	vld.idx.msk [tilespmem:v13+s7+$0x0], $0xffff  }
0x580: {  	v29 =	vld.idx.msk [tilespmem:v13+s11+$0x0], $0xffff  }
0x581: {  	v13 =	vld.idx.msk [tilespmem:v13+s15+$0x0], $0xffff  }
0x582: {  	v30 =	vld [tilespmem:s13+$0xFFFFFFC0]  }
0x583: {  	v31 =	vld [tilespmem:s13+$0xFFFFFFD0]  }
0x584: {  	v32 =	vld [tilespmem:s13+$0xFFFFFFE0]  }
0x585: {  	v33 =	vld [tilespmem:s13+$0xFFFFFFF0]  }
0x586: {  	v34 =	vld [tilespmem:s13+$0x0]  }
0x587: {  	v8 =	vmul.f32 v8, v30;
	v9 =	vmul.f32 v9, v30;
	v35 =	vld [tilespmem:s13+$0x10]  }
0x588: {  	v10 =	vmul.f32 v10, v30;
	v11 =	vmul.f32 v11, v30;
	v30 =	vld [tilespmem:s13+$0x20]  }
0x589: {  	v15 =	vmul.f32 v15, v31;
	v16 =	vmul.f32 v16, v31;
	v36 =	vld [tilespmem:s14+$0xFFFFFFC0]  }
0x58a: {  	v2 =	vmul.f32 v2, v31;
	v3 =	vmul.f32 v3, v31;
	v37 =	vld [tilespmem:s14+$0xFFFFFFD0]  }
0x58b: {  	v12 =	vmul.f32 v12, v32;
	v14 =	vmul.f32 v14, v32;
	v31 =	vld [tilespmem:s14+$0xFFFFFFE0]  }
0x58c: {  	v17 =	vmul.f32 v17, v32;
	v4 =	vmul.f32 v4, v32;
	v32 =	vld [tilespmem:s14+$0xFFFFFFF0]  }
0x58d: {  	v18 =	vmul.f32 v18, v33;
	v19 =	vmul.f32 v19, v33;
	v38 =	vld [tilespmem:s14+$0x0]  }
0x58e: {  	v20 =	vmul.f32 v20, v33;
	v5 =	vmul.f32 v5, v33;
	v33 =	vld [tilespmem:s14+$0x10]  }
0x58f: {  	v21 =	vmul.f32 v21, v34;
	v22 =	vmul.f32 v22, v34;
	v39 =	vld [tilespmem:s14+$0x20]  }
0x590: {  	v23 =	vmul.f32 v23, v34;
	v6 =	vmul.f32 v6, v34;
	[tilespmem:v0+s0+$0x0] =	vst.idx.add.f32.msk $0xffff, v1  }
0x591: {  	[tilespmem:v36+s3+$0x0] =	vst.idx.add.f32.msk $0xffff, v8;
	v8 =	vmul.f32 v24, v35;
	v24 =	vmul.f32 v25, v35  }
0x592: {  	v7 =	vmul.f32 v7, v35;
	[tilespmem:v36+s31+$0x0] =	vst.idx.add.f32.msk $0xffff, v9;
	v9 =	vmul.f32 v26, v35  }
0x593: {  	v25 =	vmul.f32 v28, v30;
	[tilespmem:v36+s1+$0x0] =	vst.idx.add.f32.msk $0xffff, v10;
	v10 =	vmul.f32 v27, v30  }
0x594: {  	v1 =	vmul.f32 v13, v30;
	[tilespmem:v36+s0+$0x0] =	vst.idx.add.f32.msk $0xffff, v11;
	v11 =	vmul.f32 v29, v30;
	v0 =	vmov v39  }
0x595: {  	[tilespmem:v37+s3+$0x0] =	vst.idx.add.f32.msk $0xffff, v15  }
0x596: {  	[tilespmem:v37+s31+$0x0] =	vst.idx.add.f32.msk $0xffff, v16  }
0x597: {  	[tilespmem:v37+s1+$0x0] =	vst.idx.add.f32.msk $0xffff, v2  }
0x598: {  	[tilespmem:v37+s0+$0x0] =	vst.idx.add.f32.msk $0xffff, v3  }
0x599: {  	[tilespmem:v31+s3+$0x0] =	vst.idx.add.f32.msk $0xffff, v12  }
0x59a: {  	[tilespmem:v31+s31+$0x0] =	vst.idx.add.f32.msk $0xffff, v14  }
0x59b: {  	[tilespmem:v31+s1+$0x0] =	vst.idx.add.f32.msk $0xffff, v17  }
0x59c: {  	[tilespmem:v31+s0+$0x0] =	vst.idx.add.f32.msk $0xffff, v4  }
0x59d: {  	[tilespmem:v32+s3+$0x0] =	vst.idx.add.f32.msk $0xffff, v18  }
0x59e: {  	[tilespmem:v32+s31+$0x0] =	vst.idx.add.f32.msk $0xffff, v19  }
0x59f: {  	[tilespmem:v32+s1+$0x0] =	vst.idx.add.f32.msk $0xffff, v20  }
0x5a0: {  	[tilespmem:v32+s0+$0x0] =	vst.idx.add.f32.msk $0xffff, v5  }
0x5a1: {  	[tilespmem:v38+s3+$0x0] =	vst.idx.add.f32.msk $0xffff, v21  }
0x5a2: {  	[tilespmem:v38+s31+$0x0] =	vst.idx.add.f32.msk $0xffff, v22  }
0x5a3: {  	[tilespmem:v38+s1+$0x0] =	vst.idx.add.f32.msk $0xffff, v23  }
0x5a4: {  	[tilespmem:v38+s0+$0x0] =	vst.idx.add.f32.msk $0xffff, v6  }
0x5a5: {  	[tilespmem:v33+s3+$0x0] =	vst.idx.add.f32.msk $0xffff, v8  }
0x5a6: {  	[tilespmem:v33+s31+$0x0] =	vst.idx.add.f32.msk $0xffff, v24  }
.Ltmp9:
0x5a7: {  	[tilespmem:v33+s1+$0x0] =	vst.idx.add.f32.msk $0xffff, v9;
	(pc) =	sbr.rel @p0 .LBB2_21-.Ltmp9, $4  }
0x5a8: {  	[tilespmem:v33+s0+$0x0] =	vst.idx.add.f32.msk $0xffff, v7  }
0x5a9: {  	[tilespmem:v39+s3+$0x0] =	vst.idx.add.f32.msk $0xffff, v10  }
0x5aa: {  	[tilespmem:v39+s31+$0x0] =	vst.idx.add.f32.msk $0xffff, v25  }
0x5ab: {  	s18 =	sadd.s32 $0x80, s18;
	[tilespmem:v39+s1+$0x0] =	vst.idx.add.f32.msk $0xffff, v11  }
0x5ac: {  	_ =	sdelay $0x3  }
0x5ad: {  	[tilespmem:v0+s0+$0x0] =	vst.idx.add.f32.msk $0xffff, v1  }
0x5ae: {  	_ =	swait.ge [sflag:s16], $0x800  }
0x5af: {  	[sflag:s16] =	ssyncset.done $0x0  }
0x5b0: {  	[sflag:s16] =	ssyncadd.s32 $0xFFFFF800  }
0x5b1: {  	_ =	swait.ge [sflag:s8], $0x800  }
0x5b2: {  	s13 =	sshll.u32 s12, $0x1;
	[sflag:s8] =	ssyncset.done $0x0  }
0x5b3: {  	s13 =	smin.u32 s13, $0x9B;
	[sflag:s8] =	ssyncadd.s32 $0xFFFFF800  }
0x5b4: {  	s13 =	sshll.u32 s13, $0x8;
	_ =	swait.ge [sflag:s9], $0x800  }
0x5b5: {  	s13 =	sadd.s32 $0xA000, s13;
	[sflag:s9] =	ssyncset.done $0x0  }
0x5b6: {  	s14 =	sadd.s32 s2, s13;
	[sflag:s9] =	ssyncadd.s32 $0xFFFFF800  }
0x5b7: {  	[tilespmem:s21], [sflag:$0x1] =	stream.linear.gather [hbm4b:s14+s3], $0x800, $0x38;
	[tilespmem:$0x16900] =	vst v63  }
0x5b8: {  	s18 =	sadd.s32 s4, s13  }
0x5b9: {  	[tilespmem:s22], [sflag:$0x2] =	stream.linear.gather [hbm4b:s18+s3], $0x800, $0x38;
	[tilespmem:$0x16900] =	vst v63  }
0x5ba: {  	s17 =	simm.s32 $0x15140;
	s13 =	sadd.s32 s5, s13  }
0x5bb: {  	[tilespmem:s23], [sflag:$0x3] =	stream.linear.gather [hbm4b:s13+s3], $0x800, $0x38;
	[tilespmem:$0x16900] =	vst v63  }
0x5bc: {  	v0 =	vld [tilespmem:s17+$0x30]  }
0x5bd: {  	v1 =	vld [tilespmem:s17+$0xFFFFFFD0]  }
0x5be: {  	v2 =	vld [tilespmem:s17+$0xFFFFFFE0]  }
0x5bf: {  	v3 =	vld [tilespmem:s17+$0xFFFFFFF0]  }
0x5c0: {  	v4 =	vld [tilespmem:s17+$0x0]  }
0x5c1: {  	s13 =	simm.s32 $0x16140;
	v5 =	vld [tilespmem:s17+$0x10]  }
0x5c2: {  	s14 =	simm.s32 $0x15940;
	v6 =	vld [tilespmem:s13+$0x30]  }
0x5c3: {  	v7 =	vld [tilespmem:s14+$0x30]  }
0x5c4: {  	v11 =	vld [tilespmem:s17+$0x20]  }
0x5c5: {  	v12 =	vld [tilespmem:s17+$0xFFFFFFC0]  }
0x5c6: {  	v28 =	vld [tilespmem:s13+$0xFFFFFFC0]  }
0x5c7: {  	v29 =	vld [tilespmem:s13+$0xFFFFFFD0]  }
0x5c8: {  	v30 =	vld [tilespmem:s13+$0xFFFFFFE0]  }
0x5c9: {  	v31 =	vld [tilespmem:s14+$0xFFFFFFC0]  }
0x5ca: {  	v32 =	vld [tilespmem:s13+$0xFFFFFFF0]  }
0x5cb: {  	v33 =	vld [tilespmem:s13+$0x0]  }
0x5cc: {  	v34 =	vld [tilespmem:s13+$0x10]  }
0x5cd: {  	v35 =	vld [tilespmem:s13+$0x20]  }
0x5ce: {  	v36 =	vld [tilespmem:s14+$0xFFFFFFD0]  }
0x5cf: {  	v37 =	vld [tilespmem:s14+$0xFFFFFFE0]  }
0x5d0: {  	v38 =	vld [tilespmem:s14+$0xFFFFFFF0]  }
0x5d1: {  	v39 =	vld [tilespmem:s14+$0x0]  }
0x5d2: {  	v57 =	vld [tilespmem:s14+$0x10]  }
0x5d3: {  	v8 =	vld.idx.msk [tilespmem:v0+s20+$0x0], $0xffff  }
0x5d4: {  	v9 =	vld.idx.msk [tilespmem:v0+s7+$0x0], $0xffff  }
0x5d5: {  	v10 =	vld.idx.msk [tilespmem:v0+s11+$0x0], $0xffff  }
0x5d6: {  	v0 =	vld.idx.msk [tilespmem:v0+s15+$0x0], $0xffff  }
0x5d7: {  	v13 =	vld.idx.msk [tilespmem:v1+s20+$0x0], $0xffff  }
0x5d8: {  	v14 =	vld.idx.msk [tilespmem:v1+s7+$0x0], $0xffff  }
0x5d9: {  	v51 =	vld.idx.msk [tilespmem:v1+s11+$0x0], $0xffff  }
0x5da: {  	v52 =	vld.idx.msk [tilespmem:v12+s7+$0x0], $0xffff  }
0x5db: {  	v53 =	vld.idx.msk [tilespmem:v12+s11+$0x0], $0xffff  }
0x5dc: {  	v54 =	vld.idx.msk [tilespmem:v12+s15+$0x0], $0xffff  }
0x5dd: {  	v1 =	vld.idx.msk [tilespmem:v1+s15+$0x0], $0xffff  }
0x5de: {  	v55 =	vld.idx.msk [tilespmem:v2+s20+$0x0], $0xffff  }
0x5df: {  	v56 =	vld.idx.msk [tilespmem:v2+s7+$0x0], $0xffff  }
0x5e0: {  	v15 =	vld.idx.msk [tilespmem:v2+s11+$0x0], $0xffff  }
0x5e1: {  	v2 =	vld.idx.msk [tilespmem:v2+s15+$0x0], $0xffff  }
0x5e2: {  	v16 =	vld.idx.msk [tilespmem:v3+s20+$0x0], $0xffff  }
0x5e3: {  	v17 =	vld.idx.msk [tilespmem:v3+s7+$0x0], $0xffff  }
0x5e4: {  	v18 =	vld.idx.msk [tilespmem:v3+s11+$0x0], $0xffff  }
0x5e5: {  	v3 =	vld.idx.msk [tilespmem:v3+s15+$0x0], $0xffff  }
0x5e6: {  	v19 =	vld.idx.msk [tilespmem:v4+s20+$0x0], $0xffff  }
0x5e7: {  	v20 =	vld.idx.msk [tilespmem:v4+s7+$0x0], $0xffff  }
0x5e8: {  	v21 =	vld.idx.msk [tilespmem:v4+s11+$0x0], $0xffff  }
0x5e9: {  	v4 =	vld.idx.msk [tilespmem:v4+s15+$0x0], $0xffff  }
0x5ea: {  	v22 =	vld.idx.msk [tilespmem:v5+s20+$0x0], $0xffff  }
0x5eb: {  	v23 =	vld.idx.msk [tilespmem:v5+s7+$0x0], $0xffff  }
0x5ec: {  	v24 =	vld.idx.msk [tilespmem:v5+s11+$0x0], $0xffff  }
0x5ed: {  	v5 =	vld.idx.msk [tilespmem:v5+s15+$0x0], $0xffff  }
0x5ee: {  	v25 =	vld.idx.msk [tilespmem:v11+s20+$0x0], $0xffff  }
0x5ef: {  	v26 =	vld.idx.msk [tilespmem:v11+s7+$0x0], $0xffff  }
0x5f0: {  	v27 =	vld.idx.msk [tilespmem:v11+s11+$0x0], $0xffff;
	v8 =	vmul.f32 v8, v6  }
0x5f1: {  	v11 =	vld.idx.msk [tilespmem:v11+s15+$0x0], $0xffff;
	v59 =	vmul.f32 v13, v29  }
0x5f2: {  	v61 =	vmul.f32 v55, v30;
	[tilespmem:v7+s3+$0x0] =	vst.idx.add.f32.msk $0xffff, v8  }
0x5f3: {  	v63 =	vmul.f32 v16, v32;
	[tilespmem:v36+s3+$0x0] =	vst.idx.add.f32.msk $0xffff, v59  }
0x5f4: {  	v9 =	vmul.f32 v9, v6;
	[tilespmem:v37+s3+$0x0] =	vst.idx.add.f32.msk $0xffff, v61  }
0x5f5: {  	v60 =	vmul.f32 v14, v29;
	[tilespmem:v38+s3+$0x0] =	vst.idx.add.f32.msk $0xffff, v63  }
0x5f6: {  	v62 =	vmul.f32 v56, v30;
	[tilespmem:v7+s31+$0x0] =	vst.idx.add.f32.msk $0xffff, v9  }
0x5f7: {  	v50 =	vmul.f32 v10, v6;
	[tilespmem:v36+s31+$0x0] =	vst.idx.add.f32.msk $0xffff, v60  }
0x5f8: {  	v0 =	vmul.f32 v0, v6;
	v6 =	vmul.f32 v51, v29;
	[tilespmem:v37+s31+$0x0] =	vst.idx.add.f32.msk $0xffff, v62  }
0x5f9: {  	[tilespmem:v7+s1+$0x0] =	vst.idx.add.f32.msk $0xffff, v50  }
0x5fa: {  	v1 =	vmul.f32 v1, v29;
	[tilespmem:v36+s1+$0x0] =	vst.idx.add.f32.msk $0xffff, v6  }
0x5fb: {  	[tilespmem:v7+s0+$0x0] =	vst.idx.add.f32.msk $0xffff, v0  }
0x5fc: {  	[tilespmem:v36+s0+$0x0] =	vst.idx.add.f32.msk $0xffff, v1;
	v1 =	vmul.f32 v15, v30  }
0x5fd: {  	v2 =	vmul.f32 v2, v30;
	v0 =	vld.idx.msk [tilespmem:v12+s20+$0x0], $0xffff  }
0x5fe: {  	[tilespmem:v37+s1+$0x0] =	vst.idx.add.f32.msk $0xffff, v1;
	v1 =	vmul.f32 v17, v32  }
0x5ff: {  	[tilespmem:v37+s0+$0x0] =	vst.idx.add.f32.msk $0xffff, v2;
	v2 =	vmul.f32 v18, v32  }
0x600: {  	v3 =	vmul.f32 v3, v32;
	[tilespmem:v38+s31+$0x0] =	vst.idx.add.f32.msk $0xffff, v1  }
0x601: {  	v1 =	vmul.f32 v19, v33;
	[tilespmem:v38+s1+$0x0] =	vst.idx.add.f32.msk $0xffff, v2  }
0x602: {  	v0 =	vmul.f32 v0, v28;
	[tilespmem:v38+s0+$0x0] =	vst.idx.add.f32.msk $0xffff, v3  }
0x603: {  	v2 =	vmul.f32 v20, v33;
	[tilespmem:v39+s3+$0x0] =	vst.idx.add.f32.msk $0xffff, v1  }
0x604: {  	v7 =	vmul.f32 v52, v28;
	[tilespmem:v31+s3+$0x0] =	vst.idx.add.f32.msk $0xffff, v0  }
0x605: {  	v0 =	vmul.f32 v53, v28;
	[tilespmem:v39+s31+$0x0] =	vst.idx.add.f32.msk $0xffff, v2  }
0x606: {  	[tilespmem:v31+s31+$0x0] =	vst.idx.add.f32.msk $0xffff, v7  }
0x607: {  	v3 =	vmul.f32 v21, v33;
	[tilespmem:v31+s1+$0x0] =	vst.idx.add.f32.msk $0xffff, v0  }
0x608: {  	v1 =	vmul.f32 v4, v33;
	v0 =	vld [tilespmem:s14+$0x20]  }
0x609: {  	v2 =	vmul.f32 v22, v34;
	[tilespmem:v39+s1+$0x0] =	vst.idx.add.f32.msk $0xffff, v3  }
0x60a: {  	v58 =	vmul.f32 v54, v28;
	[tilespmem:v39+s0+$0x0] =	vst.idx.add.f32.msk $0xffff, v1  }
0x60b: {  	v3 =	vmul.f32 v23, v34;
	[tilespmem:v57+s3+$0x0] =	vst.idx.add.f32.msk $0xffff, v2  }
0x60c: {  	v1 =	vmul.f32 v24, v34;
	[tilespmem:v31+s0+$0x0] =	vst.idx.add.f32.msk $0xffff, v58  }
0x60d: {  	v2 =	vmul.f32 v5, v34;
	[tilespmem:v57+s31+$0x0] =	vst.idx.add.f32.msk $0xffff, v3  }
0x60e: {  	v3 =	vmul.f32 v25, v35;
	[tilespmem:v57+s1+$0x0] =	vst.idx.add.f32.msk $0xffff, v1  }
0x60f: {  	v1 =	vmul.f32 v26, v35;
	[tilespmem:v57+s0+$0x0] =	vst.idx.add.f32.msk $0xffff, v2  }
0x610: {  	v2 =	vmul.f32 v27, v35;
	[tilespmem:v0+s3+$0x0] =	vst.idx.add.f32.msk $0xffff, v3  }
0x611: {  	[tilespmem:v0+s31+$0x0] =	vst.idx.add.f32.msk $0xffff, v1  }
0x612: {  	s18 =	simm.s32 $0x151C0;
	s17 =	simm.s32 $0x0;
	v1 =	vmul.f32 v11, v35;
	[tilespmem:v0+s1+$0x0] =	vst.idx.add.f32.msk $0xffff, v2  }
.LBB2_23:
0x613: {  	v2 =	vld [tilespmem:s18+$0x30]  }
0x614: {  	v3 =	vld [tilespmem:s18+$0xFFFFFFD0]  }
0x615: {  	v4 =	vld [tilespmem:s18+$0xFFFFFFE0]  }
0x616: {  	s17 =	sadd.s32 $0x8, s17;
	v5 =	vld [tilespmem:s18+$0xFFFFFFF0]  }
0x617: {  	p0 =	slt.u32 s17, $0x78;
	v6 =	vld [tilespmem:s18+$0x0]  }
0x618: {  	s13 =	sadd.s32 $0x80, s13;
	v7 =	vld [tilespmem:s18+$0x10]  }
0x619: {  	s14 =	sadd.s32 $0x80, s14;
	v8 =	vld [tilespmem:s13+$0x30]  }
0x61a: {  	v9 =	vld [tilespmem:s14+$0x30]  }
0x61b: {  	v10 =	vld.idx.msk [tilespmem:v2+s20+$0x0], $0xffff  }
0x61c: {  	v11 =	vld.idx.msk [tilespmem:v2+s7+$0x0], $0xffff  }
0x61d: {  	v12 =	vld.idx.msk [tilespmem:v2+s11+$0x0], $0xffff  }
0x61e: {  	v2 =	vld.idx.msk [tilespmem:v2+s15+$0x0], $0xffff  }
0x61f: {  	v13 =	vld [tilespmem:s18+$0x20]  }
0x620: {  	v14 =	vld [tilespmem:s18+$0xFFFFFFC0]  }
0x621: {  	v10 =	vmul.f32 v10, v8;
	v15 =	vld.idx.msk [tilespmem:v3+s20+$0x0], $0xffff  }
0x622: {  	v11 =	vmul.f32 v11, v8;
	v16 =	vld.idx.msk [tilespmem:v3+s7+$0x0], $0xffff  }
0x623: {  	[tilespmem:v9+s3+$0x0] =	vst.idx.add.f32.msk $0xffff, v10;
	v10 =	vmul.f32 v12, v8  }
0x624: {  	v2 =	vmul.f32 v2, v8;
	[tilespmem:v9+s31+$0x0] =	vst.idx.add.f32.msk $0xffff, v11  }
0x625: {  	[tilespmem:v9+s1+$0x0] =	vst.idx.add.f32.msk $0xffff, v10  }
0x626: {  	[tilespmem:v9+s0+$0x0] =	vst.idx.add.f32.msk $0xffff, v2  }
0x627: {  	v2 =	vld.idx.msk [tilespmem:v3+s11+$0x0], $0xffff  }
0x628: {  	v8 =	vld.idx.msk [tilespmem:v14+s20+$0x0], $0xffff  }
0x629: {  	v9 =	vld.idx.msk [tilespmem:v14+s7+$0x0], $0xffff  }
0x62a: {  	v10 =	vld.idx.msk [tilespmem:v14+s11+$0x0], $0xffff  }
0x62b: {  	v11 =	vld.idx.msk [tilespmem:v14+s15+$0x0], $0xffff  }
0x62c: {  	v3 =	vld.idx.msk [tilespmem:v3+s15+$0x0], $0xffff  }
0x62d: {  	v12 =	vld.idx.msk [tilespmem:v4+s20+$0x0], $0xffff  }
0x62e: {  	v14 =	vld.idx.msk [tilespmem:v4+s7+$0x0], $0xffff  }
0x62f: {  	v17 =	vld.idx.msk [tilespmem:v4+s11+$0x0], $0xffff  }
0x630: {  	v4 =	vld.idx.msk [tilespmem:v4+s15+$0x0], $0xffff  }
0x631: {  	v18 =	vld.idx.msk [tilespmem:v5+s20+$0x0], $0xffff  }
0x632: {  	v19 =	vld.idx.msk [tilespmem:v5+s7+$0x0], $0xffff  }
0x633: {  	v20 =	vld.idx.msk [tilespmem:v5+s11+$0x0], $0xffff  }
0x634: {  	v5 =	vld.idx.msk [tilespmem:v5+s15+$0x0], $0xffff  }
0x635: {  	v21 =	vld.idx.msk [tilespmem:v6+s20+$0x0], $0xffff  }
0x636: {  	v22 =	vld.idx.msk [tilespmem:v6+s7+$0x0], $0xffff  }
0x637: {  	v23 =	vld.idx.msk [tilespmem:v6+s11+$0x0], $0xffff  }
0x638: {  	v6 =	vld.idx.msk [tilespmem:v6+s15+$0x0], $0xffff  }
0x639: {  	v24 =	vld.idx.msk [tilespmem:v7+s20+$0x0], $0xffff  }
0x63a: {  	v25 =	vld.idx.msk [tilespmem:v7+s7+$0x0], $0xffff  }
0x63b: {  	v26 =	vld.idx.msk [tilespmem:v7+s11+$0x0], $0xffff  }
0x63c: {  	v7 =	vld.idx.msk [tilespmem:v7+s15+$0x0], $0xffff  }
0x63d: {  	v27 =	vld.idx.msk [tilespmem:v13+s20+$0x0], $0xffff  }
0x63e: {  	v28 =	vld.idx.msk [tilespmem:v13+s7+$0x0], $0xffff  }
0x63f: {  	v29 =	vld.idx.msk [tilespmem:v13+s11+$0x0], $0xffff  }
0x640: {  	v13 =	vld.idx.msk [tilespmem:v13+s15+$0x0], $0xffff  }
0x641: {  	v30 =	vld [tilespmem:s13+$0xFFFFFFC0]  }
0x642: {  	v31 =	vld [tilespmem:s13+$0xFFFFFFD0]  }
0x643: {  	v32 =	vld [tilespmem:s13+$0xFFFFFFE0]  }
0x644: {  	v33 =	vld [tilespmem:s13+$0xFFFFFFF0]  }
0x645: {  	v34 =	vld [tilespmem:s13+$0x0]  }
0x646: {  	v8 =	vmul.f32 v8, v30;
	v9 =	vmul.f32 v9, v30;
	v35 =	vld [tilespmem:s13+$0x10]  }
0x647: {  	v10 =	vmul.f32 v10, v30;
	v11 =	vmul.f32 v11, v30;
	v30 =	vld [tilespmem:s13+$0x20]  }
0x648: {  	v15 =	vmul.f32 v15, v31;
	v16 =	vmul.f32 v16, v31;
	v36 =	vld [tilespmem:s14+$0xFFFFFFC0]  }
0x649: {  	v2 =	vmul.f32 v2, v31;
	v3 =	vmul.f32 v3, v31;
	v37 =	vld [tilespmem:s14+$0xFFFFFFD0]  }
0x64a: {  	v12 =	vmul.f32 v12, v32;
	v14 =	vmul.f32 v14, v32;
	v31 =	vld [tilespmem:s14+$0xFFFFFFE0]  }
0x64b: {  	v17 =	vmul.f32 v17, v32;
	v4 =	vmul.f32 v4, v32;
	v32 =	vld [tilespmem:s14+$0xFFFFFFF0]  }
0x64c: {  	v18 =	vmul.f32 v18, v33;
	v19 =	vmul.f32 v19, v33;
	v38 =	vld [tilespmem:s14+$0x0]  }
0x64d: {  	v20 =	vmul.f32 v20, v33;
	v5 =	vmul.f32 v5, v33;
	v33 =	vld [tilespmem:s14+$0x10]  }
0x64e: {  	v21 =	vmul.f32 v21, v34;
	v22 =	vmul.f32 v22, v34;
	v39 =	vld [tilespmem:s14+$0x20]  }
0x64f: {  	v23 =	vmul.f32 v23, v34;
	v6 =	vmul.f32 v6, v34;
	[tilespmem:v0+s0+$0x0] =	vst.idx.add.f32.msk $0xffff, v1  }
0x650: {  	[tilespmem:v36+s3+$0x0] =	vst.idx.add.f32.msk $0xffff, v8;
	v8 =	vmul.f32 v24, v35;
	v24 =	vmul.f32 v25, v35  }
0x651: {  	v7 =	vmul.f32 v7, v35;
	[tilespmem:v36+s31+$0x0] =	vst.idx.add.f32.msk $0xffff, v9;
	v9 =	vmul.f32 v26, v35  }
0x652: {  	v25 =	vmul.f32 v28, v30;
	[tilespmem:v36+s1+$0x0] =	vst.idx.add.f32.msk $0xffff, v10;
	v10 =	vmul.f32 v27, v30  }
0x653: {  	v1 =	vmul.f32 v13, v30;
	[tilespmem:v36+s0+$0x0] =	vst.idx.add.f32.msk $0xffff, v11;
	v11 =	vmul.f32 v29, v30;
	v0 =	vmov v39  }
0x654: {  	[tilespmem:v37+s3+$0x0] =	vst.idx.add.f32.msk $0xffff, v15  }
0x655: {  	[tilespmem:v37+s31+$0x0] =	vst.idx.add.f32.msk $0xffff, v16  }
0x656: {  	[tilespmem:v37+s1+$0x0] =	vst.idx.add.f32.msk $0xffff, v2  }
0x657: {  	[tilespmem:v37+s0+$0x0] =	vst.idx.add.f32.msk $0xffff, v3  }
0x658: {  	[tilespmem:v31+s3+$0x0] =	vst.idx.add.f32.msk $0xffff, v12  }
0x659: {  	[tilespmem:v31+s31+$0x0] =	vst.idx.add.f32.msk $0xffff, v14  }
0x65a: {  	[tilespmem:v31+s1+$0x0] =	vst.idx.add.f32.msk $0xffff, v17  }
0x65b: {  	[tilespmem:v31+s0+$0x0] =	vst.idx.add.f32.msk $0xffff, v4  }
0x65c: {  	[tilespmem:v32+s3+$0x0] =	vst.idx.add.f32.msk $0xffff, v18  }
0x65d: {  	[tilespmem:v32+s31+$0x0] =	vst.idx.add.f32.msk $0xffff, v19  }
0x65e: {  	[tilespmem:v32+s1+$0x0] =	vst.idx.add.f32.msk $0xffff, v20  }
0x65f: {  	[tilespmem:v32+s0+$0x0] =	vst.idx.add.f32.msk $0xffff, v5  }
0x660: {  	[tilespmem:v38+s3+$0x0] =	vst.idx.add.f32.msk $0xffff, v21  }
0x661: {  	[tilespmem:v38+s31+$0x0] =	vst.idx.add.f32.msk $0xffff, v22  }
0x662: {  	[tilespmem:v38+s1+$0x0] =	vst.idx.add.f32.msk $0xffff, v23  }
0x663: {  	[tilespmem:v38+s0+$0x0] =	vst.idx.add.f32.msk $0xffff, v6  }
0x664: {  	[tilespmem:v33+s3+$0x0] =	vst.idx.add.f32.msk $0xffff, v8  }
0x665: {  	[tilespmem:v33+s31+$0x0] =	vst.idx.add.f32.msk $0xffff, v24  }
.Ltmp10:
0x666: {  	[tilespmem:v33+s1+$0x0] =	vst.idx.add.f32.msk $0xffff, v9;
	(pc) =	sbr.rel @p0 .LBB2_23-.Ltmp10, $4  }
0x667: {  	[tilespmem:v33+s0+$0x0] =	vst.idx.add.f32.msk $0xffff, v7  }
0x668: {  	[tilespmem:v39+s3+$0x0] =	vst.idx.add.f32.msk $0xffff, v10  }
0x669: {  	[tilespmem:v39+s31+$0x0] =	vst.idx.add.f32.msk $0xffff, v25  }
0x66a: {  	s18 =	sadd.s32 $0x80, s18;
	[tilespmem:v39+s1+$0x0] =	vst.idx.add.f32.msk $0xffff, v11  }
0x66b: {  	_ =	sdelay $0x3  }
0x66c: {  	[tilespmem:v0+s0+$0x0] =	vst.idx.add.f32.msk $0xffff, v1  }
0x66d: {  	_ =	swait.ge [sflag:s24], $0x800  }
0x66e: {  	[sflag:s24] =	ssyncset.done $0x0  }
0x66f: {  	s12 =	sadd.s32 $0x1, s12;
	[sflag:s24] =	ssyncadd.s32 $0xFFFFF800  }
0x670: {  	p0 =	sne.s32 s12, $0x4F;
	_ =	swait.ge [sflag:s25], $0x800  }
.Ltmp11:
0x671: {  	[sflag:s25] =	ssyncset.done $0x0;
	(pc) =	sbr.rel @p0 .LBB2_20-.Ltmp11, $4  }
0x672: {  	[sflag:s25] =	ssyncadd.s32 $0xFFFFF800  }
0x673: {  	_ =	swait.ge [sflag:s26], $0x800  }
0x674: {  	[sflag:s26] =	ssyncset.done $0x0  }
0x675: {  	[sflag:s26] =	ssyncadd.s32 $0xFFFFF800  }
0x676: {  	s12 =	simm.s32 $0x0  }
0x677: {  	s13 =	rddreg [dreg:$0x8];
	s14 =	simm.s32 $0x80;
	s17 =	simm.s32 $0x400  }
0x678: {  	[hbm4b:s13+s14] =	stream.strided.scatter [tilespmem:s12], [sflag:$0x7], $0x9C80, s17, s14, $0x38;
	[tilespmem:$0x16900] =	vst v63  }
0x679: {  	_ =	swait.ge [sflag:s19], $0x9C80  }
0x67a: {  	[sflag:s19] =	ssyncset.done $0x0  }
0x67b: {  	[sflag:s19] =	ssyncadd.s32 $0xFFFF6380  }
0x67c: {  	[tilespmem:s12], [sflag:$0x7] =	stream.strided.gather [hbm4b:s6+s14], $0x9C80, s17, s14, $0x38;
	[tilespmem:$0x16900] =	vst v63  }
0x67d: {  	_ =	swait.ge [sflag:s19], $0x9C80  }
0x67e: {  	[sflag:s19] =	ssyncset.done $0x0  }
0x67f: {  	[sflag:s19] =	ssyncadd.s32 $0xFFFF6380  }
0x680: {  	[tilespmem:s20], [sflag:$0x7] =	stream.strided.gather [hbm4b:s6+s14], $0x9C80, s17, s14, $0x38;
	[tilespmem:$0x16900] =	vst v63  }
0x681: {  	_ =	swait.ge [sflag:s19], $0x9C80  }
0x682: {  	[sflag:s19] =	ssyncset.done $0x0  }
0x683: {  	s14 =	rddreg [dreg:$0x9];
	[sflag:s19] =	ssyncadd.s32 $0xFFFF6380  }
0x684: {  	[tilespmem:s21], [sflag:$0x1] =	stream.linear.gather [hbm4b:s14+s12], $0x800, $0x38;
	[tilespmem:$0x16900] =	vst v63  }
0x685: {  	s17 =	rddreg [dreg:$0xa]  }
0x686: {  	[tilespmem:s22], [sflag:$0x2] =	stream.linear.gather [hbm4b:s17+s12], $0x800, $0x38;
	[tilespmem:$0x16900] =	vst v63  }
0x687: {  	s18 =	rddreg [dreg:$0xb]  }
0x688: {  	[tilespmem:s23], [sflag:$0x3] =	stream.linear.gather [hbm4b:s18+s12], $0x800, $0x38;
	[tilespmem:$0x16900] =	vst v63  }
0x689: {  	_ =	swait.ge [sflag:s24], $0x800  }
0x68a: {  	[sflag:s24] =	ssyncset.done $0x0  }
0x68b: {  	[sflag:s24] =	ssyncadd.s32 $0xFFFFF800  }
0x68c: {  	_ =	swait.ge [sflag:s25], $0x800  }
0x68d: {  	[sflag:s25] =	ssyncset.done $0x0  }
0x68e: {  	[sflag:s25] =	ssyncadd.s32 $0xFFFFF800  }
0x68f: {  	_ =	swait.ge [sflag:s26], $0x800  }
0x690: {  	[sflag:s26] =	ssyncset.done $0x0  }
0x691: {  	[sflag:s26] =	ssyncadd.s32 $0xFFFFF800  }
.LBB2_26:
0x692: {  	s13 =	sshll.u32 s12, $0x9  }
0x693: {  	s13 =	sadd.s32 $0x13D00, s13  }
0x694: {  	s14 =	sadd.s32 s2, s13  }
0x695: {  	[tilespmem:s28], [sflag:$0x4] =	stream.linear.gather [hbm4b:s14+s3], $0x800, $0x38;
	[tilespmem:$0x16900] =	vst v63  }
0x696: {  	s18 =	sadd.s32 s4, s13  }
0x697: {  	[tilespmem:s29], [sflag:$0x5] =	stream.linear.gather [hbm4b:s18+s3], $0x800, $0x38;
	[tilespmem:$0x16900] =	vst v63  }
0x698: {  	s17 =	simm.s32 $0x13940;
	s13 =	sadd.s32 s5, s13  }
0x699: {  	[tilespmem:s30], [sflag:$0x6] =	stream.linear.gather [hbm4b:s13+s3], $0x800, $0x38;
	[tilespmem:$0x16900] =	vst v63  }
0x69a: {  	v0 =	vld [tilespmem:s17+$0x30]  }
0x69b: {  	v1 =	vld [tilespmem:s17+$0xFFFFFFD0]  }
0x69c: {  	v2 =	vld [tilespmem:s17+$0xFFFFFFE0]  }
0x69d: {  	v3 =	vld [tilespmem:s17+$0xFFFFFFF0]  }
0x69e: {  	v4 =	vld [tilespmem:s17+$0x0]  }
0x69f: {  	s13 =	simm.s32 $0x14940;
	v5 =	vld [tilespmem:s17+$0x10]  }
0x6a0: {  	s14 =	simm.s32 $0x14140;
	v6 =	vld [tilespmem:s13+$0x30]  }
0x6a1: {  	v7 =	vld [tilespmem:s14+$0x30]  }
0x6a2: {  	v11 =	vld [tilespmem:s17+$0x20]  }
0x6a3: {  	v12 =	vld [tilespmem:s17+$0xFFFFFFC0]  }
0x6a4: {  	v28 =	vld [tilespmem:s13+$0xFFFFFFC0]  }
0x6a5: {  	v29 =	vld [tilespmem:s13+$0xFFFFFFD0]  }
0x6a6: {  	v30 =	vld [tilespmem:s13+$0xFFFFFFE0]  }
0x6a7: {  	v31 =	vld [tilespmem:s14+$0xFFFFFFC0]  }
0x6a8: {  	v32 =	vld [tilespmem:s13+$0xFFFFFFF0]  }
0x6a9: {  	v33 =	vld [tilespmem:s13+$0x0]  }
0x6aa: {  	v34 =	vld [tilespmem:s13+$0x10]  }
0x6ab: {  	v35 =	vld [tilespmem:s13+$0x20]  }
0x6ac: {  	v36 =	vld [tilespmem:s14+$0xFFFFFFD0]  }
0x6ad: {  	v37 =	vld [tilespmem:s14+$0xFFFFFFE0]  }
0x6ae: {  	v38 =	vld [tilespmem:s14+$0xFFFFFFF0]  }
0x6af: {  	v39 =	vld [tilespmem:s14+$0x0]  }
0x6b0: {  	v57 =	vld [tilespmem:s14+$0x10]  }
0x6b1: {  	v8 =	vld.idx.msk [tilespmem:v0+s3+$0x0], $0xffff  }
0x6b2: {  	v9 =	vld.idx.msk [tilespmem:v0+s31+$0x0], $0xffff  }
0x6b3: {  	v10 =	vld.idx.msk [tilespmem:v0+s1+$0x0], $0xffff  }
0x6b4: {  	v0 =	vld.idx.msk [tilespmem:v0+s0+$0x0], $0xffff  }
0x6b5: {  	v13 =	vld.idx.msk [tilespmem:v1+s3+$0x0], $0xffff  }
0x6b6: {  	v14 =	vld.idx.msk [tilespmem:v1+s31+$0x0], $0xffff  }
0x6b7: {  	v51 =	vld.idx.msk [tilespmem:v1+s1+$0x0], $0xffff  }
0x6b8: {  	v52 =	vld.idx.msk [tilespmem:v12+s31+$0x0], $0xffff  }
0x6b9: {  	v53 =	vld.idx.msk [tilespmem:v12+s1+$0x0], $0xffff  }
0x6ba: {  	v54 =	vld.idx.msk [tilespmem:v12+s0+$0x0], $0xffff  }
0x6bb: {  	v1 =	vld.idx.msk [tilespmem:v1+s0+$0x0], $0xffff  }
0x6bc: {  	v55 =	vld.idx.msk [tilespmem:v2+s3+$0x0], $0xffff  }
0x6bd: {  	v56 =	vld.idx.msk [tilespmem:v2+s31+$0x0], $0xffff  }
0x6be: {  	v15 =	vld.idx.msk [tilespmem:v2+s1+$0x0], $0xffff  }
0x6bf: {  	v2 =	vld.idx.msk [tilespmem:v2+s0+$0x0], $0xffff  }
0x6c0: {  	v16 =	vld.idx.msk [tilespmem:v3+s3+$0x0], $0xffff  }
0x6c1: {  	v17 =	vld.idx.msk [tilespmem:v3+s31+$0x0], $0xffff  }
0x6c2: {  	v18 =	vld.idx.msk [tilespmem:v3+s1+$0x0], $0xffff  }
0x6c3: {  	v3 =	vld.idx.msk [tilespmem:v3+s0+$0x0], $0xffff  }
0x6c4: {  	v19 =	vld.idx.msk [tilespmem:v4+s3+$0x0], $0xffff  }
0x6c5: {  	v20 =	vld.idx.msk [tilespmem:v4+s31+$0x0], $0xffff  }
0x6c6: {  	v21 =	vld.idx.msk [tilespmem:v4+s1+$0x0], $0xffff  }
0x6c7: {  	v4 =	vld.idx.msk [tilespmem:v4+s0+$0x0], $0xffff  }
0x6c8: {  	v22 =	vld.idx.msk [tilespmem:v5+s3+$0x0], $0xffff  }
0x6c9: {  	v23 =	vld.idx.msk [tilespmem:v5+s31+$0x0], $0xffff  }
0x6ca: {  	v24 =	vld.idx.msk [tilespmem:v5+s1+$0x0], $0xffff  }
0x6cb: {  	v5 =	vld.idx.msk [tilespmem:v5+s0+$0x0], $0xffff  }
0x6cc: {  	v25 =	vld.idx.msk [tilespmem:v11+s3+$0x0], $0xffff  }
0x6cd: {  	v26 =	vld.idx.msk [tilespmem:v11+s31+$0x0], $0xffff  }
0x6ce: {  	v27 =	vld.idx.msk [tilespmem:v11+s1+$0x0], $0xffff;
	v8 =	vmul.f32 v8, v6  }
0x6cf: {  	v11 =	vld.idx.msk [tilespmem:v11+s0+$0x0], $0xffff;
	v59 =	vmul.f32 v13, v29  }
0x6d0: {  	v61 =	vmul.f32 v55, v30;
	[tilespmem:v7+s20+$0x0] =	vst.idx.add.f32.msk $0xffff, v8  }
0x6d1: {  	v63 =	vmul.f32 v16, v32;
	[tilespmem:v36+s20+$0x0] =	vst.idx.add.f32.msk $0xffff, v59  }
0x6d2: {  	v9 =	vmul.f32 v9, v6;
	[tilespmem:v37+s20+$0x0] =	vst.idx.add.f32.msk $0xffff, v61  }
0x6d3: {  	v60 =	vmul.f32 v14, v29;
	[tilespmem:v38+s20+$0x0] =	vst.idx.add.f32.msk $0xffff, v63  }
0x6d4: {  	v62 =	vmul.f32 v56, v30;
	[tilespmem:v7+s7+$0x0] =	vst.idx.add.f32.msk $0xffff, v9  }
0x6d5: {  	v50 =	vmul.f32 v10, v6;
	[tilespmem:v36+s7+$0x0] =	vst.idx.add.f32.msk $0xffff, v60  }
0x6d6: {  	v0 =	vmul.f32 v0, v6;
	v6 =	vmul.f32 v51, v29;
	[tilespmem:v37+s7+$0x0] =	vst.idx.add.f32.msk $0xffff, v62  }
0x6d7: {  	[tilespmem:v7+s11+$0x0] =	vst.idx.add.f32.msk $0xffff, v50  }
0x6d8: {  	v1 =	vmul.f32 v1, v29;
	[tilespmem:v36+s11+$0x0] =	vst.idx.add.f32.msk $0xffff, v6  }
0x6d9: {  	[tilespmem:v7+s15+$0x0] =	vst.idx.add.f32.msk $0xffff, v0  }
0x6da: {  	[tilespmem:v36+s15+$0x0] =	vst.idx.add.f32.msk $0xffff, v1;
	v1 =	vmul.f32 v15, v30  }
0x6db: {  	v2 =	vmul.f32 v2, v30;
	v0 =	vld.idx.msk [tilespmem:v12+s3+$0x0], $0xffff  }
0x6dc: {  	[tilespmem:v37+s11+$0x0] =	vst.idx.add.f32.msk $0xffff, v1;
	v1 =	vmul.f32 v17, v32  }
0x6dd: {  	[tilespmem:v37+s15+$0x0] =	vst.idx.add.f32.msk $0xffff, v2;
	v2 =	vmul.f32 v18, v32  }
0x6de: {  	v3 =	vmul.f32 v3, v32;
	[tilespmem:v38+s7+$0x0] =	vst.idx.add.f32.msk $0xffff, v1  }
0x6df: {  	v1 =	vmul.f32 v19, v33;
	[tilespmem:v38+s11+$0x0] =	vst.idx.add.f32.msk $0xffff, v2  }
0x6e0: {  	v0 =	vmul.f32 v0, v28;
	[tilespmem:v38+s15+$0x0] =	vst.idx.add.f32.msk $0xffff, v3  }
0x6e1: {  	v2 =	vmul.f32 v20, v33;
	[tilespmem:v39+s20+$0x0] =	vst.idx.add.f32.msk $0xffff, v1  }
0x6e2: {  	v7 =	vmul.f32 v52, v28;
	[tilespmem:v31+s20+$0x0] =	vst.idx.add.f32.msk $0xffff, v0  }
0x6e3: {  	v0 =	vmul.f32 v53, v28;
	[tilespmem:v39+s7+$0x0] =	vst.idx.add.f32.msk $0xffff, v2  }
0x6e4: {  	[tilespmem:v31+s7+$0x0] =	vst.idx.add.f32.msk $0xffff, v7  }
0x6e5: {  	v3 =	vmul.f32 v21, v33;
	[tilespmem:v31+s11+$0x0] =	vst.idx.add.f32.msk $0xffff, v0  }
0x6e6: {  	v1 =	vmul.f32 v4, v33;
	v0 =	vld [tilespmem:s14+$0x20]  }
0x6e7: {  	v2 =	vmul.f32 v22, v34;
	[tilespmem:v39+s11+$0x0] =	vst.idx.add.f32.msk $0xffff, v3  }
0x6e8: {  	v58 =	vmul.f32 v54, v28;
	[tilespmem:v39+s15+$0x0] =	vst.idx.add.f32.msk $0xffff, v1  }
0x6e9: {  	v3 =	vmul.f32 v23, v34;
	[tilespmem:v57+s20+$0x0] =	vst.idx.add.f32.msk $0xffff, v2  }
0x6ea: {  	v1 =	vmul.f32 v24, v34;
	[tilespmem:v31+s15+$0x0] =	vst.idx.add.f32.msk $0xffff, v58  }
0x6eb: {  	v2 =	vmul.f32 v5, v34;
	[tilespmem:v57+s7+$0x0] =	vst.idx.add.f32.msk $0xffff, v3  }
0x6ec: {  	v3 =	vmul.f32 v25, v35;
	[tilespmem:v57+s11+$0x0] =	vst.idx.add.f32.msk $0xffff, v1  }
0x6ed: {  	v1 =	vmul.f32 v26, v35;
	[tilespmem:v57+s15+$0x0] =	vst.idx.add.f32.msk $0xffff, v2  }
0x6ee: {  	v2 =	vmul.f32 v27, v35;
	[tilespmem:v0+s20+$0x0] =	vst.idx.add.f32.msk $0xffff, v3  }
0x6ef: {  	[tilespmem:v0+s7+$0x0] =	vst.idx.add.f32.msk $0xffff, v1  }
0x6f0: {  	s18 =	simm.s32 $0x139C0;
	s17 =	simm.s32 $0x0;
	v1 =	vmul.f32 v11, v35;
	[tilespmem:v0+s11+$0x0] =	vst.idx.add.f32.msk $0xffff, v2  }
.LBB2_27:
0x6f1: {  	v2 =	vld [tilespmem:s18+$0x30]  }
0x6f2: {  	v3 =	vld [tilespmem:s18+$0xFFFFFFD0]  }
0x6f3: {  	v4 =	vld [tilespmem:s18+$0xFFFFFFE0]  }
0x6f4: {  	s17 =	sadd.s32 $0x8, s17;
	v5 =	vld [tilespmem:s18+$0xFFFFFFF0]  }
0x6f5: {  	p0 =	slt.u32 s17, $0x78;
	v6 =	vld [tilespmem:s18+$0x0]  }
0x6f6: {  	s13 =	sadd.s32 $0x80, s13;
	v7 =	vld [tilespmem:s18+$0x10]  }
0x6f7: {  	s14 =	sadd.s32 $0x80, s14;
	v8 =	vld [tilespmem:s13+$0x30]  }
0x6f8: {  	v9 =	vld [tilespmem:s14+$0x30]  }
0x6f9: {  	v10 =	vld.idx.msk [tilespmem:v2+s3+$0x0], $0xffff  }
0x6fa: {  	v11 =	vld.idx.msk [tilespmem:v2+s31+$0x0], $0xffff  }
0x6fb: {  	v12 =	vld.idx.msk [tilespmem:v2+s1+$0x0], $0xffff  }
0x6fc: {  	v2 =	vld.idx.msk [tilespmem:v2+s0+$0x0], $0xffff  }
0x6fd: {  	v13 =	vld [tilespmem:s18+$0x20]  }
0x6fe: {  	v14 =	vld [tilespmem:s18+$0xFFFFFFC0]  }
0x6ff: {  	v10 =	vmul.f32 v10, v8;
	v15 =	vld.idx.msk [tilespmem:v3+s3+$0x0], $0xffff  }
0x700: {  	v11 =	vmul.f32 v11, v8;
	v16 =	vld.idx.msk [tilespmem:v3+s31+$0x0], $0xffff  }
0x701: {  	[tilespmem:v9+s20+$0x0] =	vst.idx.add.f32.msk $0xffff, v10;
	v10 =	vmul.f32 v12, v8  }
0x702: {  	v2 =	vmul.f32 v2, v8;
	[tilespmem:v9+s7+$0x0] =	vst.idx.add.f32.msk $0xffff, v11  }
0x703: {  	[tilespmem:v9+s11+$0x0] =	vst.idx.add.f32.msk $0xffff, v10  }
0x704: {  	[tilespmem:v9+s15+$0x0] =	vst.idx.add.f32.msk $0xffff, v2  }
0x705: {  	v2 =	vld.idx.msk [tilespmem:v3+s1+$0x0], $0xffff  }
0x706: {  	v8 =	vld.idx.msk [tilespmem:v14+s3+$0x0], $0xffff  }
0x707: {  	v9 =	vld.idx.msk [tilespmem:v14+s31+$0x0], $0xffff  }
0x708: {  	v10 =	vld.idx.msk [tilespmem:v14+s1+$0x0], $0xffff  }
0x709: {  	v11 =	vld.idx.msk [tilespmem:v14+s0+$0x0], $0xffff  }
0x70a: {  	v3 =	vld.idx.msk [tilespmem:v3+s0+$0x0], $0xffff  }
0x70b: {  	v12 =	vld.idx.msk [tilespmem:v4+s3+$0x0], $0xffff  }
0x70c: {  	v14 =	vld.idx.msk [tilespmem:v4+s31+$0x0], $0xffff  }
0x70d: {  	v17 =	vld.idx.msk [tilespmem:v4+s1+$0x0], $0xffff  }
0x70e: {  	v4 =	vld.idx.msk [tilespmem:v4+s0+$0x0], $0xffff  }
0x70f: {  	v18 =	vld.idx.msk [tilespmem:v5+s3+$0x0], $0xffff  }
0x710: {  	v19 =	vld.idx.msk [tilespmem:v5+s31+$0x0], $0xffff  }
0x711: {  	v20 =	vld.idx.msk [tilespmem:v5+s1+$0x0], $0xffff  }
0x712: {  	v5 =	vld.idx.msk [tilespmem:v5+s0+$0x0], $0xffff  }
0x713: {  	v21 =	vld.idx.msk [tilespmem:v6+s3+$0x0], $0xffff  }
0x714: {  	v22 =	vld.idx.msk [tilespmem:v6+s31+$0x0], $0xffff  }
0x715: {  	v23 =	vld.idx.msk [tilespmem:v6+s1+$0x0], $0xffff  }
0x716: {  	v6 =	vld.idx.msk [tilespmem:v6+s0+$0x0], $0xffff  }
0x717: {  	v24 =	vld.idx.msk [tilespmem:v7+s3+$0x0], $0xffff  }
0x718: {  	v25 =	vld.idx.msk [tilespmem:v7+s31+$0x0], $0xffff  }
0x719: {  	v26 =	vld.idx.msk [tilespmem:v7+s1+$0x0], $0xffff  }
0x71a: {  	v7 =	vld.idx.msk [tilespmem:v7+s0+$0x0], $0xffff  }
0x71b: {  	v27 =	vld.idx.msk [tilespmem:v13+s3+$0x0], $0xffff  }
0x71c: {  	v28 =	vld.idx.msk [tilespmem:v13+s31+$0x0], $0xffff  }
0x71d: {  	v29 =	vld.idx.msk [tilespmem:v13+s1+$0x0], $0xffff  }
0x71e: {  	v13 =	vld.idx.msk [tilespmem:v13+s0+$0x0], $0xffff  }
0x71f: {  	v30 =	vld [tilespmem:s13+$0xFFFFFFC0]  }
0x720: {  	v31 =	vld [tilespmem:s13+$0xFFFFFFD0]  }
0x721: {  	v32 =	vld [tilespmem:s13+$0xFFFFFFE0]  }
0x722: {  	v33 =	vld [tilespmem:s13+$0xFFFFFFF0]  }
0x723: {  	v34 =	vld [tilespmem:s13+$0x0]  }
0x724: {  	v8 =	vmul.f32 v8, v30;
	v9 =	vmul.f32 v9, v30;
	v35 =	vld [tilespmem:s13+$0x10]  }
0x725: {  	v10 =	vmul.f32 v10, v30;
	v11 =	vmul.f32 v11, v30;
	v30 =	vld [tilespmem:s13+$0x20]  }
0x726: {  	v15 =	vmul.f32 v15, v31;
	v16 =	vmul.f32 v16, v31;
	v36 =	vld [tilespmem:s14+$0xFFFFFFC0]  }
0x727: {  	v2 =	vmul.f32 v2, v31;
	v3 =	vmul.f32 v3, v31;
	v37 =	vld [tilespmem:s14+$0xFFFFFFD0]  }
0x728: {  	v12 =	vmul.f32 v12, v32;
	v14 =	vmul.f32 v14, v32;
	v31 =	vld [tilespmem:s14+$0xFFFFFFE0]  }
0x729: {  	v17 =	vmul.f32 v17, v32;
	v4 =	vmul.f32 v4, v32;
	v32 =	vld [tilespmem:s14+$0xFFFFFFF0]  }
0x72a: {  	v18 =	vmul.f32 v18, v33;
	v19 =	vmul.f32 v19, v33;
	v38 =	vld [tilespmem:s14+$0x0]  }
0x72b: {  	v20 =	vmul.f32 v20, v33;
	v5 =	vmul.f32 v5, v33;
	v33 =	vld [tilespmem:s14+$0x10]  }
0x72c: {  	v21 =	vmul.f32 v21, v34;
	v22 =	vmul.f32 v22, v34;
	v39 =	vld [tilespmem:s14+$0x20]  }
0x72d: {  	v23 =	vmul.f32 v23, v34;
	v6 =	vmul.f32 v6, v34;
	[tilespmem:v0+s15+$0x0] =	vst.idx.add.f32.msk $0xffff, v1  }
0x72e: {  	[tilespmem:v36+s20+$0x0] =	vst.idx.add.f32.msk $0xffff, v8;
	v8 =	vmul.f32 v24, v35;
	v24 =	vmul.f32 v25, v35  }
0x72f: {  	v7 =	vmul.f32 v7, v35;
	[tilespmem:v36+s7+$0x0] =	vst.idx.add.f32.msk $0xffff, v9;
	v9 =	vmul.f32 v26, v35  }
0x730: {  	v25 =	vmul.f32 v28, v30;
	[tilespmem:v36+s11+$0x0] =	vst.idx.add.f32.msk $0xffff, v10;
	v10 =	vmul.f32 v27, v30  }
0x731: {  	v1 =	vmul.f32 v13, v30;
	[tilespmem:v36+s15+$0x0] =	vst.idx.add.f32.msk $0xffff, v11;
	v11 =	vmul.f32 v29, v30;
	v0 =	vmov v39  }
0x732: {  	[tilespmem:v37+s20+$0x0] =	vst.idx.add.f32.msk $0xffff, v15  }
0x733: {  	[tilespmem:v37+s7+$0x0] =	vst.idx.add.f32.msk $0xffff, v16  }
0x734: {  	[tilespmem:v37+s11+$0x0] =	vst.idx.add.f32.msk $0xffff, v2  }
0x735: {  	[tilespmem:v37+s15+$0x0] =	vst.idx.add.f32.msk $0xffff, v3  }
0x736: {  	[tilespmem:v31+s20+$0x0] =	vst.idx.add.f32.msk $0xffff, v12  }
0x737: {  	[tilespmem:v31+s7+$0x0] =	vst.idx.add.f32.msk $0xffff, v14  }
0x738: {  	[tilespmem:v31+s11+$0x0] =	vst.idx.add.f32.msk $0xffff, v17  }
0x739: {  	[tilespmem:v31+s15+$0x0] =	vst.idx.add.f32.msk $0xffff, v4  }
0x73a: {  	[tilespmem:v32+s20+$0x0] =	vst.idx.add.f32.msk $0xffff, v18  }
0x73b: {  	[tilespmem:v32+s7+$0x0] =	vst.idx.add.f32.msk $0xffff, v19  }
0x73c: {  	[tilespmem:v32+s11+$0x0] =	vst.idx.add.f32.msk $0xffff, v20  }
0x73d: {  	[tilespmem:v32+s15+$0x0] =	vst.idx.add.f32.msk $0xffff, v5  }
0x73e: {  	[tilespmem:v38+s20+$0x0] =	vst.idx.add.f32.msk $0xffff, v21  }
0x73f: {  	[tilespmem:v38+s7+$0x0] =	vst.idx.add.f32.msk $0xffff, v22  }
0x740: {  	[tilespmem:v38+s11+$0x0] =	vst.idx.add.f32.msk $0xffff, v23  }
0x741: {  	[tilespmem:v38+s15+$0x0] =	vst.idx.add.f32.msk $0xffff, v6  }
0x742: {  	[tilespmem:v33+s20+$0x0] =	vst.idx.add.f32.msk $0xffff, v8  }
0x743: {  	[tilespmem:v33+s7+$0x0] =	vst.idx.add.f32.msk $0xffff, v24  }
.Ltmp12:
0x744: {  	[tilespmem:v33+s11+$0x0] =	vst.idx.add.f32.msk $0xffff, v9;
	(pc) =	sbr.rel @p0 .LBB2_27-.Ltmp12, $4  }
0x745: {  	[tilespmem:v33+s15+$0x0] =	vst.idx.add.f32.msk $0xffff, v7  }
0x746: {  	[tilespmem:v39+s20+$0x0] =	vst.idx.add.f32.msk $0xffff, v10  }
0x747: {  	[tilespmem:v39+s7+$0x0] =	vst.idx.add.f32.msk $0xffff, v25  }
0x748: {  	s18 =	sadd.s32 $0x80, s18;
	[tilespmem:v39+s11+$0x0] =	vst.idx.add.f32.msk $0xffff, v11  }
0x749: {  	_ =	sdelay $0x3  }
0x74a: {  	[tilespmem:v0+s15+$0x0] =	vst.idx.add.f32.msk $0xffff, v1  }
0x74b: {  	_ =	swait.ge [sflag:s16], $0x800  }
0x74c: {  	[sflag:s16] =	ssyncset.done $0x0  }
0x74d: {  	[sflag:s16] =	ssyncadd.s32 $0xFFFFF800  }
0x74e: {  	_ =	swait.ge [sflag:s8], $0x800  }
0x74f: {  	s13 =	sshll.u32 s12, $0x1;
	[sflag:s8] =	ssyncset.done $0x0  }
0x750: {  	s13 =	smin.u32 s13, $0x9B;
	[sflag:s8] =	ssyncadd.s32 $0xFFFFF800  }
0x751: {  	s13 =	sshll.u32 s13, $0x8;
	_ =	swait.ge [sflag:s9], $0x800  }
0x752: {  	s13 =	sadd.s32 $0x13E00, s13;
	[sflag:s9] =	ssyncset.done $0x0  }
0x753: {  	s14 =	sadd.s32 s2, s13;
	[sflag:s9] =	ssyncadd.s32 $0xFFFFF800  }
0x754: {  	[tilespmem:s21], [sflag:$0x1] =	stream.linear.gather [hbm4b:s14+s3], $0x800, $0x38;
	[tilespmem:$0x16900] =	vst v63  }
0x755: {  	s18 =	sadd.s32 s4, s13  }
0x756: {  	[tilespmem:s22], [sflag:$0x2] =	stream.linear.gather [hbm4b:s18+s3], $0x800, $0x38;
	[tilespmem:$0x16900] =	vst v63  }
0x757: {  	s17 =	simm.s32 $0x15140;
	s13 =	sadd.s32 s5, s13  }
0x758: {  	[tilespmem:s23], [sflag:$0x3] =	stream.linear.gather [hbm4b:s13+s3], $0x800, $0x38;
	[tilespmem:$0x16900] =	vst v63  }
0x759: {  	v0 =	vld [tilespmem:s17+$0x30]  }
0x75a: {  	v1 =	vld [tilespmem:s17+$0xFFFFFFD0]  }
0x75b: {  	v2 =	vld [tilespmem:s17+$0xFFFFFFE0]  }
0x75c: {  	v3 =	vld [tilespmem:s17+$0xFFFFFFF0]  }
0x75d: {  	v4 =	vld [tilespmem:s17+$0x0]  }
0x75e: {  	s13 =	simm.s32 $0x16140;
	v5 =	vld [tilespmem:s17+$0x10]  }
0x75f: {  	s14 =	simm.s32 $0x15940;
	v6 =	vld [tilespmem:s13+$0x30]  }
0x760: {  	v7 =	vld [tilespmem:s14+$0x30]  }
0x761: {  	v11 =	vld [tilespmem:s17+$0x20]  }
0x762: {  	v12 =	vld [tilespmem:s17+$0xFFFFFFC0]  }
0x763: {  	v28 =	vld [tilespmem:s13+$0xFFFFFFC0]  }
0x764: {  	v29 =	vld [tilespmem:s13+$0xFFFFFFD0]  }
0x765: {  	v30 =	vld [tilespmem:s13+$0xFFFFFFE0]  }
0x766: {  	v31 =	vld [tilespmem:s14+$0xFFFFFFC0]  }
0x767: {  	v32 =	vld [tilespmem:s13+$0xFFFFFFF0]  }
0x768: {  	v33 =	vld [tilespmem:s13+$0x0]  }
0x769: {  	v34 =	vld [tilespmem:s13+$0x10]  }
0x76a: {  	v35 =	vld [tilespmem:s13+$0x20]  }
0x76b: {  	v36 =	vld [tilespmem:s14+$0xFFFFFFD0]  }
0x76c: {  	v37 =	vld [tilespmem:s14+$0xFFFFFFE0]  }
0x76d: {  	v38 =	vld [tilespmem:s14+$0xFFFFFFF0]  }
0x76e: {  	v39 =	vld [tilespmem:s14+$0x0]  }
0x76f: {  	v57 =	vld [tilespmem:s14+$0x10]  }
0x770: {  	v8 =	vld.idx.msk [tilespmem:v0+s3+$0x0], $0xffff  }
0x771: {  	v9 =	vld.idx.msk [tilespmem:v0+s31+$0x0], $0xffff  }
0x772: {  	v10 =	vld.idx.msk [tilespmem:v0+s1+$0x0], $0xffff  }
0x773: {  	v0 =	vld.idx.msk [tilespmem:v0+s0+$0x0], $0xffff  }
0x774: {  	v13 =	vld.idx.msk [tilespmem:v1+s3+$0x0], $0xffff  }
0x775: {  	v14 =	vld.idx.msk [tilespmem:v1+s31+$0x0], $0xffff  }
0x776: {  	v51 =	vld.idx.msk [tilespmem:v1+s1+$0x0], $0xffff  }
0x777: {  	v52 =	vld.idx.msk [tilespmem:v12+s31+$0x0], $0xffff  }
0x778: {  	v53 =	vld.idx.msk [tilespmem:v12+s1+$0x0], $0xffff  }
0x779: {  	v54 =	vld.idx.msk [tilespmem:v12+s0+$0x0], $0xffff  }
0x77a: {  	v1 =	vld.idx.msk [tilespmem:v1+s0+$0x0], $0xffff  }
0x77b: {  	v55 =	vld.idx.msk [tilespmem:v2+s3+$0x0], $0xffff  }
0x77c: {  	v56 =	vld.idx.msk [tilespmem:v2+s31+$0x0], $0xffff  }
0x77d: {  	v15 =	vld.idx.msk [tilespmem:v2+s1+$0x0], $0xffff  }
0x77e: {  	v2 =	vld.idx.msk [tilespmem:v2+s0+$0x0], $0xffff  }
0x77f: {  	v16 =	vld.idx.msk [tilespmem:v3+s3+$0x0], $0xffff  }
0x780: {  	v17 =	vld.idx.msk [tilespmem:v3+s31+$0x0], $0xffff  }
0x781: {  	v18 =	vld.idx.msk [tilespmem:v3+s1+$0x0], $0xffff  }
0x782: {  	v3 =	vld.idx.msk [tilespmem:v3+s0+$0x0], $0xffff  }
0x783: {  	v19 =	vld.idx.msk [tilespmem:v4+s3+$0x0], $0xffff  }
0x784: {  	v20 =	vld.idx.msk [tilespmem:v4+s31+$0x0], $0xffff  }
0x785: {  	v21 =	vld.idx.msk [tilespmem:v4+s1+$0x0], $0xffff  }
0x786: {  	v4 =	vld.idx.msk [tilespmem:v4+s0+$0x0], $0xffff  }
0x787: {  	v22 =	vld.idx.msk [tilespmem:v5+s3+$0x0], $0xffff  }
0x788: {  	v23 =	vld.idx.msk [tilespmem:v5+s31+$0x0], $0xffff  }
0x789: {  	v24 =	vld.idx.msk [tilespmem:v5+s1+$0x0], $0xffff  }
0x78a: {  	v5 =	vld.idx.msk [tilespmem:v5+s0+$0x0], $0xffff  }
0x78b: {  	v25 =	vld.idx.msk [tilespmem:v11+s3+$0x0], $0xffff  }
0x78c: {  	v26 =	vld.idx.msk [tilespmem:v11+s31+$0x0], $0xffff  }
0x78d: {  	v27 =	vld.idx.msk [tilespmem:v11+s1+$0x0], $0xffff;
	v8 =	vmul.f32 v8, v6  }
0x78e: {  	v11 =	vld.idx.msk [tilespmem:v11+s0+$0x0], $0xffff;
	v59 =	vmul.f32 v13, v29  }
0x78f: {  	v61 =	vmul.f32 v55, v30;
	[tilespmem:v7+s20+$0x0] =	vst.idx.add.f32.msk $0xffff, v8  }
0x790: {  	v63 =	vmul.f32 v16, v32;
	[tilespmem:v36+s20+$0x0] =	vst.idx.add.f32.msk $0xffff, v59  }
0x791: {  	v9 =	vmul.f32 v9, v6;
	[tilespmem:v37+s20+$0x0] =	vst.idx.add.f32.msk $0xffff, v61  }
0x792: {  	v60 =	vmul.f32 v14, v29;
	[tilespmem:v38+s20+$0x0] =	vst.idx.add.f32.msk $0xffff, v63  }
0x793: {  	v62 =	vmul.f32 v56, v30;
	[tilespmem:v7+s7+$0x0] =	vst.idx.add.f32.msk $0xffff, v9  }
0x794: {  	v50 =	vmul.f32 v10, v6;
	[tilespmem:v36+s7+$0x0] =	vst.idx.add.f32.msk $0xffff, v60  }
0x795: {  	v0 =	vmul.f32 v0, v6;
	v6 =	vmul.f32 v51, v29;
	[tilespmem:v37+s7+$0x0] =	vst.idx.add.f32.msk $0xffff, v62  }
0x796: {  	[tilespmem:v7+s11+$0x0] =	vst.idx.add.f32.msk $0xffff, v50  }
0x797: {  	v1 =	vmul.f32 v1, v29;
	[tilespmem:v36+s11+$0x0] =	vst.idx.add.f32.msk $0xffff, v6  }
0x798: {  	[tilespmem:v7+s15+$0x0] =	vst.idx.add.f32.msk $0xffff, v0  }
0x799: {  	[tilespmem:v36+s15+$0x0] =	vst.idx.add.f32.msk $0xffff, v1;
	v1 =	vmul.f32 v15, v30  }
0x79a: {  	v2 =	vmul.f32 v2, v30;
	v0 =	vld.idx.msk [tilespmem:v12+s3+$0x0], $0xffff  }
0x79b: {  	[tilespmem:v37+s11+$0x0] =	vst.idx.add.f32.msk $0xffff, v1;
	v1 =	vmul.f32 v17, v32  }
0x79c: {  	[tilespmem:v37+s15+$0x0] =	vst.idx.add.f32.msk $0xffff, v2;
	v2 =	vmul.f32 v18, v32  }
0x79d: {  	v3 =	vmul.f32 v3, v32;
	[tilespmem:v38+s7+$0x0] =	vst.idx.add.f32.msk $0xffff, v1  }
0x79e: {  	v1 =	vmul.f32 v19, v33;
	[tilespmem:v38+s11+$0x0] =	vst.idx.add.f32.msk $0xffff, v2  }
0x79f: {  	v0 =	vmul.f32 v0, v28;
	[tilespmem:v38+s15+$0x0] =	vst.idx.add.f32.msk $0xffff, v3  }
0x7a0: {  	v2 =	vmul.f32 v20, v33;
	[tilespmem:v39+s20+$0x0] =	vst.idx.add.f32.msk $0xffff, v1  }
0x7a1: {  	v7 =	vmul.f32 v52, v28;
	[tilespmem:v31+s20+$0x0] =	vst.idx.add.f32.msk $0xffff, v0  }
0x7a2: {  	v0 =	vmul.f32 v53, v28;
	[tilespmem:v39+s7+$0x0] =	vst.idx.add.f32.msk $0xffff, v2  }
0x7a3: {  	[tilespmem:v31+s7+$0x0] =	vst.idx.add.f32.msk $0xffff, v7  }
0x7a4: {  	v3 =	vmul.f32 v21, v33;
	[tilespmem:v31+s11+$0x0] =	vst.idx.add.f32.msk $0xffff, v0  }
0x7a5: {  	v1 =	vmul.f32 v4, v33;
	v0 =	vld [tilespmem:s14+$0x20]  }
0x7a6: {  	v2 =	vmul.f32 v22, v34;
	[tilespmem:v39+s11+$0x0] =	vst.idx.add.f32.msk $0xffff, v3  }
0x7a7: {  	v58 =	vmul.f32 v54, v28;
	[tilespmem:v39+s15+$0x0] =	vst.idx.add.f32.msk $0xffff, v1  }
0x7a8: {  	v3 =	vmul.f32 v23, v34;
	[tilespmem:v57+s20+$0x0] =	vst.idx.add.f32.msk $0xffff, v2  }
0x7a9: {  	v1 =	vmul.f32 v24, v34;
	[tilespmem:v31+s15+$0x0] =	vst.idx.add.f32.msk $0xffff, v58  }
0x7aa: {  	v2 =	vmul.f32 v5, v34;
	[tilespmem:v57+s7+$0x0] =	vst.idx.add.f32.msk $0xffff, v3  }
0x7ab: {  	v3 =	vmul.f32 v25, v35;
	[tilespmem:v57+s11+$0x0] =	vst.idx.add.f32.msk $0xffff, v1  }
0x7ac: {  	v1 =	vmul.f32 v26, v35;
	[tilespmem:v57+s15+$0x0] =	vst.idx.add.f32.msk $0xffff, v2  }
0x7ad: {  	v2 =	vmul.f32 v27, v35;
	[tilespmem:v0+s20+$0x0] =	vst.idx.add.f32.msk $0xffff, v3  }
0x7ae: {  	[tilespmem:v0+s7+$0x0] =	vst.idx.add.f32.msk $0xffff, v1  }
0x7af: {  	s18 =	simm.s32 $0x151C0;
	s17 =	simm.s32 $0x0;
	v1 =	vmul.f32 v11, v35;
	[tilespmem:v0+s11+$0x0] =	vst.idx.add.f32.msk $0xffff, v2  }
.LBB2_29:
0x7b0: {  	v2 =	vld [tilespmem:s18+$0x30]  }
0x7b1: {  	v3 =	vld [tilespmem:s18+$0xFFFFFFD0]  }
0x7b2: {  	v4 =	vld [tilespmem:s18+$0xFFFFFFE0]  }
0x7b3: {  	s17 =	sadd.s32 $0x8, s17;
	v5 =	vld [tilespmem:s18+$0xFFFFFFF0]  }
0x7b4: {  	p0 =	slt.u32 s17, $0x78;
	v6 =	vld [tilespmem:s18+$0x0]  }
0x7b5: {  	s13 =	sadd.s32 $0x80, s13;
	v7 =	vld [tilespmem:s18+$0x10]  }
0x7b6: {  	s14 =	sadd.s32 $0x80, s14;
	v8 =	vld [tilespmem:s13+$0x30]  }
0x7b7: {  	v9 =	vld [tilespmem:s14+$0x30]  }
0x7b8: {  	v10 =	vld.idx.msk [tilespmem:v2+s3+$0x0], $0xffff  }
0x7b9: {  	v11 =	vld.idx.msk [tilespmem:v2+s31+$0x0], $0xffff  }
0x7ba: {  	v12 =	vld.idx.msk [tilespmem:v2+s1+$0x0], $0xffff  }
0x7bb: {  	v2 =	vld.idx.msk [tilespmem:v2+s0+$0x0], $0xffff  }
0x7bc: {  	v13 =	vld [tilespmem:s18+$0x20]  }
0x7bd: {  	v14 =	vld [tilespmem:s18+$0xFFFFFFC0]  }
0x7be: {  	v10 =	vmul.f32 v10, v8;
	v15 =	vld.idx.msk [tilespmem:v3+s3+$0x0], $0xffff  }
0x7bf: {  	v11 =	vmul.f32 v11, v8;
	v16 =	vld.idx.msk [tilespmem:v3+s31+$0x0], $0xffff  }
0x7c0: {  	[tilespmem:v9+s20+$0x0] =	vst.idx.add.f32.msk $0xffff, v10;
	v10 =	vmul.f32 v12, v8  }
0x7c1: {  	v2 =	vmul.f32 v2, v8;
	[tilespmem:v9+s7+$0x0] =	vst.idx.add.f32.msk $0xffff, v11  }
0x7c2: {  	[tilespmem:v9+s11+$0x0] =	vst.idx.add.f32.msk $0xffff, v10  }
0x7c3: {  	[tilespmem:v9+s15+$0x0] =	vst.idx.add.f32.msk $0xffff, v2  }
0x7c4: {  	v2 =	vld.idx.msk [tilespmem:v3+s1+$0x0], $0xffff  }
0x7c5: {  	v8 =	vld.idx.msk [tilespmem:v14+s3+$0x0], $0xffff  }
0x7c6: {  	v9 =	vld.idx.msk [tilespmem:v14+s31+$0x0], $0xffff  }
0x7c7: {  	v10 =	vld.idx.msk [tilespmem:v14+s1+$0x0], $0xffff  }
0x7c8: {  	v11 =	vld.idx.msk [tilespmem:v14+s0+$0x0], $0xffff  }
0x7c9: {  	v3 =	vld.idx.msk [tilespmem:v3+s0+$0x0], $0xffff  }
0x7ca: {  	v12 =	vld.idx.msk [tilespmem:v4+s3+$0x0], $0xffff  }
0x7cb: {  	v14 =	vld.idx.msk [tilespmem:v4+s31+$0x0], $0xffff  }
0x7cc: {  	v17 =	vld.idx.msk [tilespmem:v4+s1+$0x0], $0xffff  }
0x7cd: {  	v4 =	vld.idx.msk [tilespmem:v4+s0+$0x0], $0xffff  }
0x7ce: {  	v18 =	vld.idx.msk [tilespmem:v5+s3+$0x0], $0xffff  }
0x7cf: {  	v19 =	vld.idx.msk [tilespmem:v5+s31+$0x0], $0xffff  }
0x7d0: {  	v20 =	vld.idx.msk [tilespmem:v5+s1+$0x0], $0xffff  }
0x7d1: {  	v5 =	vld.idx.msk [tilespmem:v5+s0+$0x0], $0xffff  }
0x7d2: {  	v21 =	vld.idx.msk [tilespmem:v6+s3+$0x0], $0xffff  }
0x7d3: {  	v22 =	vld.idx.msk [tilespmem:v6+s31+$0x0], $0xffff  }
0x7d4: {  	v23 =	vld.idx.msk [tilespmem:v6+s1+$0x0], $0xffff  }
0x7d5: {  	v6 =	vld.idx.msk [tilespmem:v6+s0+$0x0], $0xffff  }
0x7d6: {  	v24 =	vld.idx.msk [tilespmem:v7+s3+$0x0], $0xffff  }
0x7d7: {  	v25 =	vld.idx.msk [tilespmem:v7+s31+$0x0], $0xffff  }
0x7d8: {  	v26 =	vld.idx.msk [tilespmem:v7+s1+$0x0], $0xffff  }
0x7d9: {  	v7 =	vld.idx.msk [tilespmem:v7+s0+$0x0], $0xffff  }
0x7da: {  	v27 =	vld.idx.msk [tilespmem:v13+s3+$0x0], $0xffff  }
0x7db: {  	v28 =	vld.idx.msk [tilespmem:v13+s31+$0x0], $0xffff  }
0x7dc: {  	v29 =	vld.idx.msk [tilespmem:v13+s1+$0x0], $0xffff  }
0x7dd: {  	v13 =	vld.idx.msk [tilespmem:v13+s0+$0x0], $0xffff  }
0x7de: {  	v30 =	vld [tilespmem:s13+$0xFFFFFFC0]  }
0x7df: {  	v31 =	vld [tilespmem:s13+$0xFFFFFFD0]  }
0x7e0: {  	v32 =	vld [tilespmem:s13+$0xFFFFFFE0]  }
0x7e1: {  	v33 =	vld [tilespmem:s13+$0xFFFFFFF0]  }
0x7e2: {  	v34 =	vld [tilespmem:s13+$0x0]  }
0x7e3: {  	v8 =	vmul.f32 v8, v30;
	v9 =	vmul.f32 v9, v30;
	v35 =	vld [tilespmem:s13+$0x10]  }
0x7e4: {  	v10 =	vmul.f32 v10, v30;
	v11 =	vmul.f32 v11, v30;
	v30 =	vld [tilespmem:s13+$0x20]  }
0x7e5: {  	v15 =	vmul.f32 v15, v31;
	v16 =	vmul.f32 v16, v31;
	v36 =	vld [tilespmem:s14+$0xFFFFFFC0]  }
0x7e6: {  	v2 =	vmul.f32 v2, v31;
	v3 =	vmul.f32 v3, v31;
	v37 =	vld [tilespmem:s14+$0xFFFFFFD0]  }
0x7e7: {  	v12 =	vmul.f32 v12, v32;
	v14 =	vmul.f32 v14, v32;
	v31 =	vld [tilespmem:s14+$0xFFFFFFE0]  }
0x7e8: {  	v17 =	vmul.f32 v17, v32;
	v4 =	vmul.f32 v4, v32;
	v32 =	vld [tilespmem:s14+$0xFFFFFFF0]  }
0x7e9: {  	v18 =	vmul.f32 v18, v33;
	v19 =	vmul.f32 v19, v33;
	v38 =	vld [tilespmem:s14+$0x0]  }
0x7ea: {  	v20 =	vmul.f32 v20, v33;
	v5 =	vmul.f32 v5, v33;
	v33 =	vld [tilespmem:s14+$0x10]  }
0x7eb: {  	v21 =	vmul.f32 v21, v34;
	v22 =	vmul.f32 v22, v34;
	v39 =	vld [tilespmem:s14+$0x20]  }
0x7ec: {  	v23 =	vmul.f32 v23, v34;
	v6 =	vmul.f32 v6, v34;
	[tilespmem:v0+s15+$0x0] =	vst.idx.add.f32.msk $0xffff, v1  }
0x7ed: {  	[tilespmem:v36+s20+$0x0] =	vst.idx.add.f32.msk $0xffff, v8;
	v8 =	vmul.f32 v24, v35;
	v24 =	vmul.f32 v25, v35  }
0x7ee: {  	v7 =	vmul.f32 v7, v35;
	[tilespmem:v36+s7+$0x0] =	vst.idx.add.f32.msk $0xffff, v9;
	v9 =	vmul.f32 v26, v35  }
0x7ef: {  	v25 =	vmul.f32 v28, v30;
	[tilespmem:v36+s11+$0x0] =	vst.idx.add.f32.msk $0xffff, v10;
	v10 =	vmul.f32 v27, v30  }
0x7f0: {  	v1 =	vmul.f32 v13, v30;
	[tilespmem:v36+s15+$0x0] =	vst.idx.add.f32.msk $0xffff, v11;
	v11 =	vmul.f32 v29, v30;
	v0 =	vmov v39  }
0x7f1: {  	[tilespmem:v37+s20+$0x0] =	vst.idx.add.f32.msk $0xffff, v15  }
0x7f2: {  	[tilespmem:v37+s7+$0x0] =	vst.idx.add.f32.msk $0xffff, v16  }
0x7f3: {  	[tilespmem:v37+s11+$0x0] =	vst.idx.add.f32.msk $0xffff, v2  }
0x7f4: {  	[tilespmem:v37+s15+$0x0] =	vst.idx.add.f32.msk $0xffff, v3  }
0x7f5: {  	[tilespmem:v31+s20+$0x0] =	vst.idx.add.f32.msk $0xffff, v12  }
0x7f6: {  	[tilespmem:v31+s7+$0x0] =	vst.idx.add.f32.msk $0xffff, v14  }
0x7f7: {  	[tilespmem:v31+s11+$0x0] =	vst.idx.add.f32.msk $0xffff, v17  }
0x7f8: {  	[tilespmem:v31+s15+$0x0] =	vst.idx.add.f32.msk $0xffff, v4  }
0x7f9: {  	[tilespmem:v32+s20+$0x0] =	vst.idx.add.f32.msk $0xffff, v18  }
0x7fa: {  	[tilespmem:v32+s7+$0x0] =	vst.idx.add.f32.msk $0xffff, v19  }
0x7fb: {  	[tilespmem:v32+s11+$0x0] =	vst.idx.add.f32.msk $0xffff, v20  }
0x7fc: {  	[tilespmem:v32+s15+$0x0] =	vst.idx.add.f32.msk $0xffff, v5  }
0x7fd: {  	[tilespmem:v38+s20+$0x0] =	vst.idx.add.f32.msk $0xffff, v21  }
0x7fe: {  	[tilespmem:v38+s7+$0x0] =	vst.idx.add.f32.msk $0xffff, v22  }
0x7ff: {  	[tilespmem:v38+s11+$0x0] =	vst.idx.add.f32.msk $0xffff, v23  }
0x800: {  	[tilespmem:v38+s15+$0x0] =	vst.idx.add.f32.msk $0xffff, v6  }
0x801: {  	[tilespmem:v33+s20+$0x0] =	vst.idx.add.f32.msk $0xffff, v8  }
0x802: {  	[tilespmem:v33+s7+$0x0] =	vst.idx.add.f32.msk $0xffff, v24  }
.Ltmp13:
0x803: {  	[tilespmem:v33+s11+$0x0] =	vst.idx.add.f32.msk $0xffff, v9;
	(pc) =	sbr.rel @p0 .LBB2_29-.Ltmp13, $4  }
0x804: {  	[tilespmem:v33+s15+$0x0] =	vst.idx.add.f32.msk $0xffff, v7  }
0x805: {  	[tilespmem:v39+s20+$0x0] =	vst.idx.add.f32.msk $0xffff, v10  }
0x806: {  	[tilespmem:v39+s7+$0x0] =	vst.idx.add.f32.msk $0xffff, v25  }
0x807: {  	s18 =	sadd.s32 $0x80, s18;
	[tilespmem:v39+s11+$0x0] =	vst.idx.add.f32.msk $0xffff, v11  }
0x808: {  	_ =	sdelay $0x3  }
0x809: {  	[tilespmem:v0+s15+$0x0] =	vst.idx.add.f32.msk $0xffff, v1  }
0x80a: {  	_ =	swait.ge [sflag:s24], $0x800  }
0x80b: {  	[sflag:s24] =	ssyncset.done $0x0  }
0x80c: {  	s12 =	sadd.s32 $0x1, s12;
	[sflag:s24] =	ssyncadd.s32 $0xFFFFF800  }
0x80d: {  	p0 =	sne.s32 s12, $0x4F;
	_ =	swait.ge [sflag:s25], $0x800  }
.Ltmp14:
0x80e: {  	[sflag:s25] =	ssyncset.done $0x0;
	(pc) =	sbr.rel @p0 .LBB2_26-.Ltmp14, $4  }
0x80f: {  	[sflag:s25] =	ssyncadd.s32 $0xFFFFF800  }
0x810: {  	_ =	swait.ge [sflag:s26], $0x800  }
0x811: {  	[sflag:s26] =	ssyncset.done $0x0  }
0x812: {  	[sflag:s26] =	ssyncadd.s32 $0xFFFFF800  }
0x813: {  	s12 =	simm.s32 $0x0;
	s13 =	simm.s32 $0x80;
	s14 =	simm.s32 $0x400  }
0x814: {  	[tilespmem:s12], [sflag:$0x7] =	stream.strided.gather [hbm4b:s6+s13], $0x9C80, s14, s13, $0x38;
	[tilespmem:$0x16900] =	vst v63  }
0x815: {  	_ =	swait.ge [sflag:s19], $0x9C80  }
0x816: {  	[sflag:s19] =	ssyncset.done $0x0  }
0x817: {  	s14 =	rddreg [dreg:$0x9];
	[sflag:s19] =	ssyncadd.s32 $0xFFFF6380  }
0x818: {  	[tilespmem:s21], [sflag:$0x1] =	stream.linear.gather [hbm4b:s14+s12], $0x800, $0x38;
	[tilespmem:$0x16900] =	vst v63  }
0x819: {  	s17 =	rddreg [dreg:$0xa]  }
0x81a: {  	[tilespmem:s22], [sflag:$0x2] =	stream.linear.gather [hbm4b:s17+s12], $0x800, $0x38;
	[tilespmem:$0x16900] =	vst v63  }
0x81b: {  	s18 =	rddreg [dreg:$0xb]  }
0x81c: {  	[tilespmem:s23], [sflag:$0x3] =	stream.linear.gather [hbm4b:s18+s12], $0x800, $0x38;
	[tilespmem:$0x16900] =	vst v63  }
0x81d: {  	_ =	swait.ge [sflag:s24], $0x800  }
0x81e: {  	[sflag:s24] =	ssyncset.done $0x0  }
0x81f: {  	[sflag:s24] =	ssyncadd.s32 $0xFFFFF800  }
0x820: {  	_ =	swait.ge [sflag:s25], $0x800  }
0x821: {  	[sflag:s25] =	ssyncset.done $0x0  }
0x822: {  	[sflag:s25] =	ssyncadd.s32 $0xFFFFF800  }
0x823: {  	_ =	swait.ge [sflag:s26], $0x800  }
0x824: {  	[sflag:s26] =	ssyncset.done $0x0  }
0x825: {  	[sflag:s26] =	ssyncadd.s32 $0xFFFFF800  }
.LBB2_32:
0x826: {  	s13 =	sshll.u32 s12, $0x9  }
0x827: {  	s13 =	sadd.s32 $0x13D00, s13  }
0x828: {  	s14 =	sadd.s32 s2, s13  }
0x829: {  	[tilespmem:s28], [sflag:$0x4] =	stream.linear.gather [hbm4b:s14+s3], $0x800, $0x38;
	[tilespmem:$0x16900] =	vst v63  }
0x82a: {  	s18 =	sadd.s32 s4, s13  }
0x82b: {  	[tilespmem:s29], [sflag:$0x5] =	stream.linear.gather [hbm4b:s18+s3], $0x800, $0x38;
	[tilespmem:$0x16900] =	vst v63  }
0x82c: {  	s17 =	simm.s32 $0x13940;
	s13 =	sadd.s32 s5, s13  }
0x82d: {  	[tilespmem:s30], [sflag:$0x6] =	stream.linear.gather [hbm4b:s13+s3], $0x800, $0x38;
	[tilespmem:$0x16900] =	vst v63  }
0x82e: {  	v0 =	vld [tilespmem:s17+$0x30]  }
0x82f: {  	v1 =	vld [tilespmem:s17+$0xFFFFFFD0]  }
0x830: {  	v2 =	vld [tilespmem:s17+$0xFFFFFFE0]  }
0x831: {  	v3 =	vld [tilespmem:s17+$0xFFFFFFF0]  }
0x832: {  	v4 =	vld [tilespmem:s17+$0x0]  }
0x833: {  	s13 =	simm.s32 $0x14940;
	v5 =	vld [tilespmem:s17+$0x10]  }
0x834: {  	s14 =	simm.s32 $0x14140;
	v6 =	vld [tilespmem:s13+$0x30]  }
0x835: {  	v7 =	vld [tilespmem:s14+$0x30]  }
0x836: {  	v11 =	vld [tilespmem:s17+$0x20]  }
0x837: {  	v12 =	vld [tilespmem:s17+$0xFFFFFFC0]  }
0x838: {  	v28 =	vld [tilespmem:s13+$0xFFFFFFC0]  }
0x839: {  	v29 =	vld [tilespmem:s13+$0xFFFFFFD0]  }
0x83a: {  	v30 =	vld [tilespmem:s13+$0xFFFFFFE0]  }
0x83b: {  	v31 =	vld [tilespmem:s14+$0xFFFFFFC0]  }
0x83c: {  	v32 =	vld [tilespmem:s13+$0xFFFFFFF0]  }
0x83d: {  	v33 =	vld [tilespmem:s13+$0x0]  }
0x83e: {  	v34 =	vld [tilespmem:s13+$0x10]  }
0x83f: {  	v35 =	vld [tilespmem:s13+$0x20]  }
0x840: {  	v36 =	vld [tilespmem:s14+$0xFFFFFFD0]  }
0x841: {  	v37 =	vld [tilespmem:s14+$0xFFFFFFE0]  }
0x842: {  	v38 =	vld [tilespmem:s14+$0xFFFFFFF0]  }
0x843: {  	v39 =	vld [tilespmem:s14+$0x0]  }
0x844: {  	v57 =	vld [tilespmem:s14+$0x10]  }
0x845: {  	v8 =	vld.idx.msk [tilespmem:v0+s20+$0x0], $0xffff  }
0x846: {  	v9 =	vld.idx.msk [tilespmem:v0+s7+$0x0], $0xffff  }
0x847: {  	v10 =	vld.idx.msk [tilespmem:v0+s11+$0x0], $0xffff  }
0x848: {  	v0 =	vld.idx.msk [tilespmem:v0+s15+$0x0], $0xffff  }
0x849: {  	v13 =	vld.idx.msk [tilespmem:v1+s20+$0x0], $0xffff  }
0x84a: {  	v14 =	vld.idx.msk [tilespmem:v1+s7+$0x0], $0xffff  }
0x84b: {  	v51 =	vld.idx.msk [tilespmem:v1+s11+$0x0], $0xffff  }
0x84c: {  	v52 =	vld.idx.msk [tilespmem:v12+s7+$0x0], $0xffff  }
0x84d: {  	v53 =	vld.idx.msk [tilespmem:v12+s11+$0x0], $0xffff  }
0x84e: {  	v54 =	vld.idx.msk [tilespmem:v12+s15+$0x0], $0xffff  }
0x84f: {  	v1 =	vld.idx.msk [tilespmem:v1+s15+$0x0], $0xffff  }
0x850: {  	v55 =	vld.idx.msk [tilespmem:v2+s20+$0x0], $0xffff  }
0x851: {  	v56 =	vld.idx.msk [tilespmem:v2+s7+$0x0], $0xffff  }
0x852: {  	v15 =	vld.idx.msk [tilespmem:v2+s11+$0x0], $0xffff  }
0x853: {  	v2 =	vld.idx.msk [tilespmem:v2+s15+$0x0], $0xffff  }
0x854: {  	v16 =	vld.idx.msk [tilespmem:v3+s20+$0x0], $0xffff  }
0x855: {  	v17 =	vld.idx.msk [tilespmem:v3+s7+$0x0], $0xffff  }
0x856: {  	v18 =	vld.idx.msk [tilespmem:v3+s11+$0x0], $0xffff  }
0x857: {  	v3 =	vld.idx.msk [tilespmem:v3+s15+$0x0], $0xffff  }
0x858: {  	v19 =	vld.idx.msk [tilespmem:v4+s20+$0x0], $0xffff  }
0x859: {  	v20 =	vld.idx.msk [tilespmem:v4+s7+$0x0], $0xffff  }
0x85a: {  	v21 =	vld.idx.msk [tilespmem:v4+s11+$0x0], $0xffff  }
0x85b: {  	v4 =	vld.idx.msk [tilespmem:v4+s15+$0x0], $0xffff  }
0x85c: {  	v22 =	vld.idx.msk [tilespmem:v5+s20+$0x0], $0xffff  }
0x85d: {  	v23 =	vld.idx.msk [tilespmem:v5+s7+$0x0], $0xffff  }
0x85e: {  	v24 =	vld.idx.msk [tilespmem:v5+s11+$0x0], $0xffff  }
0x85f: {  	v5 =	vld.idx.msk [tilespmem:v5+s15+$0x0], $0xffff  }
0x860: {  	v25 =	vld.idx.msk [tilespmem:v11+s20+$0x0], $0xffff  }
0x861: {  	v26 =	vld.idx.msk [tilespmem:v11+s7+$0x0], $0xffff  }
0x862: {  	v27 =	vld.idx.msk [tilespmem:v11+s11+$0x0], $0xffff;
	v8 =	vmul.f32 v8, v6  }
0x863: {  	v11 =	vld.idx.msk [tilespmem:v11+s15+$0x0], $0xffff;
	v59 =	vmul.f32 v13, v29  }
0x864: {  	v61 =	vmul.f32 v55, v30;
	[tilespmem:v7+s3+$0x0] =	vst.idx.add.f32.msk $0xffff, v8  }
0x865: {  	v63 =	vmul.f32 v16, v32;
	[tilespmem:v36+s3+$0x0] =	vst.idx.add.f32.msk $0xffff, v59  }
0x866: {  	v9 =	vmul.f32 v9, v6;
	[tilespmem:v37+s3+$0x0] =	vst.idx.add.f32.msk $0xffff, v61  }
0x867: {  	v60 =	vmul.f32 v14, v29;
	[tilespmem:v38+s3+$0x0] =	vst.idx.add.f32.msk $0xffff, v63  }
0x868: {  	v62 =	vmul.f32 v56, v30;
	[tilespmem:v7+s31+$0x0] =	vst.idx.add.f32.msk $0xffff, v9  }
0x869: {  	v50 =	vmul.f32 v10, v6;
	[tilespmem:v36+s31+$0x0] =	vst.idx.add.f32.msk $0xffff, v60  }
0x86a: {  	v0 =	vmul.f32 v0, v6;
	v6 =	vmul.f32 v51, v29;
	[tilespmem:v37+s31+$0x0] =	vst.idx.add.f32.msk $0xffff, v62  }
0x86b: {  	[tilespmem:v7+s1+$0x0] =	vst.idx.add.f32.msk $0xffff, v50  }
0x86c: {  	v1 =	vmul.f32 v1, v29;
	[tilespmem:v36+s1+$0x0] =	vst.idx.add.f32.msk $0xffff, v6  }
0x86d: {  	[tilespmem:v7+s0+$0x0] =	vst.idx.add.f32.msk $0xffff, v0  }
0x86e: {  	[tilespmem:v36+s0+$0x0] =	vst.idx.add.f32.msk $0xffff, v1;
	v1 =	vmul.f32 v15, v30  }
0x86f: {  	v2 =	vmul.f32 v2, v30;
	v0 =	vld.idx.msk [tilespmem:v12+s20+$0x0], $0xffff  }
0x870: {  	[tilespmem:v37+s1+$0x0] =	vst.idx.add.f32.msk $0xffff, v1;
	v1 =	vmul.f32 v17, v32  }
0x871: {  	[tilespmem:v37+s0+$0x0] =	vst.idx.add.f32.msk $0xffff, v2;
	v2 =	vmul.f32 v18, v32  }
0x872: {  	v3 =	vmul.f32 v3, v32;
	[tilespmem:v38+s31+$0x0] =	vst.idx.add.f32.msk $0xffff, v1  }
0x873: {  	v1 =	vmul.f32 v19, v33;
	[tilespmem:v38+s1+$0x0] =	vst.idx.add.f32.msk $0xffff, v2  }
0x874: {  	v0 =	vmul.f32 v0, v28;
	[tilespmem:v38+s0+$0x0] =	vst.idx.add.f32.msk $0xffff, v3  }
0x875: {  	v2 =	vmul.f32 v20, v33;
	[tilespmem:v39+s3+$0x0] =	vst.idx.add.f32.msk $0xffff, v1  }
0x876: {  	v7 =	vmul.f32 v52, v28;
	[tilespmem:v31+s3+$0x0] =	vst.idx.add.f32.msk $0xffff, v0  }
0x877: {  	v0 =	vmul.f32 v53, v28;
	[tilespmem:v39+s31+$0x0] =	vst.idx.add.f32.msk $0xffff, v2  }
0x878: {  	[tilespmem:v31+s31+$0x0] =	vst.idx.add.f32.msk $0xffff, v7  }
0x879: {  	v3 =	vmul.f32 v21, v33;
	[tilespmem:v31+s1+$0x0] =	vst.idx.add.f32.msk $0xffff, v0  }
0x87a: {  	v1 =	vmul.f32 v4, v33;
	v0 =	vld [tilespmem:s14+$0x20]  }
0x87b: {  	v2 =	vmul.f32 v22, v34;
	[tilespmem:v39+s1+$0x0] =	vst.idx.add.f32.msk $0xffff, v3  }
0x87c: {  	v58 =	vmul.f32 v54, v28;
	[tilespmem:v39+s0+$0x0] =	vst.idx.add.f32.msk $0xffff, v1  }
0x87d: {  	v3 =	vmul.f32 v23, v34;
	[tilespmem:v57+s3+$0x0] =	vst.idx.add.f32.msk $0xffff, v2  }
0x87e: {  	v1 =	vmul.f32 v24, v34;
	[tilespmem:v31+s0+$0x0] =	vst.idx.add.f32.msk $0xffff, v58  }
0x87f: {  	v2 =	vmul.f32 v5, v34;
	[tilespmem:v57+s31+$0x0] =	vst.idx.add.f32.msk $0xffff, v3  }
0x880: {  	v3 =	vmul.f32 v25, v35;
	[tilespmem:v57+s1+$0x0] =	vst.idx.add.f32.msk $0xffff, v1  }
0x881: {  	v1 =	vmul.f32 v26, v35;
	[tilespmem:v57+s0+$0x0] =	vst.idx.add.f32.msk $0xffff, v2  }
0x882: {  	v2 =	vmul.f32 v27, v35;
	[tilespmem:v0+s3+$0x0] =	vst.idx.add.f32.msk $0xffff, v3  }
0x883: {  	[tilespmem:v0+s31+$0x0] =	vst.idx.add.f32.msk $0xffff, v1  }
0x884: {  	s18 =	simm.s32 $0x139C0;
	s17 =	simm.s32 $0x0;
	v1 =	vmul.f32 v11, v35;
	[tilespmem:v0+s1+$0x0] =	vst.idx.add.f32.msk $0xffff, v2  }
.LBB2_33:
0x885: {  	v2 =	vld [tilespmem:s18+$0x30]  }
0x886: {  	v3 =	vld [tilespmem:s18+$0xFFFFFFD0]  }
0x887: {  	v4 =	vld [tilespmem:s18+$0xFFFFFFE0]  }
0x888: {  	s17 =	sadd.s32 $0x8, s17;
	v5 =	vld [tilespmem:s18+$0xFFFFFFF0]  }
0x889: {  	p0 =	slt.u32 s17, $0x78;
	v6 =	vld [tilespmem:s18+$0x0]  }
0x88a: {  	s13 =	sadd.s32 $0x80, s13;
	v7 =	vld [tilespmem:s18+$0x10]  }
0x88b: {  	s14 =	sadd.s32 $0x80, s14;
	v8 =	vld [tilespmem:s13+$0x30]  }
0x88c: {  	v9 =	vld [tilespmem:s14+$0x30]  }
0x88d: {  	v10 =	vld.idx.msk [tilespmem:v2+s20+$0x0], $0xffff  }
0x88e: {  	v11 =	vld.idx.msk [tilespmem:v2+s7+$0x0], $0xffff  }
0x88f: {  	v12 =	vld.idx.msk [tilespmem:v2+s11+$0x0], $0xffff  }
0x890: {  	v2 =	vld.idx.msk [tilespmem:v2+s15+$0x0], $0xffff  }
0x891: {  	v13 =	vld [tilespmem:s18+$0x20]  }
0x892: {  	v14 =	vld [tilespmem:s18+$0xFFFFFFC0]  }
0x893: {  	v10 =	vmul.f32 v10, v8;
	v15 =	vld.idx.msk [tilespmem:v3+s20+$0x0], $0xffff  }
0x894: {  	v11 =	vmul.f32 v11, v8;
	v16 =	vld.idx.msk [tilespmem:v3+s7+$0x0], $0xffff  }
0x895: {  	[tilespmem:v9+s3+$0x0] =	vst.idx.add.f32.msk $0xffff, v10;
	v10 =	vmul.f32 v12, v8  }
0x896: {  	v2 =	vmul.f32 v2, v8;
	[tilespmem:v9+s31+$0x0] =	vst.idx.add.f32.msk $0xffff, v11  }
0x897: {  	[tilespmem:v9+s1+$0x0] =	vst.idx.add.f32.msk $0xffff, v10  }
0x898: {  	[tilespmem:v9+s0+$0x0] =	vst.idx.add.f32.msk $0xffff, v2  }
0x899: {  	v2 =	vld.idx.msk [tilespmem:v3+s11+$0x0], $0xffff  }
0x89a: {  	v8 =	vld.idx.msk [tilespmem:v14+s20+$0x0], $0xffff  }
0x89b: {  	v9 =	vld.idx.msk [tilespmem:v14+s7+$0x0], $0xffff  }
0x89c: {  	v10 =	vld.idx.msk [tilespmem:v14+s11+$0x0], $0xffff  }
0x89d: {  	v11 =	vld.idx.msk [tilespmem:v14+s15+$0x0], $0xffff  }
0x89e: {  	v3 =	vld.idx.msk [tilespmem:v3+s15+$0x0], $0xffff  }
0x89f: {  	v12 =	vld.idx.msk [tilespmem:v4+s20+$0x0], $0xffff  }
0x8a0: {  	v14 =	vld.idx.msk [tilespmem:v4+s7+$0x0], $0xffff  }
0x8a1: {  	v17 =	vld.idx.msk [tilespmem:v4+s11+$0x0], $0xffff  }
0x8a2: {  	v4 =	vld.idx.msk [tilespmem:v4+s15+$0x0], $0xffff  }
0x8a3: {  	v18 =	vld.idx.msk [tilespmem:v5+s20+$0x0], $0xffff  }
0x8a4: {  	v19 =	vld.idx.msk [tilespmem:v5+s7+$0x0], $0xffff  }
0x8a5: {  	v20 =	vld.idx.msk [tilespmem:v5+s11+$0x0], $0xffff  }
0x8a6: {  	v5 =	vld.idx.msk [tilespmem:v5+s15+$0x0], $0xffff  }
0x8a7: {  	v21 =	vld.idx.msk [tilespmem:v6+s20+$0x0], $0xffff  }
0x8a8: {  	v22 =	vld.idx.msk [tilespmem:v6+s7+$0x0], $0xffff  }
0x8a9: {  	v23 =	vld.idx.msk [tilespmem:v6+s11+$0x0], $0xffff  }
0x8aa: {  	v6 =	vld.idx.msk [tilespmem:v6+s15+$0x0], $0xffff  }
0x8ab: {  	v24 =	vld.idx.msk [tilespmem:v7+s20+$0x0], $0xffff  }
0x8ac: {  	v25 =	vld.idx.msk [tilespmem:v7+s7+$0x0], $0xffff  }
0x8ad: {  	v26 =	vld.idx.msk [tilespmem:v7+s11+$0x0], $0xffff  }
0x8ae: {  	v7 =	vld.idx.msk [tilespmem:v7+s15+$0x0], $0xffff  }
0x8af: {  	v27 =	vld.idx.msk [tilespmem:v13+s20+$0x0], $0xffff  }
0x8b0: {  	v28 =	vld.idx.msk [tilespmem:v13+s7+$0x0], $0xffff  }
0x8b1: {  	v29 =	vld.idx.msk [tilespmem:v13+s11+$0x0], $0xffff  }
0x8b2: {  	v13 =	vld.idx.msk [tilespmem:v13+s15+$0x0], $0xffff  }
0x8b3: {  	v30 =	vld [tilespmem:s13+$0xFFFFFFC0]  }
0x8b4: {  	v31 =	vld [tilespmem:s13+$0xFFFFFFD0]  }
0x8b5: {  	v32 =	vld [tilespmem:s13+$0xFFFFFFE0]  }
0x8b6: {  	v33 =	vld [tilespmem:s13+$0xFFFFFFF0]  }
0x8b7: {  	v34 =	vld [tilespmem:s13+$0x0]  }
0x8b8: {  	v8 =	vmul.f32 v8, v30;
	v9 =	vmul.f32 v9, v30;
	v35 =	vld [tilespmem:s13+$0x10]  }
0x8b9: {  	v10 =	vmul.f32 v10, v30;
	v11 =	vmul.f32 v11, v30;
	v30 =	vld [tilespmem:s13+$0x20]  }
0x8ba: {  	v15 =	vmul.f32 v15, v31;
	v16 =	vmul.f32 v16, v31;
	v36 =	vld [tilespmem:s14+$0xFFFFFFC0]  }
0x8bb: {  	v2 =	vmul.f32 v2, v31;
	v3 =	vmul.f32 v3, v31;
	v37 =	vld [tilespmem:s14+$0xFFFFFFD0]  }
0x8bc: {  	v12 =	vmul.f32 v12, v32;
	v14 =	vmul.f32 v14, v32;
	v31 =	vld [tilespmem:s14+$0xFFFFFFE0]  }
0x8bd: {  	v17 =	vmul.f32 v17, v32;
	v4 =	vmul.f32 v4, v32;
	v32 =	vld [tilespmem:s14+$0xFFFFFFF0]  }
0x8be: {  	v18 =	vmul.f32 v18, v33;
	v19 =	vmul.f32 v19, v33;
	v38 =	vld [tilespmem:s14+$0x0]  }
0x8bf: {  	v20 =	vmul.f32 v20, v33;
	v5 =	vmul.f32 v5, v33;
	v33 =	vld [tilespmem:s14+$0x10]  }
0x8c0: {  	v21 =	vmul.f32 v21, v34;
	v22 =	vmul.f32 v22, v34;
	v39 =	vld [tilespmem:s14+$0x20]  }
0x8c1: {  	v23 =	vmul.f32 v23, v34;
	v6 =	vmul.f32 v6, v34;
	[tilespmem:v0+s0+$0x0] =	vst.idx.add.f32.msk $0xffff, v1  }
0x8c2: {  	[tilespmem:v36+s3+$0x0] =	vst.idx.add.f32.msk $0xffff, v8;
	v8 =	vmul.f32 v24, v35;
	v24 =	vmul.f32 v25, v35  }
0x8c3: {  	v7 =	vmul.f32 v7, v35;
	[tilespmem:v36+s31+$0x0] =	vst.idx.add.f32.msk $0xffff, v9;
	v9 =	vmul.f32 v26, v35  }
0x8c4: {  	v25 =	vmul.f32 v28, v30;
	[tilespmem:v36+s1+$0x0] =	vst.idx.add.f32.msk $0xffff, v10;
	v10 =	vmul.f32 v27, v30  }
0x8c5: {  	v1 =	vmul.f32 v13, v30;
	[tilespmem:v36+s0+$0x0] =	vst.idx.add.f32.msk $0xffff, v11;
	v11 =	vmul.f32 v29, v30;
	v0 =	vmov v39  }
0x8c6: {  	[tilespmem:v37+s3+$0x0] =	vst.idx.add.f32.msk $0xffff, v15  }
0x8c7: {  	[tilespmem:v37+s31+$0x0] =	vst.idx.add.f32.msk $0xffff, v16  }
0x8c8: {  	[tilespmem:v37+s1+$0x0] =	vst.idx.add.f32.msk $0xffff, v2  }
0x8c9: {  	[tilespmem:v37+s0+$0x0] =	vst.idx.add.f32.msk $0xffff, v3  }
0x8ca: {  	[tilespmem:v31+s3+$0x0] =	vst.idx.add.f32.msk $0xffff, v12  }
0x8cb: {  	[tilespmem:v31+s31+$0x0] =	vst.idx.add.f32.msk $0xffff, v14  }
0x8cc: {  	[tilespmem:v31+s1+$0x0] =	vst.idx.add.f32.msk $0xffff, v17  }
0x8cd: {  	[tilespmem:v31+s0+$0x0] =	vst.idx.add.f32.msk $0xffff, v4  }
0x8ce: {  	[tilespmem:v32+s3+$0x0] =	vst.idx.add.f32.msk $0xffff, v18  }
0x8cf: {  	[tilespmem:v32+s31+$0x0] =	vst.idx.add.f32.msk $0xffff, v19  }
0x8d0: {  	[tilespmem:v32+s1+$0x0] =	vst.idx.add.f32.msk $0xffff, v20  }
0x8d1: {  	[tilespmem:v32+s0+$0x0] =	vst.idx.add.f32.msk $0xffff, v5  }
0x8d2: {  	[tilespmem:v38+s3+$0x0] =	vst.idx.add.f32.msk $0xffff, v21  }
0x8d3: {  	[tilespmem:v38+s31+$0x0] =	vst.idx.add.f32.msk $0xffff, v22  }
0x8d4: {  	[tilespmem:v38+s1+$0x0] =	vst.idx.add.f32.msk $0xffff, v23  }
0x8d5: {  	[tilespmem:v38+s0+$0x0] =	vst.idx.add.f32.msk $0xffff, v6  }
0x8d6: {  	[tilespmem:v33+s3+$0x0] =	vst.idx.add.f32.msk $0xffff, v8  }
0x8d7: {  	[tilespmem:v33+s31+$0x0] =	vst.idx.add.f32.msk $0xffff, v24  }
.Ltmp15:
0x8d8: {  	[tilespmem:v33+s1+$0x0] =	vst.idx.add.f32.msk $0xffff, v9;
	(pc) =	sbr.rel @p0 .LBB2_33-.Ltmp15, $4  }
0x8d9: {  	[tilespmem:v33+s0+$0x0] =	vst.idx.add.f32.msk $0xffff, v7  }
0x8da: {  	[tilespmem:v39+s3+$0x0] =	vst.idx.add.f32.msk $0xffff, v10  }
0x8db: {  	[tilespmem:v39+s31+$0x0] =	vst.idx.add.f32.msk $0xffff, v25  }
0x8dc: {  	s18 =	sadd.s32 $0x80, s18;
	[tilespmem:v39+s1+$0x0] =	vst.idx.add.f32.msk $0xffff, v11  }
0x8dd: {  	_ =	sdelay $0x3  }
0x8de: {  	[tilespmem:v0+s0+$0x0] =	vst.idx.add.f32.msk $0xffff, v1  }
0x8df: {  	_ =	swait.ge [sflag:s16], $0x800  }
0x8e0: {  	[sflag:s16] =	ssyncset.done $0x0  }
0x8e1: {  	[sflag:s16] =	ssyncadd.s32 $0xFFFFF800  }
0x8e2: {  	_ =	swait.ge [sflag:s8], $0x800  }
0x8e3: {  	s13 =	sshll.u32 s12, $0x1;
	[sflag:s8] =	ssyncset.done $0x0  }
0x8e4: {  	s13 =	smin.u32 s13, $0x9B;
	[sflag:s8] =	ssyncadd.s32 $0xFFFFF800  }
0x8e5: {  	s13 =	sshll.u32 s13, $0x8;
	_ =	swait.ge [sflag:s9], $0x800  }
0x8e6: {  	s13 =	sadd.s32 $0x13E00, s13;
	[sflag:s9] =	ssyncset.done $0x0  }
0x8e7: {  	s14 =	sadd.s32 s2, s13;
	[sflag:s9] =	ssyncadd.s32 $0xFFFFF800  }
0x8e8: {  	[tilespmem:s21], [sflag:$0x1] =	stream.linear.gather [hbm4b:s14+s3], $0x800, $0x38;
	[tilespmem:$0x16900] =	vst v63  }
0x8e9: {  	s18 =	sadd.s32 s4, s13  }
0x8ea: {  	[tilespmem:s22], [sflag:$0x2] =	stream.linear.gather [hbm4b:s18+s3], $0x800, $0x38;
	[tilespmem:$0x16900] =	vst v63  }
0x8eb: {  	s17 =	simm.s32 $0x15140;
	s13 =	sadd.s32 s5, s13  }
0x8ec: {  	[tilespmem:s23], [sflag:$0x3] =	stream.linear.gather [hbm4b:s13+s3], $0x800, $0x38;
	[tilespmem:$0x16900] =	vst v63  }
0x8ed: {  	v0 =	vld [tilespmem:s17+$0x30]  }
0x8ee: {  	v1 =	vld [tilespmem:s17+$0xFFFFFFD0]  }
0x8ef: {  	v2 =	vld [tilespmem:s17+$0xFFFFFFE0]  }
0x8f0: {  	v3 =	vld [tilespmem:s17+$0xFFFFFFF0]  }
0x8f1: {  	v4 =	vld [tilespmem:s17+$0x0]  }
0x8f2: {  	s13 =	simm.s32 $0x16140;
	v5 =	vld [tilespmem:s17+$0x10]  }
0x8f3: {  	s14 =	simm.s32 $0x15940;
	v6 =	vld [tilespmem:s13+$0x30]  }
0x8f4: {  	v7 =	vld [tilespmem:s14+$0x30]  }
0x8f5: {  	v11 =	vld [tilespmem:s17+$0x20]  }
0x8f6: {  	v12 =	vld [tilespmem:s17+$0xFFFFFFC0]  }
0x8f7: {  	v28 =	vld [tilespmem:s13+$0xFFFFFFC0]  }
0x8f8: {  	v29 =	vld [tilespmem:s13+$0xFFFFFFD0]  }
0x8f9: {  	v30 =	vld [tilespmem:s13+$0xFFFFFFE0]  }
0x8fa: {  	v31 =	vld [tilespmem:s14+$0xFFFFFFC0]  }
0x8fb: {  	v32 =	vld [tilespmem:s13+$0xFFFFFFF0]  }
0x8fc: {  	v33 =	vld [tilespmem:s13+$0x0]  }
0x8fd: {  	v34 =	vld [tilespmem:s13+$0x10]  }
0x8fe: {  	v35 =	vld [tilespmem:s13+$0x20]  }
0x8ff: {  	v36 =	vld [tilespmem:s14+$0xFFFFFFD0]  }
0x900: {  	v37 =	vld [tilespmem:s14+$0xFFFFFFE0]  }
0x901: {  	v38 =	vld [tilespmem:s14+$0xFFFFFFF0]  }
0x902: {  	v39 =	vld [tilespmem:s14+$0x0]  }
0x903: {  	v57 =	vld [tilespmem:s14+$0x10]  }
0x904: {  	v8 =	vld.idx.msk [tilespmem:v0+s20+$0x0], $0xffff  }
0x905: {  	v9 =	vld.idx.msk [tilespmem:v0+s7+$0x0], $0xffff  }
0x906: {  	v10 =	vld.idx.msk [tilespmem:v0+s11+$0x0], $0xffff  }
0x907: {  	v0 =	vld.idx.msk [tilespmem:v0+s15+$0x0], $0xffff  }
0x908: {  	v13 =	vld.idx.msk [tilespmem:v1+s20+$0x0], $0xffff  }
0x909: {  	v14 =	vld.idx.msk [tilespmem:v1+s7+$0x0], $0xffff  }
0x90a: {  	v51 =	vld.idx.msk [tilespmem:v1+s11+$0x0], $0xffff  }
0x90b: {  	v52 =	vld.idx.msk [tilespmem:v12+s7+$0x0], $0xffff  }
0x90c: {  	v53 =	vld.idx.msk [tilespmem:v12+s11+$0x0], $0xffff  }
0x90d: {  	v54 =	vld.idx.msk [tilespmem:v12+s15+$0x0], $0xffff  }
0x90e: {  	v1 =	vld.idx.msk [tilespmem:v1+s15+$0x0], $0xffff  }
0x90f: {  	v55 =	vld.idx.msk [tilespmem:v2+s20+$0x0], $0xffff  }
0x910: {  	v56 =	vld.idx.msk [tilespmem:v2+s7+$0x0], $0xffff  }
0x911: {  	v15 =	vld.idx.msk [tilespmem:v2+s11+$0x0], $0xffff  }
0x912: {  	v2 =	vld.idx.msk [tilespmem:v2+s15+$0x0], $0xffff  }
0x913: {  	v16 =	vld.idx.msk [tilespmem:v3+s20+$0x0], $0xffff  }
0x914: {  	v17 =	vld.idx.msk [tilespmem:v3+s7+$0x0], $0xffff  }
0x915: {  	v18 =	vld.idx.msk [tilespmem:v3+s11+$0x0], $0xffff  }
0x916: {  	v3 =	vld.idx.msk [tilespmem:v3+s15+$0x0], $0xffff  }
0x917: {  	v19 =	vld.idx.msk [tilespmem:v4+s20+$0x0], $0xffff  }
0x918: {  	v20 =	vld.idx.msk [tilespmem:v4+s7+$0x0], $0xffff  }
0x919: {  	v21 =	vld.idx.msk [tilespmem:v4+s11+$0x0], $0xffff  }
0x91a: {  	v4 =	vld.idx.msk [tilespmem:v4+s15+$0x0], $0xffff  }
0x91b: {  	v22 =	vld.idx.msk [tilespmem:v5+s20+$0x0], $0xffff  }
0x91c: {  	v23 =	vld.idx.msk [tilespmem:v5+s7+$0x0], $0xffff  }
0x91d: {  	v24 =	vld.idx.msk [tilespmem:v5+s11+$0x0], $0xffff  }
0x91e: {  	v5 =	vld.idx.msk [tilespmem:v5+s15+$0x0], $0xffff  }
0x91f: {  	v25 =	vld.idx.msk [tilespmem:v11+s20+$0x0], $0xffff  }
0x920: {  	v26 =	vld.idx.msk [tilespmem:v11+s7+$0x0], $0xffff  }
0x921: {  	v27 =	vld.idx.msk [tilespmem:v11+s11+$0x0], $0xffff;
	v8 =	vmul.f32 v8, v6  }
0x922: {  	v11 =	vld.idx.msk [tilespmem:v11+s15+$0x0], $0xffff;
	v59 =	vmul.f32 v13, v29  }
0x923: {  	v61 =	vmul.f32 v55, v30;
	[tilespmem:v7+s3+$0x0] =	vst.idx.add.f32.msk $0xffff, v8  }
0x924: {  	v63 =	vmul.f32 v16, v32;
	[tilespmem:v36+s3+$0x0] =	vst.idx.add.f32.msk $0xffff, v59  }
0x925: {  	v9 =	vmul.f32 v9, v6;
	[tilespmem:v37+s3+$0x0] =	vst.idx.add.f32.msk $0xffff, v61  }
0x926: {  	v60 =	vmul.f32 v14, v29;
	[tilespmem:v38+s3+$0x0] =	vst.idx.add.f32.msk $0xffff, v63  }
0x927: {  	v62 =	vmul.f32 v56, v30;
	[tilespmem:v7+s31+$0x0] =	vst.idx.add.f32.msk $0xffff, v9  }
0x928: {  	v50 =	vmul.f32 v10, v6;
	[tilespmem:v36+s31+$0x0] =	vst.idx.add.f32.msk $0xffff, v60  }
0x929: {  	v0 =	vmul.f32 v0, v6;
	v6 =	vmul.f32 v51, v29;
	[tilespmem:v37+s31+$0x0] =	vst.idx.add.f32.msk $0xffff, v62  }
0x92a: {  	[tilespmem:v7+s1+$0x0] =	vst.idx.add.f32.msk $0xffff, v50  }
0x92b: {  	v1 =	vmul.f32 v1, v29;
	[tilespmem:v36+s1+$0x0] =	vst.idx.add.f32.msk $0xffff, v6  }
0x92c: {  	[tilespmem:v7+s0+$0x0] =	vst.idx.add.f32.msk $0xffff, v0  }
0x92d: {  	[tilespmem:v36+s0+$0x0] =	vst.idx.add.f32.msk $0xffff, v1;
	v1 =	vmul.f32 v15, v30  }
0x92e: {  	v2 =	vmul.f32 v2, v30;
	v0 =	vld.idx.msk [tilespmem:v12+s20+$0x0], $0xffff  }
0x92f: {  	[tilespmem:v37+s1+$0x0] =	vst.idx.add.f32.msk $0xffff, v1;
	v1 =	vmul.f32 v17, v32  }
0x930: {  	[tilespmem:v37+s0+$0x0] =	vst.idx.add.f32.msk $0xffff, v2;
	v2 =	vmul.f32 v18, v32  }
0x931: {  	v3 =	vmul.f32 v3, v32;
	[tilespmem:v38+s31+$0x0] =	vst.idx.add.f32.msk $0xffff, v1  }
0x932: {  	v1 =	vmul.f32 v19, v33;
	[tilespmem:v38+s1+$0x0] =	vst.idx.add.f32.msk $0xffff, v2  }
0x933: {  	v0 =	vmul.f32 v0, v28;
	[tilespmem:v38+s0+$0x0] =	vst.idx.add.f32.msk $0xffff, v3  }
0x934: {  	v2 =	vmul.f32 v20, v33;
	[tilespmem:v39+s3+$0x0] =	vst.idx.add.f32.msk $0xffff, v1  }
0x935: {  	v7 =	vmul.f32 v52, v28;
	[tilespmem:v31+s3+$0x0] =	vst.idx.add.f32.msk $0xffff, v0  }
0x936: {  	v0 =	vmul.f32 v53, v28;
	[tilespmem:v39+s31+$0x0] =	vst.idx.add.f32.msk $0xffff, v2  }
0x937: {  	[tilespmem:v31+s31+$0x0] =	vst.idx.add.f32.msk $0xffff, v7  }
0x938: {  	v3 =	vmul.f32 v21, v33;
	[tilespmem:v31+s1+$0x0] =	vst.idx.add.f32.msk $0xffff, v0  }
0x939: {  	v1 =	vmul.f32 v4, v33;
	v0 =	vld [tilespmem:s14+$0x20]  }
0x93a: {  	v2 =	vmul.f32 v22, v34;
	[tilespmem:v39+s1+$0x0] =	vst.idx.add.f32.msk $0xffff, v3  }
0x93b: {  	v58 =	vmul.f32 v54, v28;
	[tilespmem:v39+s0+$0x0] =	vst.idx.add.f32.msk $0xffff, v1  }
0x93c: {  	v3 =	vmul.f32 v23, v34;
	[tilespmem:v57+s3+$0x0] =	vst.idx.add.f32.msk $0xffff, v2  }
0x93d: {  	v1 =	vmul.f32 v24, v34;
	[tilespmem:v31+s0+$0x0] =	vst.idx.add.f32.msk $0xffff, v58  }
0x93e: {  	v2 =	vmul.f32 v5, v34;
	[tilespmem:v57+s31+$0x0] =	vst.idx.add.f32.msk $0xffff, v3  }
0x93f: {  	v3 =	vmul.f32 v25, v35;
	[tilespmem:v57+s1+$0x0] =	vst.idx.add.f32.msk $0xffff, v1  }
0x940: {  	v1 =	vmul.f32 v26, v35;
	[tilespmem:v57+s0+$0x0] =	vst.idx.add.f32.msk $0xffff, v2  }
0x941: {  	v2 =	vmul.f32 v27, v35;
	[tilespmem:v0+s3+$0x0] =	vst.idx.add.f32.msk $0xffff, v3  }
0x942: {  	[tilespmem:v0+s31+$0x0] =	vst.idx.add.f32.msk $0xffff, v1  }
0x943: {  	s18 =	simm.s32 $0x151C0;
	s17 =	simm.s32 $0x0;
	v1 =	vmul.f32 v11, v35;
	[tilespmem:v0+s1+$0x0] =	vst.idx.add.f32.msk $0xffff, v2  }
.LBB2_35:
0x944: {  	v2 =	vld [tilespmem:s18+$0x30]  }
0x945: {  	v3 =	vld [tilespmem:s18+$0xFFFFFFD0]  }
0x946: {  	v4 =	vld [tilespmem:s18+$0xFFFFFFE0]  }
0x947: {  	s17 =	sadd.s32 $0x8, s17;
	v5 =	vld [tilespmem:s18+$0xFFFFFFF0]  }
0x948: {  	p0 =	slt.u32 s17, $0x78;
	v6 =	vld [tilespmem:s18+$0x0]  }
0x949: {  	s13 =	sadd.s32 $0x80, s13;
	v7 =	vld [tilespmem:s18+$0x10]  }
0x94a: {  	s14 =	sadd.s32 $0x80, s14;
	v8 =	vld [tilespmem:s13+$0x30]  }
0x94b: {  	v9 =	vld [tilespmem:s14+$0x30]  }
0x94c: {  	v10 =	vld.idx.msk [tilespmem:v2+s20+$0x0], $0xffff  }
0x94d: {  	v11 =	vld.idx.msk [tilespmem:v2+s7+$0x0], $0xffff  }
0x94e: {  	v12 =	vld.idx.msk [tilespmem:v2+s11+$0x0], $0xffff  }
0x94f: {  	v2 =	vld.idx.msk [tilespmem:v2+s15+$0x0], $0xffff  }
0x950: {  	v13 =	vld [tilespmem:s18+$0x20]  }
0x951: {  	v14 =	vld [tilespmem:s18+$0xFFFFFFC0]  }
0x952: {  	v10 =	vmul.f32 v10, v8;
	v15 =	vld.idx.msk [tilespmem:v3+s20+$0x0], $0xffff  }
0x953: {  	v11 =	vmul.f32 v11, v8;
	v16 =	vld.idx.msk [tilespmem:v3+s7+$0x0], $0xffff  }
0x954: {  	[tilespmem:v9+s3+$0x0] =	vst.idx.add.f32.msk $0xffff, v10;
	v10 =	vmul.f32 v12, v8  }
0x955: {  	v2 =	vmul.f32 v2, v8;
	[tilespmem:v9+s31+$0x0] =	vst.idx.add.f32.msk $0xffff, v11  }
0x956: {  	[tilespmem:v9+s1+$0x0] =	vst.idx.add.f32.msk $0xffff, v10  }
0x957: {  	[tilespmem:v9+s0+$0x0] =	vst.idx.add.f32.msk $0xffff, v2  }
0x958: {  	v2 =	vld.idx.msk [tilespmem:v3+s11+$0x0], $0xffff  }
0x959: {  	v8 =	vld.idx.msk [tilespmem:v14+s20+$0x0], $0xffff  }
0x95a: {  	v9 =	vld.idx.msk [tilespmem:v14+s7+$0x0], $0xffff  }
0x95b: {  	v10 =	vld.idx.msk [tilespmem:v14+s11+$0x0], $0xffff  }
0x95c: {  	v11 =	vld.idx.msk [tilespmem:v14+s15+$0x0], $0xffff  }
0x95d: {  	v3 =	vld.idx.msk [tilespmem:v3+s15+$0x0], $0xffff  }
0x95e: {  	v12 =	vld.idx.msk [tilespmem:v4+s20+$0x0], $0xffff  }
0x95f: {  	v14 =	vld.idx.msk [tilespmem:v4+s7+$0x0], $0xffff  }
0x960: {  	v17 =	vld.idx.msk [tilespmem:v4+s11+$0x0], $0xffff  }
0x961: {  	v4 =	vld.idx.msk [tilespmem:v4+s15+$0x0], $0xffff  }
0x962: {  	v18 =	vld.idx.msk [tilespmem:v5+s20+$0x0], $0xffff  }
0x963: {  	v19 =	vld.idx.msk [tilespmem:v5+s7+$0x0], $0xffff  }
0x964: {  	v20 =	vld.idx.msk [tilespmem:v5+s11+$0x0], $0xffff  }
0x965: {  	v5 =	vld.idx.msk [tilespmem:v5+s15+$0x0], $0xffff  }
0x966: {  	v21 =	vld.idx.msk [tilespmem:v6+s20+$0x0], $0xffff  }
0x967: {  	v22 =	vld.idx.msk [tilespmem:v6+s7+$0x0], $0xffff  }
0x968: {  	v23 =	vld.idx.msk [tilespmem:v6+s11+$0x0], $0xffff  }
0x969: {  	v6 =	vld.idx.msk [tilespmem:v6+s15+$0x0], $0xffff  }
0x96a: {  	v24 =	vld.idx.msk [tilespmem:v7+s20+$0x0], $0xffff  }
0x96b: {  	v25 =	vld.idx.msk [tilespmem:v7+s7+$0x0], $0xffff  }
0x96c: {  	v26 =	vld.idx.msk [tilespmem:v7+s11+$0x0], $0xffff  }
0x96d: {  	v7 =	vld.idx.msk [tilespmem:v7+s15+$0x0], $0xffff  }
0x96e: {  	v27 =	vld.idx.msk [tilespmem:v13+s20+$0x0], $0xffff  }
0x96f: {  	v28 =	vld.idx.msk [tilespmem:v13+s7+$0x0], $0xffff  }
0x970: {  	v29 =	vld.idx.msk [tilespmem:v13+s11+$0x0], $0xffff  }
0x971: {  	v13 =	vld.idx.msk [tilespmem:v13+s15+$0x0], $0xffff  }
0x972: {  	v30 =	vld [tilespmem:s13+$0xFFFFFFC0]  }
0x973: {  	v31 =	vld [tilespmem:s13+$0xFFFFFFD0]  }
0x974: {  	v32 =	vld [tilespmem:s13+$0xFFFFFFE0]  }
0x975: {  	v33 =	vld [tilespmem:s13+$0xFFFFFFF0]  }
0x976: {  	v34 =	vld [tilespmem:s13+$0x0]  }
0x977: {  	v8 =	vmul.f32 v8, v30;
	v9 =	vmul.f32 v9, v30;
	v35 =	vld [tilespmem:s13+$0x10]  }
0x978: {  	v10 =	vmul.f32 v10, v30;
	v11 =	vmul.f32 v11, v30;
	v30 =	vld [tilespmem:s13+$0x20]  }
0x979: {  	v15 =	vmul.f32 v15, v31;
	v16 =	vmul.f32 v16, v31;
	v36 =	vld [tilespmem:s14+$0xFFFFFFC0]  }
0x97a: {  	v2 =	vmul.f32 v2, v31;
	v3 =	vmul.f32 v3, v31;
	v37 =	vld [tilespmem:s14+$0xFFFFFFD0]  }
0x97b: {  	v12 =	vmul.f32 v12, v32;
	v14 =	vmul.f32 v14, v32;
	v31 =	vld [tilespmem:s14+$0xFFFFFFE0]  }
0x97c: {  	v17 =	vmul.f32 v17, v32;
	v4 =	vmul.f32 v4, v32;
	v32 =	vld [tilespmem:s14+$0xFFFFFFF0]  }
0x97d: {  	v18 =	vmul.f32 v18, v33;
	v19 =	vmul.f32 v19, v33;
	v38 =	vld [tilespmem:s14+$0x0]  }
0x97e: {  	v20 =	vmul.f32 v20, v33;
	v5 =	vmul.f32 v5, v33;
	v33 =	vld [tilespmem:s14+$0x10]  }
0x97f: {  	v21 =	vmul.f32 v21, v34;
	v22 =	vmul.f32 v22, v34;
	v39 =	vld [tilespmem:s14+$0x20]  }
0x980: {  	v23 =	vmul.f32 v23, v34;
	v6 =	vmul.f32 v6, v34;
	[tilespmem:v0+s0+$0x0] =	vst.idx.add.f32.msk $0xffff, v1  }
0x981: {  	[tilespmem:v36+s3+$0x0] =	vst.idx.add.f32.msk $0xffff, v8;
	v8 =	vmul.f32 v24, v35;
	v24 =	vmul.f32 v25, v35  }
0x982: {  	v7 =	vmul.f32 v7, v35;
	[tilespmem:v36+s31+$0x0] =	vst.idx.add.f32.msk $0xffff, v9;
	v9 =	vmul.f32 v26, v35  }
0x983: {  	v25 =	vmul.f32 v28, v30;
	[tilespmem:v36+s1+$0x0] =	vst.idx.add.f32.msk $0xffff, v10;
	v10 =	vmul.f32 v27, v30  }
0x984: {  	v1 =	vmul.f32 v13, v30;
	[tilespmem:v36+s0+$0x0] =	vst.idx.add.f32.msk $0xffff, v11;
	v11 =	vmul.f32 v29, v30;
	v0 =	vmov v39  }
0x985: {  	[tilespmem:v37+s3+$0x0] =	vst.idx.add.f32.msk $0xffff, v15  }
0x986: {  	[tilespmem:v37+s31+$0x0] =	vst.idx.add.f32.msk $0xffff, v16  }
0x987: {  	[tilespmem:v37+s1+$0x0] =	vst.idx.add.f32.msk $0xffff, v2  }
0x988: {  	[tilespmem:v37+s0+$0x0] =	vst.idx.add.f32.msk $0xffff, v3  }
0x989: {  	[tilespmem:v31+s3+$0x0] =	vst.idx.add.f32.msk $0xffff, v12  }
0x98a: {  	[tilespmem:v31+s31+$0x0] =	vst.idx.add.f32.msk $0xffff, v14  }
0x98b: {  	[tilespmem:v31+s1+$0x0] =	vst.idx.add.f32.msk $0xffff, v17  }
0x98c: {  	[tilespmem:v31+s0+$0x0] =	vst.idx.add.f32.msk $0xffff, v4  }
0x98d: {  	[tilespmem:v32+s3+$0x0] =	vst.idx.add.f32.msk $0xffff, v18  }
0x98e: {  	[tilespmem:v32+s31+$0x0] =	vst.idx.add.f32.msk $0xffff, v19  }
0x98f: {  	[tilespmem:v32+s1+$0x0] =	vst.idx.add.f32.msk $0xffff, v20  }
0x990: {  	[tilespmem:v32+s0+$0x0] =	vst.idx.add.f32.msk $0xffff, v5  }
0x991: {  	[tilespmem:v38+s3+$0x0] =	vst.idx.add.f32.msk $0xffff, v21  }
0x992: {  	[tilespmem:v38+s31+$0x0] =	vst.idx.add.f32.msk $0xffff, v22  }
0x993: {  	[tilespmem:v38+s1+$0x0] =	vst.idx.add.f32.msk $0xffff, v23  }
0x994: {  	[tilespmem:v38+s0+$0x0] =	vst.idx.add.f32.msk $0xffff, v6  }
0x995: {  	[tilespmem:v33+s3+$0x0] =	vst.idx.add.f32.msk $0xffff, v8  }
0x996: {  	[tilespmem:v33+s31+$0x0] =	vst.idx.add.f32.msk $0xffff, v24  }
.Ltmp16:
0x997: {  	[tilespmem:v33+s1+$0x0] =	vst.idx.add.f32.msk $0xffff, v9;
	(pc) =	sbr.rel @p0 .LBB2_35-.Ltmp16, $4  }
0x998: {  	[tilespmem:v33+s0+$0x0] =	vst.idx.add.f32.msk $0xffff, v7  }
0x999: {  	[tilespmem:v39+s3+$0x0] =	vst.idx.add.f32.msk $0xffff, v10  }
0x99a: {  	[tilespmem:v39+s31+$0x0] =	vst.idx.add.f32.msk $0xffff, v25  }
0x99b: {  	s18 =	sadd.s32 $0x80, s18;
	[tilespmem:v39+s1+$0x0] =	vst.idx.add.f32.msk $0xffff, v11  }
0x99c: {  	_ =	sdelay $0x3  }
0x99d: {  	[tilespmem:v0+s0+$0x0] =	vst.idx.add.f32.msk $0xffff, v1  }
0x99e: {  	_ =	swait.ge [sflag:s24], $0x800  }
0x99f: {  	[sflag:s24] =	ssyncset.done $0x0  }
0x9a0: {  	s12 =	sadd.s32 $0x1, s12;
	[sflag:s24] =	ssyncadd.s32 $0xFFFFF800  }
0x9a1: {  	p0 =	sne.s32 s12, $0x4F;
	_ =	swait.ge [sflag:s25], $0x800  }
.Ltmp17:
0x9a2: {  	[sflag:s25] =	ssyncset.done $0x0;
	(pc) =	sbr.rel @p0 .LBB2_32-.Ltmp17, $4  }
0x9a3: {  	[sflag:s25] =	ssyncadd.s32 $0xFFFFF800  }
0x9a4: {  	_ =	swait.ge [sflag:s26], $0x800  }
0x9a5: {  	[sflag:s26] =	ssyncset.done $0x0  }
0x9a6: {  	[sflag:s26] =	ssyncadd.s32 $0xFFFFF800  }
0x9a7: {  	s12 =	rddreg [dreg:$0xc];
	s13 =	simm.s32 $0x80;
	s14 =	simm.s32 $0x400  }
0x9a8: {  	[hbm4b:s12+s13] =	stream.strided.scatter [tilespmem:s3], [sflag:$0x7], $0x9C80, s14, s13, $0x38;
	[tilespmem:$0x16900] =	vst v63  }
0x9a9: {  	_ =	swait.ge [sflag:s19], $0x9C80  }
0x9aa: {  	s10 =	sadd.s32 $0x1, s10;
	s18 =	rddreg [dreg:$0xd]  }
0x9ab: {  	p0 =	sne.s32 s10, s18  }
.Ltmp18:
0x9ac: {  	_ = 	snop;
	(pc) =	sbr.rel @p0 .LBB2_1-.Ltmp18, $3  }
0x9ad: {  	_ =	sdelay $0x1  }
0x9ae: {  	[sflag:s19] =	ssyncset.done $0x0  }
0x9af: {  	[sflag:s19] =	ssyncadd.s32 $0xFFFF6380  }
0x9b0: {  	_ =	sfence.sel $0x180000  }
0x9b1: {  	[bflag:$0x0] =	sbarrier.arrive $0xFFFF  }
0x9b2: {  	_ =	strace $0x90000047  }
0x9b3: {  	s0 =	stileid.u32;
	[bflag:$0x2] =	sbarrier.arrive $0xFFFF  }
0x9b4: {  	p0 =	sne.s32 s0, $0x0;
	s0 =	rddreg [dreg:$0x3]  }
0x9b5: {  	s0 =	sadd.s32 @!p0 $0x100000, s0  }
0x9b6: {  	[sflag:s0] =	ssyncadd.tile.s32 @!p0 $0x1;
	_ =	shalt  }
.Lfunc_end2:
_tile_overlayer_lowered:
.L_overlay_start_2:
0x9b7: {  	(tag) =	ssettag $0x2  }
0x9b8: {  	s0 =	rddreg [dreg:$0x0];
	s2 =	stileid.u32  }
0x9b9: {  	s1 =	rddreg [dreg:$0x1];
	p0 =	sne.s32 s2, $0x0  }
0x9ba: {  	s3 =	rddreg [dreg:$0x2];
	[bflag:$0x3] =	sbarrier.arrive $0xFFFF;
	s2 =	simm.s32 @!p0 $0x1C07  }
0x9bb: {  	[timem:s3], [sflag:s2] =	dma.local @!p0 [hbm:s0], s1  }
0x9bc: {  	s0 =	simm.s32 @!p0 $0x7  }
0x9bd: {  	_ =	swait.ge @!p0 [sflag:s0], s1  }
0x9be: {  	s1 =	ssub.s32 @!p0 $0x0, s1;
	[sflag:s0] =	ssyncset.done @!p0 $0x0  }
0x9bf: {  	[sflag:s0] =	ssyncadd.s32 @!p0 s1  }
0x9c0: {  	[bflag:$0x3] =	sbarrier.arrive $0xFFFF  }
0x9c1: {  	_ =	shalt  }

</sc_bundles>
